<compile_context>
chip_gen: v7x
topology: tpu7x:2x2x1
jax: 0.10.2.dev20260603
libtpu: 0.0.44.dev20260713+nightly
codegen_flags: <defaults>
</compile_context>

<pallas_src>
import jax
import jax.numpy as jnp
from jax import lax
from jax.experimental import pallas as pl
from jax.experimental.pallas import tpu as pltpu
from jax.experimental.pallas import tpu_sc as plsc

N = 10000
E = 320000
D = 128
G = 64
NP = 10240
CB = 80
CE = 80
NC = 2
NS = 16
NW = NC * NS
EW = E // NW
ED = E // NS
NCH = EW // CE
ROWS_PER_TILE = NP // NS
ROWS_PER_WORKER = NP // NW

_F32 = jnp.float32
_I32 = jnp.int32


def _mesh():
    return plsc.VectorSubcoreMesh(core_axis_name="c", subcore_axis_name="s")


def _rsqrt_newton(d):
    i = lax.bitcast_convert_type(d, _I32)
    i = jnp.int32(0x5F3759DF) - (i >> 1)
    y = lax.bitcast_convert_type(i, _F32)
    for _ in range(3):
        y = y * (1.5 - 0.5 * d * y * y)
    return y



def _deg_body(dst1, dinv_out, didx_v, ones_v, zv, degbuf_v, dv, deg_sh, sdeg):
    c = lax.axis_index("c")
    s = lax.axis_index("s")
    wid = s * NC + c

    @pl.loop(0, 40)
    def _zero_zv(k):
        zv[pl.ds(k * 16, 16)] = jnp.zeros((16,), _F32)

    @pl.loop(0, 5)
    def _ones(k):
        ones_v[pl.ds(k * 16, 16)] = jnp.ones((16,), _F32)

    pltpu.sync_copy(zv, deg_sh.at[pl.ds(s * ROWS_PER_TILE, ROWS_PER_TILE)])
    pltpu.sync_copy(dst1.at[pl.ds(s * ED, ED)], didx_v)
    plsc.subcore_barrier()

    @pl.loop(0, ED // CB // 10)
    def _scatter(t):
        for p in range(10):
            j = t * 10 + p
            pltpu.async_copy(ones_v, deg_sh.at[didx_v.at[pl.ds(j * CB, CB)]],
                             sdeg, add=True)
        for p in range(10):
            pltpu.make_async_copy(
                ones_v, deg_sh.at[didx_v.at[pl.ds(0, CB)]], sdeg).wait()

    plsc.subcore_barrier()

    base = wid * ROWS_PER_WORKER
    pltpu.sync_copy(deg_sh.at[pl.ds(base, ROWS_PER_WORKER)], degbuf_v)

    @pl.loop(0, ROWS_PER_WORKER // 16)
    def _conv(k):
        d = degbuf_v[pl.ds(k * 16, 16)] + 1.0
        dv[pl.ds(k * 16, 16)] = _rsqrt_newton(d)

    pltpu.sync_copy(dv, dinv_out.at[pl.ds(base, ROWS_PER_WORKER)])


def _sc_deg(dst1):
    f = pl.kernel(
        _deg_body,
        out_type=jax.ShapeDtypeStruct((NP,), _F32),
        mesh=_mesh(),
        scratch_types=[
            pltpu.VMEM((ED,), _I32),
            pltpu.VMEM((CB,), _F32),
            pltpu.VMEM((ROWS_PER_TILE,), _F32),
            pltpu.VMEM((ROWS_PER_WORKER,), _F32),
            pltpu.VMEM((ROWS_PER_WORKER,), _F32),
            pltpu.VMEM_SHARED((NP,), _F32),
            pltpu.SemaphoreType.DMA,
        ],
    )
    return f(dst1)



_SEG = ((0, 64), (64, 61))


def _edge_body(hw, src1, dst1, agg0, agg1, sidx, didx,
               buf0, buf1, buf2, agg_sh,
               sg0, sg1, sg2, ss0, ss1, ss2):
    c = lax.axis_index("c")
    s = lax.axis_index("s")
    wid = s * NC + c
    bufs = (buf0, buf1, buf2)
    sg = (sg0, sg1, sg2)
    ss = (ss0, ss1, ss2)

    @pl.loop(0, CE)
    def _zero_rows(r):
        for k in range(D // 16):
            buf0[r, pl.ds(k * 16, 16)] = jnp.zeros((16,), _F32)

    @pl.loop(0, ROWS_PER_TILE // CE)
    def _zero_agg(k):
        pltpu.async_copy(buf0,
                         agg_sh.at[pl.ds(s * ROWS_PER_TILE + k * CE, CE)],
                         ss0)

    @pl.loop(0, ROWS_PER_TILE // CE)
    def _zero_wait(k):
        pltpu.make_async_copy(
            buf0, agg_sh.at[pl.ds(s * ROWS_PER_TILE, CE)], ss0).wait()

    base = wid * EW

    def start_g(j, p):
        pltpu.async_copy(hw.at[sidx.at[pl.ds(j * CE, CE)]], bufs[p], sg[p])

    def wait_g(p):
        pltpu.make_async_copy(hw.at[sidx.at[pl.ds(0, CE)]], bufs[p],
                              sg[p]).wait()

    def start_s(j, p):
        pltpu.async_copy(bufs[p], agg_sh.at[didx.at[pl.ds(j * CE, CE)]],
                         ss[p], add=True)

    def wait_s(p):
        pltpu.make_async_copy(bufs[p], agg_sh.at[didx.at[pl.ds(0, CE)]],
                              ss[p]).wait()

    for seg, (cb0, nch) in enumerate(_SEG):
        ln = nch * CE
        pltpu.sync_copy(src1.at[pl.ds(base + cb0 * CE, ln)],
                        sidx.at[pl.ds(0, ln)])
        pltpu.sync_copy(dst1.at[pl.ds(base + cb0 * CE, ln)],
                        didx.at[pl.ds(0, ln)])
        start_g(0, 0)
        start_g(1, 1)
        if seg == 0:
            plsc.subcore_barrier()
        wait_g(0); start_s(0, 0); start_g(2, 2)

        @pl.loop(0, (nch - 4) // 3)
        def _main(t):
            j0 = t * 3
            for i, (p, q) in enumerate(((1, 0), (2, 1), (0, 2))):
                j = j0 + 1 + i
                wait_g(p); start_s(j, p)
                wait_s(q); start_g(j + 2, q)

        for j in range(nch - 3, nch):
            p = j % 3
            wait_g(p); start_s(j, p)
            if j + 2 < nch:
                q = (j + 2) % 3
                wait_s(q); start_g(j + 2, q)
        for p in range(3):
            wait_s(p)

    plsc.subcore_barrier()

    src_slice = agg_sh.at[pl.ds(s * ROWS_PER_TILE, ROWS_PER_TILE)]

    @pl.when(c == 0)
    def _w0():
        pltpu.sync_copy(src_slice, agg0.at[pl.ds(s * ROWS_PER_TILE, ROWS_PER_TILE)])

    @pl.when(c == 1)
    def _w1():
        pltpu.sync_copy(src_slice, agg1.at[pl.ds(s * ROWS_PER_TILE, ROWS_PER_TILE)])


def _sc_edge(hw, src1, dst1):
    f = pl.kernel(
        _edge_body,
        out_type=(jax.ShapeDtypeStruct((NP, D), _F32),
                  jax.ShapeDtypeStruct((NP, D), _F32)),
        mesh=_mesh(),
        scratch_types=[
            pltpu.VMEM((_SEG[0][1] * CE,), _I32),
            pltpu.VMEM((_SEG[0][1] * CE,), _I32),
            pltpu.VMEM((CE, D), _F32),
            pltpu.VMEM((CE, D), _F32),
            pltpu.VMEM((CE, D), _F32),
            pltpu.VMEM_SHARED((NP, D), _F32),
        ] + [pltpu.SemaphoreType.DMA] * 6,
    )
    return f(hw, src1, dst1)



_PR = NP // D
_TB = NP


def _prep_positions(b2, bp2):
    qm = (b2 != bp2).astype(_F32)
    rr = lax.broadcasted_iota(_I32, (D, D), 0)
    cc = lax.broadcasted_iota(_I32, (D, D), 1)
    U = (rr <= cc).astype(_F32)
    r1 = lax.broadcasted_iota(_I32, (_PR, _PR), 0)
    r2 = lax.broadcasted_iota(_I32, (_PR, _PR), 1)
    S = (r2 < r1).astype(_F32)
    lane = lax.broadcasted_iota(_I32, (_PR, D), 1)

    def prefix(m):
        P = _dot(m, U)
        off = _dot(S, P[:, D - 1:D])
        return P + off

    qpos = prefix(qm) - 1.0
    qdump = (G + (lane % G)).astype(_F32)
    qt = jnp.where(qm > 0, qpos, qdump).astype(_I32)

    tm = 1.0 - qm
    tpos = prefix(tm) - 1.0
    tdump = ((N - G) + (lane % (_TB - (N - G)))).astype(_F32)
    tt = jnp.where(jnp.logical_and(tm > 0, tpos < (N - G)),
                   tpos, tdump).astype(_I32)
    return qt, tt


_SEL_PER_TILE = 640


def _select_body(logits, qt, tt, qfill, tool_out, query_out,
                 lv, qtv, ttv, tbv, qfv, qb_sh, tb_sh):
    c = lax.axis_index("c")
    s = lax.axis_index("s")

    @pl.when(c == 0)
    def _work():
        base = s * _SEL_PER_TILE
        pltpu.sync_copy(logits.at[pl.ds(base, _SEL_PER_TILE)], lv)
        pltpu.sync_copy(qt.at[pl.ds(base, _SEL_PER_TILE)], qtv)
        pltpu.sync_copy(tt.at[pl.ds(base, _SEL_PER_TILE)], ttv)

        @pl.when(s == 0)
        def _init():
            pltpu.sync_copy(qfill.at[0], qfv)
            pltpu.sync_copy(qfv, qb_sh)

        plsc.subcore_barrier()
        nch = jnp.where(s == NS - 1, 5, _SEL_PER_TILE // CB)

        @pl.loop(0, nch)
        def _scatter(j):
            sl = pl.ds(j * CB, CB)
            pltpu.sync_copy(lv.at[sl], qb_sh.at[qtv.at[sl]])
            pltpu.sync_copy(lv.at[sl], tb_sh.at[ttv.at[sl]])

        plsc.subcore_barrier()

        @pl.when(s == 0)
        def _out():
            pltpu.sync_copy(qb_sh.at[pl.ds(0, G)], qfv.at[pl.ds(0, G)])
            pltpu.sync_copy(qfv.at[pl.ds(0, G)], query_out)
            pltpu.sync_copy(tb_sh.at[pl.ds(0, N - G)], tbv)
            pltpu.sync_copy(tbv, tool_out)


def _sc_select(logits, qt, tt, qfill):
    f = pl.kernel(
        _select_body,
        out_type=(jax.ShapeDtypeStruct((N - G,), _F32),
                  jax.ShapeDtypeStruct((G,), _F32)),
        mesh=_mesh(),
        scratch_types=[
            pltpu.VMEM((_SEL_PER_TILE,), _F32),
            pltpu.VMEM((_SEL_PER_TILE,), _I32),
            pltpu.VMEM((_SEL_PER_TILE,), _I32),
            pltpu.VMEM((N - G,), _F32),
            pltpu.VMEM((D,), _F32),
            pltpu.VMEM_SHARED((2 * G,), _F32),
            pltpu.VMEM_SHARED((_TB,), _F32),
        ],
    )
    return f(logits, qt, tt, qfill)



_BM = 2048


def _dot(a, b):
    return lax.dot_general(a, b, (((1,), (0,)), ((), ())),
                           preferred_element_type=_F32)


def _prep_body(b2_r, bp2_r, qt_r, tt_r):
    qt, tt = _prep_positions(b2_r[...], bp2_r[...])
    qt_r[...] = qt
    tt_r[...] = tt


def _tc_prep(b2, bp2):
    return pl.pallas_call(
        _prep_body,
        grid=(1,),
        in_specs=[
            pl.BlockSpec((_PR, D), lambda i: (0, 0)),
            pl.BlockSpec((_PR, D), lambda i: (0, 0)),
        ],
        out_specs=(pl.BlockSpec((_PR, D), lambda i: (0, 0)),
                   pl.BlockSpec((_PR, D), lambda i: (0, 0))),
        out_shape=(jax.ShapeDtypeStruct((_PR, D), _I32),
                   jax.ShapeDtypeStruct((_PR, D), _I32)),
    )(b2, bp2)


def _tc1a_body(x_r, wa_r, ba_r, w0_r, h_r, hw_r):
    x = x_r[...]
    h = x + _dot(x, wa_r[...]) + ba_r[...]
    h_r[...] = h
    hw_r[...] = _dot(h, w0_r[...])


def _tc1a(xp, Wa, ba, W0):
    grid = (NP // _BM,)
    return pl.pallas_call(
        _tc1a_body,
        grid=grid,
        in_specs=[
            pl.BlockSpec((_BM, D), lambda i: (i, 0)),
            pl.BlockSpec((D, D), lambda i: (0, 0)),
            pl.BlockSpec((1, D), lambda i: (0, 0)),
            pl.BlockSpec((D, D), lambda i: (0, 0)),
        ],
        out_specs=(pl.BlockSpec((_BM, D), lambda i: (i, 0)),
                   pl.BlockSpec((_BM, D), lambda i: (i, 0))),
        out_shape=(jax.ShapeDtypeStruct((NP, D), _F32),
                   jax.ShapeDtypeStruct((NP, D), _F32)),
    )(xp, Wa, ba, W0)


def _tc1b_body(hw_r, dv_r, o_r):
    o_r[...] = hw_r[...] * dv_r[...]


def _tc1b(hwraw, dinvc):
    grid = (NP // _BM,)
    return pl.pallas_call(
        _tc1b_body,
        grid=grid,
        in_specs=[
            pl.BlockSpec((_BM, D), lambda i: (i, 0)),
            pl.BlockSpec((_BM, 1), lambda i: (i, 0)),
        ],
        out_specs=pl.BlockSpec((_BM, D), lambda i: (i, 0)),
        out_shape=jax.ShapeDtypeStruct((NP, D), _F32),
    )(hwraw, dinvc)


def _tc2_body(h_r, hwp_r, a0_r, a1_r, dv_r, b_r, w_r, h1_r, hw1_r):
    dv = dv_r[...]
    g = dv * (a0_r[...] + a1_r[...] + hwp_r[...]) + b_r[...]
    g = jnp.maximum(g, 0.0)
    h1 = h_r[...] + g
    h1_r[...] = h1
    hw1_r[...] = _dot(h1, w_r[...]) * dv


def _tc2(h, hwp, a0, a1, dinvc, b, W):
    grid = (NP // _BM,)
    return pl.pallas_call(
        _tc2_body,
        grid=grid,
        in_specs=[
            pl.BlockSpec((_BM, D), lambda i: (i, 0)),
            pl.BlockSpec((_BM, D), lambda i: (i, 0)),
            pl.BlockSpec((_BM, D), lambda i: (i, 0)),
            pl.BlockSpec((_BM, D), lambda i: (i, 0)),
            pl.BlockSpec((_BM, 1), lambda i: (i, 0)),
            pl.BlockSpec((1, D), lambda i: (0, 0)),
            pl.BlockSpec((D, D), lambda i: (0, 0)),
        ],
        out_specs=(pl.BlockSpec((_BM, D), lambda i: (i, 0)),
                   pl.BlockSpec((_BM, D), lambda i: (i, 0))),
        out_shape=(jax.ShapeDtypeStruct((NP, D), _F32),
                   jax.ShapeDtypeStruct((NP, D), _F32)),
    )(h, hwp, a0, a1, dinvc, b, W)


def _tc3_body(h1_r, hw1_r, a0_r, a1_r, dv_r, b_r, wo_r, bo_r, lg_r, qf_r):
    dv = dv_r[...]
    g = dv * (a0_r[...] + a1_r[...] + hw1_r[...]) + b_r[...]
    g = jnp.maximum(g, 0.0)
    h2 = h1_r[...] + g
    lg = _dot(h2, wo_r[...]) + bo_r[...]
    lg_r[...] = lg

    @pl.when(pl.program_id(0) == 0)
    def _qf():
        qf_r[...] = lg[0:1, 0:1] * jnp.ones((1, D), _F32)


def _tc3(h1, hwp1, a0, a1, dinvc, b, Wout, bout):
    grid = (NP // _BM,)
    return pl.pallas_call(
        _tc3_body,
        grid=grid,
        in_specs=[
            pl.BlockSpec((_BM, D), lambda i: (i, 0)),
            pl.BlockSpec((_BM, D), lambda i: (i, 0)),
            pl.BlockSpec((_BM, D), lambda i: (i, 0)),
            pl.BlockSpec((_BM, D), lambda i: (i, 0)),
            pl.BlockSpec((_BM, 1), lambda i: (i, 0)),
            pl.BlockSpec((1, D), lambda i: (0, 0)),
            pl.BlockSpec((D, 1), lambda i: (0, 0)),
            pl.BlockSpec((1, 1), lambda i: (0, 0)),
        ],
        out_specs=(pl.BlockSpec((_BM, 1), lambda i: (i, 0)),
                   pl.BlockSpec((1, D), lambda i: (0, 0))),
        out_shape=(jax.ShapeDtypeStruct((NP, 1), _F32),
                   jax.ShapeDtypeStruct((1, D), _F32)),
    )(h1, hwp1, a0, a1, dinvc, b, Wout, bout)



def kernel(x, W_align, b_align, W_g0, b_g0, W_g1, b_g1, W_out, b_out,
           edge_index, batch_idx, num_graphs):
    xp = jnp.pad(x, ((0, NP - N), (0, 0)))
    src1 = edge_index[0]
    dst1 = edge_index[1]
    bpad = jnp.pad(batch_idx, (0, NP - N), mode="edge")
    bprev = jnp.concatenate(
        [jnp.full((1,), -1, batch_idx.dtype), bpad[:-1]])

    dinv = _sc_deg(dst1)
    qt2, tt2 = _tc_prep(bpad.reshape(_PR, D), bprev.reshape(_PR, D))
    h, hw0raw = _tc1a(xp, W_align, b_align.reshape(1, D), W_g0)

    dinvc = dinv.reshape(NP, 1)
    hwp0 = _tc1b(hw0raw, dinvc)
    a00, a01 = _sc_edge(hwp0, src1, dst1)
    h1, hwp1 = _tc2(h, hwp0, a00, a01, dinvc, b_g0.reshape(1, D), W_g1)
    a10, a11 = _sc_edge(hwp1, src1, dst1)
    logits, qfill = _tc3(h1, hwp1, a10, a11, dinvc, b_g1.reshape(1, D),
                         W_out, b_out.reshape(1, 1))

    tool, query = _sc_select(logits.reshape(NP), qt2.reshape(NP),
                             tt2.reshape(NP), qfill)
    return (tool, query)

# --- scband reference (transcript-rebuilt; emitter-appended) ---
"""Pipeline reference for scband-query-aware-gnn-42528766165486 (READ-ONLY COPY).

The authoritative reference and input builder live on the scoring server;
editing this copy changes nothing except your own understanding.
"""

import jax, jax.numpy as jnp
import numpy as np

N = 10000
E = 320000
D = 128
G = 64


def setup_inputs(seed: int = 0) -> dict:
    key = jax.random.key(seed)
    ks = jax.random.split(key, 9)
    x = jax.random.normal(ks[0], (N, D), dtype=jnp.float32)
    edge_index = jax.random.randint(ks[1], (2, E), 0, N, dtype=jnp.int32)
    batch_idx = jnp.sort(jax.random.randint(ks[2], (N,), 0, G, dtype=jnp.int32))
    s = float(np.sqrt(2.0 / (D + D)))
    W_align = jax.random.normal(ks[3], (D, D), dtype=jnp.float32) * s
    b_align = jnp.zeros((D,), dtype=jnp.float32)
    W_g0 = jax.random.normal(ks[4], (D, D), dtype=jnp.float32) * s
    b_g0 = jnp.zeros((D,), dtype=jnp.float32)
    W_g1 = jax.random.normal(ks[5], (D, D), dtype=jnp.float32) * s
    b_g1 = jnp.zeros((D,), dtype=jnp.float32)
    W_out = jax.random.normal(ks[6], (D, 1), dtype=jnp.float32) * float(np.sqrt(2.0 / (D + 1)))
    b_out = jnp.zeros((1,), dtype=jnp.float32)
    return {
        'x': x, 'W_align': W_align, 'b_align': b_align,
        'W_g0': W_g0, 'b_g0': b_g0, 'W_g1': W_g1, 'b_g1': b_g1,
        'W_out': W_out, 'b_out': b_out,
        'edge_index': edge_index, 'batch_idx': batch_idx, 'num_graphs': G,
    }


def _gcn_conv(h, edge_index, W, b):
    # PyG GCNConv: add self-loops, symmetric normalization D^-1/2 (A+I) D^-1/2,
    # linear transform first, aggregate, then add bias.
    loops = jnp.arange(N, dtype=edge_index.dtype)
    src = jnp.concatenate([edge_index[0], loops])
    dst = jnp.concatenate([edge_index[1], loops])
    deg = jnp.zeros((N,), dtype=h.dtype).at[dst].add(1.0)
    dinv = jax.lax.rsqrt(jnp.maximum(deg, 1e-12))
    norm = dinv[src] * dinv[dst]
    hw = h @ W
    msg = hw[src] * norm[:, None]
    agg = jax.ops.segment_sum(msg, dst, num_segments=N)
    return agg + b


def reference(x, W_align, b_align, W_g0, b_g0, W_g1, b_g1, W_out, b_out, edge_index, batch_idx, num_graphs):
    # x = x + embedding_aligner(x)
    h = x + (x @ W_align + b_align)
    for (W, b) in ((W_g0, b_g0), (W_g1, b_g1)):
        g = _gcn_conv(h, edge_index, W, b)
        g = jax.nn.relu(g)
        # dropout is identity in eval
        h = h + g
    # query mask: first node of each graph (batch_idx is sorted)
    prev = jnp.concatenate([jnp.full((1,), -1, dtype=batch_idx.dtype), batch_idx[:-1]])
    qmask = batch_idx != prev
    qidx = jnp.nonzero(qmask, size=G)[0] + 0 * num_graphs
    tidx = jnp.nonzero(~qmask, size=N - G)[0]
    tool_logits = (h[tidx] @ W_out + b_out)[:, 0]
    query_logits = (h[qidx] @ W_out + b_out)[:, 0]
    return (tool_logits, query_logits)

if __name__ == "__main__":
    import jax
    _d = setup_inputs()
    print(jax.jit(kernel)(*tuple(_d.values())))

</pallas_src>

<mosaic_0001>
#map = affine_map<(d0, d1) -> (0, 0)>
#map1 = affine_map<(d0, d1) -> (0)>
module attributes {stable_mosaic.version = 14 : i64} {
  func.func @_edge_body(%arg0: i32, %arg1: i32, %arg2: memref<10240x128xf32, #tpu.memory_space<hbm>>, %arg3: memref<320000xi32, #tpu.memory_space<hbm>>, %arg4: memref<320000xi32, #tpu.memory_space<hbm>>, %arg5: memref<10240x128xf32, #tpu.memory_space<hbm>>, %arg6: memref<10240x128xf32, #tpu.memory_space<hbm>>, %arg7: memref<5120xi32, #tpu.memory_space<vmem>>, %arg8: memref<5120xi32, #tpu.memory_space<vmem>>, %arg9: memref<80x128xf32, #tpu.memory_space<vmem>>, %arg10: memref<80x128xf32, #tpu.memory_space<vmem>>, %arg11: memref<80x128xf32, #tpu.memory_space<vmem>>, %arg12: memref<10240x128xf32, #tpu.memory_space<vmem_shared>>, %arg13: memref<!tpu.dma_semaphore, #tpu.memory_space<semaphore_mem>>, %arg14: memref<!tpu.dma_semaphore, #tpu.memory_space<semaphore_mem>>, %arg15: memref<!tpu.dma_semaphore, #tpu.memory_space<semaphore_mem>>, %arg16: memref<!tpu.dma_semaphore, #tpu.memory_space<semaphore_mem>>, %arg17: memref<!tpu.dma_semaphore, #tpu.memory_space<semaphore_mem>>, %arg18: memref<!tpu.dma_semaphore, #tpu.memory_space<semaphore_mem>>) attributes {dimension_semantics = [#tpu.dimension_semantics<core_parallel>, #tpu.dimension_semantics<subcore_parallel>], iteration_bounds = array<i64: 2, 16>, scalar_prefetch = 0 : i64, scratch_operands = 12 : i64, tpu.core_type = #tpu.core_type<sc_vector_subcore>, window_params = [{transform_indices = #map}, {transform_indices = #map1}, {transform_indices = #map1}, {transform_indices = #map}, {transform_indices = #map}]} {
    %mul3A = arith.constant 2 : i32
    %mul3A_0 = arith.muli %arg1, %mul3A : i32
    %add3A = arith.addi %mul3A_0, %arg0 : i32
    %scan3A = arith.constant 0 : i32
    %scan3A_1 = arith.constant 80 : i32
    %scan3A_2 = arith.addi %scan3A, %scan3A_1 : i32
    %scan3A_3 = arith.constant 1 : i32
    scf.for %scan3A_203 = %scan3A to %scan3A_2 step %scan3A_3  : i32 {
      %mul3A_204 = arith.constant 1 : i32
      %mul3A_205 = arith.muli %scan3A_203, %mul3A_204 : i32
      %add3A_206 = arith.constant 0 : i32
      %add3A_207 = arith.addi %add3A_206, %mul3A_205 : i32
      %broadcast_in_dim3A = arith.constant 0.000000e+00 : f32
      %broadcast_in_dim3A_208 = vector.broadcast %broadcast_in_dim3A : f32 to vector<16xf32>
      %swap3A = arith.index_cast %add3A_207 : i32 to index
      %swap3A_209 = arith.constant 0 : index
      %swap3A_210 = tpu.vector_load %arg9[%swap3A, %swap3A_209] {strides = array<i32>} : memref<80x128xf32, #tpu.memory_space<vmem>>, vector<1x16xf32>,
      %swap3A_211 = vector.shape_cast %swap3A_210 : vector<1x16xf32> to vector<16xf32>
      %swap3A_212 = vector.shape_cast %broadcast_in_dim3A_208 : vector<16xf32> to vector<1x16xf32>
      tpu.vector_store %arg9[%swap3A, %swap3A_209], %swap3A_212 {strides = array<i32>} : memref<80x128xf32, #tpu.memory_space<vmem>>, vector<1x16xf32>,
      %broadcast_in_dim3A_213 = arith.constant 0.000000e+00 : f32
      %broadcast_in_dim3A_214 = vector.broadcast %broadcast_in_dim3A_213 : f32 to vector<16xf32>
      %swap3A_215 = arith.index_cast %add3A_207 : i32 to index
      %swap3A_216 = arith.constant 16 : index
      %swap3A_217 = tpu.vector_load %arg9[%swap3A_215, %swap3A_216] {strides = array<i32>} : memref<80x128xf32, #tpu.memory_space<vmem>>, vector<1x16xf32>,
      %swap3A_218 = vector.shape_cast %swap3A_217 : vector<1x16xf32> to vector<16xf32>
      %swap3A_219 = vector.shape_cast %broadcast_in_dim3A_214 : vector<16xf32> to vector<1x16xf32>
      tpu.vector_store %arg9[%swap3A_215, %swap3A_216], %swap3A_219 {strides = array<i32>} : memref<80x128xf32, #tpu.memory_space<vmem>>, vector<1x16xf32>,
      %broadcast_in_dim3A_220 = arith.constant 0.000000e+00 : f32
      %broadcast_in_dim3A_221 = vector.broadcast %broadcast_in_dim3A_220 : f32 to vector<16xf32>
      %swap3A_222 = arith.index_cast %add3A_207 : i32 to index
      %swap3A_223 = arith.constant 32 : index
      %swap3A_224 = tpu.vector_load %arg9[%swap3A_222, %swap3A_223] {strides = array<i32>} : memref<80x128xf32, #tpu.memory_space<vmem>>, vector<1x16xf32>,
      %swap3A_225 = vector.shape_cast %swap3A_224 : vector<1x16xf32> to vector<16xf32>
      %swap3A_226 = vector.shape_cast %broadcast_in_dim3A_221 : vector<16xf32> to vector<1x16xf32>
      tpu.vector_store %arg9[%swap3A_222, %swap3A_223], %swap3A_226 {strides = array<i32>} : memref<80x128xf32, #tpu.memory_space<vmem>>, vector<1x16xf32>,
      %broadcast_in_dim3A_227 = arith.constant 0.000000e+00 : f32
      %broadcast_in_dim3A_228 = vector.broadcast %broadcast_in_dim3A_227 : f32 to vector<16xf32>
      %swap3A_229 = arith.index_cast %add3A_207 : i32 to index
      %swap3A_230 = arith.constant 48 : index
      %swap3A_231 = tpu.vector_load %arg9[%swap3A_229, %swap3A_230] {strides = array<i32>} : memref<80x128xf32, #tpu.memory_space<vmem>>, vector<1x16xf32>,
      %swap3A_232 = vector.shape_cast %swap3A_231 : vector<1x16xf32> to vector<16xf32>
      %swap3A_233 = vector.shape_cast %broadcast_in_dim3A_228 : vector<16xf32> to vector<1x16xf32>
      tpu.vector_store %arg9[%swap3A_229, %swap3A_230], %swap3A_233 {strides = array<i32>} : memref<80x128xf32, #tpu.memory_space<vmem>>, vector<1x16xf32>,
      %broadcast_in_dim3A_234 = arith.constant 0.000000e+00 : f32
      %broadcast_in_dim3A_235 = vector.broadcast %broadcast_in_dim3A_234 : f32 to vector<16xf32>
      %swap3A_236 = arith.index_cast %add3A_207 : i32 to index
      %swap3A_237 = arith.constant 64 : index
      %swap3A_238 = tpu.vector_load %arg9[%swap3A_236, %swap3A_237] {strides = array<i32>} : memref<80x128xf32, #tpu.memory_space<vmem>>, vector<1x16xf32>,
      %swap3A_239 = vector.shape_cast %swap3A_238 : vector<1x16xf32> to vector<16xf32>
      %swap3A_240 = vector.shape_cast %broadcast_in_dim3A_235 : vector<16xf32> to vector<1x16xf32>
      tpu.vector_store %arg9[%swap3A_236, %swap3A_237], %swap3A_240 {strides = array<i32>} : memref<80x128xf32, #tpu.memory_space<vmem>>, vector<1x16xf32>,
      %broadcast_in_dim3A_241 = arith.constant 0.000000e+00 : f32
      %broadcast_in_dim3A_242 = vector.broadcast %broadcast_in_dim3A_241 : f32 to vector<16xf32>
      %swap3A_243 = arith.index_cast %add3A_207 : i32 to index
      %swap3A_244 = arith.constant 80 : index
      %swap3A_245 = tpu.vector_load %arg9[%swap3A_243, %swap3A_244] {strides = array<i32>} : memref<80x128xf32, #tpu.memory_space<vmem>>, vector<1x16xf32>,
      %swap3A_246 = vector.shape_cast %swap3A_245 : vector<1x16xf32> to vector<16xf32>
      %swap3A_247 = vector.shape_cast %broadcast_in_dim3A_242 : vector<16xf32> to vector<1x16xf32>
      tpu.vector_store %arg9[%swap3A_243, %swap3A_244], %swap3A_247 {strides = array<i32>} : memref<80x128xf32, #tpu.memory_space<vmem>>, vector<1x16xf32>,
      %broadcast_in_dim3A_248 = arith.constant 0.000000e+00 : f32
      %broadcast_in_dim3A_249 = vector.broadcast %broadcast_in_dim3A_248 : f32 to vector<16xf32>
      %swap3A_250 = arith.index_cast %add3A_207 : i32 to index
      %swap3A_251 = arith.constant 96 : index
      %swap3A_252 = tpu.vector_load %arg9[%swap3A_250, %swap3A_251] {strides = array<i32>} : memref<80x128xf32, #tpu.memory_space<vmem>>, vector<1x16xf32>,
      %swap3A_253 = vector.shape_cast %swap3A_252 : vector<1x16xf32> to vector<16xf32>
      %swap3A_254 = vector.shape_cast %broadcast_in_dim3A_249 : vector<16xf32> to vector<1x16xf32>
      tpu.vector_store %arg9[%swap3A_250, %swap3A_251], %swap3A_254 {strides = array<i32>} : memref<80x128xf32, #tpu.memory_space<vmem>>, vector<1x16xf32>,
      %broadcast_in_dim3A_255 = arith.constant 0.000000e+00 : f32
      %broadcast_in_dim3A_256 = vector.broadcast %broadcast_in_dim3A_255 : f32 to vector<16xf32>
      %swap3A_257 = arith.index_cast %add3A_207 : i32 to index
      %swap3A_258 = arith.constant 112 : index
      %swap3A_259 = tpu.vector_load %arg9[%swap3A_257, %swap3A_258] {strides = array<i32>} : memref<80x128xf32, #tpu.memory_space<vmem>>, vector<1x16xf32>,
      %swap3A_260 = vector.shape_cast %swap3A_259 : vector<1x16xf32> to vector<16xf32>
      %swap3A_261 = vector.shape_cast %broadcast_in_dim3A_256 : vector<16xf32> to vector<1x16xf32>
      tpu.vector_store %arg9[%swap3A_257, %swap3A_258], %swap3A_261 {strides = array<i32>} : memref<80x128xf32, #tpu.memory_space<vmem>>, vector<1x16xf32>,
    }
    %scan3A_4 = arith.constant 80 : i32
    %scan3A_5 = arith.constant 0 : i32
    %scan3A_6 = arith.constant 8 : i32
    %scan3A_7 = arith.addi %scan3A_5, %scan3A_6 : i32
    %scan3A_8 = arith.constant 1 : i32
    scf.for %scan3A_203 = %scan3A_5 to %scan3A_7 step %scan3A_8  : i32 {
      %mul3A_204 = arith.constant 1 : i32
      %mul3A_205 = arith.muli %scan3A_203, %mul3A_204 : i32
      %add3A_206 = arith.constant 0 : i32
      %add3A_207 = arith.addi %add3A_206, %mul3A_205 : i32
      %mul3A_208 = arith.constant 640 : i32
      %mul3A_209 = arith.muli %arg1, %mul3A_208 : i32
      %mul3A_210 = arith.constant 80 : i32
      %mul3A_211 = arith.muli %add3A_207, %mul3A_210 : i32
      %add3A_212 = arith.addi %mul3A_209, %mul3A_211 : i32
      %dma_start3A_213 = arith.constant 0 : i32
      %dma_start3A_214 = tpu.memref_slice %arg12[%add3A_212, %dma_start3A_213] : memref<10240x128xf32, #tpu.memory_space<vmem_shared>> -> memref<80x128xf32, #tpu.memory_space<vmem_shared>>
      %dma_start3A_215 = arith.constant 0 : i32
      %dma_start3A_216 = tpu.memref_slice %arg12[%add3A_212, %dma_start3A_215] : memref<10240x128xf32, #tpu.memory_space<vmem_shared>> -> memref<80x128xf32, #tpu.memory_space<vmem_shared>>
      tpu.enqueue_dma source(%arg9 : memref<80x128xf32, #tpu.memory_space<vmem>>) target(%dma_start3A_216 : memref<80x128xf32, #tpu.memory_space<vmem_shared>>) target_semaphore(%arg16 : memref<!tpu.dma_semaphore, #tpu.memory_space<semaphore_mem>>)
    }
    %scan3A_9 = arith.constant 8 : i32
    %scan3A_10 = arith.constant 0 : i32
    %scan3A_11 = arith.constant 8 : i32
    %scan3A_12 = arith.addi %scan3A_10, %scan3A_11 : i32
    %scan3A_13 = arith.constant 1 : i32
    scf.for %scan3A_203 = %scan3A_10 to %scan3A_12 step %scan3A_13  : i32 {
      %mul3A_204 = arith.constant 1 : i32
      %mul3A_205 = arith.muli %scan3A_203, %mul3A_204 : i32
      %add3A_206 = arith.constant 0 : i32
      %add3A_207 = arith.addi %add3A_206, %mul3A_205 : i32
      %mul3A_208 = arith.constant 640 : i32
      %mul3A_209 = arith.muli %arg1, %mul3A_208 : i32
      %dma_wait3A_210 = arith.constant 0 : i32
      %dma_wait3A_211 = tpu.memref_slice %arg12[%mul3A_209, %dma_wait3A_210] : memref<10240x128xf32, #tpu.memory_space<vmem_shared>> -> memref<80x128xf32, #tpu.memory_space<vmem_shared>>
      %dma_wait3A_212 = arith.constant 0 : i32
      %dma_wait3A_213 = tpu.memref_slice %arg12[%mul3A_209, %dma_wait3A_212] : memref<10240x128xf32, #tpu.memory_space<vmem_shared>> -> memref<80x128xf32, #tpu.memory_space<vmem_shared>>
      tpu.wait_dma2 semaphore(%arg16 : memref<!tpu.dma_semaphore, #tpu.memory_space<semaphore_mem>>) src(%arg9 : memref<80x128xf32, #tpu.memory_space<vmem>>) dst(%dma_wait3A_213 : memref<80x128xf32, #tpu.memory_space<vmem_shared>>)
    }
    %scan3A_14 = arith.constant 8 : i32
    %mul3A_15 = arith.constant 10000 : i32
    %mul3A_16 = arith.muli %add3A, %mul3A_15 : i32
    %add3A_17 = arith.constant 0 : i32
    %add3A_18 = arith.addi %mul3A_16, %add3A_17 : i32
    "tpu.region"() ({
      %run_scoped3A = tpu.sem_alloc : memref<!tpu.dma_semaphore, #tpu.memory_space<semaphore_mem>>
      %dma_start3A_203 = arith.constant 0 : i32
      %dma_start3A_204 = tpu.memref_slice %arg7[%dma_start3A_203] : memref<5120xi32, #tpu.memory_space<vmem>> -> memref<5120xi32, #tpu.memory_space<vmem>>
      %dma_start3A_205 = tpu.memref_slice %arg3[%add3A_18] : memref<320000xi32, #tpu.memory_space<hbm>> -> memref<5120xi32, #tpu.memory_space<hbm>>
      %dma_start3A_206 = arith.constant 0 : i32
      %dma_start3A_207 = tpu.memref_slice %arg7[%dma_start3A_206] : memref<5120xi32, #tpu.memory_space<vmem>> -> memref<5120xi32, #tpu.memory_space<vmem>>
      %dma_start3A_208 = tpu.memref_slice %arg3[%add3A_18] : memref<320000xi32, #tpu.memory_space<hbm>> -> memref<5120xi32, #tpu.memory_space<hbm>>
      tpu.enqueue_dma source(%dma_start3A_208 : memref<5120xi32, #tpu.memory_space<hbm>>) target(%dma_start3A_207 : memref<5120xi32, #tpu.memory_space<vmem>>) target_semaphore(%run_scoped3A : memref<!tpu.dma_semaphore, #tpu.memory_space<semaphore_mem>>)
      %dma_wait3A_209 = arith.constant 0 : i32
      %dma_wait3A_210 = tpu.memref_slice %arg7[%dma_wait3A_209] : memref<5120xi32, #tpu.memory_space<vmem>> -> memref<5120xi32, #tpu.memory_space<vmem>>
      %dma_wait3A_211 = tpu.memref_slice %arg3[%add3A_18] : memref<320000xi32, #tpu.memory_space<hbm>> -> memref<5120xi32, #tpu.memory_space<hbm>>
      %dma_wait3A_212 = arith.constant 0 : i32
      %dma_wait3A_213 = tpu.memref_slice %arg7[%dma_wait3A_212] : memref<5120xi32, #tpu.memory_space<vmem>> -> memref<5120xi32, #tpu.memory_space<vmem>>
      %dma_wait3A_214 = tpu.memref_slice %arg3[%add3A_18] : memref<320000xi32, #tpu.memory_space<hbm>> -> memref<5120xi32, #tpu.memory_space<hbm>>
      tpu.wait_dma2 semaphore(%run_scoped3A : memref<!tpu.dma_semaphore, #tpu.memory_space<semaphore_mem>>) src(%dma_wait3A_214 : memref<5120xi32, #tpu.memory_space<hbm>>) dst(%dma_wait3A_213 : memref<5120xi32, #tpu.memory_space<vmem>>)
      tpu.yield
    }) : () -> ()
    %add3A_19 = arith.constant 0 : i32
    %add3A_20 = arith.addi %mul3A_16, %add3A_19 : i32
    "tpu.region"() ({
      %run_scoped3A = tpu.sem_alloc : memref<!tpu.dma_semaphore, #tpu.memory_space<semaphore_mem>>
      %dma_start3A_203 = arith.constant 0 : i32
      %dma_start3A_204 = tpu.memref_slice %arg8[%dma_start3A_203] : memref<5120xi32, #tpu.memory_space<vmem>> -> memref<5120xi32, #tpu.memory_space<vmem>>
      %dma_start3A_205 = tpu.memref_slice %arg4[%add3A_20] : memref<320000xi32, #tpu.memory_space<hbm>> -> memref<5120xi32, #tpu.memory_space<hbm>>
      %dma_start3A_206 = arith.constant 0 : i32
      %dma_start3A_207 = tpu.memref_slice %arg8[%dma_start3A_206] : memref<5120xi32, #tpu.memory_space<vmem>> -> memref<5120xi32, #tpu.memory_space<vmem>>
      %dma_start3A_208 = tpu.memref_slice %arg4[%add3A_20] : memref<320000xi32, #tpu.memory_space<hbm>> -> memref<5120xi32, #tpu.memory_space<hbm>>
      tpu.enqueue_dma source(%dma_start3A_208 : memref<5120xi32, #tpu.memory_space<hbm>>) target(%dma_start3A_207 : memref<5120xi32, #tpu.memory_space<vmem>>) target_semaphore(%run_scoped3A : memref<!tpu.dma_semaphore, #tpu.memory_space<semaphore_mem>>)
      %dma_wait3A_209 = arith.constant 0 : i32
      %dma_wait3A_210 = tpu.memref_slice %arg8[%dma_wait3A_209] : memref<5120xi32, #tpu.memory_space<vmem>> -> memref<5120xi32, #tpu.memory_space<vmem>>
      %dma_wait3A_211 = tpu.memref_slice %arg4[%add3A_20] : memref<320000xi32, #tpu.memory_space<hbm>> -> memref<5120xi32, #tpu.memory_space<hbm>>
      %dma_wait3A_212 = arith.constant 0 : i32
      %dma_wait3A_213 = tpu.memref_slice %arg8[%dma_wait3A_212] : memref<5120xi32, #tpu.memory_space<vmem>> -> memref<5120xi32, #tpu.memory_space<vmem>>
      %dma_wait3A_214 = tpu.memref_slice %arg4[%add3A_20] : memref<320000xi32, #tpu.memory_space<hbm>> -> memref<5120xi32, #tpu.memory_space<hbm>>
      tpu.wait_dma2 semaphore(%run_scoped3A : memref<!tpu.dma_semaphore, #tpu.memory_space<semaphore_mem>>) src(%dma_wait3A_214 : memref<5120xi32, #tpu.memory_space<hbm>>) dst(%dma_wait3A_213 : memref<5120xi32, #tpu.memory_space<vmem>>)
      tpu.yield
    }) : () -> ()
    %dma_start3A = arith.constant 0 : i32
    %dma_start3A_21 = tpu.memref_slice %arg7[%dma_start3A] : memref<5120xi32, #tpu.memory_space<vmem>> -> memref<80xi32, #tpu.memory_space<vmem>>
    %dma_start3A_22 = arith.constant 0 : i32
    %dma_start3A_23 = arith.constant 0 : i32
    %dma_start3A_24 = tpu.memref_slice %arg2[%dma_start3A_22, %dma_start3A_23] : memref<10240x128xf32, #tpu.memory_space<hbm>> -> memref<10240x128xf32, #tpu.memory_space<hbm>>
    tpu.enqueue_indirect_dma source(%dma_start3A_24 : memref<10240x128xf32, #tpu.memory_space<hbm>>) target(%arg9 : memref<80x128xf32, #tpu.memory_space<vmem>>) offsets(%dma_start3A_21 : memref<80xi32, #tpu.memory_space<vmem>>) semaphore(%arg13 : memref<!tpu.dma_semaphore, #tpu.memory_space<semaphore_mem>>)
    %dma_start3A_25 = arith.constant 80 : i32
    %dma_start3A_26 = tpu.memref_slice %arg7[%dma_start3A_25] : memref<5120xi32, #tpu.memory_space<vmem>> -> memref<80xi32, #tpu.memory_space<vmem>>
    %dma_start3A_27 = arith.constant 0 : i32
    %dma_start3A_28 = arith.constant 0 : i32
    %dma_start3A_29 = tpu.memref_slice %arg2[%dma_start3A_27, %dma_start3A_28] : memref<10240x128xf32, #tpu.memory_space<hbm>> -> memref<10240x128xf32, #tpu.memory_space<hbm>>
    tpu.enqueue_indirect_dma source(%dma_start3A_29 : memref<10240x128xf32, #tpu.memory_space<hbm>>) target(%arg10 : memref<80x128xf32, #tpu.memory_space<vmem>>) offsets(%dma_start3A_26 : memref<80xi32, #tpu.memory_space<vmem>>) semaphore(%arg14 : memref<!tpu.dma_semaphore, #tpu.memory_space<semaphore_mem>>)
    %barrier3A = arith.constant 0 : index
    tpu.barrier barrier_id(%barrier3A)
    %dma_wait3A = arith.constant 0 : i32
    %dma_wait3A_30 = tpu.memref_slice %arg7[%dma_wait3A] : memref<5120xi32, #tpu.memory_space<vmem>> -> memref<80xi32, #tpu.memory_space<vmem>>
    %dma_wait3A_31 = arith.constant 0 : i32
    %dma_wait3A_32 = arith.constant 0 : i32
    %dma_wait3A_33 = tpu.memref_slice %arg2[%dma_wait3A_31, %dma_wait3A_32] : memref<10240x128xf32, #tpu.memory_space<hbm>> -> memref<10240x128xf32, #tpu.memory_space<hbm>>
    tpu.wait_indirect_dma semaphore(%arg13 : memref<!tpu.dma_semaphore, #tpu.memory_space<semaphore_mem>>) src(%dma_wait3A_33 : memref<10240x128xf32, #tpu.memory_space<hbm>>) dst(%arg9 : memref<80x128xf32, #tpu.memory_space<vmem>>)
    %dma_start3A_34 = arith.constant 0 : i32
    %dma_start3A_35 = tpu.memref_slice %arg8[%dma_start3A_34] : memref<5120xi32, #tpu.memory_space<vmem>> -> memref<80xi32, #tpu.memory_space<vmem>>
    %dma_start3A_36 = arith.constant 0 : i32
    %dma_start3A_37 = arith.constant 0 : i32
    %dma_start3A_38 = tpu.memref_slice %arg12[%dma_start3A_36, %dma_start3A_37] : memref<10240x128xf32, #tpu.memory_space<vmem_shared>> -> memref<10240x128xf32, #tpu.memory_space<vmem_shared>>
    tpu.enqueue_indirect_dma source(%arg9 : memref<80x128xf32, #tpu.memory_space<vmem>>) target(%dma_start3A_38 : memref<10240x128xf32, #tpu.memory_space<vmem_shared>>) offsets(%dma_start3A_35 : memref<80xi32, #tpu.memory_space<vmem>>) semaphore(%arg16 : memref<!tpu.dma_semaphore, #tpu.memory_space<semaphore_mem>>) {add = true}
    %dma_start3A_39 = arith.constant 160 : i32
    %dma_start3A_40 = tpu.memref_slice %arg7[%dma_start3A_39] : memref<5120xi32, #tpu.memory_space<vmem>> -> memref<80xi32, #tpu.memory_space<vmem>>
    %dma_start3A_41 = arith.constant 0 : i32
    %dma_start3A_42 = arith.constant 0 : i32
    %dma_start3A_43 = tpu.memref_slice %arg2[%dma_start3A_41, %dma_start3A_42] : memref<10240x128xf32, #tpu.memory_space<hbm>> -> memref<10240x128xf32, #tpu.memory_space<hbm>>
    tpu.enqueue_indirect_dma source(%dma_start3A_43 : memref<10240x128xf32, #tpu.memory_space<hbm>>) target(%arg11 : memref<80x128xf32, #tpu.memory_space<vmem>>) offsets(%dma_start3A_40 : memref<80xi32, #tpu.memory_space<vmem>>) semaphore(%arg15 : memref<!tpu.dma_semaphore, #tpu.memory_space<semaphore_mem>>)
    %scan3A_44 = arith.constant 0 : i32
    %scan3A_45 = arith.constant 20 : i32
    %scan3A_46 = arith.addi %scan3A_44, %scan3A_45 : i32
    %scan3A_47 = arith.constant 1 : i32
    scf.for %scan3A_203 = %scan3A_44 to %scan3A_46 step %scan3A_47  : i32 {
      %mul3A_204 = arith.constant 1 : i32
      %mul3A_205 = arith.muli %scan3A_203, %mul3A_204 : i32
      %add3A_206 = arith.constant 0 : i32
      %add3A_207 = arith.addi %add3A_206, %mul3A_205 : i32
      %mul3A_208 = arith.constant 3 : i32
      %mul3A_209 = arith.muli %add3A_207, %mul3A_208 : i32
      %add3A_210 = arith.constant 1 : i32
      %add3A_211 = arith.addi %mul3A_209, %add3A_210 : i32
      %add3A_212 = arith.constant 0 : i32
      %add3A_213 = arith.addi %add3A_211, %add3A_212 : i32
      %dma_wait3A_214 = arith.constant 0 : i32
      %dma_wait3A_215 = tpu.memref_slice %arg7[%dma_wait3A_214] : memref<5120xi32, #tpu.memory_space<vmem>> -> memref<80xi32, #tpu.memory_space<vmem>>
      %dma_wait3A_216 = arith.constant 0 : i32
      %dma_wait3A_217 = arith.constant 0 : i32
      %dma_wait3A_218 = tpu.memref_slice %arg2[%dma_wait3A_216, %dma_wait3A_217] : memref<10240x128xf32, #tpu.memory_space<hbm>> -> memref<10240x128xf32, #tpu.memory_space<hbm>>
      tpu.wait_indirect_dma semaphore(%arg14 : memref<!tpu.dma_semaphore, #tpu.memory_space<semaphore_mem>>) src(%dma_wait3A_218 : memref<10240x128xf32, #tpu.memory_space<hbm>>) dst(%arg10 : memref<80x128xf32, #tpu.memory_space<vmem>>)
      %mul3A_219 = arith.constant 80 : i32
      %mul3A_220 = arith.muli %add3A_213, %mul3A_219 : i32
      %dma_start3A_221 = tpu.memref_slice %arg8[%mul3A_220] : memref<5120xi32, #tpu.memory_space<vmem>> -> memref<80xi32, #tpu.memory_space<vmem>>
      %dma_start3A_222 = arith.constant 0 : i32
      %dma_start3A_223 = arith.constant 0 : i32
      %dma_start3A_224 = tpu.memref_slice %arg12[%dma_start3A_222, %dma_start3A_223] : memref<10240x128xf32, #tpu.memory_space<vmem_shared>> -> memref<10240x128xf32, #tpu.memory_space<vmem_shared>>
      tpu.enqueue_indirect_dma source(%arg10 : memref<80x128xf32, #tpu.memory_space<vmem>>) target(%dma_start3A_224 : memref<10240x128xf32, #tpu.memory_space<vmem_shared>>) offsets(%dma_start3A_221 : memref<80xi32, #tpu.memory_space<vmem>>) semaphore(%arg17 : memref<!tpu.dma_semaphore, #tpu.memory_space<semaphore_mem>>) {add = true}
      %dma_wait3A_225 = arith.constant 0 : i32
      %dma_wait3A_226 = tpu.memref_slice %arg8[%dma_wait3A_225] : memref<5120xi32, #tpu.memory_space<vmem>> -> memref<80xi32, #tpu.memory_space<vmem>>
      %dma_wait3A_227 = arith.constant 0 : i32
      %dma_wait3A_228 = arith.constant 0 : i32
      %dma_wait3A_229 = tpu.memref_slice %arg12[%dma_wait3A_227, %dma_wait3A_228] : memref<10240x128xf32, #tpu.memory_space<vmem_shared>> -> memref<10240x128xf32, #tpu.memory_space<vmem_shared>>
      tpu.wait_indirect_dma semaphore(%arg16 : memref<!tpu.dma_semaphore, #tpu.memory_space<semaphore_mem>>) src(%arg9 : memref<80x128xf32, #tpu.memory_space<vmem>>) dst(%dma_wait3A_229 : memref<10240x128xf32, #tpu.memory_space<vmem_shared>>)
      %add3A_230 = arith.constant 2 : i32
      %add3A_231 = arith.addi %add3A_213, %add3A_230 : i32
      %mul3A_232 = arith.constant 80 : i32
      %mul3A_233 = arith.muli %add3A_231, %mul3A_232 : i32
      %dma_start3A_234 = tpu.memref_slice %arg7[%mul3A_233] : memref<5120xi32, #tpu.memory_space<vmem>> -> memref<80xi32, #tpu.memory_space<vmem>>
      %dma_start3A_235 = arith.constant 0 : i32
      %dma_start3A_236 = arith.constant 0 : i32
      %dma_start3A_237 = tpu.memref_slice %arg2[%dma_start3A_235, %dma_start3A_236] : memref<10240x128xf32, #tpu.memory_space<hbm>> -> memref<10240x128xf32, #tpu.memory_space<hbm>>
      tpu.enqueue_indirect_dma source(%dma_start3A_237 : memref<10240x128xf32, #tpu.memory_space<hbm>>) target(%arg9 : memref<80x128xf32, #tpu.memory_space<vmem>>) offsets(%dma_start3A_234 : memref<80xi32, #tpu.memory_space<vmem>>) semaphore(%arg13 : memref<!tpu.dma_semaphore, #tpu.memory_space<semaphore_mem>>)
      %add3A_238 = arith.constant 1 : i32
      %add3A_239 = arith.addi %mul3A_209, %add3A_238 : i32
      %add3A_240 = arith.constant 1 : i32
      %add3A_241 = arith.addi %add3A_239, %add3A_240 : i32
      %dma_wait3A_242 = arith.constant 0 : i32
      %dma_wait3A_243 = tpu.memref_slice %arg7[%dma_wait3A_242] : memref<5120xi32, #tpu.memory_space<vmem>> -> memref<80xi32, #tpu.memory_space<vmem>>
      %dma_wait3A_244 = arith.constant 0 : i32
      %dma_wait3A_245 = arith.constant 0 : i32
      %dma_wait3A_246 = tpu.memref_slice %arg2[%dma_wait3A_244, %dma_wait3A_245] : memref<10240x128xf32, #tpu.memory_space<hbm>> -> memref<10240x128xf32, #tpu.memory_space<hbm>>
      tpu.wait_indirect_dma semaphore(%arg15 : memref<!tpu.dma_semaphore, #tpu.memory_space<semaphore_mem>>) src(%dma_wait3A_246 : memref<10240x128xf32, #tpu.memory_space<hbm>>) dst(%arg11 : memref<80x128xf32, #tpu.memory_space<vmem>>)
      %mul3A_247 = arith.constant 80 : i32
      %mul3A_248 = arith.muli %add3A_241, %mul3A_247 : i32
      %dma_start3A_249 = tpu.memref_slice %arg8[%mul3A_248] : memref<5120xi32, #tpu.memory_space<vmem>> -> memref<80xi32, #tpu.memory_space<vmem>>
      %dma_start3A_250 = arith.constant 0 : i32
      %dma_start3A_251 = arith.constant 0 : i32
      %dma_start3A_252 = tpu.memref_slice %arg12[%dma_start3A_250, %dma_start3A_251] : memref<10240x128xf32, #tpu.memory_space<vmem_shared>> -> memref<10240x128xf32, #tpu.memory_space<vmem_shared>>
      tpu.enqueue_indirect_dma source(%arg11 : memref<80x128xf32, #tpu.memory_space<vmem>>) target(%dma_start3A_252 : memref<10240x128xf32, #tpu.memory_space<vmem_shared>>) offsets(%dma_start3A_249 : memref<80xi32, #tpu.memory_space<vmem>>) semaphore(%arg18 : memref<!tpu.dma_semaphore, #tpu.memory_space<semaphore_mem>>) {add = true}
      %dma_wait3A_253 = arith.constant 0 : i32
      %dma_wait3A_254 = tpu.memref_slice %arg8[%dma_wait3A_253] : memref<5120xi32, #tpu.memory_space<vmem>> -> memref<80xi32, #tpu.memory_space<vmem>>
      %dma_wait3A_255 = arith.constant 0 : i32
      %dma_wait3A_256 = arith.constant 0 : i32
      %dma_wait3A_257 = tpu.memref_slice %arg12[%dma_wait3A_255, %dma_wait3A_256] : memref<10240x128xf32, #tpu.memory_space<vmem_shared>> -> memref<10240x128xf32, #tpu.memory_space<vmem_shared>>
      tpu.wait_indirect_dma semaphore(%arg17 : memref<!tpu.dma_semaphore, #tpu.memory_space<semaphore_mem>>) src(%arg10 : memref<80x128xf32, #tpu.memory_space<vmem>>) dst(%dma_wait3A_257 : memref<10240x128xf32, #tpu.memory_space<vmem_shared>>)
      %add3A_258 = arith.constant 2 : i32
      %add3A_259 = arith.addi %add3A_241, %add3A_258 : i32
      %mul3A_260 = arith.constant 80 : i32
      %mul3A_261 = arith.muli %add3A_259, %mul3A_260 : i32
      %dma_start3A_262 = tpu.memref_slice %arg7[%mul3A_261] : memref<5120xi32, #tpu.memory_space<vmem>> -> memref<80xi32, #tpu.memory_space<vmem>>
      %dma_start3A_263 = arith.constant 0 : i32
      %dma_start3A_264 = arith.constant 0 : i32
      %dma_start3A_265 = tpu.memref_slice %arg2[%dma_start3A_263, %dma_start3A_264] : memref<10240x128xf32, #tpu.memory_space<hbm>> -> memref<10240x128xf32, #tpu.memory_space<hbm>>
      tpu.enqueue_indirect_dma source(%dma_start3A_265 : memref<10240x128xf32, #tpu.memory_space<hbm>>) target(%arg10 : memref<80x128xf32, #tpu.memory_space<vmem>>) offsets(%dma_start3A_262 : memref<80xi32, #tpu.memory_space<vmem>>) semaphore(%arg14 : memref<!tpu.dma_semaphore, #tpu.memory_space<semaphore_mem>>)
      %add3A_266 = arith.constant 1 : i32
      %add3A_267 = arith.addi %mul3A_209, %add3A_266 : i32
      %add3A_268 = arith.constant 2 : i32
      %add3A_269 = arith.addi %add3A_267, %add3A_268 : i32
      %dma_wait3A_270 = arith.constant 0 : i32
      %dma_wait3A_271 = tpu.memref_slice %arg7[%dma_wait3A_270] : memref<5120xi32, #tpu.memory_space<vmem>> -> memref<80xi32, #tpu.memory_space<vmem>>
      %dma_wait3A_272 = arith.constant 0 : i32
      %dma_wait3A_273 = arith.constant 0 : i32
      %dma_wait3A_274 = tpu.memref_slice %arg2[%dma_wait3A_272, %dma_wait3A_273] : memref<10240x128xf32, #tpu.memory_space<hbm>> -> memref<10240x128xf32, #tpu.memory_space<hbm>>
      tpu.wait_indirect_dma semaphore(%arg13 : memref<!tpu.dma_semaphore, #tpu.memory_space<semaphore_mem>>) src(%dma_wait3A_274 : memref<10240x128xf32, #tpu.memory_space<hbm>>) dst(%arg9 : memref<80x128xf32, #tpu.memory_space<vmem>>)
      %mul3A_275 = arith.constant 80 : i32
      %mul3A_276 = arith.muli %add3A_269, %mul3A_275 : i32
      %dma_start3A_277 = tpu.memref_slice %arg8[%mul3A_276] : memref<5120xi32, #tpu.memory_space<vmem>> -> memref<80xi32, #tpu.memory_space<vmem>>
      %dma_start3A_278 = arith.constant 0 : i32
      %dma_start3A_279 = arith.constant 0 : i32
      %dma_start3A_280 = tpu.memref_slice %arg12[%dma_start3A_278, %dma_start3A_279] : memref<10240x128xf32, #tpu.memory_space<vmem_shared>> -> memref<10240x128xf32, #tpu.memory_space<vmem_shared>>
      tpu.enqueue_indirect_dma source(%arg9 : memref<80x128xf32, #tpu.memory_space<vmem>>) target(%dma_start3A_280 : memref<10240x128xf32, #tpu.memory_space<vmem_shared>>) offsets(%dma_start3A_277 : memref<80xi32, #tpu.memory_space<vmem>>) semaphore(%arg16 : memref<!tpu.dma_semaphore, #tpu.memory_space<semaphore_mem>>) {add = true}
      %dma_wait3A_281 = arith.constant 0 : i32
      %dma_wait3A_282 = tpu.memref_slice %arg8[%dma_wait3A_281] : memref<5120xi32, #tpu.memory_space<vmem>> -> memref<80xi32, #tpu.memory_space<vmem>>
      %dma_wait3A_283 = arith.constant 0 : i32
      %dma_wait3A_284 = arith.constant 0 : i32
      %dma_wait3A_285 = tpu.memref_slice %arg12[%dma_wait3A_283, %dma_wait3A_284] : memref<10240x128xf32, #tpu.memory_space<vmem_shared>> -> memref<10240x128xf32, #tpu.memory_space<vmem_shared>>
      tpu.wait_indirect_dma semaphore(%arg18 : memref<!tpu.dma_semaphore, #tpu.memory_space<semaphore_mem>>) src(%arg11 : memref<80x128xf32, #tpu.memory_space<vmem>>) dst(%dma_wait3A_285 : memref<10240x128xf32, #tpu.memory_space<vmem_shared>>)
      %add3A_286 = arith.constant 2 : i32
      %add3A_287 = arith.addi %add3A_269, %add3A_286 : i32
      %mul3A_288 = arith.constant 80 : i32
      %mul3A_289 = arith.muli %add3A_287, %mul3A_288 : i32
      %dma_start3A_290 = tpu.memref_slice %arg7[%mul3A_289] : memref<5120xi32, #tpu.memory_space<vmem>> -> memref<80xi32, #tpu.memory_space<vmem>>
      %dma_start3A_291 = arith.constant 0 : i32
      %dma_start3A_292 = arith.constant 0 : i32
      %dma_start3A_293 = tpu.memref_slice %arg2[%dma_start3A_291, %dma_start3A_292] : memref<10240x128xf32, #tpu.memory_space<hbm>> -> memref<10240x128xf32, #tpu.memory_space<hbm>>
      tpu.enqueue_indirect_dma source(%dma_start3A_293 : memref<10240x128xf32, #tpu.memory_space<hbm>>) target(%arg11 : memref<80x128xf32, #tpu.memory_space<vmem>>) offsets(%dma_start3A_290 : memref<80xi32, #tpu.memory_space<vmem>>) semaphore(%arg15 : memref<!tpu.dma_semaphore, #tpu.memory_space<semaphore_mem>>)
    }
    %scan3A_48 = arith.constant 20 : i32
    %dma_wait3A_49 = arith.constant 0 : i32
    %dma_wait3A_50 = tpu.memref_slice %arg7[%dma_wait3A_49] : memref<5120xi32, #tpu.memory_space<vmem>> -> memref<80xi32, #tpu.memory_space<vmem>>
    %dma_wait3A_51 = arith.constant 0 : i32
    %dma_wait3A_52 = arith.constant 0 : i32
    %dma_wait3A_53 = tpu.memref_slice %arg2[%dma_wait3A_51, %dma_wait3A_52] : memref<10240x128xf32, #tpu.memory_space<hbm>> -> memref<10240x128xf32, #tpu.memory_space<hbm>>
    tpu.wait_indirect_dma semaphore(%arg14 : memref<!tpu.dma_semaphore, #tpu.memory_space<semaphore_mem>>) src(%dma_wait3A_53 : memref<10240x128xf32, #tpu.memory_space<hbm>>) dst(%arg10 : memref<80x128xf32, #tpu.memory_space<vmem>>)
    %dma_start3A_54 = arith.constant 4880 : i32
    %dma_start3A_55 = tpu.memref_slice %arg8[%dma_start3A_54] : memref<5120xi32, #tpu.memory_space<vmem>> -> memref<80xi32, #tpu.memory_space<vmem>>
    %dma_start3A_56 = arith.constant 0 : i32
    %dma_start3A_57 = arith.constant 0 : i32
    %dma_start3A_58 = tpu.memref_slice %arg12[%dma_start3A_56, %dma_start3A_57] : memref<10240x128xf32, #tpu.memory_space<vmem_shared>> -> memref<10240x128xf32, #tpu.memory_space<vmem_shared>>
    tpu.enqueue_indirect_dma source(%arg10 : memref<80x128xf32, #tpu.memory_space<vmem>>) target(%dma_start3A_58 : memref<10240x128xf32, #tpu.memory_space<vmem_shared>>) offsets(%dma_start3A_55 : memref<80xi32, #tpu.memory_space<vmem>>) semaphore(%arg17 : memref<!tpu.dma_semaphore, #tpu.memory_space<semaphore_mem>>) {add = true}
    %dma_wait3A_59 = arith.constant 0 : i32
    %dma_wait3A_60 = tpu.memref_slice %arg8[%dma_wait3A_59] : memref<5120xi32, #tpu.memory_space<vmem>> -> memref<80xi32, #tpu.memory_space<vmem>>
    %dma_wait3A_61 = arith.constant 0 : i32
    %dma_wait3A_62 = arith.constant 0 : i32
    %dma_wait3A_63 = tpu.memref_slice %arg12[%dma_wait3A_61, %dma_wait3A_62] : memref<10240x128xf32, #tpu.memory_space<vmem_shared>> -> memref<10240x128xf32, #tpu.memory_space<vmem_shared>>
    tpu.wait_indirect_dma semaphore(%arg16 : memref<!tpu.dma_semaphore, #tpu.memory_space<semaphore_mem>>) src(%arg9 : memref<80x128xf32, #tpu.memory_space<vmem>>) dst(%dma_wait3A_63 : memref<10240x128xf32, #tpu.memory_space<vmem_shared>>)
    %dma_start3A_64 = arith.constant 5040 : i32
    %dma_start3A_65 = tpu.memref_slice %arg7[%dma_start3A_64] : memref<5120xi32, #tpu.memory_space<vmem>> -> memref<80xi32, #tpu.memory_space<vmem>>
    %dma_start3A_66 = arith.constant 0 : i32
    %dma_start3A_67 = arith.constant 0 : i32
    %dma_start3A_68 = tpu.memref_slice %arg2[%dma_start3A_66, %dma_start3A_67] : memref<10240x128xf32, #tpu.memory_space<hbm>> -> memref<10240x128xf32, #tpu.memory_space<hbm>>
    tpu.enqueue_indirect_dma source(%dma_start3A_68 : memref<10240x128xf32, #tpu.memory_space<hbm>>) target(%arg9 : memref<80x128xf32, #tpu.memory_space<vmem>>) offsets(%dma_start3A_65 : memref<80xi32, #tpu.memory_space<vmem>>) semaphore(%arg13 : memref<!tpu.dma_semaphore, #tpu.memory_space<semaphore_mem>>)
    %dma_wait3A_69 = arith.constant 0 : i32
    %dma_wait3A_70 = tpu.memref_slice %arg7[%dma_wait3A_69] : memref<5120xi32, #tpu.memory_space<vmem>> -> memref<80xi32, #tpu.memory_space<vmem>>
    %dma_wait3A_71 = arith.constant 0 : i32
    %dma_wait3A_72 = arith.constant 0 : i32
    %dma_wait3A_73 = tpu.memref_slice %arg2[%dma_wait3A_71, %dma_wait3A_72] : memref<10240x128xf32, #tpu.memory_space<hbm>> -> memref<10240x128xf32, #tpu.memory_space<hbm>>
    tpu.wait_indirect_dma semaphore(%arg15 : memref<!tpu.dma_semaphore, #tpu.memory_space<semaphore_mem>>) src(%dma_wait3A_73 : memref<10240x128xf32, #tpu.memory_space<hbm>>) dst(%arg11 : memref<80x128xf32, #tpu.memory_space<vmem>>)
    %dma_start3A_74 = arith.constant 4960 : i32
    %dma_start3A_75 = tpu.memref_slice %arg8[%dma_start3A_74] : memref<5120xi32, #tpu.memory_space<vmem>> -> memref<80xi32, #tpu.memory_space<vmem>>
    %dma_start3A_76 = arith.constant 0 : i32
    %dma_start3A_77 = arith.constant 0 : i32
    %dma_start3A_78 = tpu.memref_slice %arg12[%dma_start3A_76, %dma_start3A_77] : memref<10240x128xf32, #tpu.memory_space<vmem_shared>> -> memref<10240x128xf32, #tpu.memory_space<vmem_shared>>
    tpu.enqueue_indirect_dma source(%arg11 : memref<80x128xf32, #tpu.memory_space<vmem>>) target(%dma_start3A_78 : memref<10240x128xf32, #tpu.memory_space<vmem_shared>>) offsets(%dma_start3A_75 : memref<80xi32, #tpu.memory_space<vmem>>) semaphore(%arg18 : memref<!tpu.dma_semaphore, #tpu.memory_space<semaphore_mem>>) {add = true}
    %dma_wait3A_79 = arith.constant 0 : i32
    %dma_wait3A_80 = tpu.memref_slice %arg7[%dma_wait3A_79] : memref<5120xi32, #tpu.memory_space<vmem>> -> memref<80xi32, #tpu.memory_space<vmem>>
    %dma_wait3A_81 = arith.constant 0 : i32
    %dma_wait3A_82 = arith.constant 0 : i32
    %dma_wait3A_83 = tpu.memref_slice %arg2[%dma_wait3A_81, %dma_wait3A_82] : memref<10240x128xf32, #tpu.memory_space<hbm>> -> memref<10240x128xf32, #tpu.memory_space<hbm>>
    tpu.wait_indirect_dma semaphore(%arg13 : memref<!tpu.dma_semaphore, #tpu.memory_space<semaphore_mem>>) src(%dma_wait3A_83 : memref<10240x128xf32, #tpu.memory_space<hbm>>) dst(%arg9 : memref<80x128xf32, #tpu.memory_space<vmem>>)
    %dma_start3A_84 = arith.constant 5040 : i32
    %dma_start3A_85 = tpu.memref_slice %arg8[%dma_start3A_84] : memref<5120xi32, #tpu.memory_space<vmem>> -> memref<80xi32, #tpu.memory_space<vmem>>
    %dma_start3A_86 = arith.constant 0 : i32
    %dma_start3A_87 = arith.constant 0 : i32
    %dma_start3A_88 = tpu.memref_slice %arg12[%dma_start3A_86, %dma_start3A_87] : memref<10240x128xf32, #tpu.memory_space<vmem_shared>> -> memref<10240x128xf32, #tpu.memory_space<vmem_shared>>
    tpu.enqueue_indirect_dma source(%arg9 : memref<80x128xf32, #tpu.memory_space<vmem>>) target(%dma_start3A_88 : memref<10240x128xf32, #tpu.memory_space<vmem_shared>>) offsets(%dma_start3A_85 : memref<80xi32, #tpu.memory_space<vmem>>) semaphore(%arg16 : memref<!tpu.dma_semaphore, #tpu.memory_space<semaphore_mem>>) {add = true}
    %dma_wait3A_89 = arith.constant 0 : i32
    %dma_wait3A_90 = tpu.memref_slice %arg8[%dma_wait3A_89] : memref<5120xi32, #tpu.memory_space<vmem>> -> memref<80xi32, #tpu.memory_space<vmem>>
    %dma_wait3A_91 = arith.constant 0 : i32
    %dma_wait3A_92 = arith.constant 0 : i32
    %dma_wait3A_93 = tpu.memref_slice %arg12[%dma_wait3A_91, %dma_wait3A_92] : memref<10240x128xf32, #tpu.memory_space<vmem_shared>> -> memref<10240x128xf32, #tpu.memory_space<vmem_shared>>
    tpu.wait_indirect_dma semaphore(%arg16 : memref<!tpu.dma_semaphore, #tpu.memory_space<semaphore_mem>>) src(%arg9 : memref<80x128xf32, #tpu.memory_space<vmem>>) dst(%dma_wait3A_93 : memref<10240x128xf32, #tpu.memory_space<vmem_shared>>)
    %dma_wait3A_94 = arith.constant 0 : i32
    %dma_wait3A_95 = tpu.memref_slice %arg8[%dma_wait3A_94] : memref<5120xi32, #tpu.memory_space<vmem>> -> memref<80xi32, #tpu.memory_space<vmem>>
    %dma_wait3A_96 = arith.constant 0 : i32
    %dma_wait3A_97 = arith.constant 0 : i32
    %dma_wait3A_98 = tpu.memref_slice %arg12[%dma_wait3A_96, %dma_wait3A_97] : memref<10240x128xf32, #tpu.memory_space<vmem_shared>> -> memref<10240x128xf32, #tpu.memory_space<vmem_shared>>
    tpu.wait_indirect_dma semaphore(%arg17 : memref<!tpu.dma_semaphore, #tpu.memory_space<semaphore_mem>>) src(%arg10 : memref<80x128xf32, #tpu.memory_space<vmem>>) dst(%dma_wait3A_98 : memref<10240x128xf32, #tpu.memory_space<vmem_shared>>)
    %dma_wait3A_99 = arith.constant 0 : i32
    %dma_wait3A_100 = tpu.memref_slice %arg8[%dma_wait3A_99] : memref<5120xi32, #tpu.memory_space<vmem>> -> memref<80xi32, #tpu.memory_space<vmem>>
    %dma_wait3A_101 = arith.constant 0 : i32
    %dma_wait3A_102 = arith.constant 0 : i32
    %dma_wait3A_103 = tpu.memref_slice %arg12[%dma_wait3A_101, %dma_wait3A_102] : memref<10240x128xf32, #tpu.memory_space<vmem_shared>> -> memref<10240x128xf32, #tpu.memory_space<vmem_shared>>
    tpu.wait_indirect_dma semaphore(%arg18 : memref<!tpu.dma_semaphore, #tpu.memory_space<semaphore_mem>>) src(%arg11 : memref<80x128xf32, #tpu.memory_space<vmem>>) dst(%dma_wait3A_103 : memref<10240x128xf32, #tpu.memory_space<vmem_shared>>)
    %add3A_104 = arith.constant 5120 : i32
    %add3A_105 = arith.addi %mul3A_16, %add3A_104 : i32
    "tpu.region"() ({
      %run_scoped3A = tpu.sem_alloc : memref<!tpu.dma_semaphore, #tpu.memory_space<semaphore_mem>>
      %dma_start3A_203 = arith.constant 0 : i32
      %dma_start3A_204 = tpu.memref_slice %arg7[%dma_start3A_203] : memref<5120xi32, #tpu.memory_space<vmem>> -> memref<4880xi32, #tpu.memory_space<vmem>>
      %dma_start3A_205 = tpu.memref_slice %arg3[%add3A_105] : memref<320000xi32, #tpu.memory_space<hbm>> -> memref<4880xi32, #tpu.memory_space<hbm>>
      %dma_start3A_206 = arith.constant 0 : i32
      %dma_start3A_207 = tpu.memref_slice %arg7[%dma_start3A_206] : memref<5120xi32, #tpu.memory_space<vmem>> -> memref<4880xi32, #tpu.memory_space<vmem>>
      %dma_start3A_208 = tpu.memref_slice %arg3[%add3A_105] : memref<320000xi32, #tpu.memory_space<hbm>> -> memref<4880xi32, #tpu.memory_space<hbm>>
      tpu.enqueue_dma source(%dma_start3A_208 : memref<4880xi32, #tpu.memory_space<hbm>>) target(%dma_start3A_207 : memref<4880xi32, #tpu.memory_space<vmem>>) target_semaphore(%run_scoped3A : memref<!tpu.dma_semaphore, #tpu.memory_space<semaphore_mem>>)
      %dma_wait3A_209 = arith.constant 0 : i32
      %dma_wait3A_210 = tpu.memref_slice %arg7[%dma_wait3A_209] : memref<5120xi32, #tpu.memory_space<vmem>> -> memref<4880xi32, #tpu.memory_space<vmem>>
      %dma_wait3A_211 = tpu.memref_slice %arg3[%add3A_105] : memref<320000xi32, #tpu.memory_space<hbm>> -> memref<4880xi32, #tpu.memory_space<hbm>>
      %dma_wait3A_212 = arith.constant 0 : i32
      %dma_wait3A_213 = tpu.memref_slice %arg7[%dma_wait3A_212] : memref<5120xi32, #tpu.memory_space<vmem>> -> memref<4880xi32, #tpu.memory_space<vmem>>
      %dma_wait3A_214 = tpu.memref_slice %arg3[%add3A_105] : memref<320000xi32, #tpu.memory_space<hbm>> -> memref<4880xi32, #tpu.memory_space<hbm>>
      tpu.wait_dma2 semaphore(%run_scoped3A : memref<!tpu.dma_semaphore, #tpu.memory_space<semaphore_mem>>) src(%dma_wait3A_214 : memref<4880xi32, #tpu.memory_space<hbm>>) dst(%dma_wait3A_213 : memref<4880xi32, #tpu.memory_space<vmem>>)
      tpu.yield
    }) : () -> ()
    %add3A_106 = arith.constant 5120 : i32
    %add3A_107 = arith.addi %mul3A_16, %add3A_106 : i32
    "tpu.region"() ({
      %run_scoped3A = tpu.sem_alloc : memref<!tpu.dma_semaphore, #tpu.memory_space<semaphore_mem>>
      %dma_start3A_203 = arith.constant 0 : i32
      %dma_start3A_204 = tpu.memref_slice %arg8[%dma_start3A_203] : memref<5120xi32, #tpu.memory_space<vmem>> -> memref<4880xi32, #tpu.memory_space<vmem>>
      %dma_start3A_205 = tpu.memref_slice %arg4[%add3A_107] : memref<320000xi32, #tpu.memory_space<hbm>> -> memref<4880xi32, #tpu.memory_space<hbm>>
      %dma_start3A_206 = arith.constant 0 : i32
      %dma_start3A_207 = tpu.memref_slice %arg8[%dma_start3A_206] : memref<5120xi32, #tpu.memory_space<vmem>> -> memref<4880xi32, #tpu.memory_space<vmem>>
      %dma_start3A_208 = tpu.memref_slice %arg4[%add3A_107] : memref<320000xi32, #tpu.memory_space<hbm>> -> memref<4880xi32, #tpu.memory_space<hbm>>
      tpu.enqueue_dma source(%dma_start3A_208 : memref<4880xi32, #tpu.memory_space<hbm>>) target(%dma_start3A_207 : memref<4880xi32, #tpu.memory_space<vmem>>) target_semaphore(%run_scoped3A : memref<!tpu.dma_semaphore, #tpu.memory_space<semaphore_mem>>)
      %dma_wait3A_209 = arith.constant 0 : i32
      %dma_wait3A_210 = tpu.memref_slice %arg8[%dma_wait3A_209] : memref<5120xi32, #tpu.memory_space<vmem>> -> memref<4880xi32, #tpu.memory_space<vmem>>
      %dma_wait3A_211 = tpu.memref_slice %arg4[%add3A_107] : memref<320000xi32, #tpu.memory_space<hbm>> -> memref<4880xi32, #tpu.memory_space<hbm>>
      %dma_wait3A_212 = arith.constant 0 : i32
      %dma_wait3A_213 = tpu.memref_slice %arg8[%dma_wait3A_212] : memref<5120xi32, #tpu.memory_space<vmem>> -> memref<4880xi32, #tpu.memory_space<vmem>>
      %dma_wait3A_214 = tpu.memref_slice %arg4[%add3A_107] : memref<320000xi32, #tpu.memory_space<hbm>> -> memref<4880xi32, #tpu.memory_space<hbm>>
      tpu.wait_dma2 semaphore(%run_scoped3A : memref<!tpu.dma_semaphore, #tpu.memory_space<semaphore_mem>>) src(%dma_wait3A_214 : memref<4880xi32, #tpu.memory_space<hbm>>) dst(%dma_wait3A_213 : memref<4880xi32, #tpu.memory_space<vmem>>)
      tpu.yield
    }) : () -> ()
    %dma_start3A_108 = arith.constant 0 : i32
    %dma_start3A_109 = tpu.memref_slice %arg7[%dma_start3A_108] : memref<5120xi32, #tpu.memory_space<vmem>> -> memref<80xi32, #tpu.memory_space<vmem>>
    %dma_start3A_110 = arith.constant 0 : i32
    %dma_start3A_111 = arith.constant 0 : i32
    %dma_start3A_112 = tpu.memref_slice %arg2[%dma_start3A_110, %dma_start3A_111] : memref<10240x128xf32, #tpu.memory_space<hbm>> -> memref<10240x128xf32, #tpu.memory_space<hbm>>
    tpu.enqueue_indirect_dma source(%dma_start3A_112 : memref<10240x128xf32, #tpu.memory_space<hbm>>) target(%arg9 : memref<80x128xf32, #tpu.memory_space<vmem>>) offsets(%dma_start3A_109 : memref<80xi32, #tpu.memory_space<vmem>>) semaphore(%arg13 : memref<!tpu.dma_semaphore, #tpu.memory_space<semaphore_mem>>)
    %dma_start3A_113 = arith.constant 80 : i32
    %dma_start3A_114 = tpu.memref_slice %arg7[%dma_start3A_113] : memref<5120xi32, #tpu.memory_space<vmem>> -> memref<80xi32, #tpu.memory_space<vmem>>
    %dma_start3A_115 = arith.constant 0 : i32
    %dma_start3A_116 = arith.constant 0 : i32
    %dma_start3A_117 = tpu.memref_slice %arg2[%dma_start3A_115, %dma_start3A_116] : memref<10240x128xf32, #tpu.memory_space<hbm>> -> memref<10240x128xf32, #tpu.memory_space<hbm>>
    tpu.enqueue_indirect_dma source(%dma_start3A_117 : memref<10240x128xf32, #tpu.memory_space<hbm>>) target(%arg10 : memref<80x128xf32, #tpu.memory_space<vmem>>) offsets(%dma_start3A_114 : memref<80xi32, #tpu.memory_space<vmem>>) semaphore(%arg14 : memref<!tpu.dma_semaphore, #tpu.memory_space<semaphore_mem>>)
    %dma_wait3A_118 = arith.constant 0 : i32
    %dma_wait3A_119 = tpu.memref_slice %arg7[%dma_wait3A_118] : memref<5120xi32, #tpu.memory_space<vmem>> -> memref<80xi32, #tpu.memory_space<vmem>>
    %dma_wait3A_120 = arith.constant 0 : i32
    %dma_wait3A_121 = arith.constant 0 : i32
    %dma_wait3A_122 = tpu.memref_slice %arg2[%dma_wait3A_120, %dma_wait3A_121] : memref<10240x128xf32, #tpu.memory_space<hbm>> -> memref<10240x128xf32, #tpu.memory_space<hbm>>
    tpu.wait_indirect_dma semaphore(%arg13 : memref<!tpu.dma_semaphore, #tpu.memory_space<semaphore_mem>>) src(%dma_wait3A_122 : memref<10240x128xf32, #tpu.memory_space<hbm>>) dst(%arg9 : memref<80x128xf32, #tpu.memory_space<vmem>>)
    %dma_start3A_123 = arith.constant 0 : i32
    %dma_start3A_124 = tpu.memref_slice %arg8[%dma_start3A_123] : memref<5120xi32, #tpu.memory_space<vmem>> -> memref<80xi32, #tpu.memory_space<vmem>>
    %dma_start3A_125 = arith.constant 0 : i32
    %dma_start3A_126 = arith.constant 0 : i32
    %dma_start3A_127 = tpu.memref_slice %arg12[%dma_start3A_125, %dma_start3A_126] : memref<10240x128xf32, #tpu.memory_space<vmem_shared>> -> memref<10240x128xf32, #tpu.memory_space<vmem_shared>>
    tpu.enqueue_indirect_dma source(%arg9 : memref<80x128xf32, #tpu.memory_space<vmem>>) target(%dma_start3A_127 : memref<10240x128xf32, #tpu.memory_space<vmem_shared>>) offsets(%dma_start3A_124 : memref<80xi32, #tpu.memory_space<vmem>>) semaphore(%arg16 : memref<!tpu.dma_semaphore, #tpu.memory_space<semaphore_mem>>) {add = true}
    %dma_start3A_128 = arith.constant 160 : i32
    %dma_start3A_129 = tpu.memref_slice %arg7[%dma_start3A_128] : memref<5120xi32, #tpu.memory_space<vmem>> -> memref<80xi32, #tpu.memory_space<vmem>>
    %dma_start3A_130 = arith.constant 0 : i32
    %dma_start3A_131 = arith.constant 0 : i32
    %dma_start3A_132 = tpu.memref_slice %arg2[%dma_start3A_130, %dma_start3A_131] : memref<10240x128xf32, #tpu.memory_space<hbm>> -> memref<10240x128xf32, #tpu.memory_space<hbm>>
    tpu.enqueue_indirect_dma source(%dma_start3A_132 : memref<10240x128xf32, #tpu.memory_space<hbm>>) target(%arg11 : memref<80x128xf32, #tpu.memory_space<vmem>>) offsets(%dma_start3A_129 : memref<80xi32, #tpu.memory_space<vmem>>) semaphore(%arg15 : memref<!tpu.dma_semaphore, #tpu.memory_space<semaphore_mem>>)
    %scan3A_133 = arith.constant 0 : i32
    %scan3A_134 = arith.constant 19 : i32
    %scan3A_135 = arith.addi %scan3A_133, %scan3A_134 : i32
    %scan3A_136 = arith.constant 1 : i32
    scf.for %scan3A_203 = %scan3A_133 to %scan3A_135 step %scan3A_136  : i32 {
      %mul3A_204 = arith.constant 1 : i32
      %mul3A_205 = arith.muli %scan3A_203, %mul3A_204 : i32
      %add3A_206 = arith.constant 0 : i32
      %add3A_207 = arith.addi %add3A_206, %mul3A_205 : i32
      %mul3A_208 = arith.constant 3 : i32
      %mul3A_209 = arith.muli %add3A_207, %mul3A_208 : i32
      %add3A_210 = arith.constant 1 : i32
      %add3A_211 = arith.addi %mul3A_209, %add3A_210 : i32
      %add3A_212 = arith.constant 0 : i32
      %add3A_213 = arith.addi %add3A_211, %add3A_212 : i32
      %dma_wait3A_214 = arith.constant 0 : i32
      %dma_wait3A_215 = tpu.memref_slice %arg7[%dma_wait3A_214] : memref<5120xi32, #tpu.memory_space<vmem>> -> memref<80xi32, #tpu.memory_space<vmem>>
      %dma_wait3A_216 = arith.constant 0 : i32
      %dma_wait3A_217 = arith.constant 0 : i32
      %dma_wait3A_218 = tpu.memref_slice %arg2[%dma_wait3A_216, %dma_wait3A_217] : memref<10240x128xf32, #tpu.memory_space<hbm>> -> memref<10240x128xf32, #tpu.memory_space<hbm>>
      tpu.wait_indirect_dma semaphore(%arg14 : memref<!tpu.dma_semaphore, #tpu.memory_space<semaphore_mem>>) src(%dma_wait3A_218 : memref<10240x128xf32, #tpu.memory_space<hbm>>) dst(%arg10 : memref<80x128xf32, #tpu.memory_space<vmem>>)
      %mul3A_219 = arith.constant 80 : i32
      %mul3A_220 = arith.muli %add3A_213, %mul3A_219 : i32
      %dma_start3A_221 = tpu.memref_slice %arg8[%mul3A_220] : memref<5120xi32, #tpu.memory_space<vmem>> -> memref<80xi32, #tpu.memory_space<vmem>>
      %dma_start3A_222 = arith.constant 0 : i32
      %dma_start3A_223 = arith.constant 0 : i32
      %dma_start3A_224 = tpu.memref_slice %arg12[%dma_start3A_222, %dma_start3A_223] : memref<10240x128xf32, #tpu.memory_space<vmem_shared>> -> memref<10240x128xf32, #tpu.memory_space<vmem_shared>>
      tpu.enqueue_indirect_dma source(%arg10 : memref<80x128xf32, #tpu.memory_space<vmem>>) target(%dma_start3A_224 : memref<10240x128xf32, #tpu.memory_space<vmem_shared>>) offsets(%dma_start3A_221 : memref<80xi32, #tpu.memory_space<vmem>>) semaphore(%arg17 : memref<!tpu.dma_semaphore, #tpu.memory_space<semaphore_mem>>) {add = true}
      %dma_wait3A_225 = arith.constant 0 : i32
      %dma_wait3A_226 = tpu.memref_slice %arg8[%dma_wait3A_225] : memref<5120xi32, #tpu.memory_space<vmem>> -> memref<80xi32, #tpu.memory_space<vmem>>
      %dma_wait3A_227 = arith.constant 0 : i32
      %dma_wait3A_228 = arith.constant 0 : i32
      %dma_wait3A_229 = tpu.memref_slice %arg12[%dma_wait3A_227, %dma_wait3A_228] : memref<10240x128xf32, #tpu.memory_space<vmem_shared>> -> memref<10240x128xf32, #tpu.memory_space<vmem_shared>>
      tpu.wait_indirect_dma semaphore(%arg16 : memref<!tpu.dma_semaphore, #tpu.memory_space<semaphore_mem>>) src(%arg9 : memref<80x128xf32, #tpu.memory_space<vmem>>) dst(%dma_wait3A_229 : memref<10240x128xf32, #tpu.memory_space<vmem_shared>>)
      %add3A_230 = arith.constant 2 : i32
      %add3A_231 = arith.addi %add3A_213, %add3A_230 : i32
      %mul3A_232 = arith.constant 80 : i32
      %mul3A_233 = arith.muli %add3A_231, %mul3A_232 : i32
      %dma_start3A_234 = tpu.memref_slice %arg7[%mul3A_233] : memref<5120xi32, #tpu.memory_space<vmem>> -> memref<80xi32, #tpu.memory_space<vmem>>
      %dma_start3A_235 = arith.constant 0 : i32
      %dma_start3A_236 = arith.constant 0 : i32
      %dma_start3A_237 = tpu.memref_slice %arg2[%dma_start3A_235, %dma_start3A_236] : memref<10240x128xf32, #tpu.memory_space<hbm>> -> memref<10240x128xf32, #tpu.memory_space<hbm>>
      tpu.enqueue_indirect_dma source(%dma_start3A_237 : memref<10240x128xf32, #tpu.memory_space<hbm>>) target(%arg9 : memref<80x128xf32, #tpu.memory_space<vmem>>) offsets(%dma_start3A_234 : memref<80xi32, #tpu.memory_space<vmem>>) semaphore(%arg13 : memref<!tpu.dma_semaphore, #tpu.memory_space<semaphore_mem>>)
      %add3A_238 = arith.constant 1 : i32
      %add3A_239 = arith.addi %mul3A_209, %add3A_238 : i32
      %add3A_240 = arith.constant 1 : i32
      %add3A_241 = arith.addi %add3A_239, %add3A_240 : i32
      %dma_wait3A_242 = arith.constant 0 : i32
      %dma_wait3A_243 = tpu.memref_slice %arg7[%dma_wait3A_242] : memref<5120xi32, #tpu.memory_space<vmem>> -> memref<80xi32, #tpu.memory_space<vmem>>
      %dma_wait3A_244 = arith.constant 0 : i32
      %dma_wait3A_245 = arith.constant 0 : i32
      %dma_wait3A_246 = tpu.memref_slice %arg2[%dma_wait3A_244, %dma_wait3A_245] : memref<10240x128xf32, #tpu.memory_space<hbm>> -> memref<10240x128xf32, #tpu.memory_space<hbm>>
      tpu.wait_indirect_dma semaphore(%arg15 : memref<!tpu.dma_semaphore, #tpu.memory_space<semaphore_mem>>) src(%dma_wait3A_246 : memref<10240x128xf32, #tpu.memory_space<hbm>>) dst(%arg11 : memref<80x128xf32, #tpu.memory_space<vmem>>)
      %mul3A_247 = arith.constant 80 : i32
      %mul3A_248 = arith.muli %add3A_241, %mul3A_247 : i32
      %dma_start3A_249 = tpu.memref_slice %arg8[%mul3A_248] : memref<5120xi32, #tpu.memory_space<vmem>> -> memref<80xi32, #tpu.memory_space<vmem>>
      %dma_start3A_250 = arith.constant 0 : i32
      %dma_start3A_251 = arith.constant 0 : i32
      %dma_start3A_252 = tpu.memref_slice %arg12[%dma_start3A_250, %dma_start3A_251] : memref<10240x128xf32, #tpu.memory_space<vmem_shared>> -> memref<10240x128xf32, #tpu.memory_space<vmem_shared>>
      tpu.enqueue_indirect_dma source(%arg11 : memref<80x128xf32, #tpu.memory_space<vmem>>) target(%dma_start3A_252 : memref<10240x128xf32, #tpu.memory_space<vmem_shared>>) offsets(%dma_start3A_249 : memref<80xi32, #tpu.memory_space<vmem>>) semaphore(%arg18 : memref<!tpu.dma_semaphore, #tpu.memory_space<semaphore_mem>>) {add = true}
      %dma_wait3A_253 = arith.constant 0 : i32
      %dma_wait3A_254 = tpu.memref_slice %arg8[%dma_wait3A_253] : memref<5120xi32, #tpu.memory_space<vmem>> -> memref<80xi32, #tpu.memory_space<vmem>>
      %dma_wait3A_255 = arith.constant 0 : i32
      %dma_wait3A_256 = arith.constant 0 : i32
      %dma_wait3A_257 = tpu.memref_slice %arg12[%dma_wait3A_255, %dma_wait3A_256] : memref<10240x128xf32, #tpu.memory_space<vmem_shared>> -> memref<10240x128xf32, #tpu.memory_space<vmem_shared>>
      tpu.wait_indirect_dma semaphore(%arg17 : memref<!tpu.dma_semaphore, #tpu.memory_space<semaphore_mem>>) src(%arg10 : memref<80x128xf32, #tpu.memory_space<vmem>>) dst(%dma_wait3A_257 : memref<10240x128xf32, #tpu.memory_space<vmem_shared>>)
      %add3A_258 = arith.constant 2 : i32
      %add3A_259 = arith.addi %add3A_241, %add3A_258 : i32
      %mul3A_260 = arith.constant 80 : i32
      %mul3A_261 = arith.muli %add3A_259, %mul3A_260 : i32
      %dma_start3A_262 = tpu.memref_slice %arg7[%mul3A_261] : memref<5120xi32, #tpu.memory_space<vmem>> -> memref<80xi32, #tpu.memory_space<vmem>>
      %dma_start3A_263 = arith.constant 0 : i32
      %dma_start3A_264 = arith.constant 0 : i32
      %dma_start3A_265 = tpu.memref_slice %arg2[%dma_start3A_263, %dma_start3A_264] : memref<10240x128xf32, #tpu.memory_space<hbm>> -> memref<10240x128xf32, #tpu.memory_space<hbm>>
      tpu.enqueue_indirect_dma source(%dma_start3A_265 : memref<10240x128xf32, #tpu.memory_space<hbm>>) target(%arg10 : memref<80x128xf32, #tpu.memory_space<vmem>>) offsets(%dma_start3A_262 : memref<80xi32, #tpu.memory_space<vmem>>) semaphore(%arg14 : memref<!tpu.dma_semaphore, #tpu.memory_space<semaphore_mem>>)
      %add3A_266 = arith.constant 1 : i32
      %add3A_267 = arith.addi %mul3A_209, %add3A_266 : i32
      %add3A_268 = arith.constant 2 : i32
      %add3A_269 = arith.addi %add3A_267, %add3A_268 : i32
      %dma_wait3A_270 = arith.constant 0 : i32
      %dma_wait3A_271 = tpu.memref_slice %arg7[%dma_wait3A_270] : memref<5120xi32, #tpu.memory_space<vmem>> -> memref<80xi32, #tpu.memory_space<vmem>>
      %dma_wait3A_272 = arith.constant 0 : i32
      %dma_wait3A_273 = arith.constant 0 : i32
      %dma_wait3A_274 = tpu.memref_slice %arg2[%dma_wait3A_272, %dma_wait3A_273] : memref<10240x128xf32, #tpu.memory_space<hbm>> -> memref<10240x128xf32, #tpu.memory_space<hbm>>
      tpu.wait_indirect_dma semaphore(%arg13 : memref<!tpu.dma_semaphore, #tpu.memory_space<semaphore_mem>>) src(%dma_wait3A_274 : memref<10240x128xf32, #tpu.memory_space<hbm>>) dst(%arg9 : memref<80x128xf32, #tpu.memory_space<vmem>>)
      %mul3A_275 = arith.constant 80 : i32
      %mul3A_276 = arith.muli %add3A_269, %mul3A_275 : i32
      %dma_start3A_277 = tpu.memref_slice %arg8[%mul3A_276] : memref<5120xi32, #tpu.memory_space<vmem>> -> memref<80xi32, #tpu.memory_space<vmem>>
      %dma_start3A_278 = arith.constant 0 : i32
      %dma_start3A_279 = arith.constant 0 : i32
      %dma_start3A_280 = tpu.memref_slice %arg12[%dma_start3A_278, %dma_start3A_279] : memref<10240x128xf32, #tpu.memory_space<vmem_shared>> -> memref<10240x128xf32, #tpu.memory_space<vmem_shared>>
      tpu.enqueue_indirect_dma source(%arg9 : memref<80x128xf32, #tpu.memory_space<vmem>>) target(%dma_start3A_280 : memref<10240x128xf32, #tpu.memory_space<vmem_shared>>) offsets(%dma_start3A_277 : memref<80xi32, #tpu.memory_space<vmem>>) semaphore(%arg16 : memref<!tpu.dma_semaphore, #tpu.memory_space<semaphore_mem>>) {add = true}
      %dma_wait3A_281 = arith.constant 0 : i32
      %dma_wait3A_282 = tpu.memref_slice %arg8[%dma_wait3A_281] : memref<5120xi32, #tpu.memory_space<vmem>> -> memref<80xi32, #tpu.memory_space<vmem>>
      %dma_wait3A_283 = arith.constant 0 : i32
      %dma_wait3A_284 = arith.constant 0 : i32
      %dma_wait3A_285 = tpu.memref_slice %arg12[%dma_wait3A_283, %dma_wait3A_284] : memref<10240x128xf32, #tpu.memory_space<vmem_shared>> -> memref<10240x128xf32, #tpu.memory_space<vmem_shared>>
      tpu.wait_indirect_dma semaphore(%arg18 : memref<!tpu.dma_semaphore, #tpu.memory_space<semaphore_mem>>) src(%arg11 : memref<80x128xf32, #tpu.memory_space<vmem>>) dst(%dma_wait3A_285 : memref<10240x128xf32, #tpu.memory_space<vmem_shared>>)
      %add3A_286 = arith.constant 2 : i32
      %add3A_287 = arith.addi %add3A_269, %add3A_286 : i32
      %mul3A_288 = arith.constant 80 : i32
      %mul3A_289 = arith.muli %add3A_287, %mul3A_288 : i32
      %dma_start3A_290 = tpu.memref_slice %arg7[%mul3A_289] : memref<5120xi32, #tpu.memory_space<vmem>> -> memref<80xi32, #tpu.memory_space<vmem>>
      %dma_start3A_291 = arith.constant 0 : i32
      %dma_start3A_292 = arith.constant 0 : i32
      %dma_start3A_293 = tpu.memref_slice %arg2[%dma_start3A_291, %dma_start3A_292] : memref<10240x128xf32, #tpu.memory_space<hbm>> -> memref<10240x128xf32, #tpu.memory_space<hbm>>
      tpu.enqueue_indirect_dma source(%dma_start3A_293 : memref<10240x128xf32, #tpu.memory_space<hbm>>) target(%arg11 : memref<80x128xf32, #tpu.memory_space<vmem>>) offsets(%dma_start3A_290 : memref<80xi32, #tpu.memory_space<vmem>>) semaphore(%arg15 : memref<!tpu.dma_semaphore, #tpu.memory_space<semaphore_mem>>)
    }
    %scan3A_137 = arith.constant 19 : i32
    %dma_wait3A_138 = arith.constant 0 : i32
    %dma_wait3A_139 = tpu.memref_slice %arg7[%dma_wait3A_138] : memref<5120xi32, #tpu.memory_space<vmem>> -> memref<80xi32, #tpu.memory_space<vmem>>
    %dma_wait3A_140 = arith.constant 0 : i32
    %dma_wait3A_141 = arith.constant 0 : i32
    %dma_wait3A_142 = tpu.memref_slice %arg2[%dma_wait3A_140, %dma_wait3A_141] : memref<10240x128xf32, #tpu.memory_space<hbm>> -> memref<10240x128xf32, #tpu.memory_space<hbm>>
    tpu.wait_indirect_dma semaphore(%arg14 : memref<!tpu.dma_semaphore, #tpu.memory_space<semaphore_mem>>) src(%dma_wait3A_142 : memref<10240x128xf32, #tpu.memory_space<hbm>>) dst(%arg10 : memref<80x128xf32, #tpu.memory_space<vmem>>)
    %dma_start3A_143 = arith.constant 4640 : i32
    %dma_start3A_144 = tpu.memref_slice %arg8[%dma_start3A_143] : memref<5120xi32, #tpu.memory_space<vmem>> -> memref<80xi32, #tpu.memory_space<vmem>>
    %dma_start3A_145 = arith.constant 0 : i32
    %dma_start3A_146 = arith.constant 0 : i32
    %dma_start3A_147 = tpu.memref_slice %arg12[%dma_start3A_145, %dma_start3A_146] : memref<10240x128xf32, #tpu.memory_space<vmem_shared>> -> memref<10240x128xf32, #tpu.memory_space<vmem_shared>>
    tpu.enqueue_indirect_dma source(%arg10 : memref<80x128xf32, #tpu.memory_space<vmem>>) target(%dma_start3A_147 : memref<10240x128xf32, #tpu.memory_space<vmem_shared>>) offsets(%dma_start3A_144 : memref<80xi32, #tpu.memory_space<vmem>>) semaphore(%arg17 : memref<!tpu.dma_semaphore, #tpu.memory_space<semaphore_mem>>) {add = true}
    %dma_wait3A_148 = arith.constant 0 : i32
    %dma_wait3A_149 = tpu.memref_slice %arg8[%dma_wait3A_148] : memref<5120xi32, #tpu.memory_space<vmem>> -> memref<80xi32, #tpu.memory_space<vmem>>
    %dma_wait3A_150 = arith.constant 0 : i32
    %dma_wait3A_151 = arith.constant 0 : i32
    %dma_wait3A_152 = tpu.memref_slice %arg12[%dma_wait3A_150, %dma_wait3A_151] : memref<10240x128xf32, #tpu.memory_space<vmem_shared>> -> memref<10240x128xf32, #tpu.memory_space<vmem_shared>>
    tpu.wait_indirect_dma semaphore(%arg16 : memref<!tpu.dma_semaphore, #tpu.memory_space<semaphore_mem>>) src(%arg9 : memref<80x128xf32, #tpu.memory_space<vmem>>) dst(%dma_wait3A_152 : memref<10240x128xf32, #tpu.memory_space<vmem_shared>>)
    %dma_start3A_153 = arith.constant 4800 : i32
    %dma_start3A_154 = tpu.memref_slice %arg7[%dma_start3A_153] : memref<5120xi32, #tpu.memory_space<vmem>> -> memref<80xi32, #tpu.memory_space<vmem>>
    %dma_start3A_155 = arith.constant 0 : i32
    %dma_start3A_156 = arith.constant 0 : i32
    %dma_start3A_157 = tpu.memref_slice %arg2[%dma_start3A_155, %dma_start3A_156] : memref<10240x128xf32, #tpu.memory_space<hbm>> -> memref<10240x128xf32, #tpu.memory_space<hbm>>
    tpu.enqueue_indirect_dma source(%dma_start3A_157 : memref<10240x128xf32, #tpu.memory_space<hbm>>) target(%arg9 : memref<80x128xf32, #tpu.memory_space<vmem>>) offsets(%dma_start3A_154 : memref<80xi32, #tpu.memory_space<vmem>>) semaphore(%arg13 : memref<!tpu.dma_semaphore, #tpu.memory_space<semaphore_mem>>)
    %dma_wait3A_158 = arith.constant 0 : i32
    %dma_wait3A_159 = tpu.memref_slice %arg7[%dma_wait3A_158] : memref<5120xi32, #tpu.memory_space<vmem>> -> memref<80xi32, #tpu.memory_space<vmem>>
    %dma_wait3A_160 = arith.constant 0 : i32
    %dma_wait3A_161 = arith.constant 0 : i32
    %dma_wait3A_162 = tpu.memref_slice %arg2[%dma_wait3A_160, %dma_wait3A_161] : memref<10240x128xf32, #tpu.memory_space<hbm>> -> memref<10240x128xf32, #tpu.memory_space<hbm>>
    tpu.wait_indirect_dma semaphore(%arg15 : memref<!tpu.dma_semaphore, #tpu.memory_space<semaphore_mem>>) src(%dma_wait3A_162 : memref<10240x128xf32, #tpu.memory_space<hbm>>) dst(%arg11 : memref<80x128xf32, #tpu.memory_space<vmem>>)
    %dma_start3A_163 = arith.constant 4720 : i32
    %dma_start3A_164 = tpu.memref_slice %arg8[%dma_start3A_163] : memref<5120xi32, #tpu.memory_space<vmem>> -> memref<80xi32, #tpu.memory_space<vmem>>
    %dma_start3A_165 = arith.constant 0 : i32
    %dma_start3A_166 = arith.constant 0 : i32
    %dma_start3A_167 = tpu.memref_slice %arg12[%dma_start3A_165, %dma_start3A_166] : memref<10240x128xf32, #tpu.memory_space<vmem_shared>> -> memref<10240x128xf32, #tpu.memory_space<vmem_shared>>
    tpu.enqueue_indirect_dma source(%arg11 : memref<80x128xf32, #tpu.memory_space<vmem>>) target(%dma_start3A_167 : memref<10240x128xf32, #tpu.memory_space<vmem_shared>>) offsets(%dma_start3A_164 : memref<80xi32, #tpu.memory_space<vmem>>) semaphore(%arg18 : memref<!tpu.dma_semaphore, #tpu.memory_space<semaphore_mem>>) {add = true}
    %dma_wait3A_168 = arith.constant 0 : i32
    %dma_wait3A_169 = tpu.memref_slice %arg7[%dma_wait3A_168] : memref<5120xi32, #tpu.memory_space<vmem>> -> memref<80xi32, #tpu.memory_space<vmem>>
    %dma_wait3A_170 = arith.constant 0 : i32
    %dma_wait3A_171 = arith.constant 0 : i32
    %dma_wait3A_172 = tpu.memref_slice %arg2[%dma_wait3A_170, %dma_wait3A_171] : memref<10240x128xf32, #tpu.memory_space<hbm>> -> memref<10240x128xf32, #tpu.memory_space<hbm>>
    tpu.wait_indirect_dma semaphore(%arg13 : memref<!tpu.dma_semaphore, #tpu.memory_space<semaphore_mem>>) src(%dma_wait3A_172 : memref<10240x128xf32, #tpu.memory_space<hbm>>) dst(%arg9 : memref<80x128xf32, #tpu.memory_space<vmem>>)
    %dma_start3A_173 = arith.constant 4800 : i32
    %dma_start3A_174 = tpu.memref_slice %arg8[%dma_start3A_173] : memref<5120xi32, #tpu.memory_space<vmem>> -> memref<80xi32, #tpu.memory_space<vmem>>
    %dma_start3A_175 = arith.constant 0 : i32
    %dma_start3A_176 = arith.constant 0 : i32
    %dma_start3A_177 = tpu.memref_slice %arg12[%dma_start3A_175, %dma_start3A_176] : memref<10240x128xf32, #tpu.memory_space<vmem_shared>> -> memref<10240x128xf32, #tpu.memory_space<vmem_shared>>
    tpu.enqueue_indirect_dma source(%arg9 : memref<80x128xf32, #tpu.memory_space<vmem>>) target(%dma_start3A_177 : memref<10240x128xf32, #tpu.memory_space<vmem_shared>>) offsets(%dma_start3A_174 : memref<80xi32, #tpu.memory_space<vmem>>) semaphore(%arg16 : memref<!tpu.dma_semaphore, #tpu.memory_space<semaphore_mem>>) {add = true}
    %dma_wait3A_178 = arith.constant 0 : i32
    %dma_wait3A_179 = tpu.memref_slice %arg8[%dma_wait3A_178] : memref<5120xi32, #tpu.memory_space<vmem>> -> memref<80xi32, #tpu.memory_space<vmem>>
    %dma_wait3A_180 = arith.constant 0 : i32
    %dma_wait3A_181 = arith.constant 0 : i32
    %dma_wait3A_182 = tpu.memref_slice %arg12[%dma_wait3A_180, %dma_wait3A_181] : memref<10240x128xf32, #tpu.memory_space<vmem_shared>> -> memref<10240x128xf32, #tpu.memory_space<vmem_shared>>
    tpu.wait_indirect_dma semaphore(%arg16 : memref<!tpu.dma_semaphore, #tpu.memory_space<semaphore_mem>>) src(%arg9 : memref<80x128xf32, #tpu.memory_space<vmem>>) dst(%dma_wait3A_182 : memref<10240x128xf32, #tpu.memory_space<vmem_shared>>)
    %dma_wait3A_183 = arith.constant 0 : i32
    %dma_wait3A_184 = tpu.memref_slice %arg8[%dma_wait3A_183] : memref<5120xi32, #tpu.memory_space<vmem>> -> memref<80xi32, #tpu.memory_space<vmem>>
    %dma_wait3A_185 = arith.constant 0 : i32
    %dma_wait3A_186 = arith.constant 0 : i32
    %dma_wait3A_187 = tpu.memref_slice %arg12[%dma_wait3A_185, %dma_wait3A_186] : memref<10240x128xf32, #tpu.memory_space<vmem_shared>> -> memref<10240x128xf32, #tpu.memory_space<vmem_shared>>
    tpu.wait_indirect_dma semaphore(%arg17 : memref<!tpu.dma_semaphore, #tpu.memory_space<semaphore_mem>>) src(%arg10 : memref<80x128xf32, #tpu.memory_space<vmem>>) dst(%dma_wait3A_187 : memref<10240x128xf32, #tpu.memory_space<vmem_shared>>)
    %dma_wait3A_188 = arith.constant 0 : i32
    %dma_wait3A_189 = tpu.memref_slice %arg8[%dma_wait3A_188] : memref<5120xi32, #tpu.memory_space<vmem>> -> memref<80xi32, #tpu.memory_space<vmem>>
    %dma_wait3A_190 = arith.constant 0 : i32
    %dma_wait3A_191 = arith.constant 0 : i32
    %dma_wait3A_192 = tpu.memref_slice %arg12[%dma_wait3A_190, %dma_wait3A_191] : memref<10240x128xf32, #tpu.memory_space<vmem_shared>> -> memref<10240x128xf32, #tpu.memory_space<vmem_shared>>
    tpu.wait_indirect_dma semaphore(%arg18 : memref<!tpu.dma_semaphore, #tpu.memory_space<semaphore_mem>>) src(%arg11 : memref<80x128xf32, #tpu.memory_space<vmem>>) dst(%dma_wait3A_192 : memref<10240x128xf32, #tpu.memory_space<vmem_shared>>)
    %barrier3A_193 = arith.constant 0 : index
    tpu.barrier barrier_id(%barrier3A_193)
    %mul3A_194 = arith.constant 640 : i32
    %mul3A_195 = arith.muli %arg1, %mul3A_194 : i32
    %eq3A = arith.constant 0 : i32
    %eq3A_196 = arith.cmpi eq, %arg0, %eq3A : i32
    %convert_element_type3A = arith.extui %eq3A_196 : i1 to i32
    %cond3A = arith.constant 0 : i32
    %cond3A_197 = arith.cmpi ne, %convert_element_type3A, %cond3A : i32
    scf.if %cond3A_197 {
      %mul3A_203 = arith.constant 640 : i32
      %mul3A_204 = arith.muli %arg1, %mul3A_203 : i32
      "tpu.region"() ({
        %run_scoped3A = tpu.sem_alloc : memref<!tpu.dma_semaphore, #tpu.memory_space<semaphore_mem>>
        %dma_start3A_205 = arith.constant 0 : i32
        %dma_start3A_206 = tpu.memref_slice %arg5[%mul3A_204, %dma_start3A_205] : memref<10240x128xf32, #tpu.memory_space<hbm>> -> memref<640x128xf32, #tpu.memory_space<hbm>>
        %dma_start3A_207 = arith.constant 0 : i32
        %dma_start3A_208 = tpu.memref_slice %arg12[%mul3A_195, %dma_start3A_207] : memref<10240x128xf32, #tpu.memory_space<vmem_shared>> -> memref<640x128xf32, #tpu.memory_space<vmem_shared>>
        tpu.enqueue_dma source(%dma_start3A_208 : memref<640x128xf32, #tpu.memory_space<vmem_shared>>) target(%dma_start3A_206 : memref<640x128xf32, #tpu.memory_space<hbm>>) target_semaphore(%run_scoped3A : memref<!tpu.dma_semaphore, #tpu.memory_space<semaphore_mem>>)
        %dma_wait3A_209 = arith.constant 0 : i32
        %dma_wait3A_210 = tpu.memref_slice %arg5[%mul3A_204, %dma_wait3A_209] : memref<10240x128xf32, #tpu.memory_space<hbm>> -> memref<640x128xf32, #tpu.memory_space<hbm>>
        %dma_wait3A_211 = arith.constant 0 : i32
        %dma_wait3A_212 = tpu.memref_slice %arg12[%mul3A_195, %dma_wait3A_211] : memref<10240x128xf32, #tpu.memory_space<vmem_shared>> -> memref<640x128xf32, #tpu.memory_space<vmem_shared>>
        tpu.wait_dma2 semaphore(%run_scoped3A : memref<!tpu.dma_semaphore, #tpu.memory_space<semaphore_mem>>) src(%dma_wait3A_212 : memref<640x128xf32, #tpu.memory_space<vmem_shared>>) dst(%dma_wait3A_210 : memref<640x128xf32, #tpu.memory_space<hbm>>)
        tpu.yield
      }) : () -> ()
    } else {
    }
    %eq3A_198 = arith.constant 1 : i32
    %eq3A_199 = arith.cmpi eq, %arg0, %eq3A_198 : i32
    %convert_element_type3A_200 = arith.extui %eq3A_199 : i1 to i32
    %cond3A_201 = arith.constant 0 : i32
    %cond3A_202 = arith.cmpi ne, %convert_element_type3A_200, %cond3A_201 : i32
    scf.if %cond3A_202 {
      %mul3A_203 = arith.constant 640 : i32
      %mul3A_204 = arith.muli %arg1, %mul3A_203 : i32
      "tpu.region"() ({
        %run_scoped3A = tpu.sem_alloc : memref<!tpu.dma_semaphore, #tpu.memory_space<semaphore_mem>>
        %dma_start3A_205 = arith.constant 0 : i32
        %dma_start3A_206 = tpu.memref_slice %arg6[%mul3A_204, %dma_start3A_205] : memref<10240x128xf32, #tpu.memory_space<hbm>> -> memref<640x128xf32, #tpu.memory_space<hbm>>
        %dma_start3A_207 = arith.constant 0 : i32
        %dma_start3A_208 = tpu.memref_slice %arg12[%mul3A_195, %dma_start3A_207] : memref<10240x128xf32, #tpu.memory_space<vmem_shared>> -> memref<640x128xf32, #tpu.memory_space<vmem_shared>>
        tpu.enqueue_dma source(%dma_start3A_208 : memref<640x128xf32, #tpu.memory_space<vmem_shared>>) target(%dma_start3A_206 : memref<640x128xf32, #tpu.memory_space<hbm>>) target_semaphore(%run_scoped3A : memref<!tpu.dma_semaphore, #tpu.memory_space<semaphore_mem>>)
        %dma_wait3A_209 = arith.constant 0 : i32
        %dma_wait3A_210 = tpu.memref_slice %arg6[%mul3A_204, %dma_wait3A_209] : memref<10240x128xf32, #tpu.memory_space<hbm>> -> memref<640x128xf32, #tpu.memory_space<hbm>>
        %dma_wait3A_211 = arith.constant 0 : i32
        %dma_wait3A_212 = tpu.memref_slice %arg12[%mul3A_195, %dma_wait3A_211] : memref<10240x128xf32, #tpu.memory_space<vmem_shared>> -> memref<640x128xf32, #tpu.memory_space<vmem_shared>>
        tpu.wait_dma2 semaphore(%run_scoped3A : memref<!tpu.dma_semaphore, #tpu.memory_space<semaphore_mem>>) src(%dma_wait3A_212 : memref<640x128xf32, #tpu.memory_space<vmem_shared>>) dst(%dma_wait3A_210 : memref<640x128xf32, #tpu.memory_space<hbm>>)
        tpu.yield
      }) : () -> ()
    } else {
    }
    return
  }
}

#map = affine_map<(d0, d1) -> (0)>
module attributes {stable_mosaic.version = 14 : i64} {
  func.func @_deg_body(%arg0: i32, %arg1: i32, %arg2: memref<320000xi32, #tpu.memory_space<hbm>>, %arg3: memref<10240xf32, #tpu.memory_space<hbm>>, %arg4: memref<20000xi32, #tpu.memory_space<vmem>>, %arg5: memref<80xf32, #tpu.memory_space<vmem>>, %arg6: memref<640xf32, #tpu.memory_space<vmem>>, %arg7: memref<320xf32, #tpu.memory_space<vmem>>, %arg8: memref<320xf32, #tpu.memory_space<vmem>>, %arg9: memref<10240xf32, #tpu.memory_space<vmem_shared>>, %arg10: memref<!tpu.dma_semaphore, #tpu.memory_space<semaphore_mem>>) attributes {dimension_semantics = [#tpu.dimension_semantics<core_parallel>, #tpu.dimension_semantics<subcore_parallel>], iteration_bounds = array<i64: 2, 16>, scalar_prefetch = 0 : i64, scratch_operands = 7 : i64, tpu.core_type = #tpu.core_type<sc_vector_subcore>, window_params = [{transform_indices = #map}, {transform_indices = #map}]} {
    %mul3A = arith.constant 2 : i32
    %mul3A_0 = arith.muli %arg1, %mul3A : i32
    %add3A = arith.addi %mul3A_0, %arg0 : i32
    %scan3A = arith.constant 0 : i32
    %scan3A_1 = arith.constant 40 : i32
    %scan3A_2 = arith.addi %scan3A, %scan3A_1 : i32
    %scan3A_3 = arith.constant 1 : i32
    scf.for %scan3A_27 = %scan3A to %scan3A_2 step %scan3A_3  : i32 {
      %mul3A_28 = arith.constant 1 : i32
      %mul3A_29 = arith.muli %scan3A_27, %mul3A_28 : i32
      %add3A_30 = arith.constant 0 : i32
      %add3A_31 = arith.addi %add3A_30, %mul3A_29 : i32
      %broadcast_in_dim3A = arith.constant 0.000000e+00 : f32
      %broadcast_in_dim3A_32 = vector.broadcast %broadcast_in_dim3A : f32 to vector<16xf32>
      %mul3A_33 = arith.constant 16 : i32
      %mul3A_34 = arith.muli %add3A_31, %mul3A_33 : i32
      %swap3A = arith.index_cast %mul3A_34 : i32 to index
      %swap3A_35 = tpu.vector_load %arg6[%swap3A] {strides = array<i32>} : memref<640xf32, #tpu.memory_space<vmem>>, vector<16xf32>,
      %swap3A_36 = vector.shape_cast %swap3A_35 : vector<16xf32> to vector<16xf32>
      %swap3A_37 = vector.shape_cast %broadcast_in_dim3A_32 : vector<16xf32> to vector<16xf32>
      tpu.vector_store %arg6[%swap3A], %swap3A_37 {strides = array<i32>} : memref<640xf32, #tpu.memory_space<vmem>>, vector<16xf32>,
    }
    %scan3A_4 = arith.constant 40 : i32
    %scan3A_5 = arith.constant 0 : i32
    %scan3A_6 = arith.constant 5 : i32
    %scan3A_7 = arith.addi %scan3A_5, %scan3A_6 : i32
    %scan3A_8 = arith.constant 1 : i32
    scf.for %scan3A_27 = %scan3A_5 to %scan3A_7 step %scan3A_8  : i32 {
      %mul3A_28 = arith.constant 1 : i32
      %mul3A_29 = arith.muli %scan3A_27, %mul3A_28 : i32
      %add3A_30 = arith.constant 0 : i32
      %add3A_31 = arith.addi %add3A_30, %mul3A_29 : i32
      %broadcast_in_dim3A = arith.constant 1.000000e+00 : f32
      %broadcast_in_dim3A_32 = vector.broadcast %broadcast_in_dim3A : f32 to vector<16xf32>
      %mul3A_33 = arith.constant 16 : i32
      %mul3A_34 = arith.muli %add3A_31, %mul3A_33 : i32
      %swap3A = arith.index_cast %mul3A_34 : i32 to index
      %swap3A_35 = tpu.vector_load %arg5[%swap3A] {strides = array<i32>} : memref<80xf32, #tpu.memory_space<vmem>>, vector<16xf32>,
      %swap3A_36 = vector.shape_cast %swap3A_35 : vector<16xf32> to vector<16xf32>
      %swap3A_37 = vector.shape_cast %broadcast_in_dim3A_32 : vector<16xf32> to vector<16xf32>
      tpu.vector_store %arg5[%swap3A], %swap3A_37 {strides = array<i32>} : memref<80xf32, #tpu.memory_space<vmem>>, vector<16xf32>,
    }
    %scan3A_9 = arith.constant 5 : i32
    %mul3A_10 = arith.constant 640 : i32
    %mul3A_11 = arith.muli %arg1, %mul3A_10 : i32
    "tpu.region"() ({
      %run_scoped3A = tpu.sem_alloc : memref<!tpu.dma_semaphore, #tpu.memory_space<semaphore_mem>>
      %dma_start3A = tpu.memref_slice %arg9[%mul3A_11] : memref<10240xf32, #tpu.memory_space<vmem_shared>> -> memref<640xf32, #tpu.memory_space<vmem_shared>>
      %dma_start3A_27 = tpu.memref_slice %arg9[%mul3A_11] : memref<10240xf32, #tpu.memory_space<vmem_shared>> -> memref<640xf32, #tpu.memory_space<vmem_shared>>
      tpu.enqueue_dma source(%arg6 : memref<640xf32, #tpu.memory_space<vmem>>) target(%dma_start3A_27 : memref<640xf32, #tpu.memory_space<vmem_shared>>) target_semaphore(%run_scoped3A : memref<!tpu.dma_semaphore, #tpu.memory_space<semaphore_mem>>)
      %dma_wait3A = tpu.memref_slice %arg9[%mul3A_11] : memref<10240xf32, #tpu.memory_space<vmem_shared>> -> memref<640xf32, #tpu.memory_space<vmem_shared>>
      %dma_wait3A_28 = tpu.memref_slice %arg9[%mul3A_11] : memref<10240xf32, #tpu.memory_space<vmem_shared>> -> memref<640xf32, #tpu.memory_space<vmem_shared>>
      tpu.wait_dma2 semaphore(%run_scoped3A : memref<!tpu.dma_semaphore, #tpu.memory_space<semaphore_mem>>) src(%arg6 : memref<640xf32, #tpu.memory_space<vmem>>) dst(%dma_wait3A_28 : memref<640xf32, #tpu.memory_space<vmem_shared>>)
      tpu.yield
    }) : () -> ()
    %mul3A_12 = arith.constant 20000 : i32
    %mul3A_13 = arith.muli %arg1, %mul3A_12 : i32
    "tpu.region"() ({
      %run_scoped3A = tpu.sem_alloc : memref<!tpu.dma_semaphore, #tpu.memory_space<semaphore_mem>>
      %dma_start3A = tpu.memref_slice %arg2[%mul3A_13] : memref<320000xi32, #tpu.memory_space<hbm>> -> memref<20000xi32, #tpu.memory_space<hbm>>
      %dma_start3A_27 = tpu.memref_slice %arg2[%mul3A_13] : memref<320000xi32, #tpu.memory_space<hbm>> -> memref<20000xi32, #tpu.memory_space<hbm>>
      tpu.enqueue_dma source(%dma_start3A_27 : memref<20000xi32, #tpu.memory_space<hbm>>) target(%arg4 : memref<20000xi32, #tpu.memory_space<vmem>>) target_semaphore(%run_scoped3A : memref<!tpu.dma_semaphore, #tpu.memory_space<semaphore_mem>>)
      %dma_wait3A = tpu.memref_slice %arg2[%mul3A_13] : memref<320000xi32, #tpu.memory_space<hbm>> -> memref<20000xi32, #tpu.memory_space<hbm>>
      %dma_wait3A_28 = tpu.memref_slice %arg2[%mul3A_13] : memref<320000xi32, #tpu.memory_space<hbm>> -> memref<20000xi32, #tpu.memory_space<hbm>>
      tpu.wait_dma2 semaphore(%run_scoped3A : memref<!tpu.dma_semaphore, #tpu.memory_space<semaphore_mem>>) src(%dma_wait3A_28 : memref<20000xi32, #tpu.memory_space<hbm>>) dst(%arg4 : memref<20000xi32, #tpu.memory_space<vmem>>)
      tpu.yield
    }) : () -> ()
    %barrier3A = arith.constant 0 : index
    tpu.barrier barrier_id(%barrier3A)
    %scan3A_14 = arith.constant 0 : i32
    %scan3A_15 = arith.constant 25 : i32
    %scan3A_16 = arith.addi %scan3A_14, %scan3A_15 : i32
    %scan3A_17 = arith.constant 1 : i32
    scf.for %scan3A_27 = %scan3A_14 to %scan3A_16 step %scan3A_17  : i32 {
      %mul3A_28 = arith.constant 1 : i32
      %mul3A_29 = arith.muli %scan3A_27, %mul3A_28 : i32
      %add3A_30 = arith.constant 0 : i32
      %add3A_31 = arith.addi %add3A_30, %mul3A_29 : i32
      %mul3A_32 = arith.constant 10 : i32
      %mul3A_33 = arith.muli %add3A_31, %mul3A_32 : i32
      %add3A_34 = arith.constant 0 : i32
      %add3A_35 = arith.addi %mul3A_33, %add3A_34 : i32
      %mul3A_36 = arith.constant 80 : i32
      %mul3A_37 = arith.muli %add3A_35, %mul3A_36 : i32
      %dma_start3A = tpu.memref_slice %arg4[%mul3A_37] : memref<20000xi32, #tpu.memory_space<vmem>> -> memref<80xi32, #tpu.memory_space<vmem>>
      %dma_start3A_38 = arith.constant 0 : i32
      %dma_start3A_39 = tpu.memref_slice %arg9[%dma_start3A_38] : memref<10240xf32, #tpu.memory_space<vmem_shared>> -> memref<10240xf32, #tpu.memory_space<vmem_shared>>
      tpu.enqueue_indirect_dma source(%arg5 : memref<80xf32, #tpu.memory_space<vmem>>) target(%dma_start3A_39 : memref<10240xf32, #tpu.memory_space<vmem_shared>>) offsets(%dma_start3A : memref<80xi32, #tpu.memory_space<vmem>>) semaphore(%arg10 : memref<!tpu.dma_semaphore, #tpu.memory_space<semaphore_mem>>) {add = true}
      %mul3A_40 = arith.constant 10 : i32
      %mul3A_41 = arith.muli %add3A_31, %mul3A_40 : i32
      %add3A_42 = arith.constant 1 : i32
      %add3A_43 = arith.addi %mul3A_41, %add3A_42 : i32
      %mul3A_44 = arith.constant 80 : i32
      %mul3A_45 = arith.muli %add3A_43, %mul3A_44 : i32
      %dma_start3A_46 = tpu.memref_slice %arg4[%mul3A_45] : memref<20000xi32, #tpu.memory_space<vmem>> -> memref<80xi32, #tpu.memory_space<vmem>>
      %dma_start3A_47 = arith.constant 0 : i32
      %dma_start3A_48 = tpu.memref_slice %arg9[%dma_start3A_47] : memref<10240xf32, #tpu.memory_space<vmem_shared>> -> memref<10240xf32, #tpu.memory_space<vmem_shared>>
      tpu.enqueue_indirect_dma source(%arg5 : memref<80xf32, #tpu.memory_space<vmem>>) target(%dma_start3A_48 : memref<10240xf32, #tpu.memory_space<vmem_shared>>) offsets(%dma_start3A_46 : memref<80xi32, #tpu.memory_space<vmem>>) semaphore(%arg10 : memref<!tpu.dma_semaphore, #tpu.memory_space<semaphore_mem>>) {add = true}
      %mul3A_49 = arith.constant 10 : i32
      %mul3A_50 = arith.muli %add3A_31, %mul3A_49 : i32
      %add3A_51 = arith.constant 2 : i32
      %add3A_52 = arith.addi %mul3A_50, %add3A_51 : i32
      %mul3A_53 = arith.constant 80 : i32
      %mul3A_54 = arith.muli %add3A_52, %mul3A_53 : i32
      %dma_start3A_55 = tpu.memref_slice %arg4[%mul3A_54] : memref<20000xi32, #tpu.memory_space<vmem>> -> memref<80xi32, #tpu.memory_space<vmem>>
      %dma_start3A_56 = arith.constant 0 : i32
      %dma_start3A_57 = tpu.memref_slice %arg9[%dma_start3A_56] : memref<10240xf32, #tpu.memory_space<vmem_shared>> -> memref<10240xf32, #tpu.memory_space<vmem_shared>>
      tpu.enqueue_indirect_dma source(%arg5 : memref<80xf32, #tpu.memory_space<vmem>>) target(%dma_start3A_57 : memref<10240xf32, #tpu.memory_space<vmem_shared>>) offsets(%dma_start3A_55 : memref<80xi32, #tpu.memory_space<vmem>>) semaphore(%arg10 : memref<!tpu.dma_semaphore, #tpu.memory_space<semaphore_mem>>) {add = true}
      %mul3A_58 = arith.constant 10 : i32
      %mul3A_59 = arith.muli %add3A_31, %mul3A_58 : i32
      %add3A_60 = arith.constant 3 : i32
      %add3A_61 = arith.addi %mul3A_59, %add3A_60 : i32
      %mul3A_62 = arith.constant 80 : i32
      %mul3A_63 = arith.muli %add3A_61, %mul3A_62 : i32
      %dma_start3A_64 = tpu.memref_slice %arg4[%mul3A_63] : memref<20000xi32, #tpu.memory_space<vmem>> -> memref<80xi32, #tpu.memory_space<vmem>>
      %dma_start3A_65 = arith.constant 0 : i32
      %dma_start3A_66 = tpu.memref_slice %arg9[%dma_start3A_65] : memref<10240xf32, #tpu.memory_space<vmem_shared>> -> memref<10240xf32, #tpu.memory_space<vmem_shared>>
      tpu.enqueue_indirect_dma source(%arg5 : memref<80xf32, #tpu.memory_space<vmem>>) target(%dma_start3A_66 : memref<10240xf32, #tpu.memory_space<vmem_shared>>) offsets(%dma_start3A_64 : memref<80xi32, #tpu.memory_space<vmem>>) semaphore(%arg10 : memref<!tpu.dma_semaphore, #tpu.memory_space<semaphore_mem>>) {add = true}
      %mul3A_67 = arith.constant 10 : i32
      %mul3A_68 = arith.muli %add3A_31, %mul3A_67 : i32
      %add3A_69 = arith.constant 4 : i32
      %add3A_70 = arith.addi %mul3A_68, %add3A_69 : i32
      %mul3A_71 = arith.constant 80 : i32
      %mul3A_72 = arith.muli %add3A_70, %mul3A_71 : i32
      %dma_start3A_73 = tpu.memref_slice %arg4[%mul3A_72] : memref<20000xi32, #tpu.memory_space<vmem>> -> memref<80xi32, #tpu.memory_space<vmem>>
      %dma_start3A_74 = arith.constant 0 : i32
      %dma_start3A_75 = tpu.memref_slice %arg9[%dma_start3A_74] : memref<10240xf32, #tpu.memory_space<vmem_shared>> -> memref<10240xf32, #tpu.memory_space<vmem_shared>>
      tpu.enqueue_indirect_dma source(%arg5 : memref<80xf32, #tpu.memory_space<vmem>>) target(%dma_start3A_75 : memref<10240xf32, #tpu.memory_space<vmem_shared>>) offsets(%dma_start3A_73 : memref<80xi32, #tpu.memory_space<vmem>>) semaphore(%arg10 : memref<!tpu.dma_semaphore, #tpu.memory_space<semaphore_mem>>) {add = true}
      %mul3A_76 = arith.constant 10 : i32
      %mul3A_77 = arith.muli %add3A_31, %mul3A_76 : i32
      %add3A_78 = arith.constant 5 : i32
      %add3A_79 = arith.addi %mul3A_77, %add3A_78 : i32
      %mul3A_80 = arith.constant 80 : i32
      %mul3A_81 = arith.muli %add3A_79, %mul3A_80 : i32
      %dma_start3A_82 = tpu.memref_slice %arg4[%mul3A_81] : memref<20000xi32, #tpu.memory_space<vmem>> -> memref<80xi32, #tpu.memory_space<vmem>>
      %dma_start3A_83 = arith.constant 0 : i32
      %dma_start3A_84 = tpu.memref_slice %arg9[%dma_start3A_83] : memref<10240xf32, #tpu.memory_space<vmem_shared>> -> memref<10240xf32, #tpu.memory_space<vmem_shared>>
      tpu.enqueue_indirect_dma source(%arg5 : memref<80xf32, #tpu.memory_space<vmem>>) target(%dma_start3A_84 : memref<10240xf32, #tpu.memory_space<vmem_shared>>) offsets(%dma_start3A_82 : memref<80xi32, #tpu.memory_space<vmem>>) semaphore(%arg10 : memref<!tpu.dma_semaphore, #tpu.memory_space<semaphore_mem>>) {add = true}
      %mul3A_85 = arith.constant 10 : i32
      %mul3A_86 = arith.muli %add3A_31, %mul3A_85 : i32
      %add3A_87 = arith.constant 6 : i32
      %add3A_88 = arith.addi %mul3A_86, %add3A_87 : i32
      %mul3A_89 = arith.constant 80 : i32
      %mul3A_90 = arith.muli %add3A_88, %mul3A_89 : i32
      %dma_start3A_91 = tpu.memref_slice %arg4[%mul3A_90] : memref<20000xi32, #tpu.memory_space<vmem>> -> memref<80xi32, #tpu.memory_space<vmem>>
      %dma_start3A_92 = arith.constant 0 : i32
      %dma_start3A_93 = tpu.memref_slice %arg9[%dma_start3A_92] : memref<10240xf32, #tpu.memory_space<vmem_shared>> -> memref<10240xf32, #tpu.memory_space<vmem_shared>>
      tpu.enqueue_indirect_dma source(%arg5 : memref<80xf32, #tpu.memory_space<vmem>>) target(%dma_start3A_93 : memref<10240xf32, #tpu.memory_space<vmem_shared>>) offsets(%dma_start3A_91 : memref<80xi32, #tpu.memory_space<vmem>>) semaphore(%arg10 : memref<!tpu.dma_semaphore, #tpu.memory_space<semaphore_mem>>) {add = true}
      %mul3A_94 = arith.constant 10 : i32
      %mul3A_95 = arith.muli %add3A_31, %mul3A_94 : i32
      %add3A_96 = arith.constant 7 : i32
      %add3A_97 = arith.addi %mul3A_95, %add3A_96 : i32
      %mul3A_98 = arith.constant 80 : i32
      %mul3A_99 = arith.muli %add3A_97, %mul3A_98 : i32
      %dma_start3A_100 = tpu.memref_slice %arg4[%mul3A_99] : memref<20000xi32, #tpu.memory_space<vmem>> -> memref<80xi32, #tpu.memory_space<vmem>>
      %dma_start3A_101 = arith.constant 0 : i32
      %dma_start3A_102 = tpu.memref_slice %arg9[%dma_start3A_101] : memref<10240xf32, #tpu.memory_space<vmem_shared>> -> memref<10240xf32, #tpu.memory_space<vmem_shared>>
      tpu.enqueue_indirect_dma source(%arg5 : memref<80xf32, #tpu.memory_space<vmem>>) target(%dma_start3A_102 : memref<10240xf32, #tpu.memory_space<vmem_shared>>) offsets(%dma_start3A_100 : memref<80xi32, #tpu.memory_space<vmem>>) semaphore(%arg10 : memref<!tpu.dma_semaphore, #tpu.memory_space<semaphore_mem>>) {add = true}
      %mul3A_103 = arith.constant 10 : i32
      %mul3A_104 = arith.muli %add3A_31, %mul3A_103 : i32
      %add3A_105 = arith.constant 8 : i32
      %add3A_106 = arith.addi %mul3A_104, %add3A_105 : i32
      %mul3A_107 = arith.constant 80 : i32
      %mul3A_108 = arith.muli %add3A_106, %mul3A_107 : i32
      %dma_start3A_109 = tpu.memref_slice %arg4[%mul3A_108] : memref<20000xi32, #tpu.memory_space<vmem>> -> memref<80xi32, #tpu.memory_space<vmem>>
      %dma_start3A_110 = arith.constant 0 : i32
      %dma_start3A_111 = tpu.memref_slice %arg9[%dma_start3A_110] : memref<10240xf32, #tpu.memory_space<vmem_shared>> -> memref<10240xf32, #tpu.memory_space<vmem_shared>>
      tpu.enqueue_indirect_dma source(%arg5 : memref<80xf32, #tpu.memory_space<vmem>>) target(%dma_start3A_111 : memref<10240xf32, #tpu.memory_space<vmem_shared>>) offsets(%dma_start3A_109 : memref<80xi32, #tpu.memory_space<vmem>>) semaphore(%arg10 : memref<!tpu.dma_semaphore, #tpu.memory_space<semaphore_mem>>) {add = true}
      %mul3A_112 = arith.constant 10 : i32
      %mul3A_113 = arith.muli %add3A_31, %mul3A_112 : i32
      %add3A_114 = arith.constant 9 : i32
      %add3A_115 = arith.addi %mul3A_113, %add3A_114 : i32
      %mul3A_116 = arith.constant 80 : i32
      %mul3A_117 = arith.muli %add3A_115, %mul3A_116 : i32
      %dma_start3A_118 = tpu.memref_slice %arg4[%mul3A_117] : memref<20000xi32, #tpu.memory_space<vmem>> -> memref<80xi32, #tpu.memory_space<vmem>>
      %dma_start3A_119 = arith.constant 0 : i32
      %dma_start3A_120 = tpu.memref_slice %arg9[%dma_start3A_119] : memref<10240xf32, #tpu.memory_space<vmem_shared>> -> memref<10240xf32, #tpu.memory_space<vmem_shared>>
      tpu.enqueue_indirect_dma source(%arg5 : memref<80xf32, #tpu.memory_space<vmem>>) target(%dma_start3A_120 : memref<10240xf32, #tpu.memory_space<vmem_shared>>) offsets(%dma_start3A_118 : memref<80xi32, #tpu.memory_space<vmem>>) semaphore(%arg10 : memref<!tpu.dma_semaphore, #tpu.memory_space<semaphore_mem>>) {add = true}
      %dma_wait3A = arith.constant 0 : i32
      %dma_wait3A_121 = tpu.memref_slice %arg4[%dma_wait3A] : memref<20000xi32, #tpu.memory_space<vmem>> -> memref<80xi32, #tpu.memory_space<vmem>>
      %dma_wait3A_122 = arith.constant 0 : i32
      %dma_wait3A_123 = tpu.memref_slice %arg9[%dma_wait3A_122] : memref<10240xf32, #tpu.memory_space<vmem_shared>> -> memref<10240xf32, #tpu.memory_space<vmem_shared>>
      tpu.wait_indirect_dma semaphore(%arg10 : memref<!tpu.dma_semaphore, #tpu.memory_space<semaphore_mem>>) src(%arg5 : memref<80xf32, #tpu.memory_space<vmem>>) dst(%dma_wait3A_123 : memref<10240xf32, #tpu.memory_space<vmem_shared>>)
      %dma_wait3A_124 = arith.constant 0 : i32
      %dma_wait3A_125 = tpu.memref_slice %arg4[%dma_wait3A_124] : memref<20000xi32, #tpu.memory_space<vmem>> -> memref<80xi32, #tpu.memory_space<vmem>>
      %dma_wait3A_126 = arith.constant 0 : i32
      %dma_wait3A_127 = tpu.memref_slice %arg9[%dma_wait3A_126] : memref<10240xf32, #tpu.memory_space<vmem_shared>> -> memref<10240xf32, #tpu.memory_space<vmem_shared>>
      tpu.wait_indirect_dma semaphore(%arg10 : memref<!tpu.dma_semaphore, #tpu.memory_space<semaphore_mem>>) src(%arg5 : memref<80xf32, #tpu.memory_space<vmem>>) dst(%dma_wait3A_127 : memref<10240xf32, #tpu.memory_space<vmem_shared>>)
      %dma_wait3A_128 = arith.constant 0 : i32
      %dma_wait3A_129 = tpu.memref_slice %arg4[%dma_wait3A_128] : memref<20000xi32, #tpu.memory_space<vmem>> -> memref<80xi32, #tpu.memory_space<vmem>>
      %dma_wait3A_130 = arith.constant 0 : i32
      %dma_wait3A_131 = tpu.memref_slice %arg9[%dma_wait3A_130] : memref<10240xf32, #tpu.memory_space<vmem_shared>> -> memref<10240xf32, #tpu.memory_space<vmem_shared>>
      tpu.wait_indirect_dma semaphore(%arg10 : memref<!tpu.dma_semaphore, #tpu.memory_space<semaphore_mem>>) src(%arg5 : memref<80xf32, #tpu.memory_space<vmem>>) dst(%dma_wait3A_131 : memref<10240xf32, #tpu.memory_space<vmem_shared>>)
      %dma_wait3A_132 = arith.constant 0 : i32
      %dma_wait3A_133 = tpu.memref_slice %arg4[%dma_wait3A_132] : memref<20000xi32, #tpu.memory_space<vmem>> -> memref<80xi32, #tpu.memory_space<vmem>>
      %dma_wait3A_134 = arith.constant 0 : i32
      %dma_wait3A_135 = tpu.memref_slice %arg9[%dma_wait3A_134] : memref<10240xf32, #tpu.memory_space<vmem_shared>> -> memref<10240xf32, #tpu.memory_space<vmem_shared>>
      tpu.wait_indirect_dma semaphore(%arg10 : memref<!tpu.dma_semaphore, #tpu.memory_space<semaphore_mem>>) src(%arg5 : memref<80xf32, #tpu.memory_space<vmem>>) dst(%dma_wait3A_135 : memref<10240xf32, #tpu.memory_space<vmem_shared>>)
      %dma_wait3A_136 = arith.constant 0 : i32
      %dma_wait3A_137 = tpu.memref_slice %arg4[%dma_wait3A_136] : memref<20000xi32, #tpu.memory_space<vmem>> -> memref<80xi32, #tpu.memory_space<vmem>>
      %dma_wait3A_138 = arith.constant 0 : i32
      %dma_wait3A_139 = tpu.memref_slice %arg9[%dma_wait3A_138] : memref<10240xf32, #tpu.memory_space<vmem_shared>> -> memref<10240xf32, #tpu.memory_space<vmem_shared>>
      tpu.wait_indirect_dma semaphore(%arg10 : memref<!tpu.dma_semaphore, #tpu.memory_space<semaphore_mem>>) src(%arg5 : memref<80xf32, #tpu.memory_space<vmem>>) dst(%dma_wait3A_139 : memref<10240xf32, #tpu.memory_space<vmem_shared>>)
      %dma_wait3A_140 = arith.constant 0 : i32
      %dma_wait3A_141 = tpu.memref_slice %arg4[%dma_wait3A_140] : memref<20000xi32, #tpu.memory_space<vmem>> -> memref<80xi32, #tpu.memory_space<vmem>>
      %dma_wait3A_142 = arith.constant 0 : i32
      %dma_wait3A_143 = tpu.memref_slice %arg9[%dma_wait3A_142] : memref<10240xf32, #tpu.memory_space<vmem_shared>> -> memref<10240xf32, #tpu.memory_space<vmem_shared>>
      tpu.wait_indirect_dma semaphore(%arg10 : memref<!tpu.dma_semaphore, #tpu.memory_space<semaphore_mem>>) src(%arg5 : memref<80xf32, #tpu.memory_space<vmem>>) dst(%dma_wait3A_143 : memref<10240xf32, #tpu.memory_space<vmem_shared>>)
      %dma_wait3A_144 = arith.constant 0 : i32
      %dma_wait3A_145 = tpu.memref_slice %arg4[%dma_wait3A_144] : memref<20000xi32, #tpu.memory_space<vmem>> -> memref<80xi32, #tpu.memory_space<vmem>>
      %dma_wait3A_146 = arith.constant 0 : i32
      %dma_wait3A_147 = tpu.memref_slice %arg9[%dma_wait3A_146] : memref<10240xf32, #tpu.memory_space<vmem_shared>> -> memref<10240xf32, #tpu.memory_space<vmem_shared>>
      tpu.wait_indirect_dma semaphore(%arg10 : memref<!tpu.dma_semaphore, #tpu.memory_space<semaphore_mem>>) src(%arg5 : memref<80xf32, #tpu.memory_space<vmem>>) dst(%dma_wait3A_147 : memref<10240xf32, #tpu.memory_space<vmem_shared>>)
      %dma_wait3A_148 = arith.constant 0 : i32
      %dma_wait3A_149 = tpu.memref_slice %arg4[%dma_wait3A_148] : memref<20000xi32, #tpu.memory_space<vmem>> -> memref<80xi32, #tpu.memory_space<vmem>>
      %dma_wait3A_150 = arith.constant 0 : i32
      %dma_wait3A_151 = tpu.memref_slice %arg9[%dma_wait3A_150] : memref<10240xf32, #tpu.memory_space<vmem_shared>> -> memref<10240xf32, #tpu.memory_space<vmem_shared>>
      tpu.wait_indirect_dma semaphore(%arg10 : memref<!tpu.dma_semaphore, #tpu.memory_space<semaphore_mem>>) src(%arg5 : memref<80xf32, #tpu.memory_space<vmem>>) dst(%dma_wait3A_151 : memref<10240xf32, #tpu.memory_space<vmem_shared>>)
      %dma_wait3A_152 = arith.constant 0 : i32
      %dma_wait3A_153 = tpu.memref_slice %arg4[%dma_wait3A_152] : memref<20000xi32, #tpu.memory_space<vmem>> -> memref<80xi32, #tpu.memory_space<vmem>>
      %dma_wait3A_154 = arith.constant 0 : i32
      %dma_wait3A_155 = tpu.memref_slice %arg9[%dma_wait3A_154] : memref<10240xf32, #tpu.memory_space<vmem_shared>> -> memref<10240xf32, #tpu.memory_space<vmem_shared>>
      tpu.wait_indirect_dma semaphore(%arg10 : memref<!tpu.dma_semaphore, #tpu.memory_space<semaphore_mem>>) src(%arg5 : memref<80xf32, #tpu.memory_space<vmem>>) dst(%dma_wait3A_155 : memref<10240xf32, #tpu.memory_space<vmem_shared>>)
      %dma_wait3A_156 = arith.constant 0 : i32
      %dma_wait3A_157 = tpu.memref_slice %arg4[%dma_wait3A_156] : memref<20000xi32, #tpu.memory_space<vmem>> -> memref<80xi32, #tpu.memory_space<vmem>>
      %dma_wait3A_158 = arith.constant 0 : i32
      %dma_wait3A_159 = tpu.memref_slice %arg9[%dma_wait3A_158] : memref<10240xf32, #tpu.memory_space<vmem_shared>> -> memref<10240xf32, #tpu.memory_space<vmem_shared>>
      tpu.wait_indirect_dma semaphore(%arg10 : memref<!tpu.dma_semaphore, #tpu.memory_space<semaphore_mem>>) src(%arg5 : memref<80xf32, #tpu.memory_space<vmem>>) dst(%dma_wait3A_159 : memref<10240xf32, #tpu.memory_space<vmem_shared>>)
    }
    %scan3A_18 = arith.constant 25 : i32
    %barrier3A_19 = arith.constant 0 : index
    tpu.barrier barrier_id(%barrier3A_19)
    %mul3A_20 = arith.constant 320 : i32
    %mul3A_21 = arith.muli %add3A, %mul3A_20 : i32
    "tpu.region"() ({
      %run_scoped3A = tpu.sem_alloc : memref<!tpu.dma_semaphore, #tpu.memory_space<semaphore_mem>>
      %dma_start3A = tpu.memref_slice %arg9[%mul3A_21] : memref<10240xf32, #tpu.memory_space<vmem_shared>> -> memref<320xf32, #tpu.memory_space<vmem_shared>>
      %dma_start3A_27 = tpu.memref_slice %arg9[%mul3A_21] : memref<10240xf32, #tpu.memory_space<vmem_shared>> -> memref<320xf32, #tpu.memory_space<vmem_shared>>
      tpu.enqueue_dma source(%dma_start3A_27 : memref<320xf32, #tpu.memory_space<vmem_shared>>) target(%arg7 : memref<320xf32, #tpu.memory_space<vmem>>) target_semaphore(%run_scoped3A : memref<!tpu.dma_semaphore, #tpu.memory_space<semaphore_mem>>)
      %dma_wait3A = tpu.memref_slice %arg9[%mul3A_21] : memref<10240xf32, #tpu.memory_space<vmem_shared>> -> memref<320xf32, #tpu.memory_space<vmem_shared>>
      %dma_wait3A_28 = tpu.memref_slice %arg9[%mul3A_21] : memref<10240xf32, #tpu.memory_space<vmem_shared>> -> memref<320xf32, #tpu.memory_space<vmem_shared>>
      tpu.wait_dma2 semaphore(%run_scoped3A : memref<!tpu.dma_semaphore, #tpu.memory_space<semaphore_mem>>) src(%dma_wait3A_28 : memref<320xf32, #tpu.memory_space<vmem_shared>>) dst(%arg7 : memref<320xf32, #tpu.memory_space<vmem>>)
      tpu.yield
    }) : () -> ()
    %scan3A_22 = arith.constant 0 : i32
    %scan3A_23 = arith.constant 20 : i32
    %scan3A_24 = arith.addi %scan3A_22, %scan3A_23 : i32
    %scan3A_25 = arith.constant 1 : i32
    scf.for %scan3A_27 = %scan3A_22 to %scan3A_24 step %scan3A_25  : i32 {
      %mul3A_28 = arith.constant 1 : i32
      %mul3A_29 = arith.muli %scan3A_27, %mul3A_28 : i32
      %add3A_30 = arith.constant 0 : i32
      %add3A_31 = arith.addi %add3A_30, %mul3A_29 : i32
      %mul3A_32 = arith.constant 16 : i32
      %mul3A_33 = arith.muli %add3A_31, %mul3A_32 : i32
      %get3A = arith.index_cast %mul3A_33 : i32 to index
      %get3A_34 = tpu.vector_load %arg7[%get3A] {strides = array<i32>} : memref<320xf32, #tpu.memory_space<vmem>>, vector<16xf32>,
      %get3A_35 = vector.shape_cast %get3A_34 : vector<16xf32> to vector<16xf32>
      %add3A_36 = arith.constant 1.000000e+00 : f32
      %add3A_37 = vector.broadcast %add3A_36 : f32 to vector<16xf32>
      %add3A_38 = arith.addf %get3A_35, %add3A_37 : vector<16xf32>
      %bitcast_convert_type3A = tpu.bitcast %add3A_38 : vector<16xf32> -> vector<16xi32>
      %shift_right_arithmetic3A = arith.constant 1 : i32
      %shift_right_arithmetic3A_39 = vector.broadcast %shift_right_arithmetic3A : i32 to vector<16xi32>
      %shift_right_arithmetic3A_40 = arith.shrsi %bitcast_convert_type3A, %shift_right_arithmetic3A_39 : vector<16xi32>
      %sub3A = arith.constant 1597463007 : i32
      %sub3A_41 = vector.broadcast %sub3A : i32 to vector<16xi32>
      %sub3A_42 = arith.subi %sub3A_41, %shift_right_arithmetic3A_40 : vector<16xi32>
      %bitcast_convert_type3A_43 = tpu.bitcast %sub3A_42 : vector<16xi32> -> vector<16xf32>
      %mul3A_44 = arith.constant 5.000000e-01 : f32
      %mul3A_45 = vector.broadcast %mul3A_44 : f32 to vector<16xf32>
      %mul3A_46 = arith.mulf %mul3A_45, %add3A_38 : vector<16xf32>
      %mul3A_47 = arith.mulf %mul3A_46, %bitcast_convert_type3A_43 : vector<16xf32>
      %mul3A_48 = arith.mulf %mul3A_47, %bitcast_convert_type3A_43 : vector<16xf32>
      %sub3A_49 = arith.constant 1.500000e+00 : f32
      %sub3A_50 = vector.broadcast %sub3A_49 : f32 to vector<16xf32>
      %sub3A_51 = arith.subf %sub3A_50, %mul3A_48 : vector<16xf32>
      %mul3A_52 = arith.mulf %bitcast_convert_type3A_43, %sub3A_51 : vector<16xf32>
      %mul3A_53 = arith.constant 5.000000e-01 : f32
      %mul3A_54 = vector.broadcast %mul3A_53 : f32 to vector<16xf32>
      %mul3A_55 = arith.mulf %mul3A_54, %add3A_38 : vector<16xf32>
      %mul3A_56 = arith.mulf %mul3A_55, %mul3A_52 : vector<16xf32>
      %mul3A_57 = arith.mulf %mul3A_56, %mul3A_52 : vector<16xf32>
      %sub3A_58 = arith.constant 1.500000e+00 : f32
      %sub3A_59 = vector.broadcast %sub3A_58 : f32 to vector<16xf32>
      %sub3A_60 = arith.subf %sub3A_59, %mul3A_57 : vector<16xf32>
      %mul3A_61 = arith.mulf %mul3A_52, %sub3A_60 : vector<16xf32>
      %mul3A_62 = arith.constant 5.000000e-01 : f32
      %mul3A_63 = vector.broadcast %mul3A_62 : f32 to vector<16xf32>
      %mul3A_64 = arith.mulf %mul3A_63, %add3A_38 : vector<16xf32>
      %mul3A_65 = arith.mulf %mul3A_64, %mul3A_61 : vector<16xf32>
      %mul3A_66 = arith.mulf %mul3A_65, %mul3A_61 : vector<16xf32>
      %sub3A_67 = arith.constant 1.500000e+00 : f32
      %sub3A_68 = vector.broadcast %sub3A_67 : f32 to vector<16xf32>
      %sub3A_69 = arith.subf %sub3A_68, %mul3A_66 : vector<16xf32>
      %mul3A_70 = arith.mulf %mul3A_61, %sub3A_69 : vector<16xf32>
      %mul3A_71 = arith.constant 16 : i32
      %mul3A_72 = arith.muli %add3A_31, %mul3A_71 : i32
      %swap3A = arith.index_cast %mul3A_72 : i32 to index
      %swap3A_73 = tpu.vector_load %arg8[%swap3A] {strides = array<i32>} : memref<320xf32, #tpu.memory_space<vmem>>, vector<16xf32>,
      %swap3A_74 = vector.shape_cast %swap3A_73 : vector<16xf32> to vector<16xf32>
      %swap3A_75 = vector.shape_cast %mul3A_70 : vector<16xf32> to vector<16xf32>
      tpu.vector_store %arg8[%swap3A], %swap3A_75 {strides = array<i32>} : memref<320xf32, #tpu.memory_space<vmem>>, vector<16xf32>,
    }
    %scan3A_26 = arith.constant 20 : i32
    "tpu.region"() ({
      %run_scoped3A = tpu.sem_alloc : memref<!tpu.dma_semaphore, #tpu.memory_space<semaphore_mem>>
      %dma_start3A = tpu.memref_slice %arg3[%mul3A_21] : memref<10240xf32, #tpu.memory_space<hbm>> -> memref<320xf32, #tpu.memory_space<hbm>>
      %dma_start3A_27 = tpu.memref_slice %arg3[%mul3A_21] : memref<10240xf32, #tpu.memory_space<hbm>> -> memref<320xf32, #tpu.memory_space<hbm>>
      tpu.enqueue_dma source(%arg8 : memref<320xf32, #tpu.memory_space<vmem>>) target(%dma_start3A_27 : memref<320xf32, #tpu.memory_space<hbm>>) target_semaphore(%run_scoped3A : memref<!tpu.dma_semaphore, #tpu.memory_space<semaphore_mem>>)
      %dma_wait3A = tpu.memref_slice %arg3[%mul3A_21] : memref<10240xf32, #tpu.memory_space<hbm>> -> memref<320xf32, #tpu.memory_space<hbm>>
      %dma_wait3A_28 = tpu.memref_slice %arg3[%mul3A_21] : memref<10240xf32, #tpu.memory_space<hbm>> -> memref<320xf32, #tpu.memory_space<hbm>>
      tpu.wait_dma2 semaphore(%run_scoped3A : memref<!tpu.dma_semaphore, #tpu.memory_space<semaphore_mem>>) src(%arg8 : memref<320xf32, #tpu.memory_space<vmem>>) dst(%dma_wait3A_28 : memref<320xf32, #tpu.memory_space<hbm>>)
      tpu.yield
    }) : () -> ()
    return
  }
}

#map = affine_map<(d0, d1) -> (0, 0)>
#map1 = affine_map<(d0, d1) -> (0)>
module attributes {stable_mosaic.version = 14 : i64} {
  func.func @_edge_body(%arg0: i32, %arg1: i32, %arg2: memref<10240x128xf32, #tpu.memory_space<hbm>>, %arg3: memref<320000xi32, #tpu.memory_space<hbm>>, %arg4: memref<320000xi32, #tpu.memory_space<hbm>>, %arg5: memref<10240x128xf32, #tpu.memory_space<hbm>>, %arg6: memref<10240x128xf32, #tpu.memory_space<hbm>>, %arg7: memref<5120xi32, #tpu.memory_space<vmem>>, %arg8: memref<5120xi32, #tpu.memory_space<vmem>>, %arg9: memref<80x128xf32, #tpu.memory_space<vmem>>, %arg10: memref<80x128xf32, #tpu.memory_space<vmem>>, %arg11: memref<80x128xf32, #tpu.memory_space<vmem>>, %arg12: memref<10240x128xf32, #tpu.memory_space<vmem_shared>>, %arg13: memref<!tpu.dma_semaphore, #tpu.memory_space<semaphore_mem>>, %arg14: memref<!tpu.dma_semaphore, #tpu.memory_space<semaphore_mem>>, %arg15: memref<!tpu.dma_semaphore, #tpu.memory_space<semaphore_mem>>, %arg16: memref<!tpu.dma_semaphore, #tpu.memory_space<semaphore_mem>>, %arg17: memref<!tpu.dma_semaphore, #tpu.memory_space<semaphore_mem>>, %arg18: memref<!tpu.dma_semaphore, #tpu.memory_space<semaphore_mem>>) attributes {dimension_semantics = [#tpu.dimension_semantics<core_parallel>, #tpu.dimension_semantics<subcore_parallel>], iteration_bounds = array<i64: 2, 16>, scalar_prefetch = 0 : i64, scratch_operands = 12 : i64, tpu.core_type = #tpu.core_type<sc_vector_subcore>, window_params = [{transform_indices = #map}, {transform_indices = #map1}, {transform_indices = #map1}, {transform_indices = #map}, {transform_indices = #map}]} {
    %mul3A = arith.constant 2 : i32
    %mul3A_0 = arith.muli %arg1, %mul3A : i32
    %add3A = arith.addi %mul3A_0, %arg0 : i32
    %scan3A = arith.constant 0 : i32
    %scan3A_1 = arith.constant 80 : i32
    %scan3A_2 = arith.addi %scan3A, %scan3A_1 : i32
    %scan3A_3 = arith.constant 1 : i32
    scf.for %scan3A_203 = %scan3A to %scan3A_2 step %scan3A_3  : i32 {
      %mul3A_204 = arith.constant 1 : i32
      %mul3A_205 = arith.muli %scan3A_203, %mul3A_204 : i32
      %add3A_206 = arith.constant 0 : i32
      %add3A_207 = arith.addi %add3A_206, %mul3A_205 : i32
      %broadcast_in_dim3A = arith.constant 0.000000e+00 : f32
      %broadcast_in_dim3A_208 = vector.broadcast %broadcast_in_dim3A : f32 to vector<16xf32>
      %swap3A = arith.index_cast %add3A_207 : i32 to index
      %swap3A_209 = arith.constant 0 : index
      %swap3A_210 = tpu.vector_load %arg9[%swap3A, %swap3A_209] {strides = array<i32>} : memref<80x128xf32, #tpu.memory_space<vmem>>, vector<1x16xf32>,
      %swap3A_211 = vector.shape_cast %swap3A_210 : vector<1x16xf32> to vector<16xf32>
      %swap3A_212 = vector.shape_cast %broadcast_in_dim3A_208 : vector<16xf32> to vector<1x16xf32>
      tpu.vector_store %arg9[%swap3A, %swap3A_209], %swap3A_212 {strides = array<i32>} : memref<80x128xf32, #tpu.memory_space<vmem>>, vector<1x16xf32>,
      %broadcast_in_dim3A_213 = arith.constant 0.000000e+00 : f32
      %broadcast_in_dim3A_214 = vector.broadcast %broadcast_in_dim3A_213 : f32 to vector<16xf32>
      %swap3A_215 = arith.index_cast %add3A_207 : i32 to index
      %swap3A_216 = arith.constant 16 : index
      %swap3A_217 = tpu.vector_load %arg9[%swap3A_215, %swap3A_216] {strides = array<i32>} : memref<80x128xf32, #tpu.memory_space<vmem>>, vector<1x16xf32>,
      %swap3A_218 = vector.shape_cast %swap3A_217 : vector<1x16xf32> to vector<16xf32>
      %swap3A_219 = vector.shape_cast %broadcast_in_dim3A_214 : vector<16xf32> to vector<1x16xf32>
      tpu.vector_store %arg9[%swap3A_215, %swap3A_216], %swap3A_219 {strides = array<i32>} : memref<80x128xf32, #tpu.memory_space<vmem>>, vector<1x16xf32>,
      %broadcast_in_dim3A_220 = arith.constant 0.000000e+00 : f32
      %broadcast_in_dim3A_221 = vector.broadcast %broadcast_in_dim3A_220 : f32 to vector<16xf32>
      %swap3A_222 = arith.index_cast %add3A_207 : i32 to index
      %swap3A_223 = arith.constant 32 : index
      %swap3A_224 = tpu.vector_load %arg9[%swap3A_222, %swap3A_223] {strides = array<i32>} : memref<80x128xf32, #tpu.memory_space<vmem>>, vector<1x16xf32>,
      %swap3A_225 = vector.shape_cast %swap3A_224 : vector<1x16xf32> to vector<16xf32>
      %swap3A_226 = vector.shape_cast %broadcast_in_dim3A_221 : vector<16xf32> to vector<1x16xf32>
      tpu.vector_store %arg9[%swap3A_222, %swap3A_223], %swap3A_226 {strides = array<i32>} : memref<80x128xf32, #tpu.memory_space<vmem>>, vector<1x16xf32>,
      %broadcast_in_dim3A_227 = arith.constant 0.000000e+00 : f32
      %broadcast_in_dim3A_228 = vector.broadcast %broadcast_in_dim3A_227 : f32 to vector<16xf32>
      %swap3A_229 = arith.index_cast %add3A_207 : i32 to index
      %swap3A_230 = arith.constant 48 : index
      %swap3A_231 = tpu.vector_load %arg9[%swap3A_229, %swap3A_230] {strides = array<i32>} : memref<80x128xf32, #tpu.memory_space<vmem>>, vector<1x16xf32>,
      %swap3A_232 = vector.shape_cast %swap3A_231 : vector<1x16xf32> to vector<16xf32>
      %swap3A_233 = vector.shape_cast %broadcast_in_dim3A_228 : vector<16xf32> to vector<1x16xf32>
      tpu.vector_store %arg9[%swap3A_229, %swap3A_230], %swap3A_233 {strides = array<i32>} : memref<80x128xf32, #tpu.memory_space<vmem>>, vector<1x16xf32>,
      %broadcast_in_dim3A_234 = arith.constant 0.000000e+00 : f32
      %broadcast_in_dim3A_235 = vector.broadcast %broadcast_in_dim3A_234 : f32 to vector<16xf32>
      %swap3A_236 = arith.index_cast %add3A_207 : i32 to index
      %swap3A_237 = arith.constant 64 : index
      %swap3A_238 = tpu.vector_load %arg9[%swap3A_236, %swap3A_237] {strides = array<i32>} : memref<80x128xf32, #tpu.memory_space<vmem>>, vector<1x16xf32>,
      %swap3A_239 = vector.shape_cast %swap3A_238 : vector<1x16xf32> to vector<16xf32>
      %swap3A_240 = vector.shape_cast %broadcast_in_dim3A_235 : vector<16xf32> to vector<1x16xf32>
      tpu.vector_store %arg9[%swap3A_236, %swap3A_237], %swap3A_240 {strides = array<i32>} : memref<80x128xf32, #tpu.memory_space<vmem>>, vector<1x16xf32>,
      %broadcast_in_dim3A_241 = arith.constant 0.000000e+00 : f32
      %broadcast_in_dim3A_242 = vector.broadcast %broadcast_in_dim3A_241 : f32 to vector<16xf32>
      %swap3A_243 = arith.index_cast %add3A_207 : i32 to index
      %swap3A_244 = arith.constant 80 : index
      %swap3A_245 = tpu.vector_load %arg9[%swap3A_243, %swap3A_244] {strides = array<i32>} : memref<80x128xf32, #tpu.memory_space<vmem>>, vector<1x16xf32>,
      %swap3A_246 = vector.shape_cast %swap3A_245 : vector<1x16xf32> to vector<16xf32>
      %swap3A_247 = vector.shape_cast %broadcast_in_dim3A_242 : vector<16xf32> to vector<1x16xf32>
      tpu.vector_store %arg9[%swap3A_243, %swap3A_244], %swap3A_247 {strides = array<i32>} : memref<80x128xf32, #tpu.memory_space<vmem>>, vector<1x16xf32>,
      %broadcast_in_dim3A_248 = arith.constant 0.000000e+00 : f32
      %broadcast_in_dim3A_249 = vector.broadcast %broadcast_in_dim3A_248 : f32 to vector<16xf32>
      %swap3A_250 = arith.index_cast %add3A_207 : i32 to index
      %swap3A_251 = arith.constant 96 : index
      %swap3A_252 = tpu.vector_load %arg9[%swap3A_250, %swap3A_251] {strides = array<i32>} : memref<80x128xf32, #tpu.memory_space<vmem>>, vector<1x16xf32>,
      %swap3A_253 = vector.shape_cast %swap3A_252 : vector<1x16xf32> to vector<16xf32>
      %swap3A_254 = vector.shape_cast %broadcast_in_dim3A_249 : vector<16xf32> to vector<1x16xf32>
      tpu.vector_store %arg9[%swap3A_250, %swap3A_251], %swap3A_254 {strides = array<i32>} : memref<80x128xf32, #tpu.memory_space<vmem>>, vector<1x16xf32>,
      %broadcast_in_dim3A_255 = arith.constant 0.000000e+00 : f32
      %broadcast_in_dim3A_256 = vector.broadcast %broadcast_in_dim3A_255 : f32 to vector<16xf32>
      %swap3A_257 = arith.index_cast %add3A_207 : i32 to index
      %swap3A_258 = arith.constant 112 : index
      %swap3A_259 = tpu.vector_load %arg9[%swap3A_257, %swap3A_258] {strides = array<i32>} : memref<80x128xf32, #tpu.memory_space<vmem>>, vector<1x16xf32>,
      %swap3A_260 = vector.shape_cast %swap3A_259 : vector<1x16xf32> to vector<16xf32>
      %swap3A_261 = vector.shape_cast %broadcast_in_dim3A_256 : vector<16xf32> to vector<1x16xf32>
      tpu.vector_store %arg9[%swap3A_257, %swap3A_258], %swap3A_261 {strides = array<i32>} : memref<80x128xf32, #tpu.memory_space<vmem>>, vector<1x16xf32>,
    }
    %scan3A_4 = arith.constant 80 : i32
    %scan3A_5 = arith.constant 0 : i32
    %scan3A_6 = arith.constant 8 : i32
    %scan3A_7 = arith.addi %scan3A_5, %scan3A_6 : i32
    %scan3A_8 = arith.constant 1 : i32
    scf.for %scan3A_203 = %scan3A_5 to %scan3A_7 step %scan3A_8  : i32 {
      %mul3A_204 = arith.constant 1 : i32
      %mul3A_205 = arith.muli %scan3A_203, %mul3A_204 : i32
      %add3A_206 = arith.constant 0 : i32
      %add3A_207 = arith.addi %add3A_206, %mul3A_205 : i32
      %mul3A_208 = arith.constant 640 : i32
      %mul3A_209 = arith.muli %arg1, %mul3A_208 : i32
      %mul3A_210 = arith.constant 80 : i32
      %mul3A_211 = arith.muli %add3A_207, %mul3A_210 : i32
      %add3A_212 = arith.addi %mul3A_209, %mul3A_211 : i32
      %dma_start3A_213 = arith.constant 0 : i32
      %dma_start3A_214 = tpu.memref_slice %arg12[%add3A_212, %dma_start3A_213] : memref<10240x128xf32, #tpu.memory_space<vmem_shared>> -> memref<80x128xf32, #tpu.memory_space<vmem_shared>>
      %dma_start3A_215 = arith.constant 0 : i32
      %dma_start3A_216 = tpu.memref_slice %arg12[%add3A_212, %dma_start3A_215] : memref<10240x128xf32, #tpu.memory_space<vmem_shared>> -> memref<80x128xf32, #tpu.memory_space<vmem_shared>>
      tpu.enqueue_dma source(%arg9 : memref<80x128xf32, #tpu.memory_space<vmem>>) target(%dma_start3A_216 : memref<80x128xf32, #tpu.memory_space<vmem_shared>>) target_semaphore(%arg16 : memref<!tpu.dma_semaphore, #tpu.memory_space<semaphore_mem>>)
    }
    %scan3A_9 = arith.constant 8 : i32
    %scan3A_10 = arith.constant 0 : i32
    %scan3A_11 = arith.constant 8 : i32
    %scan3A_12 = arith.addi %scan3A_10, %scan3A_11 : i32
    %scan3A_13 = arith.constant 1 : i32
    scf.for %scan3A_203 = %scan3A_10 to %scan3A_12 step %scan3A_13  : i32 {
      %mul3A_204 = arith.constant 1 : i32
      %mul3A_205 = arith.muli %scan3A_203, %mul3A_204 : i32
      %add3A_206 = arith.constant 0 : i32
      %add3A_207 = arith.addi %add3A_206, %mul3A_205 : i32
      %mul3A_208 = arith.constant 640 : i32
      %mul3A_209 = arith.muli %arg1, %mul3A_208 : i32
      %dma_wait3A_210 = arith.constant 0 : i32
      %dma_wait3A_211 = tpu.memref_slice %arg12[%mul3A_209, %dma_wait3A_210] : memref<10240x128xf32, #tpu.memory_space<vmem_shared>> -> memref<80x128xf32, #tpu.memory_space<vmem_shared>>
      %dma_wait3A_212 = arith.constant 0 : i32
      %dma_wait3A_213 = tpu.memref_slice %arg12[%mul3A_209, %dma_wait3A_212] : memref<10240x128xf32, #tpu.memory_space<vmem_shared>> -> memref<80x128xf32, #tpu.memory_space<vmem_shared>>
      tpu.wait_dma2 semaphore(%arg16 : memref<!tpu.dma_semaphore, #tpu.memory_space<semaphore_mem>>) src(%arg9 : memref<80x128xf32, #tpu.memory_space<vmem>>) dst(%dma_wait3A_213 : memref<80x128xf32, #tpu.memory_space<vmem_shared>>)
    }
    %scan3A_14 = arith.constant 8 : i32
    %mul3A_15 = arith.constant 10000 : i32
    %mul3A_16 = arith.muli %add3A, %mul3A_15 : i32
    %add3A_17 = arith.constant 0 : i32
    %add3A_18 = arith.addi %mul3A_16, %add3A_17 : i32
    "tpu.region"() ({
      %run_scoped3A = tpu.sem_alloc : memref<!tpu.dma_semaphore, #tpu.memory_space<semaphore_mem>>
      %dma_start3A_203 = arith.constant 0 : i32
      %dma_start3A_204 = tpu.memref_slice %arg7[%dma_start3A_203] : memref<5120xi32, #tpu.memory_space<vmem>> -> memref<5120xi32, #tpu.memory_space<vmem>>
      %dma_start3A_205 = tpu.memref_slice %arg3[%add3A_18] : memref<320000xi32, #tpu.memory_space<hbm>> -> memref<5120xi32, #tpu.memory_space<hbm>>
      %dma_start3A_206 = arith.constant 0 : i32
      %dma_start3A_207 = tpu.memref_slice %arg7[%dma_start3A_206] : memref<5120xi32, #tpu.memory_space<vmem>> -> memref<5120xi32, #tpu.memory_space<vmem>>
      %dma_start3A_208 = tpu.memref_slice %arg3[%add3A_18] : memref<320000xi32, #tpu.memory_space<hbm>> -> memref<5120xi32, #tpu.memory_space<hbm>>
      tpu.enqueue_dma source(%dma_start3A_208 : memref<5120xi32, #tpu.memory_space<hbm>>) target(%dma_start3A_207 : memref<5120xi32, #tpu.memory_space<vmem>>) target_semaphore(%run_scoped3A : memref<!tpu.dma_semaphore, #tpu.memory_space<semaphore_mem>>)
      %dma_wait3A_209 = arith.constant 0 : i32
      %dma_wait3A_210 = tpu.memref_slice %arg7[%dma_wait3A_209] : memref<5120xi32, #tpu.memory_space<vmem>> -> memref<5120xi32, #tpu.memory_space<vmem>>
      %dma_wait3A_211 = tpu.memref_slice %arg3[%add3A_18] : memref<320000xi32, #tpu.memory_space<hbm>> -> memref<5120xi32, #tpu.memory_space<hbm>>
      %dma_wait3A_212 = arith.constant 0 : i32
      %dma_wait3A_213 = tpu.memref_slice %arg7[%dma_wait3A_212] : memref<5120xi32, #tpu.memory_space<vmem>> -> memref<5120xi32, #tpu.memory_space<vmem>>
      %dma_wait3A_214 = tpu.memref_slice %arg3[%add3A_18] : memref<320000xi32, #tpu.memory_space<hbm>> -> memref<5120xi32, #tpu.memory_space<hbm>>
      tpu.wait_dma2 semaphore(%run_scoped3A : memref<!tpu.dma_semaphore, #tpu.memory_space<semaphore_mem>>) src(%dma_wait3A_214 : memref<5120xi32, #tpu.memory_space<hbm>>) dst(%dma_wait3A_213 : memref<5120xi32, #tpu.memory_space<vmem>>)
      tpu.yield
    }) : () -> ()
    %add3A_19 = arith.constant 0 : i32
    %add3A_20 = arith.addi %mul3A_16, %add3A_19 : i32
    "tpu.region"() ({
      %run_scoped3A = tpu.sem_alloc : memref<!tpu.dma_semaphore, #tpu.memory_space<semaphore_mem>>
      %dma_start3A_203 = arith.constant 0 : i32
      %dma_start3A_204 = tpu.memref_slice %arg8[%dma_start3A_203] : memref<5120xi32, #tpu.memory_space<vmem>> -> memref<5120xi32, #tpu.memory_space<vmem>>
      %dma_start3A_205 = tpu.memref_slice %arg4[%add3A_20] : memref<320000xi32, #tpu.memory_space<hbm>> -> memref<5120xi32, #tpu.memory_space<hbm>>
      %dma_start3A_206 = arith.constant 0 : i32
      %dma_start3A_207 = tpu.memref_slice %arg8[%dma_start3A_206] : memref<5120xi32, #tpu.memory_space<vmem>> -> memref<5120xi32, #tpu.memory_space<vmem>>
      %dma_start3A_208 = tpu.memref_slice %arg4[%add3A_20] : memref<320000xi32, #tpu.memory_space<hbm>> -> memref<5120xi32, #tpu.memory_space<hbm>>
      tpu.enqueue_dma source(%dma_start3A_208 : memref<5120xi32, #tpu.memory_space<hbm>>) target(%dma_start3A_207 : memref<5120xi32, #tpu.memory_space<vmem>>) target_semaphore(%run_scoped3A : memref<!tpu.dma_semaphore, #tpu.memory_space<semaphore_mem>>)
      %dma_wait3A_209 = arith.constant 0 : i32
      %dma_wait3A_210 = tpu.memref_slice %arg8[%dma_wait3A_209] : memref<5120xi32, #tpu.memory_space<vmem>> -> memref<5120xi32, #tpu.memory_space<vmem>>
      %dma_wait3A_211 = tpu.memref_slice %arg4[%add3A_20] : memref<320000xi32, #tpu.memory_space<hbm>> -> memref<5120xi32, #tpu.memory_space<hbm>>
      %dma_wait3A_212 = arith.constant 0 : i32
      %dma_wait3A_213 = tpu.memref_slice %arg8[%dma_wait3A_212] : memref<5120xi32, #tpu.memory_space<vmem>> -> memref<5120xi32, #tpu.memory_space<vmem>>
      %dma_wait3A_214 = tpu.memref_slice %arg4[%add3A_20] : memref<320000xi32, #tpu.memory_space<hbm>> -> memref<5120xi32, #tpu.memory_space<hbm>>
      tpu.wait_dma2 semaphore(%run_scoped3A : memref<!tpu.dma_semaphore, #tpu.memory_space<semaphore_mem>>) src(%dma_wait3A_214 : memref<5120xi32, #tpu.memory_space<hbm>>) dst(%dma_wait3A_213 : memref<5120xi32, #tpu.memory_space<vmem>>)
      tpu.yield
    }) : () -> ()
    %dma_start3A = arith.constant 0 : i32
    %dma_start3A_21 = tpu.memref_slice %arg7[%dma_start3A] : memref<5120xi32, #tpu.memory_space<vmem>> -> memref<80xi32, #tpu.memory_space<vmem>>
    %dma_start3A_22 = arith.constant 0 : i32
    %dma_start3A_23 = arith.constant 0 : i32
    %dma_start3A_24 = tpu.memref_slice %arg2[%dma_start3A_22, %dma_start3A_23] : memref<10240x128xf32, #tpu.memory_space<hbm>> -> memref<10240x128xf32, #tpu.memory_space<hbm>>
    tpu.enqueue_indirect_dma source(%dma_start3A_24 : memref<10240x128xf32, #tpu.memory_space<hbm>>) target(%arg9 : memref<80x128xf32, #tpu.memory_space<vmem>>) offsets(%dma_start3A_21 : memref<80xi32, #tpu.memory_space<vmem>>) semaphore(%arg13 : memref<!tpu.dma_semaphore, #tpu.memory_space<semaphore_mem>>)
    %dma_start3A_25 = arith.constant 80 : i32
    %dma_start3A_26 = tpu.memref_slice %arg7[%dma_start3A_25] : memref<5120xi32, #tpu.memory_space<vmem>> -> memref<80xi32, #tpu.memory_space<vmem>>
    %dma_start3A_27 = arith.constant 0 : i32
    %dma_start3A_28 = arith.constant 0 : i32
    %dma_start3A_29 = tpu.memref_slice %arg2[%dma_start3A_27, %dma_start3A_28] : memref<10240x128xf32, #tpu.memory_space<hbm>> -> memref<10240x128xf32, #tpu.memory_space<hbm>>
    tpu.enqueue_indirect_dma source(%dma_start3A_29 : memref<10240x128xf32, #tpu.memory_space<hbm>>) target(%arg10 : memref<80x128xf32, #tpu.memory_space<vmem>>) offsets(%dma_start3A_26 : memref<80xi32, #tpu.memory_space<vmem>>) semaphore(%arg14 : memref<!tpu.dma_semaphore, #tpu.memory_space<semaphore_mem>>)
    %barrier3A = arith.constant 0 : index
    tpu.barrier barrier_id(%barrier3A)
    %dma_wait3A = arith.constant 0 : i32
    %dma_wait3A_30 = tpu.memref_slice %arg7[%dma_wait3A] : memref<5120xi32, #tpu.memory_space<vmem>> -> memref<80xi32, #tpu.memory_space<vmem>>
    %dma_wait3A_31 = arith.constant 0 : i32
    %dma_wait3A_32 = arith.constant 0 : i32
    %dma_wait3A_33 = tpu.memref_slice %arg2[%dma_wait3A_31, %dma_wait3A_32] : memref<10240x128xf32, #tpu.memory_space<hbm>> -> memref<10240x128xf32, #tpu.memory_space<hbm>>
    tpu.wait_indirect_dma semaphore(%arg13 : memref<!tpu.dma_semaphore, #tpu.memory_space<semaphore_mem>>) src(%dma_wait3A_33 : memref<10240x128xf32, #tpu.memory_space<hbm>>) dst(%arg9 : memref<80x128xf32, #tpu.memory_space<vmem>>)
    %dma_start3A_34 = arith.constant 0 : i32
    %dma_start3A_35 = tpu.memref_slice %arg8[%dma_start3A_34] : memref<5120xi32, #tpu.memory_space<vmem>> -> memref<80xi32, #tpu.memory_space<vmem>>
    %dma_start3A_36 = arith.constant 0 : i32
    %dma_start3A_37 = arith.constant 0 : i32
    %dma_start3A_38 = tpu.memref_slice %arg12[%dma_start3A_36, %dma_start3A_37] : memref<10240x128xf32, #tpu.memory_space<vmem_shared>> -> memref<10240x128xf32, #tpu.memory_space<vmem_shared>>
    tpu.enqueue_indirect_dma source(%arg9 : memref<80x128xf32, #tpu.memory_space<vmem>>) target(%dma_start3A_38 : memref<10240x128xf32, #tpu.memory_space<vmem_shared>>) offsets(%dma_start3A_35 : memref<80xi32, #tpu.memory_space<vmem>>) semaphore(%arg16 : memref<!tpu.dma_semaphore, #tpu.memory_space<semaphore_mem>>) {add = true}
    %dma_start3A_39 = arith.constant 160 : i32
    %dma_start3A_40 = tpu.memref_slice %arg7[%dma_start3A_39] : memref<5120xi32, #tpu.memory_space<vmem>> -> memref<80xi32, #tpu.memory_space<vmem>>
    %dma_start3A_41 = arith.constant 0 : i32
    %dma_start3A_42 = arith.constant 0 : i32
    %dma_start3A_43 = tpu.memref_slice %arg2[%dma_start3A_41, %dma_start3A_42] : memref<10240x128xf32, #tpu.memory_space<hbm>> -> memref<10240x128xf32, #tpu.memory_space<hbm>>
    tpu.enqueue_indirect_dma source(%dma_start3A_43 : memref<10240x128xf32, #tpu.memory_space<hbm>>) target(%arg11 : memref<80x128xf32, #tpu.memory_space<vmem>>) offsets(%dma_start3A_40 : memref<80xi32, #tpu.memory_space<vmem>>) semaphore(%arg15 : memref<!tpu.dma_semaphore, #tpu.memory_space<semaphore_mem>>)
    %scan3A_44 = arith.constant 0 : i32
    %scan3A_45 = arith.constant 20 : i32
    %scan3A_46 = arith.addi %scan3A_44, %scan3A_45 : i32
    %scan3A_47 = arith.constant 1 : i32
    scf.for %scan3A_203 = %scan3A_44 to %scan3A_46 step %scan3A_47  : i32 {
      %mul3A_204 = arith.constant 1 : i32
      %mul3A_205 = arith.muli %scan3A_203, %mul3A_204 : i32
      %add3A_206 = arith.constant 0 : i32
      %add3A_207 = arith.addi %add3A_206, %mul3A_205 : i32
      %mul3A_208 = arith.constant 3 : i32
      %mul3A_209 = arith.muli %add3A_207, %mul3A_208 : i32
      %add3A_210 = arith.constant 1 : i32
      %add3A_211 = arith.addi %mul3A_209, %add3A_210 : i32
      %add3A_212 = arith.constant 0 : i32
      %add3A_213 = arith.addi %add3A_211, %add3A_212 : i32
      %dma_wait3A_214 = arith.constant 0 : i32
      %dma_wait3A_215 = tpu.memref_slice %arg7[%dma_wait3A_214] : memref<5120xi32, #tpu.memory_space<vmem>> -> memref<80xi32, #tpu.memory_space<vmem>>
      %dma_wait3A_216 = arith.constant 0 : i32
      %dma_wait3A_217 = arith.constant 0 : i32
      %dma_wait3A_218 = tpu.memref_slice %arg2[%dma_wait3A_216, %dma_wait3A_217] : memref<10240x128xf32, #tpu.memory_space<hbm>> -> memref<10240x128xf32, #tpu.memory_space<hbm>>
      tpu.wait_indirect_dma semaphore(%arg14 : memref<!tpu.dma_semaphore, #tpu.memory_space<semaphore_mem>>) src(%dma_wait3A_218 : memref<10240x128xf32, #tpu.memory_space<hbm>>) dst(%arg10 : memref<80x128xf32, #tpu.memory_space<vmem>>)
      %mul3A_219 = arith.constant 80 : i32
      %mul3A_220 = arith.muli %add3A_213, %mul3A_219 : i32
      %dma_start3A_221 = tpu.memref_slice %arg8[%mul3A_220] : memref<5120xi32, #tpu.memory_space<vmem>> -> memref<80xi32, #tpu.memory_space<vmem>>
      %dma_start3A_222 = arith.constant 0 : i32
      %dma_start3A_223 = arith.constant 0 : i32
      %dma_start3A_224 = tpu.memref_slice %arg12[%dma_start3A_222, %dma_start3A_223] : memref<10240x128xf32, #tpu.memory_space<vmem_shared>> -> memref<10240x128xf32, #tpu.memory_space<vmem_shared>>
      tpu.enqueue_indirect_dma source(%arg10 : memref<80x128xf32, #tpu.memory_space<vmem>>) target(%dma_start3A_224 : memref<10240x128xf32, #tpu.memory_space<vmem_shared>>) offsets(%dma_start3A_221 : memref<80xi32, #tpu.memory_space<vmem>>) semaphore(%arg17 : memref<!tpu.dma_semaphore, #tpu.memory_space<semaphore_mem>>) {add = true}
      %dma_wait3A_225 = arith.constant 0 : i32
      %dma_wait3A_226 = tpu.memref_slice %arg8[%dma_wait3A_225] : memref<5120xi32, #tpu.memory_space<vmem>> -> memref<80xi32, #tpu.memory_space<vmem>>
      %dma_wait3A_227 = arith.constant 0 : i32
      %dma_wait3A_228 = arith.constant 0 : i32
      %dma_wait3A_229 = tpu.memref_slice %arg12[%dma_wait3A_227, %dma_wait3A_228] : memref<10240x128xf32, #tpu.memory_space<vmem_shared>> -> memref<10240x128xf32, #tpu.memory_space<vmem_shared>>
      tpu.wait_indirect_dma semaphore(%arg16 : memref<!tpu.dma_semaphore, #tpu.memory_space<semaphore_mem>>) src(%arg9 : memref<80x128xf32, #tpu.memory_space<vmem>>) dst(%dma_wait3A_229 : memref<10240x128xf32, #tpu.memory_space<vmem_shared>>)
      %add3A_230 = arith.constant 2 : i32
      %add3A_231 = arith.addi %add3A_213, %add3A_230 : i32
      %mul3A_232 = arith.constant 80 : i32
      %mul3A_233 = arith.muli %add3A_231, %mul3A_232 : i32
      %dma_start3A_234 = tpu.memref_slice %arg7[%mul3A_233] : memref<5120xi32, #tpu.memory_space<vmem>> -> memref<80xi32, #tpu.memory_space<vmem>>
      %dma_start3A_235 = arith.constant 0 : i32
      %dma_start3A_236 = arith.constant 0 : i32
      %dma_start3A_237 = tpu.memref_slice %arg2[%dma_start3A_235, %dma_start3A_236] : memref<10240x128xf32, #tpu.memory_space<hbm>> -> memref<10240x128xf32, #tpu.memory_space<hbm>>
      tpu.enqueue_indirect_dma source(%dma_start3A_237 : memref<10240x128xf32, #tpu.memory_space<hbm>>) target(%arg9 : memref<80x128xf32, #tpu.memory_space<vmem>>) offsets(%dma_start3A_234 : memref<80xi32, #tpu.memory_space<vmem>>) semaphore(%arg13 : memref<!tpu.dma_semaphore, #tpu.memory_space<semaphore_mem>>)
      %add3A_238 = arith.constant 1 : i32
      %add3A_239 = arith.addi %mul3A_209, %add3A_238 : i32
      %add3A_240 = arith.constant 1 : i32
      %add3A_241 = arith.addi %add3A_239, %add3A_240 : i32
      %dma_wait3A_242 = arith.constant 0 : i32
      %dma_wait3A_243 = tpu.memref_slice %arg7[%dma_wait3A_242] : memref<5120xi32, #tpu.memory_space<vmem>> -> memref<80xi32, #tpu.memory_space<vmem>>
      %dma_wait3A_244 = arith.constant 0 : i32
      %dma_wait3A_245 = arith.constant 0 : i32
      %dma_wait3A_246 = tpu.memref_slice %arg2[%dma_wait3A_244, %dma_wait3A_245] : memref<10240x128xf32, #tpu.memory_space<hbm>> -> memref<10240x128xf32, #tpu.memory_space<hbm>>
      tpu.wait_indirect_dma semaphore(%arg15 : memref<!tpu.dma_semaphore, #tpu.memory_space<semaphore_mem>>) src(%dma_wait3A_246 : memref<10240x128xf32, #tpu.memory_space<hbm>>) dst(%arg11 : memref<80x128xf32, #tpu.memory_space<vmem>>)
      %mul3A_247 = arith.constant 80 : i32
      %mul3A_248 = arith.muli %add3A_241, %mul3A_247 : i32
      %dma_start3A_249 = tpu.memref_slice %arg8[%mul3A_248] : memref<5120xi32, #tpu.memory_space<vmem>> -> memref<80xi32, #tpu.memory_space<vmem>>
      %dma_start3A_250 = arith.constant 0 : i32
      %dma_start3A_251 = arith.constant 0 : i32
      %dma_start3A_252 = tpu.memref_slice %arg12[%dma_start3A_250, %dma_start3A_251] : memref<10240x128xf32, #tpu.memory_space<vmem_shared>> -> memref<10240x128xf32, #tpu.memory_space<vmem_shared>>
      tpu.enqueue_indirect_dma source(%arg11 : memref<80x128xf32, #tpu.memory_space<vmem>>) target(%dma_start3A_252 : memref<10240x128xf32, #tpu.memory_space<vmem_shared>>) offsets(%dma_start3A_249 : memref<80xi32, #tpu.memory_space<vmem>>) semaphore(%arg18 : memref<!tpu.dma_semaphore, #tpu.memory_space<semaphore_mem>>) {add = true}
      %dma_wait3A_253 = arith.constant 0 : i32
      %dma_wait3A_254 = tpu.memref_slice %arg8[%dma_wait3A_253] : memref<5120xi32, #tpu.memory_space<vmem>> -> memref<80xi32, #tpu.memory_space<vmem>>
      %dma_wait3A_255 = arith.constant 0 : i32
      %dma_wait3A_256 = arith.constant 0 : i32
      %dma_wait3A_257 = tpu.memref_slice %arg12[%dma_wait3A_255, %dma_wait3A_256] : memref<10240x128xf32, #tpu.memory_space<vmem_shared>> -> memref<10240x128xf32, #tpu.memory_space<vmem_shared>>
      tpu.wait_indirect_dma semaphore(%arg17 : memref<!tpu.dma_semaphore, #tpu.memory_space<semaphore_mem>>) src(%arg10 : memref<80x128xf32, #tpu.memory_space<vmem>>) dst(%dma_wait3A_257 : memref<10240x128xf32, #tpu.memory_space<vmem_shared>>)
      %add3A_258 = arith.constant 2 : i32
      %add3A_259 = arith.addi %add3A_241, %add3A_258 : i32
      %mul3A_260 = arith.constant 80 : i32
      %mul3A_261 = arith.muli %add3A_259, %mul3A_260 : i32
      %dma_start3A_262 = tpu.memref_slice %arg7[%mul3A_261] : memref<5120xi32, #tpu.memory_space<vmem>> -> memref<80xi32, #tpu.memory_space<vmem>>
      %dma_start3A_263 = arith.constant 0 : i32
      %dma_start3A_264 = arith.constant 0 : i32
      %dma_start3A_265 = tpu.memref_slice %arg2[%dma_start3A_263, %dma_start3A_264] : memref<10240x128xf32, #tpu.memory_space<hbm>> -> memref<10240x128xf32, #tpu.memory_space<hbm>>
      tpu.enqueue_indirect_dma source(%dma_start3A_265 : memref<10240x128xf32, #tpu.memory_space<hbm>>) target(%arg10 : memref<80x128xf32, #tpu.memory_space<vmem>>) offsets(%dma_start3A_262 : memref<80xi32, #tpu.memory_space<vmem>>) semaphore(%arg14 : memref<!tpu.dma_semaphore, #tpu.memory_space<semaphore_mem>>)
      %add3A_266 = arith.constant 1 : i32
      %add3A_267 = arith.addi %mul3A_209, %add3A_266 : i32
      %add3A_268 = arith.constant 2 : i32
      %add3A_269 = arith.addi %add3A_267, %add3A_268 : i32
      %dma_wait3A_270 = arith.constant 0 : i32
      %dma_wait3A_271 = tpu.memref_slice %arg7[%dma_wait3A_270] : memref<5120xi32, #tpu.memory_space<vmem>> -> memref<80xi32, #tpu.memory_space<vmem>>
      %dma_wait3A_272 = arith.constant 0 : i32
      %dma_wait3A_273 = arith.constant 0 : i32
      %dma_wait3A_274 = tpu.memref_slice %arg2[%dma_wait3A_272, %dma_wait3A_273] : memref<10240x128xf32, #tpu.memory_space<hbm>> -> memref<10240x128xf32, #tpu.memory_space<hbm>>
      tpu.wait_indirect_dma semaphore(%arg13 : memref<!tpu.dma_semaphore, #tpu.memory_space<semaphore_mem>>) src(%dma_wait3A_274 : memref<10240x128xf32, #tpu.memory_space<hbm>>) dst(%arg9 : memref<80x128xf32, #tpu.memory_space<vmem>>)
      %mul3A_275 = arith.constant 80 : i32
      %mul3A_276 = arith.muli %add3A_269, %mul3A_275 : i32
      %dma_start3A_277 = tpu.memref_slice %arg8[%mul3A_276] : memref<5120xi32, #tpu.memory_space<vmem>> -> memref<80xi32, #tpu.memory_space<vmem>>
      %dma_start3A_278 = arith.constant 0 : i32
      %dma_start3A_279 = arith.constant 0 : i32
      %dma_start3A_280 = tpu.memref_slice %arg12[%dma_start3A_278, %dma_start3A_279] : memref<10240x128xf32, #tpu.memory_space<vmem_shared>> -> memref<10240x128xf32, #tpu.memory_space<vmem_shared>>
      tpu.enqueue_indirect_dma source(%arg9 : memref<80x128xf32, #tpu.memory_space<vmem>>) target(%dma_start3A_280 : memref<10240x128xf32, #tpu.memory_space<vmem_shared>>) offsets(%dma_start3A_277 : memref<80xi32, #tpu.memory_space<vmem>>) semaphore(%arg16 : memref<!tpu.dma_semaphore, #tpu.memory_space<semaphore_mem>>) {add = true}
      %dma_wait3A_281 = arith.constant 0 : i32
      %dma_wait3A_282 = tpu.memref_slice %arg8[%dma_wait3A_281] : memref<5120xi32, #tpu.memory_space<vmem>> -> memref<80xi32, #tpu.memory_space<vmem>>
      %dma_wait3A_283 = arith.constant 0 : i32
      %dma_wait3A_284 = arith.constant 0 : i32
      %dma_wait3A_285 = tpu.memref_slice %arg12[%dma_wait3A_283, %dma_wait3A_284] : memref<10240x128xf32, #tpu.memory_space<vmem_shared>> -> memref<10240x128xf32, #tpu.memory_space<vmem_shared>>
      tpu.wait_indirect_dma semaphore(%arg18 : memref<!tpu.dma_semaphore, #tpu.memory_space<semaphore_mem>>) src(%arg11 : memref<80x128xf32, #tpu.memory_space<vmem>>) dst(%dma_wait3A_285 : memref<10240x128xf32, #tpu.memory_space<vmem_shared>>)
      %add3A_286 = arith.constant 2 : i32
      %add3A_287 = arith.addi %add3A_269, %add3A_286 : i32
      %mul3A_288 = arith.constant 80 : i32
      %mul3A_289 = arith.muli %add3A_287, %mul3A_288 : i32
      %dma_start3A_290 = tpu.memref_slice %arg7[%mul3A_289] : memref<5120xi32, #tpu.memory_space<vmem>> -> memref<80xi32, #tpu.memory_space<vmem>>
      %dma_start3A_291 = arith.constant 0 : i32
      %dma_start3A_292 = arith.constant 0 : i32
      %dma_start3A_293 = tpu.memref_slice %arg2[%dma_start3A_291, %dma_start3A_292] : memref<10240x128xf32, #tpu.memory_space<hbm>> -> memref<10240x128xf32, #tpu.memory_space<hbm>>
      tpu.enqueue_indirect_dma source(%dma_start3A_293 : memref<10240x128xf32, #tpu.memory_space<hbm>>) target(%arg11 : memref<80x128xf32, #tpu.memory_space<vmem>>) offsets(%dma_start3A_290 : memref<80xi32, #tpu.memory_space<vmem>>) semaphore(%arg15 : memref<!tpu.dma_semaphore, #tpu.memory_space<semaphore_mem>>)
    }
    %scan3A_48 = arith.constant 20 : i32
    %dma_wait3A_49 = arith.constant 0 : i32
    %dma_wait3A_50 = tpu.memref_slice %arg7[%dma_wait3A_49] : memref<5120xi32, #tpu.memory_space<vmem>> -> memref<80xi32, #tpu.memory_space<vmem>>
    %dma_wait3A_51 = arith.constant 0 : i32
    %dma_wait3A_52 = arith.constant 0 : i32
    %dma_wait3A_53 = tpu.memref_slice %arg2[%dma_wait3A_51, %dma_wait3A_52] : memref<10240x128xf32, #tpu.memory_space<hbm>> -> memref<10240x128xf32, #tpu.memory_space<hbm>>
    tpu.wait_indirect_dma semaphore(%arg14 : memref<!tpu.dma_semaphore, #tpu.memory_space<semaphore_mem>>) src(%dma_wait3A_53 : memref<10240x128xf32, #tpu.memory_space<hbm>>) dst(%arg10 : memref<80x128xf32, #tpu.memory_space<vmem>>)
    %dma_start3A_54 = arith.constant 4880 : i32
    %dma_start3A_55 = tpu.memref_slice %arg8[%dma_start3A_54] : memref<5120xi32, #tpu.memory_space<vmem>> -> memref<80xi32, #tpu.memory_space<vmem>>
    %dma_start3A_56 = arith.constant 0 : i32
    %dma_start3A_57 = arith.constant 0 : i32
    %dma_start3A_58 = tpu.memref_slice %arg12[%dma_start3A_56, %dma_start3A_57] : memref<10240x128xf32, #tpu.memory_space<vmem_shared>> -> memref<10240x128xf32, #tpu.memory_space<vmem_shared>>
    tpu.enqueue_indirect_dma source(%arg10 : memref<80x128xf32, #tpu.memory_space<vmem>>) target(%dma_start3A_58 : memref<10240x128xf32, #tpu.memory_space<vmem_shared>>) offsets(%dma_start3A_55 : memref<80xi32, #tpu.memory_space<vmem>>) semaphore(%arg17 : memref<!tpu.dma_semaphore, #tpu.memory_space<semaphore_mem>>) {add = true}
    %dma_wait3A_59 = arith.constant 0 : i32
    %dma_wait3A_60 = tpu.memref_slice %arg8[%dma_wait3A_59] : memref<5120xi32, #tpu.memory_space<vmem>> -> memref<80xi32, #tpu.memory_space<vmem>>
    %dma_wait3A_61 = arith.constant 0 : i32
    %dma_wait3A_62 = arith.constant 0 : i32
    %dma_wait3A_63 = tpu.memref_slice %arg12[%dma_wait3A_61, %dma_wait3A_62] : memref<10240x128xf32, #tpu.memory_space<vmem_shared>> -> memref<10240x128xf32, #tpu.memory_space<vmem_shared>>
    tpu.wait_indirect_dma semaphore(%arg16 : memref<!tpu.dma_semaphore, #tpu.memory_space<semaphore_mem>>) src(%arg9 : memref<80x128xf32, #tpu.memory_space<vmem>>) dst(%dma_wait3A_63 : memref<10240x128xf32, #tpu.memory_space<vmem_shared>>)
    %dma_start3A_64 = arith.constant 5040 : i32
    %dma_start3A_65 = tpu.memref_slice %arg7[%dma_start3A_64] : memref<5120xi32, #tpu.memory_space<vmem>> -> memref<80xi32, #tpu.memory_space<vmem>>
    %dma_start3A_66 = arith.constant 0 : i32
    %dma_start3A_67 = arith.constant 0 : i32
    %dma_start3A_68 = tpu.memref_slice %arg2[%dma_start3A_66, %dma_start3A_67] : memref<10240x128xf32, #tpu.memory_space<hbm>> -> memref<10240x128xf32, #tpu.memory_space<hbm>>
    tpu.enqueue_indirect_dma source(%dma_start3A_68 : memref<10240x128xf32, #tpu.memory_space<hbm>>) target(%arg9 : memref<80x128xf32, #tpu.memory_space<vmem>>) offsets(%dma_start3A_65 : memref<80xi32, #tpu.memory_space<vmem>>) semaphore(%arg13 : memref<!tpu.dma_semaphore, #tpu.memory_space<semaphore_mem>>)
    %dma_wait3A_69 = arith.constant 0 : i32
    %dma_wait3A_70 = tpu.memref_slice %arg7[%dma_wait3A_69] : memref<5120xi32, #tpu.memory_space<vmem>> -> memref<80xi32, #tpu.memory_space<vmem>>
    %dma_wait3A_71 = arith.constant 0 : i32
    %dma_wait3A_72 = arith.constant 0 : i32
    %dma_wait3A_73 = tpu.memref_slice %arg2[%dma_wait3A_71, %dma_wait3A_72] : memref<10240x128xf32, #tpu.memory_space<hbm>> -> memref<10240x128xf32, #tpu.memory_space<hbm>>
    tpu.wait_indirect_dma semaphore(%arg15 : memref<!tpu.dma_semaphore, #tpu.memory_space<semaphore_mem>>) src(%dma_wait3A_73 : memref<10240x128xf32, #tpu.memory_space<hbm>>) dst(%arg11 : memref<80x128xf32, #tpu.memory_space<vmem>>)
    %dma_start3A_74 = arith.constant 4960 : i32
    %dma_start3A_75 = tpu.memref_slice %arg8[%dma_start3A_74] : memref<5120xi32, #tpu.memory_space<vmem>> -> memref<80xi32, #tpu.memory_space<vmem>>
    %dma_start3A_76 = arith.constant 0 : i32
    %dma_start3A_77 = arith.constant 0 : i32
    %dma_start3A_78 = tpu.memref_slice %arg12[%dma_start3A_76, %dma_start3A_77] : memref<10240x128xf32, #tpu.memory_space<vmem_shared>> -> memref<10240x128xf32, #tpu.memory_space<vmem_shared>>
    tpu.enqueue_indirect_dma source(%arg11 : memref<80x128xf32, #tpu.memory_space<vmem>>) target(%dma_start3A_78 : memref<10240x128xf32, #tpu.memory_space<vmem_shared>>) offsets(%dma_start3A_75 : memref<80xi32, #tpu.memory_space<vmem>>) semaphore(%arg18 : memref<!tpu.dma_semaphore, #tpu.memory_space<semaphore_mem>>) {add = true}
    %dma_wait3A_79 = arith.constant 0 : i32
    %dma_wait3A_80 = tpu.memref_slice %arg7[%dma_wait3A_79] : memref<5120xi32, #tpu.memory_space<vmem>> -> memref<80xi32, #tpu.memory_space<vmem>>
    %dma_wait3A_81 = arith.constant 0 : i32
    %dma_wait3A_82 = arith.constant 0 : i32
    %dma_wait3A_83 = tpu.memref_slice %arg2[%dma_wait3A_81, %dma_wait3A_82] : memref<10240x128xf32, #tpu.memory_space<hbm>> -> memref<10240x128xf32, #tpu.memory_space<hbm>>
    tpu.wait_indirect_dma semaphore(%arg13 : memref<!tpu.dma_semaphore, #tpu.memory_space<semaphore_mem>>) src(%dma_wait3A_83 : memref<10240x128xf32, #tpu.memory_space<hbm>>) dst(%arg9 : memref<80x128xf32, #tpu.memory_space<vmem>>)
    %dma_start3A_84 = arith.constant 5040 : i32
    %dma_start3A_85 = tpu.memref_slice %arg8[%dma_start3A_84] : memref<5120xi32, #tpu.memory_space<vmem>> -> memref<80xi32, #tpu.memory_space<vmem>>
    %dma_start3A_86 = arith.constant 0 : i32
    %dma_start3A_87 = arith.constant 0 : i32
    %dma_start3A_88 = tpu.memref_slice %arg12[%dma_start3A_86, %dma_start3A_87] : memref<10240x128xf32, #tpu.memory_space<vmem_shared>> -> memref<10240x128xf32, #tpu.memory_space<vmem_shared>>
    tpu.enqueue_indirect_dma source(%arg9 : memref<80x128xf32, #tpu.memory_space<vmem>>) target(%dma_start3A_88 : memref<10240x128xf32, #tpu.memory_space<vmem_shared>>) offsets(%dma_start3A_85 : memref<80xi32, #tpu.memory_space<vmem>>) semaphore(%arg16 : memref<!tpu.dma_semaphore, #tpu.memory_space<semaphore_mem>>) {add = true}
    %dma_wait3A_89 = arith.constant 0 : i32
    %dma_wait3A_90 = tpu.memref_slice %arg8[%dma_wait3A_89] : memref<5120xi32, #tpu.memory_space<vmem>> -> memref<80xi32, #tpu.memory_space<vmem>>
    %dma_wait3A_91 = arith.constant 0 : i32
    %dma_wait3A_92 = arith.constant 0 : i32
    %dma_wait3A_93 = tpu.memref_slice %arg12[%dma_wait3A_91, %dma_wait3A_92] : memref<10240x128xf32, #tpu.memory_space<vmem_shared>> -> memref<10240x128xf32, #tpu.memory_space<vmem_shared>>
    tpu.wait_indirect_dma semaphore(%arg16 : memref<!tpu.dma_semaphore, #tpu.memory_space<semaphore_mem>>) src(%arg9 : memref<80x128xf32, #tpu.memory_space<vmem>>) dst(%dma_wait3A_93 : memref<10240x128xf32, #tpu.memory_space<vmem_shared>>)
    %dma_wait3A_94 = arith.constant 0 : i32
    %dma_wait3A_95 = tpu.memref_slice %arg8[%dma_wait3A_94] : memref<5120xi32, #tpu.memory_space<vmem>> -> memref<80xi32, #tpu.memory_space<vmem>>
    %dma_wait3A_96 = arith.constant 0 : i32
    %dma_wait3A_97 = arith.constant 0 : i32
    %dma_wait3A_98 = tpu.memref_slice %arg12[%dma_wait3A_96, %dma_wait3A_97] : memref<10240x128xf32, #tpu.memory_space<vmem_shared>> -> memref<10240x128xf32, #tpu.memory_space<vmem_shared>>
    tpu.wait_indirect_dma semaphore(%arg17 : memref<!tpu.dma_semaphore, #tpu.memory_space<semaphore_mem>>) src(%arg10 : memref<80x128xf32, #tpu.memory_space<vmem>>) dst(%dma_wait3A_98 : memref<10240x128xf32, #tpu.memory_space<vmem_shared>>)
    %dma_wait3A_99 = arith.constant 0 : i32
    %dma_wait3A_100 = tpu.memref_slice %arg8[%dma_wait3A_99] : memref<5120xi32, #tpu.memory_space<vmem>> -> memref<80xi32, #tpu.memory_space<vmem>>
    %dma_wait3A_101 = arith.constant 0 : i32
    %dma_wait3A_102 = arith.constant 0 : i32
    %dma_wait3A_103 = tpu.memref_slice %arg12[%dma_wait3A_101, %dma_wait3A_102] : memref<10240x128xf32, #tpu.memory_space<vmem_shared>> -> memref<10240x128xf32, #tpu.memory_space<vmem_shared>>
    tpu.wait_indirect_dma semaphore(%arg18 : memref<!tpu.dma_semaphore, #tpu.memory_space<semaphore_mem>>) src(%arg11 : memref<80x128xf32, #tpu.memory_space<vmem>>) dst(%dma_wait3A_103 : memref<10240x128xf32, #tpu.memory_space<vmem_shared>>)
    %add3A_104 = arith.constant 5120 : i32
    %add3A_105 = arith.addi %mul3A_16, %add3A_104 : i32
    "tpu.region"() ({
      %run_scoped3A = tpu.sem_alloc : memref<!tpu.dma_semaphore, #tpu.memory_space<semaphore_mem>>
      %dma_start3A_203 = arith.constant 0 : i32
      %dma_start3A_204 = tpu.memref_slice %arg7[%dma_start3A_203] : memref<5120xi32, #tpu.memory_space<vmem>> -> memref<4880xi32, #tpu.memory_space<vmem>>
      %dma_start3A_205 = tpu.memref_slice %arg3[%add3A_105] : memref<320000xi32, #tpu.memory_space<hbm>> -> memref<4880xi32, #tpu.memory_space<hbm>>
      %dma_start3A_206 = arith.constant 0 : i32
      %dma_start3A_207 = tpu.memref_slice %arg7[%dma_start3A_206] : memref<5120xi32, #tpu.memory_space<vmem>> -> memref<4880xi32, #tpu.memory_space<vmem>>
      %dma_start3A_208 = tpu.memref_slice %arg3[%add3A_105] : memref<320000xi32, #tpu.memory_space<hbm>> -> memref<4880xi32, #tpu.memory_space<hbm>>
      tpu.enqueue_dma source(%dma_start3A_208 : memref<4880xi32, #tpu.memory_space<hbm>>) target(%dma_start3A_207 : memref<4880xi32, #tpu.memory_space<vmem>>) target_semaphore(%run_scoped3A : memref<!tpu.dma_semaphore, #tpu.memory_space<semaphore_mem>>)
      %dma_wait3A_209 = arith.constant 0 : i32
      %dma_wait3A_210 = tpu.memref_slice %arg7[%dma_wait3A_209] : memref<5120xi32, #tpu.memory_space<vmem>> -> memref<4880xi32, #tpu.memory_space<vmem>>
      %dma_wait3A_211 = tpu.memref_slice %arg3[%add3A_105] : memref<320000xi32, #tpu.memory_space<hbm>> -> memref<4880xi32, #tpu.memory_space<hbm>>
      %dma_wait3A_212 = arith.constant 0 : i32
      %dma_wait3A_213 = tpu.memref_slice %arg7[%dma_wait3A_212] : memref<5120xi32, #tpu.memory_space<vmem>> -> memref<4880xi32, #tpu.memory_space<vmem>>
      %dma_wait3A_214 = tpu.memref_slice %arg3[%add3A_105] : memref<320000xi32, #tpu.memory_space<hbm>> -> memref<4880xi32, #tpu.memory_space<hbm>>
      tpu.wait_dma2 semaphore(%run_scoped3A : memref<!tpu.dma_semaphore, #tpu.memory_space<semaphore_mem>>) src(%dma_wait3A_214 : memref<4880xi32, #tpu.memory_space<hbm>>) dst(%dma_wait3A_213 : memref<4880xi32, #tpu.memory_space<vmem>>)
      tpu.yield
    }) : () -> ()
    %add3A_106 = arith.constant 5120 : i32
    %add3A_107 = arith.addi %mul3A_16, %add3A_106 : i32
    "tpu.region"() ({
      %run_scoped3A = tpu.sem_alloc : memref<!tpu.dma_semaphore, #tpu.memory_space<semaphore_mem>>
      %dma_start3A_203 = arith.constant 0 : i32
      %dma_start3A_204 = tpu.memref_slice %arg8[%dma_start3A_203] : memref<5120xi32, #tpu.memory_space<vmem>> -> memref<4880xi32, #tpu.memory_space<vmem>>
      %dma_start3A_205 = tpu.memref_slice %arg4[%add3A_107] : memref<320000xi32, #tpu.memory_space<hbm>> -> memref<4880xi32, #tpu.memory_space<hbm>>
      %dma_start3A_206 = arith.constant 0 : i32
      %dma_start3A_207 = tpu.memref_slice %arg8[%dma_start3A_206] : memref<5120xi32, #tpu.memory_space<vmem>> -> memref<4880xi32, #tpu.memory_space<vmem>>
      %dma_start3A_208 = tpu.memref_slice %arg4[%add3A_107] : memref<320000xi32, #tpu.memory_space<hbm>> -> memref<4880xi32, #tpu.memory_space<hbm>>
      tpu.enqueue_dma source(%dma_start3A_208 : memref<4880xi32, #tpu.memory_space<hbm>>) target(%dma_start3A_207 : memref<4880xi32, #tpu.memory_space<vmem>>) target_semaphore(%run_scoped3A : memref<!tpu.dma_semaphore, #tpu.memory_space<semaphore_mem>>)
      %dma_wait3A_209 = arith.constant 0 : i32
      %dma_wait3A_210 = tpu.memref_slice %arg8[%dma_wait3A_209] : memref<5120xi32, #tpu.memory_space<vmem>> -> memref<4880xi32, #tpu.memory_space<vmem>>
      %dma_wait3A_211 = tpu.memref_slice %arg4[%add3A_107] : memref<320000xi32, #tpu.memory_space<hbm>> -> memref<4880xi32, #tpu.memory_space<hbm>>
      %dma_wait3A_212 = arith.constant 0 : i32
      %dma_wait3A_213 = tpu.memref_slice %arg8[%dma_wait3A_212] : memref<5120xi32, #tpu.memory_space<vmem>> -> memref<4880xi32, #tpu.memory_space<vmem>>
      %dma_wait3A_214 = tpu.memref_slice %arg4[%add3A_107] : memref<320000xi32, #tpu.memory_space<hbm>> -> memref<4880xi32, #tpu.memory_space<hbm>>
      tpu.wait_dma2 semaphore(%run_scoped3A : memref<!tpu.dma_semaphore, #tpu.memory_space<semaphore_mem>>) src(%dma_wait3A_214 : memref<4880xi32, #tpu.memory_space<hbm>>) dst(%dma_wait3A_213 : memref<4880xi32, #tpu.memory_space<vmem>>)
      tpu.yield
    }) : () -> ()
    %dma_start3A_108 = arith.constant 0 : i32
    %dma_start3A_109 = tpu.memref_slice %arg7[%dma_start3A_108] : memref<5120xi32, #tpu.memory_space<vmem>> -> memref<80xi32, #tpu.memory_space<vmem>>
    %dma_start3A_110 = arith.constant 0 : i32
    %dma_start3A_111 = arith.constant 0 : i32
    %dma_start3A_112 = tpu.memref_slice %arg2[%dma_start3A_110, %dma_start3A_111] : memref<10240x128xf32, #tpu.memory_space<hbm>> -> memref<10240x128xf32, #tpu.memory_space<hbm>>
    tpu.enqueue_indirect_dma source(%dma_start3A_112 : memref<10240x128xf32, #tpu.memory_space<hbm>>) target(%arg9 : memref<80x128xf32, #tpu.memory_space<vmem>>) offsets(%dma_start3A_109 : memref<80xi32, #tpu.memory_space<vmem>>) semaphore(%arg13 : memref<!tpu.dma_semaphore, #tpu.memory_space<semaphore_mem>>)
    %dma_start3A_113 = arith.constant 80 : i32
    %dma_start3A_114 = tpu.memref_slice %arg7[%dma_start3A_113] : memref<5120xi32, #tpu.memory_space<vmem>> -> memref<80xi32, #tpu.memory_space<vmem>>
    %dma_start3A_115 = arith.constant 0 : i32
    %dma_start3A_116 = arith.constant 0 : i32
    %dma_start3A_117 = tpu.memref_slice %arg2[%dma_start3A_115, %dma_start3A_116] : memref<10240x128xf32, #tpu.memory_space<hbm>> -> memref<10240x128xf32, #tpu.memory_space<hbm>>
    tpu.enqueue_indirect_dma source(%dma_start3A_117 : memref<10240x128xf32, #tpu.memory_space<hbm>>) target(%arg10 : memref<80x128xf32, #tpu.memory_space<vmem>>) offsets(%dma_start3A_114 : memref<80xi32, #tpu.memory_space<vmem>>) semaphore(%arg14 : memref<!tpu.dma_semaphore, #tpu.memory_space<semaphore_mem>>)
    %dma_wait3A_118 = arith.constant 0 : i32
    %dma_wait3A_119 = tpu.memref_slice %arg7[%dma_wait3A_118] : memref<5120xi32, #tpu.memory_space<vmem>> -> memref<80xi32, #tpu.memory_space<vmem>>
    %dma_wait3A_120 = arith.constant 0 : i32
    %dma_wait3A_121 = arith.constant 0 : i32
    %dma_wait3A_122 = tpu.memref_slice %arg2[%dma_wait3A_120, %dma_wait3A_121] : memref<10240x128xf32, #tpu.memory_space<hbm>> -> memref<10240x128xf32, #tpu.memory_space<hbm>>
    tpu.wait_indirect_dma semaphore(%arg13 : memref<!tpu.dma_semaphore, #tpu.memory_space<semaphore_mem>>) src(%dma_wait3A_122 : memref<10240x128xf32, #tpu.memory_space<hbm>>) dst(%arg9 : memref<80x128xf32, #tpu.memory_space<vmem>>)
    %dma_start3A_123 = arith.constant 0 : i32
    %dma_start3A_124 = tpu.memref_slice %arg8[%dma_start3A_123] : memref<5120xi32, #tpu.memory_space<vmem>> -> memref<80xi32, #tpu.memory_space<vmem>>
    %dma_start3A_125 = arith.constant 0 : i32
    %dma_start3A_126 = arith.constant 0 : i32
    %dma_start3A_127 = tpu.memref_slice %arg12[%dma_start3A_125, %dma_start3A_126] : memref<10240x128xf32, #tpu.memory_space<vmem_shared>> -> memref<10240x128xf32, #tpu.memory_space<vmem_shared>>
    tpu.enqueue_indirect_dma source(%arg9 : memref<80x128xf32, #tpu.memory_space<vmem>>) target(%dma_start3A_127 : memref<10240x128xf32, #tpu.memory_space<vmem_shared>>) offsets(%dma_start3A_124 : memref<80xi32, #tpu.memory_space<vmem>>) semaphore(%arg16 : memref<!tpu.dma_semaphore, #tpu.memory_space<semaphore_mem>>) {add = true}
    %dma_start3A_128 = arith.constant 160 : i32
    %dma_start3A_129 = tpu.memref_slice %arg7[%dma_start3A_128] : memref<5120xi32, #tpu.memory_space<vmem>> -> memref<80xi32, #tpu.memory_space<vmem>>
    %dma_start3A_130 = arith.constant 0 : i32
    %dma_start3A_131 = arith.constant 0 : i32
    %dma_start3A_132 = tpu.memref_slice %arg2[%dma_start3A_130, %dma_start3A_131] : memref<10240x128xf32, #tpu.memory_space<hbm>> -> memref<10240x128xf32, #tpu.memory_space<hbm>>
    tpu.enqueue_indirect_dma source(%dma_start3A_132 : memref<10240x128xf32, #tpu.memory_space<hbm>>) target(%arg11 : memref<80x128xf32, #tpu.memory_space<vmem>>) offsets(%dma_start3A_129 : memref<80xi32, #tpu.memory_space<vmem>>) semaphore(%arg15 : memref<!tpu.dma_semaphore, #tpu.memory_space<semaphore_mem>>)
    %scan3A_133 = arith.constant 0 : i32
    %scan3A_134 = arith.constant 19 : i32
    %scan3A_135 = arith.addi %scan3A_133, %scan3A_134 : i32
    %scan3A_136 = arith.constant 1 : i32
    scf.for %scan3A_203 = %scan3A_133 to %scan3A_135 step %scan3A_136  : i32 {
      %mul3A_204 = arith.constant 1 : i32
      %mul3A_205 = arith.muli %scan3A_203, %mul3A_204 : i32
      %add3A_206 = arith.constant 0 : i32
      %add3A_207 = arith.addi %add3A_206, %mul3A_205 : i32
      %mul3A_208 = arith.constant 3 : i32
      %mul3A_209 = arith.muli %add3A_207, %mul3A_208 : i32
      %add3A_210 = arith.constant 1 : i32
      %add3A_211 = arith.addi %mul3A_209, %add3A_210 : i32
      %add3A_212 = arith.constant 0 : i32
      %add3A_213 = arith.addi %add3A_211, %add3A_212 : i32
      %dma_wait3A_214 = arith.constant 0 : i32
      %dma_wait3A_215 = tpu.memref_slice %arg7[%dma_wait3A_214] : memref<5120xi32, #tpu.memory_space<vmem>> -> memref<80xi32, #tpu.memory_space<vmem>>
      %dma_wait3A_216 = arith.constant 0 : i32
      %dma_wait3A_217 = arith.constant 0 : i32
      %dma_wait3A_218 = tpu.memref_slice %arg2[%dma_wait3A_216, %dma_wait3A_217] : memref<10240x128xf32, #tpu.memory_space<hbm>> -> memref<10240x128xf32, #tpu.memory_space<hbm>>
      tpu.wait_indirect_dma semaphore(%arg14 : memref<!tpu.dma_semaphore, #tpu.memory_space<semaphore_mem>>) src(%dma_wait3A_218 : memref<10240x128xf32, #tpu.memory_space<hbm>>) dst(%arg10 : memref<80x128xf32, #tpu.memory_space<vmem>>)
      %mul3A_219 = arith.constant 80 : i32
      %mul3A_220 = arith.muli %add3A_213, %mul3A_219 : i32
      %dma_start3A_221 = tpu.memref_slice %arg8[%mul3A_220] : memref<5120xi32, #tpu.memory_space<vmem>> -> memref<80xi32, #tpu.memory_space<vmem>>
      %dma_start3A_222 = arith.constant 0 : i32
      %dma_start3A_223 = arith.constant 0 : i32
      %dma_start3A_224 = tpu.memref_slice %arg12[%dma_start3A_222, %dma_start3A_223] : memref<10240x128xf32, #tpu.memory_space<vmem_shared>> -> memref<10240x128xf32, #tpu.memory_space<vmem_shared>>
      tpu.enqueue_indirect_dma source(%arg10 : memref<80x128xf32, #tpu.memory_space<vmem>>) target(%dma_start3A_224 : memref<10240x128xf32, #tpu.memory_space<vmem_shared>>) offsets(%dma_start3A_221 : memref<80xi32, #tpu.memory_space<vmem>>) semaphore(%arg17 : memref<!tpu.dma_semaphore, #tpu.memory_space<semaphore_mem>>) {add = true}
      %dma_wait3A_225 = arith.constant 0 : i32
      %dma_wait3A_226 = tpu.memref_slice %arg8[%dma_wait3A_225] : memref<5120xi32, #tpu.memory_space<vmem>> -> memref<80xi32, #tpu.memory_space<vmem>>
      %dma_wait3A_227 = arith.constant 0 : i32
      %dma_wait3A_228 = arith.constant 0 : i32
      %dma_wait3A_229 = tpu.memref_slice %arg12[%dma_wait3A_227, %dma_wait3A_228] : memref<10240x128xf32, #tpu.memory_space<vmem_shared>> -> memref<10240x128xf32, #tpu.memory_space<vmem_shared>>
      tpu.wait_indirect_dma semaphore(%arg16 : memref<!tpu.dma_semaphore, #tpu.memory_space<semaphore_mem>>) src(%arg9 : memref<80x128xf32, #tpu.memory_space<vmem>>) dst(%dma_wait3A_229 : memref<10240x128xf32, #tpu.memory_space<vmem_shared>>)
      %add3A_230 = arith.constant 2 : i32
      %add3A_231 = arith.addi %add3A_213, %add3A_230 : i32
      %mul3A_232 = arith.constant 80 : i32
      %mul3A_233 = arith.muli %add3A_231, %mul3A_232 : i32
      %dma_start3A_234 = tpu.memref_slice %arg7[%mul3A_233] : memref<5120xi32, #tpu.memory_space<vmem>> -> memref<80xi32, #tpu.memory_space<vmem>>
      %dma_start3A_235 = arith.constant 0 : i32
      %dma_start3A_236 = arith.constant 0 : i32
      %dma_start3A_237 = tpu.memref_slice %arg2[%dma_start3A_235, %dma_start3A_236] : memref<10240x128xf32, #tpu.memory_space<hbm>> -> memref<10240x128xf32, #tpu.memory_space<hbm>>
      tpu.enqueue_indirect_dma source(%dma_start3A_237 : memref<10240x128xf32, #tpu.memory_space<hbm>>) target(%arg9 : memref<80x128xf32, #tpu.memory_space<vmem>>) offsets(%dma_start3A_234 : memref<80xi32, #tpu.memory_space<vmem>>) semaphore(%arg13 : memref<!tpu.dma_semaphore, #tpu.memory_space<semaphore_mem>>)
      %add3A_238 = arith.constant 1 : i32
      %add3A_239 = arith.addi %mul3A_209, %add3A_238 : i32
      %add3A_240 = arith.constant 1 : i32
      %add3A_241 = arith.addi %add3A_239, %add3A_240 : i32
      %dma_wait3A_242 = arith.constant 0 : i32
      %dma_wait3A_243 = tpu.memref_slice %arg7[%dma_wait3A_242] : memref<5120xi32, #tpu.memory_space<vmem>> -> memref<80xi32, #tpu.memory_space<vmem>>
      %dma_wait3A_244 = arith.constant 0 : i32
      %dma_wait3A_245 = arith.constant 0 : i32
      %dma_wait3A_246 = tpu.memref_slice %arg2[%dma_wait3A_244, %dma_wait3A_245] : memref<10240x128xf32, #tpu.memory_space<hbm>> -> memref<10240x128xf32, #tpu.memory_space<hbm>>
      tpu.wait_indirect_dma semaphore(%arg15 : memref<!tpu.dma_semaphore, #tpu.memory_space<semaphore_mem>>) src(%dma_wait3A_246 : memref<10240x128xf32, #tpu.memory_space<hbm>>) dst(%arg11 : memref<80x128xf32, #tpu.memory_space<vmem>>)
      %mul3A_247 = arith.constant 80 : i32
      %mul3A_248 = arith.muli %add3A_241, %mul3A_247 : i32
      %dma_start3A_249 = tpu.memref_slice %arg8[%mul3A_248] : memref<5120xi32, #tpu.memory_space<vmem>> -> memref<80xi32, #tpu.memory_space<vmem>>
      %dma_start3A_250 = arith.constant 0 : i32
      %dma_start3A_251 = arith.constant 0 : i32
      %dma_start3A_252 = tpu.memref_slice %arg12[%dma_start3A_250, %dma_start3A_251] : memref<10240x128xf32, #tpu.memory_space<vmem_shared>> -> memref<10240x128xf32, #tpu.memory_space<vmem_shared>>
      tpu.enqueue_indirect_dma source(%arg11 : memref<80x128xf32, #tpu.memory_space<vmem>>) target(%dma_start3A_252 : memref<10240x128xf32, #tpu.memory_space<vmem_shared>>) offsets(%dma_start3A_249 : memref<80xi32, #tpu.memory_space<vmem>>) semaphore(%arg18 : memref<!tpu.dma_semaphore, #tpu.memory_space<semaphore_mem>>) {add = true}
      %dma_wait3A_253 = arith.constant 0 : i32
      %dma_wait3A_254 = tpu.memref_slice %arg8[%dma_wait3A_253] : memref<5120xi32, #tpu.memory_space<vmem>> -> memref<80xi32, #tpu.memory_space<vmem>>
      %dma_wait3A_255 = arith.constant 0 : i32
      %dma_wait3A_256 = arith.constant 0 : i32
      %dma_wait3A_257 = tpu.memref_slice %arg12[%dma_wait3A_255, %dma_wait3A_256] : memref<10240x128xf32, #tpu.memory_space<vmem_shared>> -> memref<10240x128xf32, #tpu.memory_space<vmem_shared>>
      tpu.wait_indirect_dma semaphore(%arg17 : memref<!tpu.dma_semaphore, #tpu.memory_space<semaphore_mem>>) src(%arg10 : memref<80x128xf32, #tpu.memory_space<vmem>>) dst(%dma_wait3A_257 : memref<10240x128xf32, #tpu.memory_space<vmem_shared>>)
      %add3A_258 = arith.constant 2 : i32
      %add3A_259 = arith.addi %add3A_241, %add3A_258 : i32
      %mul3A_260 = arith.constant 80 : i32
      %mul3A_261 = arith.muli %add3A_259, %mul3A_260 : i32
      %dma_start3A_262 = tpu.memref_slice %arg7[%mul3A_261] : memref<5120xi32, #tpu.memory_space<vmem>> -> memref<80xi32, #tpu.memory_space<vmem>>
      %dma_start3A_263 = arith.constant 0 : i32
      %dma_start3A_264 = arith.constant 0 : i32
      %dma_start3A_265 = tpu.memref_slice %arg2[%dma_start3A_263, %dma_start3A_264] : memref<10240x128xf32, #tpu.memory_space<hbm>> -> memref<10240x128xf32, #tpu.memory_space<hbm>>
      tpu.enqueue_indirect_dma source(%dma_start3A_265 : memref<10240x128xf32, #tpu.memory_space<hbm>>) target(%arg10 : memref<80x128xf32, #tpu.memory_space<vmem>>) offsets(%dma_start3A_262 : memref<80xi32, #tpu.memory_space<vmem>>) semaphore(%arg14 : memref<!tpu.dma_semaphore, #tpu.memory_space<semaphore_mem>>)
      %add3A_266 = arith.constant 1 : i32
      %add3A_267 = arith.addi %mul3A_209, %add3A_266 : i32
      %add3A_268 = arith.constant 2 : i32
      %add3A_269 = arith.addi %add3A_267, %add3A_268 : i32
      %dma_wait3A_270 = arith.constant 0 : i32
      %dma_wait3A_271 = tpu.memref_slice %arg7[%dma_wait3A_270] : memref<5120xi32, #tpu.memory_space<vmem>> -> memref<80xi32, #tpu.memory_space<vmem>>
      %dma_wait3A_272 = arith.constant 0 : i32
      %dma_wait3A_273 = arith.constant 0 : i32
      %dma_wait3A_274 = tpu.memref_slice %arg2[%dma_wait3A_272, %dma_wait3A_273] : memref<10240x128xf32, #tpu.memory_space<hbm>> -> memref<10240x128xf32, #tpu.memory_space<hbm>>
      tpu.wait_indirect_dma semaphore(%arg13 : memref<!tpu.dma_semaphore, #tpu.memory_space<semaphore_mem>>) src(%dma_wait3A_274 : memref<10240x128xf32, #tpu.memory_space<hbm>>) dst(%arg9 : memref<80x128xf32, #tpu.memory_space<vmem>>)
      %mul3A_275 = arith.constant 80 : i32
      %mul3A_276 = arith.muli %add3A_269, %mul3A_275 : i32
      %dma_start3A_277 = tpu.memref_slice %arg8[%mul3A_276] : memref<5120xi32, #tpu.memory_space<vmem>> -> memref<80xi32, #tpu.memory_space<vmem>>
      %dma_start3A_278 = arith.constant 0 : i32
      %dma_start3A_279 = arith.constant 0 : i32
      %dma_start3A_280 = tpu.memref_slice %arg12[%dma_start3A_278, %dma_start3A_279] : memref<10240x128xf32, #tpu.memory_space<vmem_shared>> -> memref<10240x128xf32, #tpu.memory_space<vmem_shared>>
      tpu.enqueue_indirect_dma source(%arg9 : memref<80x128xf32, #tpu.memory_space<vmem>>) target(%dma_start3A_280 : memref<10240x128xf32, #tpu.memory_space<vmem_shared>>) offsets(%dma_start3A_277 : memref<80xi32, #tpu.memory_space<vmem>>) semaphore(%arg16 : memref<!tpu.dma_semaphore, #tpu.memory_space<semaphore_mem>>) {add = true}
      %dma_wait3A_281 = arith.constant 0 : i32
      %dma_wait3A_282 = tpu.memref_slice %arg8[%dma_wait3A_281] : memref<5120xi32, #tpu.memory_space<vmem>> -> memref<80xi32, #tpu.memory_space<vmem>>
      %dma_wait3A_283 = arith.constant 0 : i32
      %dma_wait3A_284 = arith.constant 0 : i32
      %dma_wait3A_285 = tpu.memref_slice %arg12[%dma_wait3A_283, %dma_wait3A_284] : memref<10240x128xf32, #tpu.memory_space<vmem_shared>> -> memref<10240x128xf32, #tpu.memory_space<vmem_shared>>
      tpu.wait_indirect_dma semaphore(%arg18 : memref<!tpu.dma_semaphore, #tpu.memory_space<semaphore_mem>>) src(%arg11 : memref<80x128xf32, #tpu.memory_space<vmem>>) dst(%dma_wait3A_285 : memref<10240x128xf32, #tpu.memory_space<vmem_shared>>)
      %add3A_286 = arith.constant 2 : i32
      %add3A_287 = arith.addi %add3A_269, %add3A_286 : i32
      %mul3A_288 = arith.constant 80 : i32
      %mul3A_289 = arith.muli %add3A_287, %mul3A_288 : i32
      %dma_start3A_290 = tpu.memref_slice %arg7[%mul3A_289] : memref<5120xi32, #tpu.memory_space<vmem>> -> memref<80xi32, #tpu.memory_space<vmem>>
      %dma_start3A_291 = arith.constant 0 : i32
      %dma_start3A_292 = arith.constant 0 : i32
      %dma_start3A_293 = tpu.memref_slice %arg2[%dma_start3A_291, %dma_start3A_292] : memref<10240x128xf32, #tpu.memory_space<hbm>> -> memref<10240x128xf32, #tpu.memory_space<hbm>>
      tpu.enqueue_indirect_dma source(%dma_start3A_293 : memref<10240x128xf32, #tpu.memory_space<hbm>>) target(%arg11 : memref<80x128xf32, #tpu.memory_space<vmem>>) offsets(%dma_start3A_290 : memref<80xi32, #tpu.memory_space<vmem>>) semaphore(%arg15 : memref<!tpu.dma_semaphore, #tpu.memory_space<semaphore_mem>>)
    }
    %scan3A_137 = arith.constant 19 : i32
    %dma_wait3A_138 = arith.constant 0 : i32
    %dma_wait3A_139 = tpu.memref_slice %arg7[%dma_wait3A_138] : memref<5120xi32, #tpu.memory_space<vmem>> -> memref<80xi32, #tpu.memory_space<vmem>>
    %dma_wait3A_140 = arith.constant 0 : i32
    %dma_wait3A_141 = arith.constant 0 : i32
    %dma_wait3A_142 = tpu.memref_slice %arg2[%dma_wait3A_140, %dma_wait3A_141] : memref<10240x128xf32, #tpu.memory_space<hbm>> -> memref<10240x128xf32, #tpu.memory_space<hbm>>
    tpu.wait_indirect_dma semaphore(%arg14 : memref<!tpu.dma_semaphore, #tpu.memory_space<semaphore_mem>>) src(%dma_wait3A_142 : memref<10240x128xf32, #tpu.memory_space<hbm>>) dst(%arg10 : memref<80x128xf32, #tpu.memory_space<vmem>>)
    %dma_start3A_143 = arith.constant 4640 : i32
    %dma_start3A_144 = tpu.memref_slice %arg8[%dma_start3A_143] : memref<5120xi32, #tpu.memory_space<vmem>> -> memref<80xi32, #tpu.memory_space<vmem>>
    %dma_start3A_145 = arith.constant 0 : i32
    %dma_start3A_146 = arith.constant 0 : i32
    %dma_start3A_147 = tpu.memref_slice %arg12[%dma_start3A_145, %dma_start3A_146] : memref<10240x128xf32, #tpu.memory_space<vmem_shared>> -> memref<10240x128xf32, #tpu.memory_space<vmem_shared>>
    tpu.enqueue_indirect_dma source(%arg10 : memref<80x128xf32, #tpu.memory_space<vmem>>) target(%dma_start3A_147 : memref<10240x128xf32, #tpu.memory_space<vmem_shared>>) offsets(%dma_start3A_144 : memref<80xi32, #tpu.memory_space<vmem>>) semaphore(%arg17 : memref<!tpu.dma_semaphore, #tpu.memory_space<semaphore_mem>>) {add = true}
    %dma_wait3A_148 = arith.constant 0 : i32
    %dma_wait3A_149 = tpu.memref_slice %arg8[%dma_wait3A_148] : memref<5120xi32, #tpu.memory_space<vmem>> -> memref<80xi32, #tpu.memory_space<vmem>>
    %dma_wait3A_150 = arith.constant 0 : i32
    %dma_wait3A_151 = arith.constant 0 : i32
    %dma_wait3A_152 = tpu.memref_slice %arg12[%dma_wait3A_150, %dma_wait3A_151] : memref<10240x128xf32, #tpu.memory_space<vmem_shared>> -> memref<10240x128xf32, #tpu.memory_space<vmem_shared>>
    tpu.wait_indirect_dma semaphore(%arg16 : memref<!tpu.dma_semaphore, #tpu.memory_space<semaphore_mem>>) src(%arg9 : memref<80x128xf32, #tpu.memory_space<vmem>>) dst(%dma_wait3A_152 : memref<10240x128xf32, #tpu.memory_space<vmem_shared>>)
    %dma_start3A_153 = arith.constant 4800 : i32
    %dma_start3A_154 = tpu.memref_slice %arg7[%dma_start3A_153] : memref<5120xi32, #tpu.memory_space<vmem>> -> memref<80xi32, #tpu.memory_space<vmem>>
    %dma_start3A_155 = arith.constant 0 : i32
    %dma_start3A_156 = arith.constant 0 : i32
    %dma_start3A_157 = tpu.memref_slice %arg2[%dma_start3A_155, %dma_start3A_156] : memref<10240x128xf32, #tpu.memory_space<hbm>> -> memref<10240x128xf32, #tpu.memory_space<hbm>>
    tpu.enqueue_indirect_dma source(%dma_start3A_157 : memref<10240x128xf32, #tpu.memory_space<hbm>>) target(%arg9 : memref<80x128xf32, #tpu.memory_space<vmem>>) offsets(%dma_start3A_154 : memref<80xi32, #tpu.memory_space<vmem>>) semaphore(%arg13 : memref<!tpu.dma_semaphore, #tpu.memory_space<semaphore_mem>>)
    %dma_wait3A_158 = arith.constant 0 : i32
    %dma_wait3A_159 = tpu.memref_slice %arg7[%dma_wait3A_158] : memref<5120xi32, #tpu.memory_space<vmem>> -> memref<80xi32, #tpu.memory_space<vmem>>
    %dma_wait3A_160 = arith.constant 0 : i32
    %dma_wait3A_161 = arith.constant 0 : i32
    %dma_wait3A_162 = tpu.memref_slice %arg2[%dma_wait3A_160, %dma_wait3A_161] : memref<10240x128xf32, #tpu.memory_space<hbm>> -> memref<10240x128xf32, #tpu.memory_space<hbm>>
    tpu.wait_indirect_dma semaphore(%arg15 : memref<!tpu.dma_semaphore, #tpu.memory_space<semaphore_mem>>) src(%dma_wait3A_162 : memref<10240x128xf32, #tpu.memory_space<hbm>>) dst(%arg11 : memref<80x128xf32, #tpu.memory_space<vmem>>)
    %dma_start3A_163 = arith.constant 4720 : i32
    %dma_start3A_164 = tpu.memref_slice %arg8[%dma_start3A_163] : memref<5120xi32, #tpu.memory_space<vmem>> -> memref<80xi32, #tpu.memory_space<vmem>>
    %dma_start3A_165 = arith.constant 0 : i32
    %dma_start3A_166 = arith.constant 0 : i32
    %dma_start3A_167 = tpu.memref_slice %arg12[%dma_start3A_165, %dma_start3A_166] : memref<10240x128xf32, #tpu.memory_space<vmem_shared>> -> memref<10240x128xf32, #tpu.memory_space<vmem_shared>>
    tpu.enqueue_indirect_dma source(%arg11 : memref<80x128xf32, #tpu.memory_space<vmem>>) target(%dma_start3A_167 : memref<10240x128xf32, #tpu.memory_space<vmem_shared>>) offsets(%dma_start3A_164 : memref<80xi32, #tpu.memory_space<vmem>>) semaphore(%arg18 : memref<!tpu.dma_semaphore, #tpu.memory_space<semaphore_mem>>) {add = true}
    %dma_wait3A_168 = arith.constant 0 : i32
    %dma_wait3A_169 = tpu.memref_slice %arg7[%dma_wait3A_168] : memref<5120xi32, #tpu.memory_space<vmem>> -> memref<80xi32, #tpu.memory_space<vmem>>
    %dma_wait3A_170 = arith.constant 0 : i32
    %dma_wait3A_171 = arith.constant 0 : i32
    %dma_wait3A_172 = tpu.memref_slice %arg2[%dma_wait3A_170, %dma_wait3A_171] : memref<10240x128xf32, #tpu.memory_space<hbm>> -> memref<10240x128xf32, #tpu.memory_space<hbm>>
    tpu.wait_indirect_dma semaphore(%arg13 : memref<!tpu.dma_semaphore, #tpu.memory_space<semaphore_mem>>) src(%dma_wait3A_172 : memref<10240x128xf32, #tpu.memory_space<hbm>>) dst(%arg9 : memref<80x128xf32, #tpu.memory_space<vmem>>)
    %dma_start3A_173 = arith.constant 4800 : i32
    %dma_start3A_174 = tpu.memref_slice %arg8[%dma_start3A_173] : memref<5120xi32, #tpu.memory_space<vmem>> -> memref<80xi32, #tpu.memory_space<vmem>>
    %dma_start3A_175 = arith.constant 0 : i32
    %dma_start3A_176 = arith.constant 0 : i32
    %dma_start3A_177 = tpu.memref_slice %arg12[%dma_start3A_175, %dma_start3A_176] : memref<10240x128xf32, #tpu.memory_space<vmem_shared>> -> memref<10240x128xf32, #tpu.memory_space<vmem_shared>>
    tpu.enqueue_indirect_dma source(%arg9 : memref<80x128xf32, #tpu.memory_space<vmem>>) target(%dma_start3A_177 : memref<10240x128xf32, #tpu.memory_space<vmem_shared>>) offsets(%dma_start3A_174 : memref<80xi32, #tpu.memory_space<vmem>>) semaphore(%arg16 : memref<!tpu.dma_semaphore, #tpu.memory_space<semaphore_mem>>) {add = true}
    %dma_wait3A_178 = arith.constant 0 : i32
    %dma_wait3A_179 = tpu.memref_slice %arg8[%dma_wait3A_178] : memref<5120xi32, #tpu.memory_space<vmem>> -> memref<80xi32, #tpu.memory_space<vmem>>
    %dma_wait3A_180 = arith.constant 0 : i32
    %dma_wait3A_181 = arith.constant 0 : i32
    %dma_wait3A_182 = tpu.memref_slice %arg12[%dma_wait3A_180, %dma_wait3A_181] : memref<10240x128xf32, #tpu.memory_space<vmem_shared>> -> memref<10240x128xf32, #tpu.memory_space<vmem_shared>>
    tpu.wait_indirect_dma semaphore(%arg16 : memref<!tpu.dma_semaphore, #tpu.memory_space<semaphore_mem>>) src(%arg9 : memref<80x128xf32, #tpu.memory_space<vmem>>) dst(%dma_wait3A_182 : memref<10240x128xf32, #tpu.memory_space<vmem_shared>>)
    %dma_wait3A_183 = arith.constant 0 : i32
    %dma_wait3A_184 = tpu.memref_slice %arg8[%dma_wait3A_183] : memref<5120xi32, #tpu.memory_space<vmem>> -> memref<80xi32, #tpu.memory_space<vmem>>
    %dma_wait3A_185 = arith.constant 0 : i32
    %dma_wait3A_186 = arith.constant 0 : i32
    %dma_wait3A_187 = tpu.memref_slice %arg12[%dma_wait3A_185, %dma_wait3A_186] : memref<10240x128xf32, #tpu.memory_space<vmem_shared>> -> memref<10240x128xf32, #tpu.memory_space<vmem_shared>>
    tpu.wait_indirect_dma semaphore(%arg17 : memref<!tpu.dma_semaphore, #tpu.memory_space<semaphore_mem>>) src(%arg10 : memref<80x128xf32, #tpu.memory_space<vmem>>) dst(%dma_wait3A_187 : memref<10240x128xf32, #tpu.memory_space<vmem_shared>>)
    %dma_wait3A_188 = arith.constant 0 : i32
    %dma_wait3A_189 = tpu.memref_slice %arg8[%dma_wait3A_188] : memref<5120xi32, #tpu.memory_space<vmem>> -> memref<80xi32, #tpu.memory_space<vmem>>
    %dma_wait3A_190 = arith.constant 0 : i32
    %dma_wait3A_191 = arith.constant 0 : i32
    %dma_wait3A_192 = tpu.memref_slice %arg12[%dma_wait3A_190, %dma_wait3A_191] : memref<10240x128xf32, #tpu.memory_space<vmem_shared>> -> memref<10240x128xf32, #tpu.memory_space<vmem_shared>>
    tpu.wait_indirect_dma semaphore(%arg18 : memref<!tpu.dma_semaphore, #tpu.memory_space<semaphore_mem>>) src(%arg11 : memref<80x128xf32, #tpu.memory_space<vmem>>) dst(%dma_wait3A_192 : memref<10240x128xf32, #tpu.memory_space<vmem_shared>>)
    %barrier3A_193 = arith.constant 0 : index
    tpu.barrier barrier_id(%barrier3A_193)
    %mul3A_194 = arith.constant 640 : i32
    %mul3A_195 = arith.muli %arg1, %mul3A_194 : i32
    %eq3A = arith.constant 0 : i32
    %eq3A_196 = arith.cmpi eq, %arg0, %eq3A : i32
    %convert_element_type3A = arith.extui %eq3A_196 : i1 to i32
    %cond3A = arith.constant 0 : i32
    %cond3A_197 = arith.cmpi ne, %convert_element_type3A, %cond3A : i32
    scf.if %cond3A_197 {
      %mul3A_203 = arith.constant 640 : i32
      %mul3A_204 = arith.muli %arg1, %mul3A_203 : i32
      "tpu.region"() ({
        %run_scoped3A = tpu.sem_alloc : memref<!tpu.dma_semaphore, #tpu.memory_space<semaphore_mem>>
        %dma_start3A_205 = arith.constant 0 : i32
        %dma_start3A_206 = tpu.memref_slice %arg5[%mul3A_204, %dma_start3A_205] : memref<10240x128xf32, #tpu.memory_space<hbm>> -> memref<640x128xf32, #tpu.memory_space<hbm>>
        %dma_start3A_207 = arith.constant 0 : i32
        %dma_start3A_208 = tpu.memref_slice %arg12[%mul3A_195, %dma_start3A_207] : memref<10240x128xf32, #tpu.memory_space<vmem_shared>> -> memref<640x128xf32, #tpu.memory_space<vmem_shared>>
        tpu.enqueue_dma source(%dma_start3A_208 : memref<640x128xf32, #tpu.memory_space<vmem_shared>>) target(%dma_start3A_206 : memref<640x128xf32, #tpu.memory_space<hbm>>) target_semaphore(%run_scoped3A : memref<!tpu.dma_semaphore, #tpu.memory_space<semaphore_mem>>)
        %dma_wait3A_209 = arith.constant 0 : i32
        %dma_wait3A_210 = tpu.memref_slice %arg5[%mul3A_204, %dma_wait3A_209] : memref<10240x128xf32, #tpu.memory_space<hbm>> -> memref<640x128xf32, #tpu.memory_space<hbm>>
        %dma_wait3A_211 = arith.constant 0 : i32
        %dma_wait3A_212 = tpu.memref_slice %arg12[%mul3A_195, %dma_wait3A_211] : memref<10240x128xf32, #tpu.memory_space<vmem_shared>> -> memref<640x128xf32, #tpu.memory_space<vmem_shared>>
        tpu.wait_dma2 semaphore(%run_scoped3A : memref<!tpu.dma_semaphore, #tpu.memory_space<semaphore_mem>>) src(%dma_wait3A_212 : memref<640x128xf32, #tpu.memory_space<vmem_shared>>) dst(%dma_wait3A_210 : memref<640x128xf32, #tpu.memory_space<hbm>>)
        tpu.yield
      }) : () -> ()
    } else {
    }
    %eq3A_198 = arith.constant 1 : i32
    %eq3A_199 = arith.cmpi eq, %arg0, %eq3A_198 : i32
    %convert_element_type3A_200 = arith.extui %eq3A_199 : i1 to i32
    %cond3A_201 = arith.constant 0 : i32
    %cond3A_202 = arith.cmpi ne, %convert_element_type3A_200, %cond3A_201 : i32
    scf.if %cond3A_202 {
      %mul3A_203 = arith.constant 640 : i32
      %mul3A_204 = arith.muli %arg1, %mul3A_203 : i32
      "tpu.region"() ({
        %run_scoped3A = tpu.sem_alloc : memref<!tpu.dma_semaphore, #tpu.memory_space<semaphore_mem>>
        %dma_start3A_205 = arith.constant 0 : i32
        %dma_start3A_206 = tpu.memref_slice %arg6[%mul3A_204, %dma_start3A_205] : memref<10240x128xf32, #tpu.memory_space<hbm>> -> memref<640x128xf32, #tpu.memory_space<hbm>>
        %dma_start3A_207 = arith.constant 0 : i32
        %dma_start3A_208 = tpu.memref_slice %arg12[%mul3A_195, %dma_start3A_207] : memref<10240x128xf32, #tpu.memory_space<vmem_shared>> -> memref<640x128xf32, #tpu.memory_space<vmem_shared>>
        tpu.enqueue_dma source(%dma_start3A_208 : memref<640x128xf32, #tpu.memory_space<vmem_shared>>) target(%dma_start3A_206 : memref<640x128xf32, #tpu.memory_space<hbm>>) target_semaphore(%run_scoped3A : memref<!tpu.dma_semaphore, #tpu.memory_space<semaphore_mem>>)
        %dma_wait3A_209 = arith.constant 0 : i32
        %dma_wait3A_210 = tpu.memref_slice %arg6[%mul3A_204, %dma_wait3A_209] : memref<10240x128xf32, #tpu.memory_space<hbm>> -> memref<640x128xf32, #tpu.memory_space<hbm>>
        %dma_wait3A_211 = arith.constant 0 : i32
        %dma_wait3A_212 = tpu.memref_slice %arg12[%mul3A_195, %dma_wait3A_211] : memref<10240x128xf32, #tpu.memory_space<vmem_shared>> -> memref<640x128xf32, #tpu.memory_space<vmem_shared>>
        tpu.wait_dma2 semaphore(%run_scoped3A : memref<!tpu.dma_semaphore, #tpu.memory_space<semaphore_mem>>) src(%dma_wait3A_212 : memref<640x128xf32, #tpu.memory_space<vmem_shared>>) dst(%dma_wait3A_210 : memref<640x128xf32, #tpu.memory_space<hbm>>)
        tpu.yield
      }) : () -> ()
    } else {
    }
    return
  }
}

#map = affine_map<(d0, d1) -> (0)>
#map1 = affine_map<(d0, d1) -> (0, 0)>
module attributes {stable_mosaic.version = 14 : i64} {
  func.func @_select_body(%arg0: i32, %arg1: i32, %arg2: memref<10240xf32, #tpu.memory_space<hbm>>, %arg3: memref<10240xi32, #tpu.memory_space<hbm>>, %arg4: memref<10240xi32, #tpu.memory_space<hbm>>, %arg5: memref<1x128xf32, #tpu.memory_space<hbm>>, %arg6: memref<9936xf32, #tpu.memory_space<hbm>>, %arg7: memref<64xf32, #tpu.memory_space<hbm>>, %arg8: memref<640xf32, #tpu.memory_space<vmem>>, %arg9: memref<640xi32, #tpu.memory_space<vmem>>, %arg10: memref<640xi32, #tpu.memory_space<vmem>>, %arg11: memref<9936xf32, #tpu.memory_space<vmem>>, %arg12: memref<128xf32, #tpu.memory_space<vmem>>, %arg13: memref<128xf32, #tpu.memory_space<vmem_shared>>, %arg14: memref<10240xf32, #tpu.memory_space<vmem_shared>>) attributes {dimension_semantics = [#tpu.dimension_semantics<core_parallel>, #tpu.dimension_semantics<subcore_parallel>], iteration_bounds = array<i64: 2, 16>, scalar_prefetch = 0 : i64, scratch_operands = 7 : i64, tpu.core_type = #tpu.core_type<sc_vector_subcore>, window_params = [{transform_indices = #map}, {transform_indices = #map}, {transform_indices = #map}, {transform_indices = #map1}, {transform_indices = #map}, {transform_indices = #map}]} {
    %eq3A = arith.constant 0 : i32
    %eq3A_0 = arith.cmpi eq, %arg0, %eq3A : i32
    %convert_element_type3A = arith.extui %eq3A_0 : i1 to i32
    %cond3A = arith.constant 0 : i32
    %cond3A_1 = arith.cmpi ne, %convert_element_type3A, %cond3A : i32
    scf.if %cond3A_1 {
      %mul3A = arith.constant 640 : i32
      %mul3A_2 = arith.muli %arg1, %mul3A : i32
      "tpu.region"() ({
        %run_scoped3A = tpu.sem_alloc : memref<!tpu.dma_semaphore, #tpu.memory_space<semaphore_mem>>
        %dma_start3A = tpu.memref_slice %arg2[%mul3A_2] : memref<10240xf32, #tpu.memory_space<hbm>> -> memref<640xf32, #tpu.memory_space<hbm>>
        %dma_start3A_32 = tpu.memref_slice %arg2[%mul3A_2] : memref<10240xf32, #tpu.memory_space<hbm>> -> memref<640xf32, #tpu.memory_space<hbm>>
        tpu.enqueue_dma source(%dma_start3A_32 : memref<640xf32, #tpu.memory_space<hbm>>) target(%arg8 : memref<640xf32, #tpu.memory_space<vmem>>) target_semaphore(%run_scoped3A : memref<!tpu.dma_semaphore, #tpu.memory_space<semaphore_mem>>)
        %dma_wait3A = tpu.memref_slice %arg2[%mul3A_2] : memref<10240xf32, #tpu.memory_space<hbm>> -> memref<640xf32, #tpu.memory_space<hbm>>
        %dma_wait3A_33 = tpu.memref_slice %arg2[%mul3A_2] : memref<10240xf32, #tpu.memory_space<hbm>> -> memref<640xf32, #tpu.memory_space<hbm>>
        tpu.wait_dma2 semaphore(%run_scoped3A : memref<!tpu.dma_semaphore, #tpu.memory_space<semaphore_mem>>) src(%dma_wait3A_33 : memref<640xf32, #tpu.memory_space<hbm>>) dst(%arg8 : memref<640xf32, #tpu.memory_space<vmem>>)
        tpu.yield
      }) : () -> ()
      "tpu.region"() ({
        %run_scoped3A = tpu.sem_alloc : memref<!tpu.dma_semaphore, #tpu.memory_space<semaphore_mem>>
        %dma_start3A = tpu.memref_slice %arg3[%mul3A_2] : memref<10240xi32, #tpu.memory_space<hbm>> -> memref<640xi32, #tpu.memory_space<hbm>>
        %dma_start3A_32 = tpu.memref_slice %arg3[%mul3A_2] : memref<10240xi32, #tpu.memory_space<hbm>> -> memref<640xi32, #tpu.memory_space<hbm>>
        tpu.enqueue_dma source(%dma_start3A_32 : memref<640xi32, #tpu.memory_space<hbm>>) target(%arg9 : memref<640xi32, #tpu.memory_space<vmem>>) target_semaphore(%run_scoped3A : memref<!tpu.dma_semaphore, #tpu.memory_space<semaphore_mem>>)
        %dma_wait3A = tpu.memref_slice %arg3[%mul3A_2] : memref<10240xi32, #tpu.memory_space<hbm>> -> memref<640xi32, #tpu.memory_space<hbm>>
        %dma_wait3A_33 = tpu.memref_slice %arg3[%mul3A_2] : memref<10240xi32, #tpu.memory_space<hbm>> -> memref<640xi32, #tpu.memory_space<hbm>>
        tpu.wait_dma2 semaphore(%run_scoped3A : memref<!tpu.dma_semaphore, #tpu.memory_space<semaphore_mem>>) src(%dma_wait3A_33 : memref<640xi32, #tpu.memory_space<hbm>>) dst(%arg9 : memref<640xi32, #tpu.memory_space<vmem>>)
        tpu.yield
      }) : () -> ()
      "tpu.region"() ({
        %run_scoped3A = tpu.sem_alloc : memref<!tpu.dma_semaphore, #tpu.memory_space<semaphore_mem>>
        %dma_start3A = tpu.memref_slice %arg4[%mul3A_2] : memref<10240xi32, #tpu.memory_space<hbm>> -> memref<640xi32, #tpu.memory_space<hbm>>
        %dma_start3A_32 = tpu.memref_slice %arg4[%mul3A_2] : memref<10240xi32, #tpu.memory_space<hbm>> -> memref<640xi32, #tpu.memory_space<hbm>>
        tpu.enqueue_dma source(%dma_start3A_32 : memref<640xi32, #tpu.memory_space<hbm>>) target(%arg10 : memref<640xi32, #tpu.memory_space<vmem>>) target_semaphore(%run_scoped3A : memref<!tpu.dma_semaphore, #tpu.memory_space<semaphore_mem>>)
        %dma_wait3A = tpu.memref_slice %arg4[%mul3A_2] : memref<10240xi32, #tpu.memory_space<hbm>> -> memref<640xi32, #tpu.memory_space<hbm>>
        %dma_wait3A_33 = tpu.memref_slice %arg4[%mul3A_2] : memref<10240xi32, #tpu.memory_space<hbm>> -> memref<640xi32, #tpu.memory_space<hbm>>
        tpu.wait_dma2 semaphore(%run_scoped3A : memref<!tpu.dma_semaphore, #tpu.memory_space<semaphore_mem>>) src(%dma_wait3A_33 : memref<640xi32, #tpu.memory_space<hbm>>) dst(%arg10 : memref<640xi32, #tpu.memory_space<vmem>>)
        tpu.yield
      }) : () -> ()
      %eq3A_3 = arith.constant 0 : i32
      %eq3A_4 = arith.cmpi eq, %arg1, %eq3A_3 : i32
      %convert_element_type3A_5 = arith.extui %eq3A_4 : i1 to i32
      %cond3A_6 = arith.constant 0 : i32
      %cond3A_7 = arith.cmpi ne, %convert_element_type3A_5, %cond3A_6 : i32
      scf.if %cond3A_7 {
        %run_scoped3A = arith.constant 0 : i32
        "tpu.region"() ({
          %run_scoped3A_32 = tpu.sem_alloc : memref<!tpu.dma_semaphore, #tpu.memory_space<semaphore_mem>>
          %dma_start3A = arith.constant 0 : i32
          %dma_start3A_33 = tpu.memref_slice %arg5[%run_scoped3A, %dma_start3A] : memref<1x128xf32, #tpu.memory_space<hbm>> -> memref<1x128xf32, #tpu.memory_space<hbm>>
          %dma_start3A_34 = tpu.memref_squeeze %dma_start3A_33 : memref<1x128xf32, #tpu.memory_space<hbm>> -> memref<128xf32, #tpu.memory_space<hbm>>
          %dma_start3A_35 = arith.constant 0 : i32
          %dma_start3A_36 = tpu.memref_slice %arg5[%run_scoped3A, %dma_start3A_35] : memref<1x128xf32, #tpu.memory_space<hbm>> -> memref<1x128xf32, #tpu.memory_space<hbm>>
          %dma_start3A_37 = tpu.memref_squeeze %dma_start3A_36 : memref<1x128xf32, #tpu.memory_space<hbm>> -> memref<128xf32, #tpu.memory_space<hbm>>
          tpu.enqueue_dma source(%dma_start3A_37 : memref<128xf32, #tpu.memory_space<hbm>>) target(%arg12 : memref<128xf32, #tpu.memory_space<vmem>>) target_semaphore(%run_scoped3A_32 : memref<!tpu.dma_semaphore, #tpu.memory_space<semaphore_mem>>)
          %dma_wait3A = arith.constant 0 : i32
          %dma_wait3A_38 = tpu.memref_slice %arg5[%run_scoped3A, %dma_wait3A] : memref<1x128xf32, #tpu.memory_space<hbm>> -> memref<1x128xf32, #tpu.memory_space<hbm>>
          %dma_wait3A_39 = tpu.memref_squeeze %dma_wait3A_38 : memref<1x128xf32, #tpu.memory_space<hbm>> -> memref<128xf32, #tpu.memory_space<hbm>>
          %dma_wait3A_40 = arith.constant 0 : i32
          %dma_wait3A_41 = tpu.memref_slice %arg5[%run_scoped3A, %dma_wait3A_40] : memref<1x128xf32, #tpu.memory_space<hbm>> -> memref<1x128xf32, #tpu.memory_space<hbm>>
          %dma_wait3A_42 = tpu.memref_squeeze %dma_wait3A_41 : memref<1x128xf32, #tpu.memory_space<hbm>> -> memref<128xf32, #tpu.memory_space<hbm>>
          tpu.wait_dma2 semaphore(%run_scoped3A_32 : memref<!tpu.dma_semaphore, #tpu.memory_space<semaphore_mem>>) src(%dma_wait3A_42 : memref<128xf32, #tpu.memory_space<hbm>>) dst(%arg12 : memref<128xf32, #tpu.memory_space<vmem>>)
          tpu.yield
        }) : () -> ()
        "tpu.region"() ({
          %run_scoped3A_32 = tpu.sem_alloc : memref<!tpu.dma_semaphore, #tpu.memory_space<semaphore_mem>>
          tpu.enqueue_dma source(%arg12 : memref<128xf32, #tpu.memory_space<vmem>>) target(%arg13 : memref<128xf32, #tpu.memory_space<vmem_shared>>) target_semaphore(%run_scoped3A_32 : memref<!tpu.dma_semaphore, #tpu.memory_space<semaphore_mem>>)
          tpu.wait_dma2 semaphore(%run_scoped3A_32 : memref<!tpu.dma_semaphore, #tpu.memory_space<semaphore_mem>>) src(%arg12 : memref<128xf32, #tpu.memory_space<vmem>>) dst(%arg13 : memref<128xf32, #tpu.memory_space<vmem_shared>>)
          tpu.yield
        }) : () -> ()
      } else {
      }
      %barrier3A = arith.constant 0 : index
      tpu.barrier barrier_id(%barrier3A)
      %eq3A_8 = arith.constant 15 : i32
      %eq3A_9 = arith.cmpi eq, %arg1, %eq3A_8 : i32
      %jit3A = arith.constant 5 : i32
      %jit3A_10 = arith.constant 8 : i32
      %select_n3A = arith.select %eq3A_9, %jit3A, %jit3A_10 : i32
      %sub3A = arith.constant 0 : i32
      %sub3A_11 = arith.subi %select_n3A, %sub3A : i32
      %sub3A_12 = arith.constant 1 : i32
      %sub3A_13 = arith.constant 1 : i32
      %sub3A_14 = arith.subi %sub3A_12, %sub3A_13 : i32
      %add3A = arith.addi %sub3A_11, %sub3A_14 : i32
      %div3A = arith.constant 1 : i32
      %div3A_15 = arith.divsi %add3A, %div3A : i32
      %while3A = arith.constant 1 : i32
      %while3A_16 = arith.constant 0 : i32
      %while3A_17 = arith.constant 0 : i32
      %while3A_18 = arith.subi %div3A_15, %while3A_17 : i32
      %while3A_19 = arith.addi %while3A_17, %while3A_18 : i32
      %while3A_20 = arith.constant 1 : i32
      %while3A_21 = arith.divsi %while3A_18, %while3A_20 : i32
      %while3A_22 = arith.muli %while3A_21, %while3A_20 : i32
      %while3A_23 = arith.addi %while3A_17, %while3A_22 : i32
      %while3A_24 = arith.constant 1 : i32
      scf.for %while3A_32 = %while3A_17 to %while3A_23 step %while3A_24  : i32 {
        %mul3A_33 = arith.muli %while3A_32, %while3A : i32
        %add3A_34 = arith.addi %while3A_16, %mul3A_33 : i32
        %mul3A_35 = arith.constant 80 : i32
        %mul3A_36 = arith.muli %add3A_34, %mul3A_35 : i32
        "tpu.region"() ({
          %run_scoped3A = tpu.sem_alloc : memref<!tpu.dma_semaphore, #tpu.memory_space<semaphore_mem>>
          %dma_start3A = tpu.memref_slice %arg8[%mul3A_36] : memref<640xf32, #tpu.memory_space<vmem>> -> memref<80xf32, #tpu.memory_space<vmem>>
          %dma_start3A_37 = tpu.memref_slice %arg9[%mul3A_36] : memref<640xi32, #tpu.memory_space<vmem>> -> memref<80xi32, #tpu.memory_space<vmem>>
          %dma_start3A_38 = arith.constant 0 : i32
          %dma_start3A_39 = tpu.memref_slice %arg13[%dma_start3A_38] : memref<128xf32, #tpu.memory_space<vmem_shared>> -> memref<128xf32, #tpu.memory_space<vmem_shared>>
          tpu.enqueue_indirect_dma source(%dma_start3A : memref<80xf32, #tpu.memory_space<vmem>>) target(%dma_start3A_39 : memref<128xf32, #tpu.memory_space<vmem_shared>>) offsets(%dma_start3A_37 : memref<80xi32, #tpu.memory_space<vmem>>) semaphore(%run_scoped3A : memref<!tpu.dma_semaphore, #tpu.memory_space<semaphore_mem>>)
          %dma_wait3A = tpu.memref_slice %arg8[%mul3A_36] : memref<640xf32, #tpu.memory_space<vmem>> -> memref<80xf32, #tpu.memory_space<vmem>>
          %dma_wait3A_40 = tpu.memref_slice %arg9[%mul3A_36] : memref<640xi32, #tpu.memory_space<vmem>> -> memref<80xi32, #tpu.memory_space<vmem>>
          %dma_wait3A_41 = arith.constant 0 : i32
          %dma_wait3A_42 = tpu.memref_slice %arg13[%dma_wait3A_41] : memref<128xf32, #tpu.memory_space<vmem_shared>> -> memref<128xf32, #tpu.memory_space<vmem_shared>>
          tpu.wait_indirect_dma semaphore(%run_scoped3A : memref<!tpu.dma_semaphore, #tpu.memory_space<semaphore_mem>>) src(%dma_wait3A : memref<80xf32, #tpu.memory_space<vmem>>) dst(%dma_wait3A_42 : memref<128xf32, #tpu.memory_space<vmem_shared>>)
          tpu.yield
        }) : () -> ()
        "tpu.region"() ({
          %run_scoped3A = tpu.sem_alloc : memref<!tpu.dma_semaphore, #tpu.memory_space<semaphore_mem>>
          %dma_start3A = tpu.memref_slice %arg8[%mul3A_36] : memref<640xf32, #tpu.memory_space<vmem>> -> memref<80xf32, #tpu.memory_space<vmem>>
          %dma_start3A_37 = tpu.memref_slice %arg10[%mul3A_36] : memref<640xi32, #tpu.memory_space<vmem>> -> memref<80xi32, #tpu.memory_space<vmem>>
          %dma_start3A_38 = arith.constant 0 : i32
          %dma_start3A_39 = tpu.memref_slice %arg14[%dma_start3A_38] : memref<10240xf32, #tpu.memory_space<vmem_shared>> -> memref<10240xf32, #tpu.memory_space<vmem_shared>>
          tpu.enqueue_indirect_dma source(%dma_start3A : memref<80xf32, #tpu.memory_space<vmem>>) target(%dma_start3A_39 : memref<10240xf32, #tpu.memory_space<vmem_shared>>) offsets(%dma_start3A_37 : memref<80xi32, #tpu.memory_space<vmem>>) semaphore(%run_scoped3A : memref<!tpu.dma_semaphore, #tpu.memory_space<semaphore_mem>>)
          %dma_wait3A = tpu.memref_slice %arg8[%mul3A_36] : memref<640xf32, #tpu.memory_space<vmem>> -> memref<80xf32, #tpu.memory_space<vmem>>
          %dma_wait3A_40 = tpu.memref_slice %arg10[%mul3A_36] : memref<640xi32, #tpu.memory_space<vmem>> -> memref<80xi32, #tpu.memory_space<vmem>>
          %dma_wait3A_41 = arith.constant 0 : i32
          %dma_wait3A_42 = tpu.memref_slice %arg14[%dma_wait3A_41] : memref<10240xf32, #tpu.memory_space<vmem_shared>> -> memref<10240xf32, #tpu.memory_space<vmem_shared>>
          tpu.wait_indirect_dma semaphore(%run_scoped3A : memref<!tpu.dma_semaphore, #tpu.memory_space<semaphore_mem>>) src(%dma_wait3A : memref<80xf32, #tpu.memory_space<vmem>>) dst(%dma_wait3A_42 : memref<10240xf32, #tpu.memory_space<vmem_shared>>)
          tpu.yield
        }) : () -> ()
      }
      %while3A_25 = arith.constant 1 : i32
      scf.for %while3A_32 = %while3A_23 to %while3A_19 step %while3A_25  : i32 {
        %mul3A_33 = arith.muli %while3A_32, %while3A : i32
        %add3A_34 = arith.addi %while3A_16, %mul3A_33 : i32
        %mul3A_35 = arith.constant 80 : i32
        %mul3A_36 = arith.muli %add3A_34, %mul3A_35 : i32
        "tpu.region"() ({
          %run_scoped3A = tpu.sem_alloc : memref<!tpu.dma_semaphore, #tpu.memory_space<semaphore_mem>>
          %dma_start3A = tpu.memref_slice %arg8[%mul3A_36] : memref<640xf32, #tpu.memory_space<vmem>> -> memref<80xf32, #tpu.memory_space<vmem>>
          %dma_start3A_37 = tpu.memref_slice %arg9[%mul3A_36] : memref<640xi32, #tpu.memory_space<vmem>> -> memref<80xi32, #tpu.memory_space<vmem>>
          %dma_start3A_38 = arith.constant 0 : i32
          %dma_start3A_39 = tpu.memref_slice %arg13[%dma_start3A_38] : memref<128xf32, #tpu.memory_space<vmem_shared>> -> memref<128xf32, #tpu.memory_space<vmem_shared>>
          tpu.enqueue_indirect_dma source(%dma_start3A : memref<80xf32, #tpu.memory_space<vmem>>) target(%dma_start3A_39 : memref<128xf32, #tpu.memory_space<vmem_shared>>) offsets(%dma_start3A_37 : memref<80xi32, #tpu.memory_space<vmem>>) semaphore(%run_scoped3A : memref<!tpu.dma_semaphore, #tpu.memory_space<semaphore_mem>>)
          %dma_wait3A = tpu.memref_slice %arg8[%mul3A_36] : memref<640xf32, #tpu.memory_space<vmem>> -> memref<80xf32, #tpu.memory_space<vmem>>
          %dma_wait3A_40 = tpu.memref_slice %arg9[%mul3A_36] : memref<640xi32, #tpu.memory_space<vmem>> -> memref<80xi32, #tpu.memory_space<vmem>>
          %dma_wait3A_41 = arith.constant 0 : i32
          %dma_wait3A_42 = tpu.memref_slice %arg13[%dma_wait3A_41] : memref<128xf32, #tpu.memory_space<vmem_shared>> -> memref<128xf32, #tpu.memory_space<vmem_shared>>
          tpu.wait_indirect_dma semaphore(%run_scoped3A : memref<!tpu.dma_semaphore, #tpu.memory_space<semaphore_mem>>) src(%dma_wait3A : memref<80xf32, #tpu.memory_space<vmem>>) dst(%dma_wait3A_42 : memref<128xf32, #tpu.memory_space<vmem_shared>>)
          tpu.yield
        }) : () -> ()
        "tpu.region"() ({
          %run_scoped3A = tpu.sem_alloc : memref<!tpu.dma_semaphore, #tpu.memory_space<semaphore_mem>>
          %dma_start3A = tpu.memref_slice %arg8[%mul3A_36] : memref<640xf32, #tpu.memory_space<vmem>> -> memref<80xf32, #tpu.memory_space<vmem>>
          %dma_start3A_37 = tpu.memref_slice %arg10[%mul3A_36] : memref<640xi32, #tpu.memory_space<vmem>> -> memref<80xi32, #tpu.memory_space<vmem>>
          %dma_start3A_38 = arith.constant 0 : i32
          %dma_start3A_39 = tpu.memref_slice %arg14[%dma_start3A_38] : memref<10240xf32, #tpu.memory_space<vmem_shared>> -> memref<10240xf32, #tpu.memory_space<vmem_shared>>
          tpu.enqueue_indirect_dma source(%dma_start3A : memref<80xf32, #tpu.memory_space<vmem>>) target(%dma_start3A_39 : memref<10240xf32, #tpu.memory_space<vmem_shared>>) offsets(%dma_start3A_37 : memref<80xi32, #tpu.memory_space<vmem>>) semaphore(%run_scoped3A : memref<!tpu.dma_semaphore, #tpu.memory_space<semaphore_mem>>)
          %dma_wait3A = tpu.memref_slice %arg8[%mul3A_36] : memref<640xf32, #tpu.memory_space<vmem>> -> memref<80xf32, #tpu.memory_space<vmem>>
          %dma_wait3A_40 = tpu.memref_slice %arg10[%mul3A_36] : memref<640xi32, #tpu.memory_space<vmem>> -> memref<80xi32, #tpu.memory_space<vmem>>
          %dma_wait3A_41 = arith.constant 0 : i32
          %dma_wait3A_42 = tpu.memref_slice %arg14[%dma_wait3A_41] : memref<10240xf32, #tpu.memory_space<vmem_shared>> -> memref<10240xf32, #tpu.memory_space<vmem_shared>>
          tpu.wait_indirect_dma semaphore(%run_scoped3A : memref<!tpu.dma_semaphore, #tpu.memory_space<semaphore_mem>>) src(%dma_wait3A : memref<80xf32, #tpu.memory_space<vmem>>) dst(%dma_wait3A_42 : memref<10240xf32, #tpu.memory_space<vmem_shared>>)
          tpu.yield
        }) : () -> ()
      }
      %barrier3A_26 = arith.constant 0 : index
      tpu.barrier barrier_id(%barrier3A_26)
      %eq3A_27 = arith.constant 0 : i32
      %eq3A_28 = arith.cmpi eq, %arg1, %eq3A_27 : i32
      %convert_element_type3A_29 = arith.extui %eq3A_28 : i1 to i32
      %cond3A_30 = arith.constant 0 : i32
      %cond3A_31 = arith.cmpi ne, %convert_element_type3A_29, %cond3A_30 : i32
      scf.if %cond3A_31 {
        "tpu.region"() ({
          %run_scoped3A = tpu.sem_alloc : memref<!tpu.dma_semaphore, #tpu.memory_space<semaphore_mem>>
          %dma_start3A = arith.constant 0 : i32
          %dma_start3A_32 = tpu.memref_slice %arg12[%dma_start3A] : memref<128xf32, #tpu.memory_space<vmem>> -> memref<64xf32, #tpu.memory_space<vmem>>
          %dma_start3A_33 = arith.constant 0 : i32
          %dma_start3A_34 = tpu.memref_slice %arg13[%dma_start3A_33] : memref<128xf32, #tpu.memory_space<vmem_shared>> -> memref<64xf32, #tpu.memory_space<vmem_shared>>
          %dma_start3A_35 = arith.constant 0 : i32
          %dma_start3A_36 = tpu.memref_slice %arg12[%dma_start3A_35] : memref<128xf32, #tpu.memory_space<vmem>> -> memref<64xf32, #tpu.memory_space<vmem>>
          %dma_start3A_37 = arith.constant 0 : i32
          %dma_start3A_38 = tpu.memref_slice %arg13[%dma_start3A_37] : memref<128xf32, #tpu.memory_space<vmem_shared>> -> memref<64xf32, #tpu.memory_space<vmem_shared>>
          tpu.enqueue_dma source(%dma_start3A_38 : memref<64xf32, #tpu.memory_space<vmem_shared>>) target(%dma_start3A_36 : memref<64xf32, #tpu.memory_space<vmem>>) target_semaphore(%run_scoped3A : memref<!tpu.dma_semaphore, #tpu.memory_space<semaphore_mem>>)
          %dma_wait3A = arith.constant 0 : i32
          %dma_wait3A_39 = tpu.memref_slice %arg12[%dma_wait3A] : memref<128xf32, #tpu.memory_space<vmem>> -> memref<64xf32, #tpu.memory_space<vmem>>
          %dma_wait3A_40 = arith.constant 0 : i32
          %dma_wait3A_41 = tpu.memref_slice %arg13[%dma_wait3A_40] : memref<128xf32, #tpu.memory_space<vmem_shared>> -> memref<64xf32, #tpu.memory_space<vmem_shared>>
          %dma_wait3A_42 = arith.constant 0 : i32
          %dma_wait3A_43 = tpu.memref_slice %arg12[%dma_wait3A_42] : memref<128xf32, #tpu.memory_space<vmem>> -> memref<64xf32, #tpu.memory_space<vmem>>
          %dma_wait3A_44 = arith.constant 0 : i32
          %dma_wait3A_45 = tpu.memref_slice %arg13[%dma_wait3A_44] : memref<128xf32, #tpu.memory_space<vmem_shared>> -> memref<64xf32, #tpu.memory_space<vmem_shared>>
          tpu.wait_dma2 semaphore(%run_scoped3A : memref<!tpu.dma_semaphore, #tpu.memory_space<semaphore_mem>>) src(%dma_wait3A_45 : memref<64xf32, #tpu.memory_space<vmem_shared>>) dst(%dma_wait3A_43 : memref<64xf32, #tpu.memory_space<vmem>>)
          tpu.yield
        }) : () -> ()
        "tpu.region"() ({
          %run_scoped3A = tpu.sem_alloc : memref<!tpu.dma_semaphore, #tpu.memory_space<semaphore_mem>>
          %dma_start3A = arith.constant 0 : i32
          %dma_start3A_32 = tpu.memref_slice %arg12[%dma_start3A] : memref<128xf32, #tpu.memory_space<vmem>> -> memref<64xf32, #tpu.memory_space<vmem>>
          %dma_start3A_33 = arith.constant 0 : i32
          %dma_start3A_34 = tpu.memref_slice %arg12[%dma_start3A_33] : memref<128xf32, #tpu.memory_space<vmem>> -> memref<64xf32, #tpu.memory_space<vmem>>
          tpu.enqueue_dma source(%dma_start3A_34 : memref<64xf32, #tpu.memory_space<vmem>>) target(%arg7 : memref<64xf32, #tpu.memory_space<hbm>>) target_semaphore(%run_scoped3A : memref<!tpu.dma_semaphore, #tpu.memory_space<semaphore_mem>>)
          %dma_wait3A = arith.constant 0 : i32
          %dma_wait3A_35 = tpu.memref_slice %arg12[%dma_wait3A] : memref<128xf32, #tpu.memory_space<vmem>> -> memref<64xf32, #tpu.memory_space<vmem>>
          %dma_wait3A_36 = arith.constant 0 : i32
          %dma_wait3A_37 = tpu.memref_slice %arg12[%dma_wait3A_36] : memref<128xf32, #tpu.memory_space<vmem>> -> memref<64xf32, #tpu.memory_space<vmem>>
          tpu.wait_dma2 semaphore(%run_scoped3A : memref<!tpu.dma_semaphore, #tpu.memory_space<semaphore_mem>>) src(%dma_wait3A_37 : memref<64xf32, #tpu.memory_space<vmem>>) dst(%arg7 : memref<64xf32, #tpu.memory_space<hbm>>)
          tpu.yield
        }) : () -> ()
        "tpu.region"() ({
          %run_scoped3A = tpu.sem_alloc : memref<!tpu.dma_semaphore, #tpu.memory_space<semaphore_mem>>
          %dma_start3A = arith.constant 0 : i32
          %dma_start3A_32 = tpu.memref_slice %arg14[%dma_start3A] : memref<10240xf32, #tpu.memory_space<vmem_shared>> -> memref<9936xf32, #tpu.memory_space<vmem_shared>>
          %dma_start3A_33 = arith.constant 0 : i32
          %dma_start3A_34 = tpu.memref_slice %arg14[%dma_start3A_33] : memref<10240xf32, #tpu.memory_space<vmem_shared>> -> memref<9936xf32, #tpu.memory_space<vmem_shared>>
          tpu.enqueue_dma source(%dma_start3A_34 : memref<9936xf32, #tpu.memory_space<vmem_shared>>) target(%arg11 : memref<9936xf32, #tpu.memory_space<vmem>>) target_semaphore(%run_scoped3A : memref<!tpu.dma_semaphore, #tpu.memory_space<semaphore_mem>>)
          %dma_wait3A = arith.constant 0 : i32
          %dma_wait3A_35 = tpu.memref_slice %arg14[%dma_wait3A] : memref<10240xf32, #tpu.memory_space<vmem_shared>> -> memref<9936xf32, #tpu.memory_space<vmem_shared>>
          %dma_wait3A_36 = arith.constant 0 : i32
          %dma_wait3A_37 = tpu.memref_slice %arg14[%dma_wait3A_36] : memref<10240xf32, #tpu.memory_space<vmem_shared>> -> memref<9936xf32, #tpu.memory_space<vmem_shared>>
          tpu.wait_dma2 semaphore(%run_scoped3A : memref<!tpu.dma_semaphore, #tpu.memory_space<semaphore_mem>>) src(%dma_wait3A_37 : memref<9936xf32, #tpu.memory_space<vmem_shared>>) dst(%arg11 : memref<9936xf32, #tpu.memory_space<vmem>>)
          tpu.yield
        }) : () -> ()
        "tpu.region"() ({
          %run_scoped3A = tpu.sem_alloc : memref<!tpu.dma_semaphore, #tpu.memory_space<semaphore_mem>>
          tpu.enqueue_dma source(%arg11 : memref<9936xf32, #tpu.memory_space<vmem>>) target(%arg6 : memref<9936xf32, #tpu.memory_space<hbm>>) target_semaphore(%run_scoped3A : memref<!tpu.dma_semaphore, #tpu.memory_space<semaphore_mem>>)
          tpu.wait_dma2 semaphore(%run_scoped3A : memref<!tpu.dma_semaphore, #tpu.memory_space<semaphore_mem>>) src(%arg11 : memref<9936xf32, #tpu.memory_space<vmem>>) dst(%arg6 : memref<9936xf32, #tpu.memory_space<hbm>>)
          tpu.yield
        }) : () -> ()
      } else {
      }
    } else {
    }
    return
  }
}

module attributes {stable_mosaic.version = 14 : i64} {
  func.func @_tc1a_body(%arg0: i32, %arg1: memref<2048x128xf32, #tpu.memory_space<vmem>>, %arg2: memref<128x128xf32, #tpu.memory_space<vmem>>, %arg3: memref<1x128xf32, #tpu.memory_space<vmem>>, %arg4: memref<128x128xf32, #tpu.memory_space<vmem>>, %arg5: memref<2048x128xf32, #tpu.memory_space<vmem>>, %arg6: memref<2048x128xf32, #tpu.memory_space<vmem>>) attributes {dimension_semantics = [#tpu.dimension_semantics<arbitrary>], iteration_bounds = array<i64: 5>, scalar_prefetch = 0 : i64, scratch_operands = 0 : i64, tpu.core_type = #tpu.core_type<tc>, window_params = [{transform_indices = @transform_0, window_bounds = array<i64: 2048, 128>}, {pipeline_mode = #tpu.pipeline_mode<synchronous>, transform_indices = @transform_1, window_bounds = array<i64: 128, 128>}, {pipeline_mode = #tpu.pipeline_mode<synchronous>, transform_indices = @transform_2, window_bounds = array<i64: 1, 128>}, {pipeline_mode = #tpu.pipeline_mode<synchronous>, transform_indices = @transform_3, window_bounds = array<i64: 128, 128>}, {transform_indices = @transform_4, window_bounds = array<i64: 2048, 128>}, {transform_indices = @transform_5, window_bounds = array<i64: 2048, 128>}]} {
    %get3A = arith.constant 0 : index
    %get3A_0 = arith.constant 0 : index
    %get3A_1 = vector.load %arg1[%get3A, %get3A_0] : memref<2048x128xf32, #tpu.memory_space<vmem>>, vector<2048x128xf32>
    %get3A_2 = arith.constant 0 : index
    %get3A_3 = arith.constant 0 : index
    %get3A_4 = vector.load %arg2[%get3A_2, %get3A_3] : memref<128x128xf32, #tpu.memory_space<vmem>>, vector<128x128xf32>
    %dot_general3A = arith.constant dense<0.000000e+00> : vector<2048x128xf32>
    %dot_general3A_5 = tpu.matmul %get3A_1, %get3A_4, %dot_general3A {dimension_numbers = #tpu.dot_dimension_numbers<[1], [0], [0], [1], [0, 0, 1, 1], [], []>, transpose_lhs_hint = false} : vector<2048x128xf32>, vector<128x128xf32>, vector<2048x128xf32> -> vector<2048x128xf32>
    %add3A = arith.addf %get3A_1, %dot_general3A_5 : vector<2048x128xf32>
    %get3A_6 = arith.constant 0 : index
    %get3A_7 = arith.constant 0 : index
    %get3A_8 = vector.load %arg3[%get3A_6, %get3A_7] : memref<1x128xf32, #tpu.memory_space<vmem>>, vector<1x128xf32>
    %add3A_9 = vector.broadcast %get3A_8 : vector<1x128xf32> to vector<2048x128xf32>
    %add3A_10 = arith.addf %add3A, %add3A_9 : vector<2048x128xf32>
    %swap3A = arith.constant 0 : index
    %swap3A_11 = arith.constant 0 : index
    %swap3A_12 = vector.load %arg5[%swap3A, %swap3A_11] : memref<2048x128xf32, #tpu.memory_space<vmem>>, vector<2048x128xf32>
    tpu.vector_store %arg5[%swap3A, %swap3A_11], %add3A_10 {strides = array<i32>} : memref<2048x128xf32, #tpu.memory_space<vmem>>, vector<2048x128xf32>,
    %get3A_13 = arith.constant 0 : index
    %get3A_14 = arith.constant 0 : index
    %get3A_15 = vector.load %arg4[%get3A_13, %get3A_14] : memref<128x128xf32, #tpu.memory_space<vmem>>, vector<128x128xf32>
    %dot_general3A_16 = arith.constant dense<0.000000e+00> : vector<2048x128xf32>
    %dot_general3A_17 = tpu.matmul %add3A_10, %get3A_15, %dot_general3A_16 {dimension_numbers = #tpu.dot_dimension_numbers<[1], [0], [0], [1], [0, 0, 1, 1], [], []>, transpose_lhs_hint = false} : vector<2048x128xf32>, vector<128x128xf32>, vector<2048x128xf32> -> vector<2048x128xf32>
    %swap3A_18 = arith.constant 0 : index
    %swap3A_19 = arith.constant 0 : index
    %swap3A_20 = vector.load %arg6[%swap3A_18, %swap3A_19] : memref<2048x128xf32, #tpu.memory_space<vmem>>, vector<2048x128xf32>
    tpu.vector_store %arg6[%swap3A_18, %swap3A_19], %dot_general3A_17 {strides = array<i32>} : memref<2048x128xf32, #tpu.memory_space<vmem>>, vector<2048x128xf32>,
    return
  }
  func.func @transform_0(%arg0: i32) -> (i32, i32) {
    %c0_i32 = arith.constant 0 : i32
    %c0_i32_0 = arith.constant 0 : i32
    return %arg0, %c0_i32 : i32, i32
  }
  func.func @transform_1(%arg0: i32) -> (i32, i32) {
    %c0_i32 = arith.constant 0 : i32
    %c0_i32_0 = arith.constant 0 : i32
    %c0_i32_1 = arith.constant 0 : i32
    return %c0_i32, %c0_i32_0 : i32, i32
  }
  func.func @transform_2(%arg0: i32) -> (i32, i32) {
    %c0_i32 = arith.constant 0 : i32
    %c0_i32_0 = arith.constant 0 : i32
    %c0_i32_1 = arith.constant 0 : i32
    return %c0_i32, %c0_i32_0 : i32, i32
  }
  func.func @transform_3(%arg0: i32) -> (i32, i32) {
    %c0_i32 = arith.constant 0 : i32
    %c0_i32_0 = arith.constant 0 : i32
    %c0_i32_1 = arith.constant 0 : i32
    return %c0_i32, %c0_i32_0 : i32, i32
  }
  func.func @transform_4(%arg0: i32) -> (i32, i32) {
    %c0_i32 = arith.constant 0 : i32
    %c0_i32_0 = arith.constant 0 : i32
    return %arg0, %c0_i32 : i32, i32
  }
  func.func @transform_5(%arg0: i32) -> (i32, i32) {
    %c0_i32 = arith.constant 0 : i32
    %c0_i32_0 = arith.constant 0 : i32
    return %arg0, %c0_i32 : i32, i32
  }
}

module attributes {stable_mosaic.version = 14 : i64} {
  func.func @_tc1b_body(%arg0: i32, %arg1: memref<2048x128xf32, #tpu.memory_space<vmem>>, %arg2: memref<2048x1xf32, #tpu.memory_space<vmem>>, %arg3: memref<2048x128xf32, #tpu.memory_space<vmem>>) attributes {dimension_semantics = [#tpu.dimension_semantics<arbitrary>], iteration_bounds = array<i64: 5>, scalar_prefetch = 0 : i64, scratch_operands = 0 : i64, tpu.core_type = #tpu.core_type<tc>, window_params = [{transform_indices = @transform_0, window_bounds = array<i64: 2048, 128>}, {transform_indices = @transform_1, window_bounds = array<i64: 2048, 1>}, {transform_indices = @transform_2, window_bounds = array<i64: 2048, 128>}]} {
    %get3A = arith.constant 0 : index
    %get3A_0 = arith.constant 0 : index
    %get3A_1 = vector.load %arg1[%get3A, %get3A_0] : memref<2048x128xf32, #tpu.memory_space<vmem>>, vector<2048x128xf32>
    %get3A_2 = arith.constant 0 : index
    %get3A_3 = arith.constant 0 : index
    %get3A_4 = vector.load %arg2[%get3A_2, %get3A_3] : memref<2048x1xf32, #tpu.memory_space<vmem>>, vector<2048x1xf32>
    %mul3A = vector.broadcast %get3A_4 : vector<2048x1xf32> to vector<2048x128xf32>
    %mul3A_5 = arith.mulf %get3A_1, %mul3A : vector<2048x128xf32>
    %swap3A = arith.constant 0 : index
    %swap3A_6 = arith.constant 0 : index
    %swap3A_7 = vector.load %arg3[%swap3A, %swap3A_6] : memref<2048x128xf32, #tpu.memory_space<vmem>>, vector<2048x128xf32>
    tpu.vector_store %arg3[%swap3A, %swap3A_6], %mul3A_5 {strides = array<i32>} : memref<2048x128xf32, #tpu.memory_space<vmem>>, vector<2048x128xf32>,
    return
  }
  func.func @transform_0(%arg0: i32) -> (i32, i32) {
    %c0_i32 = arith.constant 0 : i32
    %c0_i32_0 = arith.constant 0 : i32
    return %arg0, %c0_i32 : i32, i32
  }
  func.func @transform_1(%arg0: i32) -> (i32, i32) {
    %c0_i32 = arith.constant 0 : i32
    %c0_i32_0 = arith.constant 0 : i32
    return %arg0, %c0_i32 : i32, i32
  }
  func.func @transform_2(%arg0: i32) -> (i32, i32) {
    %c0_i32 = arith.constant 0 : i32
    %c0_i32_0 = arith.constant 0 : i32
    return %arg0, %c0_i32 : i32, i32
  }
}

module attributes {stable_mosaic.version = 14 : i64} {
  func.func @_tc2_body(%arg0: i32, %arg1: memref<2048x128xf32, #tpu.memory_space<vmem>>, %arg2: memref<2048x128xf32, #tpu.memory_space<vmem>>, %arg3: memref<2048x128xf32, #tpu.memory_space<vmem>>, %arg4: memref<2048x128xf32, #tpu.memory_space<vmem>>, %arg5: memref<2048x1xf32, #tpu.memory_space<vmem>>, %arg6: memref<1x128xf32, #tpu.memory_space<vmem>>, %arg7: memref<128x128xf32, #tpu.memory_space<vmem>>, %arg8: memref<2048x128xf32, #tpu.memory_space<vmem>>, %arg9: memref<2048x128xf32, #tpu.memory_space<vmem>>) attributes {dimension_semantics = [#tpu.dimension_semantics<arbitrary>], iteration_bounds = array<i64: 5>, scalar_prefetch = 0 : i64, scratch_operands = 0 : i64, tpu.core_type = #tpu.core_type<tc>, window_params = [{transform_indices = @transform_0, window_bounds = array<i64: 2048, 128>}, {transform_indices = @transform_1, window_bounds = array<i64: 2048, 128>}, {transform_indices = @transform_2, window_bounds = array<i64: 2048, 128>}, {transform_indices = @transform_3, window_bounds = array<i64: 2048, 128>}, {transform_indices = @transform_4, window_bounds = array<i64: 2048, 1>}, {pipeline_mode = #tpu.pipeline_mode<synchronous>, transform_indices = @transform_5, window_bounds = array<i64: 1, 128>}, {pipeline_mode = #tpu.pipeline_mode<synchronous>, transform_indices = @transform_6, window_bounds = array<i64: 128, 128>}, {transform_indices = @transform_7, window_bounds = array<i64: 2048, 128>}, {transform_indices = @transform_8, window_bounds = array<i64: 2048, 128>}]} {
    %get3A = arith.constant 0 : index
    %get3A_0 = arith.constant 0 : index
    %get3A_1 = vector.load %arg5[%get3A, %get3A_0] : memref<2048x1xf32, #tpu.memory_space<vmem>>, vector<2048x1xf32>
    %get3A_2 = arith.constant 0 : index
    %get3A_3 = arith.constant 0 : index
    %get3A_4 = vector.load %arg3[%get3A_2, %get3A_3] : memref<2048x128xf32, #tpu.memory_space<vmem>>, vector<2048x128xf32>
    %get3A_5 = arith.constant 0 : index
    %get3A_6 = arith.constant 0 : index
    %get3A_7 = vector.load %arg4[%get3A_5, %get3A_6] : memref<2048x128xf32, #tpu.memory_space<vmem>>, vector<2048x128xf32>
    %add3A = arith.addf %get3A_4, %get3A_7 : vector<2048x128xf32>
    %get3A_8 = arith.constant 0 : index
    %get3A_9 = arith.constant 0 : index
    %get3A_10 = vector.load %arg2[%get3A_8, %get3A_9] : memref<2048x128xf32, #tpu.memory_space<vmem>>, vector<2048x128xf32>
    %add3A_11 = arith.addf %add3A, %get3A_10 : vector<2048x128xf32>
    %mul3A = vector.broadcast %get3A_1 : vector<2048x1xf32> to vector<2048x128xf32>
    %mul3A_12 = arith.mulf %mul3A, %add3A_11 : vector<2048x128xf32>
    %get3A_13 = arith.constant 0 : index
    %get3A_14 = arith.constant 0 : index
    %get3A_15 = vector.load %arg6[%get3A_13, %get3A_14] : memref<1x128xf32, #tpu.memory_space<vmem>>, vector<1x128xf32>
    %add3A_16 = vector.broadcast %get3A_15 : vector<1x128xf32> to vector<2048x128xf32>
    %add3A_17 = arith.addf %mul3A_12, %add3A_16 : vector<2048x128xf32>
    %max3A = arith.constant 0.000000e+00 : f32
    %max3A_18 = vector.broadcast %max3A : f32 to vector<2048x128xf32>
    %max3A_19 = arith.maximumf %add3A_17, %max3A_18 : vector<2048x128xf32>
    %get3A_20 = arith.constant 0 : index
    %get3A_21 = arith.constant 0 : index
    %get3A_22 = vector.load %arg1[%get3A_20, %get3A_21] : memref<2048x128xf32, #tpu.memory_space<vmem>>, vector<2048x128xf32>
    %add3A_23 = arith.addf %get3A_22, %max3A_19 : vector<2048x128xf32>
    %swap3A = arith.constant 0 : index
    %swap3A_24 = arith.constant 0 : index
    %swap3A_25 = vector.load %arg8[%swap3A, %swap3A_24] : memref<2048x128xf32, #tpu.memory_space<vmem>>, vector<2048x128xf32>
    tpu.vector_store %arg8[%swap3A, %swap3A_24], %add3A_23 {strides = array<i32>} : memref<2048x128xf32, #tpu.memory_space<vmem>>, vector<2048x128xf32>,
    %get3A_26 = arith.constant 0 : index
    %get3A_27 = arith.constant 0 : index
    %get3A_28 = vector.load %arg7[%get3A_26, %get3A_27] : memref<128x128xf32, #tpu.memory_space<vmem>>, vector<128x128xf32>
    %dot_general3A = arith.constant dense<0.000000e+00> : vector<2048x128xf32>
    %dot_general3A_29 = tpu.matmul %add3A_23, %get3A_28, %dot_general3A {dimension_numbers = #tpu.dot_dimension_numbers<[1], [0], [0], [1], [0, 0, 1, 1], [], []>, transpose_lhs_hint = false} : vector<2048x128xf32>, vector<128x128xf32>, vector<2048x128xf32> -> vector<2048x128xf32>
    %mul3A_30 = vector.broadcast %get3A_1 : vector<2048x1xf32> to vector<2048x128xf32>
    %mul3A_31 = arith.mulf %dot_general3A_29, %mul3A_30 : vector<2048x128xf32>
    %swap3A_32 = arith.constant 0 : index
    %swap3A_33 = arith.constant 0 : index
    %swap3A_34 = vector.load %arg9[%swap3A_32, %swap3A_33] : memref<2048x128xf32, #tpu.memory_space<vmem>>, vector<2048x128xf32>
    tpu.vector_store %arg9[%swap3A_32, %swap3A_33], %mul3A_31 {strides = array<i32>} : memref<2048x128xf32, #tpu.memory_space<vmem>>, vector<2048x128xf32>,
    return
  }
  func.func @transform_0(%arg0: i32) -> (i32, i32) {
    %c0_i32 = arith.constant 0 : i32
    %c0_i32_0 = arith.constant 0 : i32
    return %arg0, %c0_i32 : i32, i32
  }
  func.func @transform_1(%arg0: i32) -> (i32, i32) {
    %c0_i32 = arith.constant 0 : i32
    %c0_i32_0 = arith.constant 0 : i32
    return %arg0, %c0_i32 : i32, i32
  }
  func.func @transform_2(%arg0: i32) -> (i32, i32) {
    %c0_i32 = arith.constant 0 : i32
    %c0_i32_0 = arith.constant 0 : i32
    return %arg0, %c0_i32 : i32, i32
  }
  func.func @transform_3(%arg0: i32) -> (i32, i32) {
    %c0_i32 = arith.constant 0 : i32
    %c0_i32_0 = arith.constant 0 : i32
    return %arg0, %c0_i32 : i32, i32
  }
  func.func @transform_4(%arg0: i32) -> (i32, i32) {
    %c0_i32 = arith.constant 0 : i32
    %c0_i32_0 = arith.constant 0 : i32
    return %arg0, %c0_i32 : i32, i32
  }
  func.func @transform_5(%arg0: i32) -> (i32, i32) {
    %c0_i32 = arith.constant 0 : i32
    %c0_i32_0 = arith.constant 0 : i32
    %c0_i32_1 = arith.constant 0 : i32
    return %c0_i32, %c0_i32_0 : i32, i32
  }
  func.func @transform_6(%arg0: i32) -> (i32, i32) {
    %c0_i32 = arith.constant 0 : i32
    %c0_i32_0 = arith.constant 0 : i32
    %c0_i32_1 = arith.constant 0 : i32
    return %c0_i32, %c0_i32_0 : i32, i32
  }
  func.func @transform_7(%arg0: i32) -> (i32, i32) {
    %c0_i32 = arith.constant 0 : i32
    %c0_i32_0 = arith.constant 0 : i32
    return %arg0, %c0_i32 : i32, i32
  }
  func.func @transform_8(%arg0: i32) -> (i32, i32) {
    %c0_i32 = arith.constant 0 : i32
    %c0_i32_0 = arith.constant 0 : i32
    return %arg0, %c0_i32 : i32, i32
  }
}

module attributes {stable_mosaic.version = 14 : i64} {
  func.func @_prep_body(%arg0: i32, %arg1: memref<80x128xi32, #tpu.memory_space<vmem>>, %arg2: memref<80x128xi32, #tpu.memory_space<vmem>>, %arg3: memref<80x128xi32, #tpu.memory_space<vmem>>, %arg4: memref<80x128xi32, #tpu.memory_space<vmem>>) attributes {dimension_semantics = [#tpu.dimension_semantics<arbitrary>], iteration_bounds = array<i64: 1>, scalar_prefetch = 0 : i64, scratch_operands = 0 : i64, tpu.core_type = #tpu.core_type<tc>, window_params = [{pipeline_mode = #tpu.pipeline_mode<synchronous>, transform_indices = @transform_0, window_bounds = array<i64: 80, 128>}, {pipeline_mode = #tpu.pipeline_mode<synchronous>, transform_indices = @transform_1, window_bounds = array<i64: 80, 128>}, {pipeline_mode = #tpu.pipeline_mode<synchronous>, transform_indices = @transform_2, window_bounds = array<i64: 80, 128>}, {pipeline_mode = #tpu.pipeline_mode<synchronous>, transform_indices = @transform_3, window_bounds = array<i64: 80, 128>}]} {
    %get3A = arith.constant 0 : index
    %get3A_0 = arith.constant 0 : index
    %get3A_1 = vector.load %arg1[%get3A, %get3A_0] : memref<80x128xi32, #tpu.memory_space<vmem>>, vector<80x128xi32>
    %get3A_2 = arith.constant 0 : index
    %get3A_3 = arith.constant 0 : index
    %get3A_4 = vector.load %arg2[%get3A_2, %get3A_3] : memref<80x128xi32, #tpu.memory_space<vmem>>, vector<80x128xi32>
    %ne3A = arith.cmpi ne, %get3A_1, %get3A_4 : vector<80x128xi32>
    %convert_element_type3A = arith.extui %ne3A : vector<80x128xi1> to vector<80x128xi32>
    %convert_element_type3A_5 = arith.sitofp %convert_element_type3A : vector<80x128xi32> to vector<80x128xf32>
    %iota3A = tpu.iota {dimensions = array<i32: 0>} : vector<128x128xi32>
    %iota3A_6 = tpu.iota {dimensions = array<i32: 1>} : vector<128x128xi32>
    %le3A = arith.cmpi sle, %iota3A, %iota3A_6 : vector<128x128xi32>
    %convert_element_type3A_7 = arith.extui %le3A : vector<128x128xi1> to vector<128x128xi32>
    %convert_element_type3A_8 = arith.sitofp %convert_element_type3A_7 : vector<128x128xi32> to vector<128x128xf32>
    %iota3A_9 = tpu.iota {dimensions = array<i32: 0>} : vector<80x80xi32>
    %iota3A_10 = tpu.iota {dimensions = array<i32: 1>} : vector<80x80xi32>
    %lt3A = arith.cmpi slt, %iota3A_10, %iota3A_9 : vector<80x80xi32>
    %convert_element_type3A_11 = arith.extui %lt3A : vector<80x80xi1> to vector<80x80xi32>
    %convert_element_type3A_12 = arith.sitofp %convert_element_type3A_11 : vector<80x80xi32> to vector<80x80xf32>
    %iota3A_13 = tpu.iota {dimensions = array<i32: 1>} : vector<80x128xi32>
    %dot_general3A = arith.constant dense<0.000000e+00> : vector<80x128xf32>
    %dot_general3A_14 = tpu.matmul %convert_element_type3A_5, %convert_element_type3A_8, %dot_general3A {dimension_numbers = #tpu.dot_dimension_numbers<[1], [0], [0], [1], [0, 0, 1, 1], [], []>, transpose_lhs_hint = false} : vector<80x128xf32>, vector<128x128xf32>, vector<80x128xf32> -> vector<80x128xf32>
    %slice3A = vector.extract_strided_slice %dot_general3A_14 {offsets = [0, 127], sizes = [80, 1], strides = [1, 1]} : vector<80x128xf32> to vector<80x1xf32>
    %dot_general3A_15 = arith.constant dense<0.000000e+00> : vector<80x1xf32>
    %dot_general3A_16 = tpu.matmul %convert_element_type3A_12, %slice3A, %dot_general3A_15 {dimension_numbers = #tpu.dot_dimension_numbers<[1], [0], [0], [1], [0, 0, 1, 1], [], []>, transpose_lhs_hint = false} : vector<80x80xf32>, vector<80x1xf32>, vector<80x1xf32> -> vector<80x1xf32>
    %add3A = vector.broadcast %dot_general3A_16 : vector<80x1xf32> to vector<80x128xf32>
    %add3A_17 = arith.addf %dot_general3A_14, %add3A : vector<80x128xf32>
    %sub3A = arith.constant 1.000000e+00 : f32
    %sub3A_18 = vector.broadcast %sub3A : f32 to vector<80x128xf32>
    %sub3A_19 = arith.subf %add3A_17, %sub3A_18 : vector<80x128xf32>
    %jit3A = arith.constant 64 : i32
    %eq3A = arith.constant 0 : i32
    %eq3A_20 = arith.cmpi eq, %jit3A, %eq3A : i32
    %jit3A_21 = arith.constant 1 : i32
    %select_n3A = arith.select %eq3A_20, %jit3A_21, %jit3A : i32
    %rem3A = vector.broadcast %select_n3A : i32 to vector<80x128xi32>
    %rem3A_22 = arith.remsi %iota3A_13, %rem3A : vector<80x128xi32>
    %ne3A_23 = arith.constant 0 : i32
    %ne3A_24 = vector.broadcast %ne3A_23 : i32 to vector<80x128xi32>
    %ne3A_25 = arith.cmpi ne, %rem3A_22, %ne3A_24 : vector<80x128xi32>
    %lt3A_26 = arith.constant 0 : i32
    %lt3A_27 = vector.broadcast %lt3A_26 : i32 to vector<80x128xi32>
    %lt3A_28 = arith.cmpi slt, %rem3A_22, %lt3A_27 : vector<80x128xi32>
    %lt3A_29 = arith.constant 0 : i32
    %lt3A_30 = arith.cmpi slt, %select_n3A, %lt3A_29 : i32
    %ne3A_31 = vector.broadcast %lt3A_30 : i1 to vector<80x128xi1>
    %ne3A_32 = vector.broadcast %ne3A_31 : vector<80x128xi1> to vector<80x128xi1>
    %ne3A_33 = arith.xori %lt3A_28, %ne3A_32 : vector<80x128xi1>
    %and3A = arith.andi %ne3A_33, %ne3A_25 : vector<80x128xi1>
    %add3A_34 = vector.broadcast %select_n3A : i32 to vector<80x128xi32>
    %add3A_35 = arith.addi %rem3A_22, %add3A_34 : vector<80x128xi32>
    %select_n3A_36 = arith.select %and3A, %add3A_35, %rem3A_22 : vector<80x128xi1>, vector<80x128xi32>
    %add3A_37 = arith.constant 64 : i32
    %add3A_38 = vector.broadcast %add3A_37 : i32 to vector<80x128xi32>
    %add3A_39 = arith.addi %add3A_38, %select_n3A_36 : vector<80x128xi32>
    %convert_element_type3A_40 = arith.sitofp %add3A_39 : vector<80x128xi32> to vector<80x128xf32>
    %gt3A = arith.constant 0.000000e+00 : f32
    %gt3A_41 = vector.broadcast %gt3A : f32 to vector<80x128xf32>
    %gt3A_42 = arith.cmpf ogt, %convert_element_type3A_5, %gt3A_41 : vector<80x128xf32>
    %select_n3A_43 = arith.select %gt3A_42, %sub3A_19, %convert_element_type3A_40 : vector<80x128xi1>, vector<80x128xf32>
    %convert_element_type3A_44 = arith.fptosi %select_n3A_43 : vector<80x128xf32> to vector<80x128xi32>
    %sub3A_45 = arith.constant 1.000000e+00 : f32
    %sub3A_46 = vector.broadcast %sub3A_45 : f32 to vector<80x128xf32>
    %sub3A_47 = arith.subf %sub3A_46, %convert_element_type3A_5 : vector<80x128xf32>
    %dot_general3A_48 = arith.constant dense<0.000000e+00> : vector<80x128xf32>
    %dot_general3A_49 = tpu.matmul %sub3A_47, %convert_element_type3A_8, %dot_general3A_48 {dimension_numbers = #tpu.dot_dimension_numbers<[1], [0], [0], [1], [0, 0, 1, 1], [], []>, transpose_lhs_hint = false} : vector<80x128xf32>, vector<128x128xf32>, vector<80x128xf32> -> vector<80x128xf32>
    %slice3A_50 = vector.extract_strided_slice %dot_general3A_49 {offsets = [0, 127], sizes = [80, 1], strides = [1, 1]} : vector<80x128xf32> to vector<80x1xf32>
    %dot_general3A_51 = arith.constant dense<0.000000e+00> : vector<80x1xf32>
    %dot_general3A_52 = tpu.matmul %convert_element_type3A_12, %slice3A_50, %dot_general3A_51 {dimension_numbers = #tpu.dot_dimension_numbers<[1], [0], [0], [1], [0, 0, 1, 1], [], []>, transpose_lhs_hint = false} : vector<80x80xf32>, vector<80x1xf32>, vector<80x1xf32> -> vector<80x1xf32>
    %add3A_53 = vector.broadcast %dot_general3A_52 : vector<80x1xf32> to vector<80x128xf32>
    %add3A_54 = arith.addf %dot_general3A_49, %add3A_53 : vector<80x128xf32>
    %sub3A_55 = arith.constant 1.000000e+00 : f32
    %sub3A_56 = vector.broadcast %sub3A_55 : f32 to vector<80x128xf32>
    %sub3A_57 = arith.subf %add3A_54, %sub3A_56 : vector<80x128xf32>
    %jit3A_58 = arith.constant 304 : i32
    %eq3A_59 = arith.constant 0 : i32
    %eq3A_60 = arith.cmpi eq, %jit3A_58, %eq3A_59 : i32
    %jit3A_61 = arith.constant 1 : i32
    %select_n3A_62 = arith.select %eq3A_60, %jit3A_61, %jit3A_58 : i32
    %rem3A_63 = vector.broadcast %select_n3A_62 : i32 to vector<80x128xi32>
    %rem3A_64 = arith.remsi %iota3A_13, %rem3A_63 : vector<80x128xi32>
    %ne3A_65 = arith.constant 0 : i32
    %ne3A_66 = vector.broadcast %ne3A_65 : i32 to vector<80x128xi32>
    %ne3A_67 = arith.cmpi ne, %rem3A_64, %ne3A_66 : vector<80x128xi32>
    %lt3A_68 = arith.constant 0 : i32
    %lt3A_69 = vector.broadcast %lt3A_68 : i32 to vector<80x128xi32>
    %lt3A_70 = arith.cmpi slt, %rem3A_64, %lt3A_69 : vector<80x128xi32>
    %lt3A_71 = arith.constant 0 : i32
    %lt3A_72 = arith.cmpi slt, %select_n3A_62, %lt3A_71 : i32
    %ne3A_73 = vector.broadcast %lt3A_72 : i1 to vector<80x128xi1>
    %ne3A_74 = vector.broadcast %ne3A_73 : vector<80x128xi1> to vector<80x128xi1>
    %ne3A_75 = arith.xori %lt3A_70, %ne3A_74 : vector<80x128xi1>
    %and3A_76 = arith.andi %ne3A_75, %ne3A_67 : vector<80x128xi1>
    %add3A_77 = vector.broadcast %select_n3A_62 : i32 to vector<80x128xi32>
    %add3A_78 = arith.addi %rem3A_64, %add3A_77 : vector<80x128xi32>
    %select_n3A_79 = arith.select %and3A_76, %add3A_78, %rem3A_64 : vector<80x128xi1>, vector<80x128xi32>
    %add3A_80 = arith.constant 9936 : i32
    %add3A_81 = vector.broadcast %add3A_80 : i32 to vector<80x128xi32>
    %add3A_82 = arith.addi %add3A_81, %select_n3A_79 : vector<80x128xi32>
    %convert_element_type3A_83 = arith.sitofp %add3A_82 : vector<80x128xi32> to vector<80x128xf32>
    %gt3A_84 = arith.constant 0.000000e+00 : f32
    %gt3A_85 = vector.broadcast %gt3A_84 : f32 to vector<80x128xf32>
    %gt3A_86 = arith.cmpf ogt, %sub3A_47, %gt3A_85 : vector<80x128xf32>
    %lt3A_87 = arith.constant 9.936000e+03 : f32
    %lt3A_88 = vector.broadcast %lt3A_87 : f32 to vector<80x128xf32>
    %lt3A_89 = arith.cmpf olt, %sub3A_57, %lt3A_88 : vector<80x128xf32>
    %and3A_90 = arith.andi %gt3A_86, %lt3A_89 : vector<80x128xi1>
    %select_n3A_91 = arith.select %and3A_90, %sub3A_57, %convert_element_type3A_83 : vector<80x128xi1>, vector<80x128xf32>
    %convert_element_type3A_92 = arith.fptosi %select_n3A_91 : vector<80x128xf32> to vector<80x128xi32>
    %swap3A = arith.constant 0 : index
    %swap3A_93 = arith.constant 0 : index
    %swap3A_94 = vector.load %arg3[%swap3A, %swap3A_93] : memref<80x128xi32, #tpu.memory_space<vmem>>, vector<80x128xi32>
    tpu.vector_store %arg3[%swap3A, %swap3A_93], %convert_element_type3A_44 {strides = array<i32>} : memref<80x128xi32, #tpu.memory_space<vmem>>, vector<80x128xi32>,
    %swap3A_95 = arith.constant 0 : index
    %swap3A_96 = arith.constant 0 : index
    %swap3A_97 = vector.load %arg4[%swap3A_95, %swap3A_96] : memref<80x128xi32, #tpu.memory_space<vmem>>, vector<80x128xi32>
    tpu.vector_store %arg4[%swap3A_95, %swap3A_96], %convert_element_type3A_92 {strides = array<i32>} : memref<80x128xi32, #tpu.memory_space<vmem>>, vector<80x128xi32>,
    return
  }
  func.func @transform_0(%arg0: i32) -> (i32, i32) {
    %c0_i32 = arith.constant 0 : i32
    %c0_i32_0 = arith.constant 0 : i32
    %c0_i32_1 = arith.constant 0 : i32
    return %c0_i32, %c0_i32_0 : i32, i32
  }
  func.func @transform_1(%arg0: i32) -> (i32, i32) {
    %c0_i32 = arith.constant 0 : i32
    %c0_i32_0 = arith.constant 0 : i32
    %c0_i32_1 = arith.constant 0 : i32
    return %c0_i32, %c0_i32_0 : i32, i32
  }
  func.func @transform_2(%arg0: i32) -> (i32, i32) {
    %c0_i32 = arith.constant 0 : i32
    %c0_i32_0 = arith.constant 0 : i32
    %c0_i32_1 = arith.constant 0 : i32
    return %c0_i32, %c0_i32_0 : i32, i32
  }
  func.func @transform_3(%arg0: i32) -> (i32, i32) {
    %c0_i32 = arith.constant 0 : i32
    %c0_i32_0 = arith.constant 0 : i32
    %c0_i32_1 = arith.constant 0 : i32
    return %c0_i32, %c0_i32_0 : i32, i32
  }
}

module attributes {stable_mosaic.version = 14 : i64} {
  func.func @_tc3_body(%arg0: i32, %arg1: memref<2048x128xf32, #tpu.memory_space<vmem>>, %arg2: memref<2048x128xf32, #tpu.memory_space<vmem>>, %arg3: memref<2048x128xf32, #tpu.memory_space<vmem>>, %arg4: memref<2048x128xf32, #tpu.memory_space<vmem>>, %arg5: memref<2048x1xf32, #tpu.memory_space<vmem>>, %arg6: memref<1x128xf32, #tpu.memory_space<vmem>>, %arg7: memref<128x1xf32, #tpu.memory_space<vmem>>, %arg8: memref<1x1xf32, #tpu.memory_space<vmem>>, %arg9: memref<2048x1xf32, #tpu.memory_space<vmem>>, %arg10: memref<1x128xf32, #tpu.memory_space<vmem>>) attributes {dimension_semantics = [#tpu.dimension_semantics<arbitrary>], iteration_bounds = array<i64: 5>, scalar_prefetch = 0 : i64, scratch_operands = 0 : i64, tpu.core_type = #tpu.core_type<tc>, window_params = [{transform_indices = @transform_0, window_bounds = array<i64: 2048, 128>}, {transform_indices = @transform_1, window_bounds = array<i64: 2048, 128>}, {transform_indices = @transform_2, window_bounds = array<i64: 2048, 128>}, {transform_indices = @transform_3, window_bounds = array<i64: 2048, 128>}, {transform_indices = @transform_4, window_bounds = array<i64: 2048, 1>}, {pipeline_mode = #tpu.pipeline_mode<synchronous>, transform_indices = @transform_5, window_bounds = array<i64: 1, 128>}, {pipeline_mode = #tpu.pipeline_mode<synchronous>, transform_indices = @transform_6, window_bounds = array<i64: 128, 1>}, {pipeline_mode = #tpu.pipeline_mode<synchronous>, transform_indices = @transform_7, window_bounds = array<i64: 1, 1>}, {transform_indices = @transform_8, window_bounds = array<i64: 2048, 1>}, {pipeline_mode = #tpu.pipeline_mode<synchronous>, transform_indices = @transform_9, window_bounds = array<i64: 1, 128>}]} {
    %get3A = arith.constant 0 : index
    %get3A_0 = arith.constant 0 : index
    %get3A_1 = vector.load %arg5[%get3A, %get3A_0] : memref<2048x1xf32, #tpu.memory_space<vmem>>, vector<2048x1xf32>
    %get3A_2 = arith.constant 0 : index
    %get3A_3 = arith.constant 0 : index
    %get3A_4 = vector.load %arg3[%get3A_2, %get3A_3] : memref<2048x128xf32, #tpu.memory_space<vmem>>, vector<2048x128xf32>
    %get3A_5 = arith.constant 0 : index
    %get3A_6 = arith.constant 0 : index
    %get3A_7 = vector.load %arg4[%get3A_5, %get3A_6] : memref<2048x128xf32, #tpu.memory_space<vmem>>, vector<2048x128xf32>
    %add3A = arith.addf %get3A_4, %get3A_7 : vector<2048x128xf32>
    %get3A_8 = arith.constant 0 : index
    %get3A_9 = arith.constant 0 : index
    %get3A_10 = vector.load %arg2[%get3A_8, %get3A_9] : memref<2048x128xf32, #tpu.memory_space<vmem>>, vector<2048x128xf32>
    %add3A_11 = arith.addf %add3A, %get3A_10 : vector<2048x128xf32>
    %mul3A = vector.broadcast %get3A_1 : vector<2048x1xf32> to vector<2048x128xf32>
    %mul3A_12 = arith.mulf %mul3A, %add3A_11 : vector<2048x128xf32>
    %get3A_13 = arith.constant 0 : index
    %get3A_14 = arith.constant 0 : index
    %get3A_15 = vector.load %arg6[%get3A_13, %get3A_14] : memref<1x128xf32, #tpu.memory_space<vmem>>, vector<1x128xf32>
    %add3A_16 = vector.broadcast %get3A_15 : vector<1x128xf32> to vector<2048x128xf32>
    %add3A_17 = arith.addf %mul3A_12, %add3A_16 : vector<2048x128xf32>
    %max3A = arith.constant 0.000000e+00 : f32
    %max3A_18 = vector.broadcast %max3A : f32 to vector<2048x128xf32>
    %max3A_19 = arith.maximumf %add3A_17, %max3A_18 : vector<2048x128xf32>
    %get3A_20 = arith.constant 0 : index
    %get3A_21 = arith.constant 0 : index
    %get3A_22 = vector.load %arg1[%get3A_20, %get3A_21] : memref<2048x128xf32, #tpu.memory_space<vmem>>, vector<2048x128xf32>
    %add3A_23 = arith.addf %get3A_22, %max3A_19 : vector<2048x128xf32>
    %get3A_24 = arith.constant 0 : index
    %get3A_25 = arith.constant 0 : index
    %get3A_26 = vector.load %arg7[%get3A_24, %get3A_25] : memref<128x1xf32, #tpu.memory_space<vmem>>, vector<128x1xf32>
    %dot_general3A = arith.constant dense<0.000000e+00> : vector<2048x1xf32>
    %dot_general3A_27 = tpu.matmul %add3A_23, %get3A_26, %dot_general3A {dimension_numbers = #tpu.dot_dimension_numbers<[1], [0], [0], [1], [0, 0, 1, 1], [], []>, transpose_lhs_hint = false} : vector<2048x128xf32>, vector<128x1xf32>, vector<2048x1xf32> -> vector<2048x1xf32>
    %get3A_28 = arith.constant 0 : index
    %get3A_29 = arith.constant 0 : index
    %get3A_30 = vector.load %arg8[%get3A_28, %get3A_29] : memref<1x1xf32, #tpu.memory_space<vmem>>, vector<1x1xf32>
    %add3A_31 = vector.broadcast %get3A_30 : vector<1x1xf32> to vector<2048x1xf32>
    %add3A_32 = arith.addf %dot_general3A_27, %add3A_31 : vector<2048x1xf32>
    %swap3A = arith.constant 0 : index
    %swap3A_33 = arith.constant 0 : index
    %swap3A_34 = vector.load %arg9[%swap3A, %swap3A_33] : memref<2048x1xf32, #tpu.memory_space<vmem>>, vector<2048x1xf32>
    tpu.vector_store %arg9[%swap3A, %swap3A_33], %add3A_32 {strides = array<i32>} : memref<2048x1xf32, #tpu.memory_space<vmem>>, vector<2048x1xf32>,
    %eq3A = arith.constant 0 : i32
    %eq3A_35 = arith.cmpi eq, %arg0, %eq3A : i32
    %convert_element_type3A = arith.extui %eq3A_35 : i1 to i32
    %cond3A = arith.constant 0 : i32
    %cond3A_36 = arith.cmpi ne, %convert_element_type3A, %cond3A : i32
    scf.if %cond3A_36 {
      %slice3A = vector.extract_strided_slice %add3A_32 {offsets = [0, 0], sizes = [1, 1], strides = [1, 1]} : vector<2048x1xf32> to vector<1x1xf32>
      %broadcast_in_dim3A = arith.constant 1.000000e+00 : f32
      %broadcast_in_dim3A_37 = vector.broadcast %broadcast_in_dim3A : f32 to vector<1x128xf32>
      %mul3A_38 = vector.broadcast %slice3A : vector<1x1xf32> to vector<1x128xf32>
      %mul3A_39 = arith.mulf %mul3A_38, %broadcast_in_dim3A_37 : vector<1x128xf32>
      %swap3A_40 = arith.constant 0 : index
      %swap3A_41 = arith.constant 0 : index
      %swap3A_42 = vector.load %arg10[%swap3A_40, %swap3A_41] : memref<1x128xf32, #tpu.memory_space<vmem>>, vector<1x128xf32>
      tpu.vector_store %arg10[%swap3A_40, %swap3A_41], %mul3A_39 {strides = array<i32>} : memref<1x128xf32, #tpu.memory_space<vmem>>, vector<1x128xf32>,
    } else {
    }
    return
  }
  func.func @transform_0(%arg0: i32) -> (i32, i32) {
    %c0_i32 = arith.constant 0 : i32
    %c0_i32_0 = arith.constant 0 : i32
    return %arg0, %c0_i32 : i32, i32
  }
  func.func @transform_1(%arg0: i32) -> (i32, i32) {
    %c0_i32 = arith.constant 0 : i32
    %c0_i32_0 = arith.constant 0 : i32
    return %arg0, %c0_i32 : i32, i32
  }
  func.func @transform_2(%arg0: i32) -> (i32, i32) {
    %c0_i32 = arith.constant 0 : i32
    %c0_i32_0 = arith.constant 0 : i32
    return %arg0, %c0_i32 : i32, i32
  }
  func.func @transform_3(%arg0: i32) -> (i32, i32) {
    %c0_i32 = arith.constant 0 : i32
    %c0_i32_0 = arith.constant 0 : i32
    return %arg0, %c0_i32 : i32, i32
  }
  func.func @transform_4(%arg0: i32) -> (i32, i32) {
    %c0_i32 = arith.constant 0 : i32
    %c0_i32_0 = arith.constant 0 : i32
    return %arg0, %c0_i32 : i32, i32
  }
  func.func @transform_5(%arg0: i32) -> (i32, i32) {
    %c0_i32 = arith.constant 0 : i32
    %c0_i32_0 = arith.constant 0 : i32
    %c0_i32_1 = arith.constant 0 : i32
    return %c0_i32, %c0_i32_0 : i32, i32
  }
  func.func @transform_6(%arg0: i32) -> (i32, i32) {
    %c0_i32 = arith.constant 0 : i32
    %c0_i32_0 = arith.constant 0 : i32
    %c0_i32_1 = arith.constant 0 : i32
    return %c0_i32, %c0_i32_0 : i32, i32
  }
  func.func @transform_7(%arg0: i32) -> (i32, i32) {
    %c0_i32 = arith.constant 0 : i32
    %c0_i32_0 = arith.constant 0 : i32
    %c0_i32_1 = arith.constant 0 : i32
    return %c0_i32, %c0_i32_0 : i32, i32
  }
  func.func @transform_8(%arg0: i32) -> (i32, i32) {
    %c0_i32 = arith.constant 0 : i32
    %c0_i32_0 = arith.constant 0 : i32
    return %arg0, %c0_i32 : i32, i32
  }
  func.func @transform_9(%arg0: i32) -> (i32, i32) {
    %c0_i32 = arith.constant 0 : i32
    %c0_i32_0 = arith.constant 0 : i32
    %c0_i32_1 = arith.constant 0 : i32
    return %c0_i32, %c0_i32_0 : i32, i32
  }
}

</mosaic_0001>

<sc_bundles>
// kernel: kernel.11.cloned.1.call-start
scs
__scs_entry_jumppad:
0x0: {  	(pc) =	sbr.rel $0x88, $3  }
0x1: {  	(tag) =	ssettag $0x0;
	lr =	simm.s32 $0x1  }
0x2: {  	[smem:$0x3F96] =	sst lr;
	_ =	strace $0xD0000000  }
0x3: {  	_ = 	snop  }
0x4: {  	_ = 	snop  }
0x5: {  	_ = 	snop  }
0x6: {  	_ = 	snop  }
0x7: {  	_ = 	snop  }
__scs_overlays_trampoline_lowered:
0x8: {  	[smem:$0x3FA5] =	sst s0  }
0x9: {  	[smem:$0x3FA6] =	sst s1  }
0xa: {  	[smem:$0x3FA7] =	sst s2  }
0xb: {  	[smem:$0x3FA8] =	sst s3  }
0xc: {  	[smem:$0x3FA9] =	sst s4  }
0xd: {  	[smem:$0x3FAA] =	sst s5  }
0xe: {  	[smem:$0x3FAB] =	sst s6  }
0xf: {  	[smem:$0x3FAC] =	sst s7  }
0x10: {  	[smem:$0x3FAD] =	sst s8  }
0x11: {  	[smem:$0x3FAE] =	sst s9;
	s0 =	simm.s32 @!p0 $0x0  }
0x12: {  	s1 =	sld [smem:$0x3F94];
	s0 =	simm.s32 @p0 $0x1  }
0x13: {  	[smem:$0x3FAF] =	sst s0;
	s0 =	simm.s32 @!p1 $0x0  }
0x14: {  	s2 =	sld [smem:$0x3F93];
	s0 =	simm.s32 @p1 $0x1  }
0x15: {  	[smem:$0x3FB0] =	sst s0;
	s0 =	simm.s32 @!p2 $0x0  }
0x16: {  	s3 =	sld [smem:$0x3FDB];
	s0 =	simm.s32 @p2 $0x1  }
0x17: {  	s4 =	simm.s32 $0x1BF5;
	[smem:$0x3FB2] =	sst s0  }
0x18: {  	s0 =	sld [smem:$0x3F95];
	_ =	swait.ge [sflag:s4], $0x0  }
0x19: {  	s7 =	sld [smem:$0x3F96]  }
0x1a: {  	s8 =	sadd.s32 $0xFFFFE003, lr  }
0x1b: {  	s9 =	sadd.s32 $0xFFFFFEF7, lr;
	s5 =	simm.s32 $0xFFFFFFFF;
	p2 =	slt.u32 s8, $0xFFFFF086  }
0x1c: {  	p1 =	slt.u32 s9, $0xF7A;
	s5 =	simm.s32 @!p2 $0x0  }
0x1d: {  	s5 =	simm.s32 @p1 $0x1;
	p0 =	seq.s32 s7, s2  }
0x1e: {  	s7 =	smul.u32 @!p0 $0xF7A, s2;
	p2 =	seq.s32 @!p0 s5, $0x0  }
0x1f: {  	s9 =	smul.u32 $0xF7A, s1;
	s8 =	simm.s32 @!p0 $0x1BF5;
	p2 =	por !p2, p0  }
0x20: {  	[sflag:s8] =	ssyncset.s32 @!p0 $0xFFFFF086;
	s6 =	sadd.s32 @!p0 s3, s7;
	s7 =	simm.s32 @!p0 $0x108  }
0x21: {  	s3 =	sadd.s32 s3, s9;
	s6 =	sadd.s32 @!p0 $0x88, s6;
	s7 =	simm.s32 @p2 $0x1082  }
0x22: {  	[simem:s7], [sflag:s8] =	dma.local @!p0 [hbm:s6], $0xF7A  }
0x23: {  	s9 =	sor.u32 $0xD0000000, s2;
	s6 =	simm.s32 $0x108;
	_ =	swait.ge @!p0 [sflag:s8], $0x0  }
0x24: {  	s3 =	sadd.s32 $0x88, s3;
	s6 =	simm.s32 @!p1 $0x1082;
	[sflag:s4] =	ssyncset.s32 $0xFFFFF086  }
0x25: {  	[simem:s6], [sflag:s4] =	dma.local [hbm:s3], $0xF7A  }
0x26: {  	[smem:$0x3F96] =	sst s1;
	(tag) =	ssettag s2;
	_ =	strace s9  }
0x27: {  	s1 =	sld [smem:$0x3FA6]  }
0x28: {  	s2 =	sld [smem:$0x3FA7]  }
0x29: {  	s4 =	sld [smem:$0x3FA9]  }
0x2a: {  	p0 =	seq.s32 s5, $0x0;
	s5 =	sld [smem:$0x3FAA]  }
0x2b: {  	s6 =	sld [smem:$0x3FAB]  }
0x2c: {  	s7 =	sld [smem:$0x3FAC]  }
0x2d: {  	s3 =	simm.s32 $0x108;
	s8 =	sld [smem:$0x3FAD]  }
0x2e: {  	s3 =	simm.s32 @!p0 $0x1082;
	s9 =	sld [smem:$0x3FAE]  }
0x2f: {  	lr =	sadd.s32 s0, s3;
	s0 =	sld [smem:$0x3FA5]  }
0x30: {  	s3 =	sld [smem:$0x3FA8]  }
0x31: {  	[smem:$0x3FB1] =	sst s10  }
0x32: {  	s10 =	sld [smem:$0x3FAF];
	_ =	sdelay $0x3  }
0x33: {  	p0 =	seq.s32 s10, $0x1;
	s10 =	sld [smem:$0x3FB1];
	_ =	sdelay $0x3  }
0x34: {  	[smem:$0x3FB1] =	sst s10  }
0x35: {  	s10 =	sld [smem:$0x3FB0];
	_ =	sdelay $0x3  }
0x36: {  	p1 =	seq.s32 s10, $0x1;
	s10 =	sld [smem:$0x3FB1];
	_ =	sdelay $0x3  }
0x37: {  	[smem:$0x3FB1] =	sst s10  }
0x38: {  	s10 =	sld [smem:$0x3FB2]  }
0x39: {  	_ = 	snop;
	(pc) =	sbr.ind lr, $3  }
0x3a: {  	_ = 	snop  }
0x3b: {  	_ = 	snop  }
0x3c: {  	p2 =	seq.s32 s10, $0x1;
	s10 =	sld [smem:$0x3FB1]  }
0x3d: {  	_ =	shalt  }
0x3e: {  	_ =	shalt  }
0x3f: {  	_ =	shalt  }
0x40: {  	_ =	shalt  }
0x41: {  	_ =	shalt  }
0x42: {  	_ =	shalt  }
0x43: {  	_ =	shalt  }
0x44: {  	_ =	shalt  }
0x45: {  	_ =	shalt  }
0x46: {  	_ =	shalt  }
0x47: {  	_ =	shalt  }
0x48: {  	_ =	shalt  }
0x49: {  	_ =	shalt  }
0x4a: {  	_ =	shalt  }
0x4b: {  	_ =	shalt  }
0x4c: {  	_ =	shalt  }
0x4d: {  	_ =	shalt  }
0x4e: {  	_ =	shalt  }
0x4f: {  	_ =	shalt  }
0x50: {  	_ =	shalt  }
0x51: {  	_ =	shalt  }
0x52: {  	_ =	shalt  }
0x53: {  	_ =	shalt  }
0x54: {  	_ =	shalt  }
0x55: {  	_ =	shalt  }
0x56: {  	_ =	shalt  }
0x57: {  	_ =	shalt  }
0x58: {  	_ =	shalt  }
0x59: {  	_ =	shalt  }
0x5a: {  	_ =	shalt  }
0x5b: {  	_ =	shalt  }
0x5c: {  	_ =	shalt  }
0x5d: {  	_ =	shalt  }
0x5e: {  	_ =	shalt  }
0x5f: {  	_ =	shalt  }
0x60: {  	_ =	shalt  }
0x61: {  	_ =	shalt  }
0x62: {  	_ =	shalt  }
0x63: {  	_ =	shalt  }
0x64: {  	_ =	shalt  }
0x65: {  	_ =	shalt  }
0x66: {  	_ =	shalt  }
0x67: {  	_ =	shalt  }
0x68: {  	_ =	shalt  }
0x69: {  	_ =	shalt  }
0x6a: {  	_ =	shalt  }
0x6b: {  	_ =	shalt  }
0x6c: {  	_ =	shalt  }
0x6d: {  	_ =	shalt  }
0x6e: {  	_ =	shalt  }
0x6f: {  	_ =	shalt  }
0x70: {  	_ =	shalt  }
0x71: {  	_ =	shalt  }
0x72: {  	_ =	shalt  }
0x73: {  	_ =	shalt  }
0x74: {  	_ =	shalt  }
0x75: {  	_ =	shalt  }
0x76: {  	_ =	shalt  }
0x77: {  	_ =	shalt  }
0x78: {  	_ =	shalt  }
0x79: {  	_ =	shalt  }
0x7a: {  	_ =	shalt  }
0x7b: {  	_ =	shalt  }
0x7c: {  	_ =	shalt  }
0x7d: {  	_ =	shalt  }
0x7e: {  	_ =	shalt  }
0x7f: {  	_ =	shalt  }
0x80: {  	_ =	shalt  }
0x81: {  	_ =	shalt  }
0x82: {  	_ =	shalt  }
0x83: {  	_ =	shalt  }
0x84: {  	_ =	shalt  }
0x85: {  	_ =	shalt  }
0x86: {  	_ =	shalt  }
0x87: {  	_ =	shalt  }
.Lfunc_end0:
.L_simem_size_0:
called_computation_lowered:
.L_overlay_start_0:
0x88: {  	s2 =	sld [smem:$0x3FD9]  }
0x89: {  	s3 =	sld [smem:$0x3FFE];
	_ =	sdelay $0x1  }
0x8a: {  	s1 =	srdreg.scid  }
0x8b: {  	s0 =	sand.u32 $0x1, s1  }
0x8c: {  	s14 =	sshll.u32 s0, $0xA;
	s2 =	sadd.s32 s3, s2  }
0x8d: {  	s2 =	sadd.s32 s2, s14  }
0x8e: {  	[smem:$0x3FBD] =	sst s2  }
0x8f: {  	_ = 	snop  }
0x90: {  	s2 =	sld [smem:$0x3FD0];
	_ =	sdelay $0x2  }
0x91: {  	s15 =	simm.s32 $0xA;
	s4 =	simm.s32 $0x10  }
0x92: {  	[smem:s4], [sflag:s15] =	dma.local [hbm:s2], $0x1  }
0x93: {  	_ =	swait.eq [sflag:s15], $0x1  }
0x94: {  	[sflag:s15] =	ssyncset.done $0x0  }
0x95: {  	[sflag:s15] =	ssyncadd.s32 $0xFFFFFFFF  }
0x96: {  	s16 =	sld [smem:$0x10];
	(tm) =	ssettm $0x1  }
0x97: {  	s17 =	sld [smem:$0x3FFB];
	_ =	sdelay $0x3  }
0x98: {  	_ =	strace s17  }
0x99: {  	s3 =	sld [smem:$0x3FFC];
	_ =	sdelay $0x3  }
0x9a: {  	_ =	strace s3  }
0x9b: {  	s3 =	sld [smem:$0x3FFD];
	_ =	sdelay $0x3  }
0x9c: {  	_ =	strace s3  }
0x9d: {  	_ =	strace $0x8FFFFFFF  }
0x9e: {  	s18 =	sld [smem:$0x3FDB];
	_ =	sdelay $0x1  }
0x9f: {  	s19 =	simm.s32 $_scs_section_size  }
0xa0: {  	s5 =	simm.s32 $_size__tile_overlayer_lowered;
	s6 =	simm.s32 $_tile_overlayer_lowered  }
0xa1: {  	s22 =	simm.s32 $0x1BFF;
	s21 =	sshll.u32 s6, $0x1;
	s3 =	sadd.s32 s19, s18  }
0xa2: {  	s7 =	simm.s32 $0x0;
	s20 =	sshll.u32 s5, $0x1;
	s5 =	sadd.s32 s21, s3  }
0xa3: {  	[timem:s7], [sflag:s22] =	dma.local [hbm:s5], s20  }
0xa4: {  	_ =	swait.ge [sflag:s22], s20  }
0xa5: {  	s4 =	ssub.s32 $0x0, s20;
	[sflag:s22] =	ssyncset.done $0x0  }
0xa6: {  	[sflag:s22] =	ssyncadd.s32 s4;
	_ =	sdelay $0x1  }
0xa7: {  	s23 =	simm.s32 $0x1B8B  }
0xa8: {  	_ =	swait.ge [sflag:s23], $0x1  }
0xa9: {  	[sflag:s23] =	ssyncset.done $0x0  }
0xaa: {  	s25 =	simm.s32 $0x1B8E;
	s24 =	sld [smem:$0x3FFE];
	[sflag:s23] =	ssyncadd.s32 $0xFFFFFFFF  }
0xab: {  	s26 =	simm.s32 $execute0_lowered;
	[smem:$0x3FD2] =	sst s25  }
0xac: {  	s5 =	sshll.u32 s26, $0x1;
	_ =	strace $0x80000046;
	[dreg:$0x1] =	wrdreg $0xFFFFFFFF  }
0xad: {  	s28 =	simm.s32 $_size_execute0_lowered;
	s3 =	sadd.s32 s3, s5;
	[dreg:$0x0] =	wrdreg $0x0  }
0xae: {  	s5 =	sshll.u32 s28, $0x1;
	[dreg:$0x2] =	wrdreg s3  }
0xaf: {  	[dreg:$0x3] =	wrdreg s5  }
0xb0: {  	[dreg:$0x4] =	wrdreg $0xC0  }
0xb1: {  	_ =	task [dreg:s7], $0x5FFFF  }
0xb2: {  	[dreg:$0x1] =	wrdreg $0xFFFFFFFF  }
0xb3: {  	[dreg:$0x0] =	wrdreg $0x60  }
0xb4: {  	[dreg:$0x2] =	wrdreg s24  }
0xb5: {  	[dreg:$0x3] =	wrdreg s16  }
0xb6: {  	[dreg:$0x4] =	wrdreg $0x54800  }
0xb7: {  	[dreg:$0x5] =	wrdreg $0x9  }
0xb8: {  	_ =	task.clear_ibuf [dreg:s7], $0x6FFFF;
	_ =	strace $0x90000046  }
0xb9: {  	s29 =	simm.s32 $0x9;
	_ =	strace $0x80000048  }
0xba: {  	_ =	swait.ge [sflag:s29], $0x1  }
0xbb: {  	[sflag:s29] =	ssyncadd.s32 $0xFFFFFFFF  }
0xbc: {  	_ =	strace $0x90000048  }
0xbd: {  	_ =	sfence  }
0xbe: {  	s30 =	sld [smem:$0x0];
	_ =	sdelay $0x2  }
0xbf: {  	s31 =	sshll.u32 s1, $0xD;
	s1 =	sshrl.u32 s1, $0x2  }
0xc0: {  	s3 =	sand.u32 $0x4000, s31;
	s1 =	sadd.s32 s1, s30  }
0xc1: {  	s0 =	sor.u32 s3, s0;
	s1 =	sshll.u32 s1, $0x11  }
0xc2: {  	s0 =	sor.u32 s1, s0  }
0xc3: {  	s0 =	sadd.s32 $0x8F2B, s0  }
0xc4: {  	[sflag:s0] =	ssyncadd.remote.s32 $0x1  }
0xc5: {  	_ =	sfence.sel $0xFFFF  }
0xc6: {  	[dreg:$0x0] =	wrdreg $0xFFFFFFFF;
	(pc) =	sbr.abs _section_cstart, $3  }
0xc7: {  	[dreg:$0x1] =	wrdreg $0xFFFFFFFF  }
0xc8: {  	_ =	task.clear_ibuf [dreg:s7], $0x2FFFF;
	_ =	strace $0x9FFFFFFF  }
0xc9: {  	(tm) =	ssettm $0x7FFFFFFF  }
tec
execute0_lowered:
.L_overlay_start_1:
0x0: {  	(tag) =	ssettag $0x1  }
0x1: {  	s4 =	rddreg [dreg:$0x0]  }
0x2: {  	s7 =	rddreg [dreg:$0x1]  }
0x3: {  	s2 =	rddreg [dreg:$0x2]  }
0x4: {  	s0 =	rddreg [dreg:$0x3]  }
0x5: {  	s3 =	simm.s32 $0x0;
	s1 =	stileid.u32;
	s5 =	srdreg.scid  }
0x6: {  	s11 =	simm.s32 $0x50;
	s12 =	simm.s32 $0x4E80;
	s13 =	simm.s32 $0x1  }
0x7: {  	s14 =	simm.s32 $0x5180;
	s15 =	simm.s32 $0x5300;
	s16 =	simm.s32 $0x0  }
0x8: {  	s6 =	smul.u32 $0x9C4, s1;
	s5 =	sand.u32 $0x1, s5;
	s8 =	sshll.u32 s1, $0x1  }
0x9: {  	[smem:$0x7FF] =	sst s3;
	s9 =	smul.u32 $0xA00, s1;
	s8 =	sor.u32 s5, s8  }
0xa: {  	_ =	strace $0x80000047;
	s5 =	ssub.s32 $0x2, s5;
	s8 =	smul.u32 $0x140, s8  }
0xb: {  	s6 =	sadd.s32 s6, s4;
	s30 =	sshrl.u32 s5, $0x1;
	s9 =	sshrl.u32 s9, $0x2  }
0xc: {  	s10 =	ssub.s32 s5, s30;
	s4 =	sadd.s32 s9, s2;
	s5 =	sadd.s32 $0xD800, s6  }
0xd: {  	s9 =	simm.s32 $0x4F00;
	s31 =	sshrl.u32 s8, $0x3;
	s6 =	sadd.s32 s8, s2  }
0xe: {  	v0 =	vimm.f32 $0.0e+00;
	v1 =	vimm.f32 $1.000000000e+00;
	s8 =	smax.u32 s10, $0x1;
	s10 =	simm.s32 $0x2;
	s7 =	sadd.s32 s7, s31  }
.LBB2_1:
0xf: {  	[tilespmem:$0x4F00] =	vst v0  }
0x10: {  	[tilespmem:$0x4F10] =	vst v0  }
0x11: {  	[tilespmem:$0x4F20] =	vst v0  }
0x12: {  	[tilespmem:$0x4F30] =	vst v0  }
0x13: {  	[tilespmem:$0x4F40] =	vst v0  }
0x14: {  	[tilespmem:$0x4F50] =	vst v0  }
0x15: {  	[tilespmem:$0x4F60] =	vst v0  }
0x16: {  	[tilespmem:$0x4F70] =	vst v0  }
0x17: {  	[tilespmem:$0x4F80] =	vst v0  }
0x18: {  	[tilespmem:$0x4F90] =	vst v0  }
0x19: {  	[tilespmem:$0x4FA0] =	vst v0  }
0x1a: {  	[tilespmem:$0x4FB0] =	vst v0  }
0x1b: {  	[tilespmem:$0x4FC0] =	vst v0  }
0x1c: {  	[tilespmem:$0x4FD0] =	vst v0  }
0x1d: {  	[tilespmem:$0x4FE0] =	vst v0  }
0x1e: {  	[tilespmem:$0x4FF0] =	vst v0  }
0x1f: {  	[tilespmem:$0x5000] =	vst v0  }
0x20: {  	[tilespmem:$0x5010] =	vst v0  }
0x21: {  	[tilespmem:$0x5020] =	vst v0  }
0x22: {  	[tilespmem:$0x5030] =	vst v0  }
0x23: {  	[tilespmem:$0x5040] =	vst v0  }
0x24: {  	[tilespmem:$0x5050] =	vst v0  }
0x25: {  	[tilespmem:$0x5060] =	vst v0  }
0x26: {  	[tilespmem:$0x5070] =	vst v0  }
0x27: {  	[tilespmem:$0x5080] =	vst v0  }
0x28: {  	[tilespmem:$0x5090] =	vst v0  }
0x29: {  	[tilespmem:$0x50A0] =	vst v0  }
0x2a: {  	[tilespmem:$0x50B0] =	vst v0  }
0x2b: {  	[tilespmem:$0x50C0] =	vst v0  }
0x2c: {  	[tilespmem:$0x50D0] =	vst v0  }
0x2d: {  	[tilespmem:$0x50E0] =	vst v0  }
0x2e: {  	[tilespmem:$0x50F0] =	vst v0  }
0x2f: {  	[tilespmem:$0x5100] =	vst v0  }
0x30: {  	[tilespmem:$0x5110] =	vst v0  }
0x31: {  	[tilespmem:$0x5120] =	vst v0  }
0x32: {  	[tilespmem:$0x5130] =	vst v0  }
0x33: {  	[tilespmem:$0x5140] =	vst v0  }
0x34: {  	[tilespmem:$0x5150] =	vst v0  }
0x35: {  	[tilespmem:$0x5160] =	vst v0  }
0x36: {  	[tilespmem:$0x5170] =	vst v0  }
0x37: {  	[tilespmem:$0x4E80] =	vst v1  }
0x38: {  	[tilespmem:$0x4E90] =	vst v1  }
0x39: {  	[tilespmem:$0x4EA0] =	vst v1  }
0x3a: {  	[tilespmem:$0x4EB0] =	vst v1  }
0x3b: {  	[tilespmem:$0x4EC0] =	vst v1  }
0x3c: {  	[spmem:s4] =	stream.linear.scatter [tilespmem:s9], [sflag:$0x2], $0x280, $0x38;
	[tilespmem:$0x5700] =	vst v63  }
0x3d: {  	_ =	swait.ge [sflag:s10], $0x280  }
0x3e: {  	[sflag:s10] =	ssyncset.done $0x0  }
0x3f: {  	[sflag:s10] =	ssyncadd.s32 $0xFFFFFD80  }
0x40: {  	[tilespmem:s3], [sflag:$0x2] =	stream.linear.gather [hbm4b:s5+s3], $0x4E20, $0x38;
	[tilespmem:$0x5700] =	vst v63  }
0x41: {  	_ =	swait.ge [sflag:s10], $0x4E20  }
0x42: {  	[sflag:s10] =	ssyncset.done $0x0  }
0x43: {  	[sflag:s10] =	ssyncadd.s32 $0xFFFFB1E0  }
0x44: {  	s17 =	simm.s32 $0x0;
	[bflag:$0x0] =	sbarrier.arrive $0xFFFF  }
0x45: {  	[spmem:s2] =	stream.indirect.scatter.add.f32 [tilespmem:s12], [sflag:$0x1], $0x1, s17, s11, $0xb8;
	[tilespmem:$0x5700] =	vst v63  }
0x46: {  	s22 =	simm.s32 $0x50  }
0x47: {  	[spmem:s2] =	stream.indirect.scatter.add.f32 [tilespmem:s12], [sflag:$0x1], $0x1, s22, s11, $0xb8;
	[tilespmem:$0x5700] =	vst v63  }
0x48: {  	s23 =	simm.s32 $0xA0  }
0x49: {  	[spmem:s2] =	stream.indirect.scatter.add.f32 [tilespmem:s12], [sflag:$0x1], $0x1, s23, s11, $0xb8;
	[tilespmem:$0x5700] =	vst v63  }
0x4a: {  	s24 =	simm.s32 $0xF0  }
0x4b: {  	[spmem:s2] =	stream.indirect.scatter.add.f32 [tilespmem:s12], [sflag:$0x1], $0x1, s24, s11, $0xb8;
	[tilespmem:$0x5700] =	vst v63  }
0x4c: {  	s25 =	simm.s32 $0x140  }
0x4d: {  	[spmem:s2] =	stream.indirect.scatter.add.f32 [tilespmem:s12], [sflag:$0x1], $0x1, s25, s11, $0xb8;
	[tilespmem:$0x5700] =	vst v63  }
0x4e: {  	s26 =	simm.s32 $0x190  }
0x4f: {  	[spmem:s2] =	stream.indirect.scatter.add.f32 [tilespmem:s12], [sflag:$0x1], $0x1, s26, s11, $0xb8;
	[tilespmem:$0x5700] =	vst v63  }
0x50: {  	s28 =	simm.s32 $0x1E0  }
0x51: {  	[spmem:s2] =	stream.indirect.scatter.add.f32 [tilespmem:s12], [sflag:$0x1], $0x1, s28, s11, $0xb8;
	[tilespmem:$0x5700] =	vst v63  }
0x52: {  	s29 =	simm.s32 $0x230  }
0x53: {  	[spmem:s2] =	stream.indirect.scatter.add.f32 [tilespmem:s12], [sflag:$0x1], $0x1, s29, s11, $0xb8;
	[tilespmem:$0x5700] =	vst v63  }
0x54: {  	s30 =	simm.s32 $0x280  }
0x55: {  	[spmem:s2] =	stream.indirect.scatter.add.f32 [tilespmem:s12], [sflag:$0x1], $0x1, s30, s11, $0xb8;
	[tilespmem:$0x5700] =	vst v63  }
0x56: {  	s31 =	simm.s32 $0x2D0  }
0x57: {  	[spmem:s2] =	stream.indirect.scatter.add.f32 [tilespmem:s12], [sflag:$0x1], $0x1, s31, s11, $0xb8;
	[tilespmem:$0x5700] =	vst v63  }
0x58: {  	_ =	swait.ge [sflag:s13], $0x50  }
0x59: {  	[sflag:s13] =	ssyncset.done $0x0  }
0x5a: {  	[sflag:s13] =	ssyncadd.s32 $0xFFFFFFB0  }
0x5b: {  	_ =	swait.ge [sflag:s13], $0x50  }
0x5c: {  	[sflag:s13] =	ssyncset.done $0x0  }
0x5d: {  	[sflag:s13] =	ssyncadd.s32 $0xFFFFFFB0  }
0x5e: {  	_ =	swait.ge [sflag:s13], $0x50  }
0x5f: {  	[sflag:s13] =	ssyncset.done $0x0  }
0x60: {  	[sflag:s13] =	ssyncadd.s32 $0xFFFFFFB0  }
0x61: {  	_ =	swait.ge [sflag:s13], $0x50  }
0x62: {  	[sflag:s13] =	ssyncset.done $0x0  }
0x63: {  	[sflag:s13] =	ssyncadd.s32 $0xFFFFFFB0  }
0x64: {  	_ =	swait.ge [sflag:s13], $0x50  }
0x65: {  	[sflag:s13] =	ssyncset.done $0x0  }
0x66: {  	[sflag:s13] =	ssyncadd.s32 $0xFFFFFFB0  }
0x67: {  	_ =	swait.ge [sflag:s13], $0x50  }
0x68: {  	[sflag:s13] =	ssyncset.done $0x0  }
0x69: {  	[sflag:s13] =	ssyncadd.s32 $0xFFFFFFB0  }
0x6a: {  	_ =	swait.ge [sflag:s13], $0x50  }
0x6b: {  	[sflag:s13] =	ssyncset.done $0x0  }
0x6c: {  	[sflag:s13] =	ssyncadd.s32 $0xFFFFFFB0  }
0x6d: {  	_ =	swait.ge [sflag:s13], $0x50  }
0x6e: {  	[sflag:s13] =	ssyncset.done $0x0  }
0x6f: {  	[sflag:s13] =	ssyncadd.s32 $0xFFFFFFB0  }
0x70: {  	_ =	swait.ge [sflag:s13], $0x50  }
0x71: {  	[sflag:s13] =	ssyncset.done $0x0  }
0x72: {  	[sflag:s13] =	ssyncadd.s32 $0xFFFFFFB0  }
0x73: {  	_ =	swait.ge [sflag:s13], $0x50  }
0x74: {  	s19 =	simm.s32 $0x1900;
	s17 =	simm.s32 $0xC80;
	[sflag:s13] =	ssyncset.done $0x0  }
.LBB2_2:
0x75: {  	s20 =	sshra.s32 s17, $0x2  }
0x76: {  	[sflag:s13] =	ssyncadd.s32 $0xFFFFFFB0;
	s17 =	smov.u32 s19;
	s18 =	sadd.s32 $0xC80, s19  }
0x77: {  	[spmem:s2] =	stream.indirect.scatter.add.f32 [tilespmem:s12], [sflag:$0x1], $0x1, s20, s11, $0xb8;
	[tilespmem:$0x5700] =	vst v63  }
0x78: {  	p0 =	sne.s32 s19, $0x12C00;
	s19 =	sadd.s32 $0x50, s20  }
0x79: {  	[spmem:s2] =	stream.indirect.scatter.add.f32 [tilespmem:s12], [sflag:$0x1], $0x1, s19, s11, $0xb8;
	[tilespmem:$0x5700] =	vst v63  }
0x7a: {  	s19 =	sadd.s32 $0xA0, s20  }
0x7b: {  	[spmem:s2] =	stream.indirect.scatter.add.f32 [tilespmem:s12], [sflag:$0x1], $0x1, s19, s11, $0xb8;
	[tilespmem:$0x5700] =	vst v63  }
0x7c: {  	s19 =	sadd.s32 $0xF0, s20  }
0x7d: {  	[spmem:s2] =	stream.indirect.scatter.add.f32 [tilespmem:s12], [sflag:$0x1], $0x1, s19, s11, $0xb8;
	[tilespmem:$0x5700] =	vst v63  }
0x7e: {  	s19 =	sadd.s32 $0x140, s20  }
0x7f: {  	[spmem:s2] =	stream.indirect.scatter.add.f32 [tilespmem:s12], [sflag:$0x1], $0x1, s19, s11, $0xb8;
	[tilespmem:$0x5700] =	vst v63  }
0x80: {  	s19 =	sadd.s32 $0x190, s20  }
0x81: {  	[spmem:s2] =	stream.indirect.scatter.add.f32 [tilespmem:s12], [sflag:$0x1], $0x1, s19, s11, $0xb8;
	[tilespmem:$0x5700] =	vst v63  }
0x82: {  	s19 =	sadd.s32 $0x1E0, s20  }
0x83: {  	[spmem:s2] =	stream.indirect.scatter.add.f32 [tilespmem:s12], [sflag:$0x1], $0x1, s19, s11, $0xb8;
	[tilespmem:$0x5700] =	vst v63  }
0x84: {  	s19 =	sadd.s32 $0x230, s20  }
0x85: {  	[spmem:s2] =	stream.indirect.scatter.add.f32 [tilespmem:s12], [sflag:$0x1], $0x1, s19, s11, $0xb8;
	[tilespmem:$0x5700] =	vst v63  }
0x86: {  	s19 =	sadd.s32 $0x280, s20  }
0x87: {  	[spmem:s2] =	stream.indirect.scatter.add.f32 [tilespmem:s12], [sflag:$0x1], $0x1, s19, s11, $0xb8;
	[tilespmem:$0x5700] =	vst v63  }
0x88: {  	s19 =	sadd.s32 $0x2D0, s20  }
0x89: {  	[spmem:s2] =	stream.indirect.scatter.add.f32 [tilespmem:s12], [sflag:$0x1], $0x1, s19, s11, $0xb8;
	[tilespmem:$0x5700] =	vst v63  }
0x8a: {  	_ =	swait.ge [sflag:s13], $0x50  }
0x8b: {  	[sflag:s13] =	ssyncset.done $0x0  }
0x8c: {  	[sflag:s13] =	ssyncadd.s32 $0xFFFFFFB0  }
0x8d: {  	_ =	swait.ge [sflag:s13], $0x50  }
0x8e: {  	[sflag:s13] =	ssyncset.done $0x0  }
0x8f: {  	[sflag:s13] =	ssyncadd.s32 $0xFFFFFFB0  }
0x90: {  	_ =	swait.ge [sflag:s13], $0x50  }
0x91: {  	[sflag:s13] =	ssyncset.done $0x0  }
0x92: {  	[sflag:s13] =	ssyncadd.s32 $0xFFFFFFB0  }
0x93: {  	_ =	swait.ge [sflag:s13], $0x50  }
0x94: {  	[sflag:s13] =	ssyncset.done $0x0  }
0x95: {  	[sflag:s13] =	ssyncadd.s32 $0xFFFFFFB0  }
0x96: {  	_ =	swait.ge [sflag:s13], $0x50  }
0x97: {  	[sflag:s13] =	ssyncset.done $0x0  }
0x98: {  	[sflag:s13] =	ssyncadd.s32 $0xFFFFFFB0  }
0x99: {  	_ =	swait.ge [sflag:s13], $0x50  }
0x9a: {  	[sflag:s13] =	ssyncset.done $0x0  }
0x9b: {  	[sflag:s13] =	ssyncadd.s32 $0xFFFFFFB0  }
0x9c: {  	_ =	swait.ge [sflag:s13], $0x50  }
0x9d: {  	[sflag:s13] =	ssyncset.done $0x0  }
0x9e: {  	[sflag:s13] =	ssyncadd.s32 $0xFFFFFFB0  }
0x9f: {  	_ =	swait.ge [sflag:s13], $0x50  }
0xa0: {  	[sflag:s13] =	ssyncset.done $0x0  }
0xa1: {  	[sflag:s13] =	ssyncadd.s32 $0xFFFFFFB0  }
.Ltmp0:
0xa2: {  	_ =	swait.ge [sflag:s13], $0x50;
	(pc) =	sbr.rel @p0 .LBB2_2-.Ltmp0, $4  }
0xa3: {  	[sflag:s13] =	ssyncset.done $0x0  }
0xa4: {  	[sflag:s13] =	ssyncadd.s32 $0xFFFFFFB0  }
0xa5: {  	_ =	swait.ge [sflag:s13], $0x50  }
0xa6: {  	s19 =	smov.u32 s18;
	[sflag:s13] =	ssyncset.done $0x0  }
0xa7: {  	s17 =	sshra.s32 s17, $0x2;
	[sflag:s13] =	ssyncadd.s32 $0xFFFFFFB0  }
0xa8: {  	[spmem:s2] =	stream.indirect.scatter.add.f32 [tilespmem:s12], [sflag:$0x1], $0x1, s17, s11, $0xb8;
	[tilespmem:$0x5700] =	vst v63  }
0xa9: {  	s18 =	sadd.s32 $0x50, s17  }
0xaa: {  	[spmem:s2] =	stream.indirect.scatter.add.f32 [tilespmem:s12], [sflag:$0x1], $0x1, s18, s11, $0xb8;
	[tilespmem:$0x5700] =	vst v63  }
0xab: {  	s24 =	sadd.s32 $0xA0, s17  }
0xac: {  	[spmem:s2] =	stream.indirect.scatter.add.f32 [tilespmem:s12], [sflag:$0x1], $0x1, s24, s11, $0xb8;
	[tilespmem:$0x5700] =	vst v63  }
0xad: {  	s25 =	sadd.s32 $0xF0, s17  }
0xae: {  	[spmem:s2] =	stream.indirect.scatter.add.f32 [tilespmem:s12], [sflag:$0x1], $0x1, s25, s11, $0xb8;
	[tilespmem:$0x5700] =	vst v63  }
0xaf: {  	s26 =	sadd.s32 $0x140, s17  }
0xb0: {  	[spmem:s2] =	stream.indirect.scatter.add.f32 [tilespmem:s12], [sflag:$0x1], $0x1, s26, s11, $0xb8;
	[tilespmem:$0x5700] =	vst v63  }
0xb1: {  	s28 =	sadd.s32 $0x190, s17  }
0xb2: {  	[spmem:s2] =	stream.indirect.scatter.add.f32 [tilespmem:s12], [sflag:$0x1], $0x1, s28, s11, $0xb8;
	[tilespmem:$0x5700] =	vst v63  }
0xb3: {  	s29 =	sadd.s32 $0x1E0, s17  }
0xb4: {  	[spmem:s2] =	stream.indirect.scatter.add.f32 [tilespmem:s12], [sflag:$0x1], $0x1, s29, s11, $0xb8;
	[tilespmem:$0x5700] =	vst v63  }
0xb5: {  	s30 =	sadd.s32 $0x230, s17  }
0xb6: {  	[spmem:s2] =	stream.indirect.scatter.add.f32 [tilespmem:s12], [sflag:$0x1], $0x1, s30, s11, $0xb8;
	[tilespmem:$0x5700] =	vst v63  }
0xb7: {  	s31 =	sadd.s32 $0x280, s17  }
0xb8: {  	[spmem:s2] =	stream.indirect.scatter.add.f32 [tilespmem:s12], [sflag:$0x1], $0x1, s31, s11, $0xb8;
	[tilespmem:$0x5700] =	vst v63  }
0xb9: {  	s17 =	sadd.s32 $0x2D0, s17  }
0xba: {  	[spmem:s2] =	stream.indirect.scatter.add.f32 [tilespmem:s12], [sflag:$0x1], $0x1, s17, s11, $0xb8;
	[tilespmem:$0x5700] =	vst v63  }
0xbb: {  	_ =	swait.ge [sflag:s13], $0x50  }
0xbc: {  	[sflag:s13] =	ssyncset.done $0x0  }
0xbd: {  	[sflag:s13] =	ssyncadd.s32 $0xFFFFFFB0  }
0xbe: {  	_ =	swait.ge [sflag:s13], $0x50  }
0xbf: {  	[sflag:s13] =	ssyncset.done $0x0  }
0xc0: {  	[sflag:s13] =	ssyncadd.s32 $0xFFFFFFB0  }
0xc1: {  	_ =	swait.ge [sflag:s13], $0x50  }
0xc2: {  	[sflag:s13] =	ssyncset.done $0x0  }
0xc3: {  	[sflag:s13] =	ssyncadd.s32 $0xFFFFFFB0  }
0xc4: {  	_ =	swait.ge [sflag:s13], $0x50  }
0xc5: {  	[sflag:s13] =	ssyncset.done $0x0  }
0xc6: {  	[sflag:s13] =	ssyncadd.s32 $0xFFFFFFB0  }
0xc7: {  	_ =	swait.ge [sflag:s13], $0x50  }
0xc8: {  	[sflag:s13] =	ssyncset.done $0x0  }
0xc9: {  	[sflag:s13] =	ssyncadd.s32 $0xFFFFFFB0  }
0xca: {  	_ =	swait.ge [sflag:s13], $0x50  }
0xcb: {  	[sflag:s13] =	ssyncset.done $0x0  }
0xcc: {  	[sflag:s13] =	ssyncadd.s32 $0xFFFFFFB0  }
0xcd: {  	_ =	swait.ge [sflag:s13], $0x50  }
0xce: {  	[sflag:s13] =	ssyncset.done $0x0  }
0xcf: {  	[sflag:s13] =	ssyncadd.s32 $0xFFFFFFB0  }
0xd0: {  	_ =	swait.ge [sflag:s13], $0x50  }
0xd1: {  	[sflag:s13] =	ssyncset.done $0x0  }
0xd2: {  	[sflag:s13] =	ssyncadd.s32 $0xFFFFFFB0  }
0xd3: {  	_ =	swait.ge [sflag:s13], $0x50  }
0xd4: {  	[sflag:s13] =	ssyncset.done $0x0  }
0xd5: {  	[sflag:s13] =	ssyncadd.s32 $0xFFFFFFB0  }
0xd6: {  	_ =	swait.ge [sflag:s13], $0x50  }
0xd7: {  	[sflag:s13] =	ssyncset.done $0x0  }
0xd8: {  	[sflag:s13] =	ssyncadd.s32 $0xFFFFFFB0  }
0xd9: {  	[bflag:$0x0] =	sbarrier.arrive $0xFFFF  }
0xda: {  	[tilespmem:s14], [sflag:$0x2] =	stream.linear.gather [spmem:s6], $0x140, $0x38;
	[tilespmem:$0x5700] =	vst v63  }
0xdb: {  	_ =	swait.ge [sflag:s10], $0x140  }
0xdc: {  	[sflag:s10] =	ssyncset.done $0x0  }
0xdd: {  	s18 =	simm.s32 $0x0;
	[sflag:s10] =	ssyncadd.s32 $0xFFFFFEC0  }
0xde: {  	v2 =	vld [tilespmem:s18+$0x5180];
	_ =	sdelay $0x4  }
0xdf: {  	s17 =	simm.s32 $0x10;
	v2 =	vadd.f32 $1.000000000e+00, v2  }
0xe0: {  	v3 =	vld [tilespmem:s17+$0x5180]  }
0xe1: {  	v4 =	vshra.s32 v2, $0x1;
	v5 =	vmul.f32 $5.000000000e-01, v2  }
0xe2: {  	v2 =	vsub.s32 $0x5F3759DF, v4  }
0xe3: {  	v4 =	vmul.f32 v2, v5  }
0xe4: {  	s19 =	simm.s32 $0x20  }
0xe5: {  	v6 =	vld [tilespmem:s19+$0x5180];
	v3 =	vadd.f32 $1.000000000e+00, v3;
	v4 =	vmul.f32 v2, v4;
	_ =	sdelay $0x1  }
0xe6: {  	v7 =	vshra.s32 v3, $0x1;
	v9 =	vmul.f32 $5.000000000e-01, v3;
	v3 =	vsub.f32 $1.500000000e+00, v4  }
0xe7: {  	v4 =	vsub.s32 $0x5F3759DF, v7  }
0xe8: {  	v7 =	vmul.f32 v4, v9;
	v3 =	vmul.f32 v2, v3  }
0xe9: {  	s20 =	simm.s32 $0x30;
	v2 =	vadd.f32 $1.000000000e+00, v6  }
0xea: {  	v6 =	vld [tilespmem:s20+$0x5180];
	v7 =	vmul.f32 v4, v7;
	v8 =	vmul.f32 v3, v5  }
0xeb: {  	v10 =	vshra.s32 v2, $0x1;
	v2 =	vmul.f32 $5.000000000e-01, v2  }
0xec: {  	v7 =	vsub.f32 $1.500000000e+00, v7;
	v10 =	vsub.s32 $0x5F3759DF, v10;
	v8 =	vmul.f32 v8, v3  }
0xed: {  	v11 =	vmul.f32 v10, v2  }
0xee: {  	v4 =	vmul.f32 v4, v7;
	v7 =	vsub.f32 $1.500000000e+00, v8  }
0xef: {  	v6 =	vadd.f32 $1.000000000e+00, v6;
	v11 =	vmul.f32 v10, v11  }
0xf0: {  	s21 =	simm.s32 $0x40;
	v12 =	vmul.f32 v4, v9;
	v7 =	vmul.f32 v7, v3  }
0xf1: {  	v8 =	vld [tilespmem:s21+$0x5180];
	v13 =	vshra.s32 v6, $0x1;
	v3 =	vmul.f32 $5.000000000e-01, v6;
	v6 =	vsub.f32 $1.500000000e+00, v11  }
0xf2: {  	v14 =	vsub.s32 $0x5F3759DF, v13;
	v11 =	vmul.f32 v12, v4;
	v5 =	vmul.f32 v7, v5  }
0xf3: {  	v12 =	vmul.f32 v14, v3;
	v6 =	vmul.f32 v10, v6  }
0xf4: {  	v10 =	vsub.f32 $1.500000000e+00, v11;
	v5 =	vmul.f32 v5, v7  }
0xf5: {  	v11 =	vmul.f32 v14, v12;
	v12 =	vmul.f32 v6, v2  }
0xf6: {  	s22 =	simm.s32 $0x50;
	v8 =	vadd.f32 $1.000000000e+00, v8;
	v4 =	vmul.f32 v10, v4  }
0xf7: {  	v15 =	vsub.f32 $1.500000000e+00, v5;
	v16 =	vsub.f32 $1.500000000e+00, v11;
	v11 =	vmul.f32 v12, v6;
	v12 =	vld [tilespmem:s22+$0x5180]  }
0xf8: {  	v13 =	vshra.s32 v8, $0x1;
	v5 =	vmul.f32 $5.000000000e-01, v8  }
0xf9: {  	v8 =	vsub.s32 $0x5F3759DF, v13;
	v10 =	vmul.f32 v4, v9;
	v7 =	vmul.f32 v15, v7  }
0xfa: {  	s23 =	simm.s32 $0x180;
	v13 =	vmul.f32 v8, v5;
	v9 =	vmul.f32 v14, v16  }
.LBB2_4:
0xfb: {  	s24 =	sshra.s32 s23, $0x2  }
0xfc: {  	v14 =	vadd.f32 $1.000000000e+00, v12;
	v11 =	vsub.f32 $1.500000000e+00, v11;
	v10 =	vmul.f32 v10, v4;
	[tilespmem:s18+$0x5300] =	vst v7;
	s18 =	smov.u32 s17;
	s17 =	smov.u32 s19;
	p0 =	sne.s32 s23, $0x4C0  }
.Ltmp1:
0xfd: {  	s19 =	smov.u32 s20;
	s20 =	smov.u32 s21;
	v12 =	vld [tilespmem:s24+$0x5180];
	v7 =	vmul.f32 v8, v13;
	v13 =	vmul.f32 v9, v3;
	(pc) =	sbr.rel @p0 .LBB2_4-.Ltmp1, $4  }
0xfe: {  	s23 =	sadd.s32 $0x40, s23;
	s21 =	smov.u32 s22;
	v15 =	vshra.s32 v14, $0x1;
	v16 =	vmul.f32 v11, v6;
	v17 =	vsub.f32 $1.500000000e+00, v10;
	v6 =	vmovc v9  }
0xff: {  	s22 =	smov.u32 s24;
	v14 =	vmul.f32 $5.000000000e-01, v14;
	v9 =	vsub.f32 $1.500000000e+00, v7;
	v11 =	vmul.f32 v13, v6  }
0x100: {  	v15 =	vsub.s32 $0x5F3759DF, v15;
	v10 =	vmul.f32 v16, v2;
	v7 =	vmul.f32 v17, v4;
	v4 =	vmovc v16;
	v2 =	vmovc v3  }
0x101: {  	v13 =	vmul.f32 v15, v14;
	v3 =	vmovc v5;
	v5 =	vmovc v14;
	v9 =	vmul.f32 v8, v9;
	v8 =	vmov v15  }
0x102: {  	v12 =	vadd.f32 $1.000000000e+00, v12;
	_ =	sdelay $0x1  }
0x103: {  	v14 =	vshra.s32 v12, $0x1;
	v12 =	vmul.f32 $5.000000000e-01, v12  }
0x104: {  	v14 =	vsub.s32 $0x5F3759DF, v14  }
0x105: {  	v15 =	vmul.f32 v14, v12  }
0x106: {  	v13 =	vmul.f32 v8, v13  }
0x107: {  	v15 =	vmul.f32 v14, v15  }
0x108: {  	v13 =	vsub.f32 $1.500000000e+00, v13  }
0x109: {  	v15 =	vsub.f32 $1.500000000e+00, v15  }
0x10a: {  	v53 =	vmul.f32 v8, v13  }
0x10b: {  	v54 =	vmul.f32 v9, v3;
	v14 =	vmul.f32 v14, v15  }
0x10c: {  	v55 =	vmul.f32 v53, v5  }
0x10d: {  	v13 =	vmul.f32 v54, v9;
	v16 =	vmul.f32 v14, v12  }
0x10e: {  	v11 =	vsub.f32 $1.500000000e+00, v11;
	v15 =	vmul.f32 v55, v53  }
0x10f: {  	v13 =	vsub.f32 $1.500000000e+00, v13;
	v16 =	vmul.f32 v16, v14  }
0x110: {  	v6 =	vmul.f32 v11, v6;
	v56 =	vsub.f32 $1.500000000e+00, v15  }
0x111: {  	v10 =	vmul.f32 v10, v4;
	v57 =	vmul.f32 v13, v9;
	v58 =	vsub.f32 $1.500000000e+00, v16  }
0x112: {  	v2 =	vmul.f32 v6, v2;
	v8 =	vmul.f32 v56, v53  }
0x113: {  	v3 =	vmul.f32 v57, v3;
	v59 =	vmul.f32 v58, v14  }
0x114: {  	v2 =	vmul.f32 v2, v6;
	v60 =	vmul.f32 v8, v5  }
0x115: {  	v10 =	vsub.f32 $1.500000000e+00, v10;
	v3 =	vmul.f32 v3, v57;
	v12 =	vmul.f32 v59, v12  }
0x116: {  	v2 =	vsub.f32 $1.500000000e+00, v2;
	v5 =	vmul.f32 v60, v8  }
0x117: {  	v61 =	vmul.f32 v10, v4;
	v3 =	vsub.f32 $1.500000000e+00, v3;
	v62 =	vmul.f32 v12, v59  }
0x118: {  	[tilespmem:s18+$0x5300] =	vst v7;
	v2 =	vmul.f32 v2, v6;
	v5 =	vsub.f32 $1.500000000e+00, v5  }
0x119: {  	[tilespmem:s17+$0x5300] =	vst v61;
	v3 =	vmul.f32 v3, v57;
	v63 =	vsub.f32 $1.500000000e+00, v62  }
0x11a: {  	[tilespmem:s19+$0x5300] =	vst v2;
	v2 =	vmul.f32 v5, v8  }
0x11b: {  	s16 =	sadd.s32 $0x1, s16;
	[tilespmem:s20+$0x5300] =	vst v3;
	v3 =	vmul.f32 v63, v59  }
0x11c: {  	p0 =	sne.s32 s16, s8;
	[tilespmem:s21+$0x5300] =	vst v2  }
.Ltmp2:
0x11d: {  	[tilespmem:s22+$0x5300] =	vst v3;
	(pc) =	sbr.rel @p0 .LBB2_1-.Ltmp2, $4  }
0x11e: {  	[hbm4b:s7+s3] =	stream.linear.scatter [tilespmem:s15], [sflag:$0x2], $0x140, $0x38;
	[tilespmem:$0x5700] =	vst v63  }
0x11f: {  	_ =	swait.ge [sflag:s10], $0x140  }
0x120: {  	[sflag:s10] =	ssyncset.done $0x0  }
0x121: {  	[sflag:s10] =	ssyncadd.s32 $0xFFFFFEC0  }
0x122: {  	_ =	sfence.sel $0x180000  }
0x123: {  	[bflag:$0x0] =	sbarrier.arrive $0xFFFF  }
0x124: {  	p0 =	sne.s32 s1, $0x0;
	_ =	strace $0x90000047  }
0x125: {  	s0 =	sadd.s32 @!p0 $0x100000, s0;
	[bflag:$0x2] =	sbarrier.arrive $0xFFFF  }
0x126: {  	[sflag:s0] =	ssyncadd.tile.s32 @!p0 $0x1;
	_ =	shalt  }
.Lfunc_end2:
_tile_overlayer_lowered:
.L_overlay_start_2:
0x127: {  	(tag) =	ssettag $0x2  }
0x128: {  	s0 =	rddreg [dreg:$0x0];
	s2 =	stileid.u32  }
0x129: {  	s1 =	rddreg [dreg:$0x1];
	p0 =	sne.s32 s2, $0x0  }
0x12a: {  	s3 =	rddreg [dreg:$0x2];
	[bflag:$0x3] =	sbarrier.arrive $0xFFFF;
	s2 =	simm.s32 @!p0 $0x1C02  }
0x12b: {  	[timem:s3], [sflag:s2] =	dma.local @!p0 [hbm:s0], s1  }
0x12c: {  	s0 =	simm.s32 @!p0 $0x2  }
0x12d: {  	_ =	swait.ge @!p0 [sflag:s0], s1  }
0x12e: {  	s1 =	ssub.s32 @!p0 $0x0, s1;
	[sflag:s0] =	ssyncset.done @!p0 $0x0  }
0x12f: {  	[sflag:s0] =	ssyncadd.s32 @!p0 s1  }
0x130: {  	[bflag:$0x3] =	sbarrier.arrive $0xFFFF  }
0x131: {  	_ =	shalt  }

// kernel: kernel.14.cloned.1.call-start
scs
__scs_entry_jumppad:
0x0: {  	(pc) =	sbr.rel $0x88, $3  }
0x1: {  	(tag) =	ssettag $0x0;
	lr =	simm.s32 $0x1  }
0x2: {  	[smem:$0x3F96] =	sst lr;
	_ =	strace $0xD0000000  }
0x3: {  	_ = 	snop  }
0x4: {  	_ = 	snop  }
0x5: {  	_ = 	snop  }
0x6: {  	_ = 	snop  }
0x7: {  	_ = 	snop  }
__scs_overlays_trampoline_lowered:
0x8: {  	[smem:$0x3FA5] =	sst s0  }
0x9: {  	[smem:$0x3FA6] =	sst s1  }
0xa: {  	[smem:$0x3FA7] =	sst s2  }
0xb: {  	[smem:$0x3FA8] =	sst s3  }
0xc: {  	[smem:$0x3FA9] =	sst s4  }
0xd: {  	[smem:$0x3FAA] =	sst s5  }
0xe: {  	[smem:$0x3FAB] =	sst s6  }
0xf: {  	[smem:$0x3FAC] =	sst s7  }
0x10: {  	[smem:$0x3FAD] =	sst s8  }
0x11: {  	[smem:$0x3FAE] =	sst s9;
	s0 =	simm.s32 @!p0 $0x0  }
0x12: {  	s1 =	sld [smem:$0x3F94];
	s0 =	simm.s32 @p0 $0x1  }
0x13: {  	[smem:$0x3FAF] =	sst s0;
	s0 =	simm.s32 @!p1 $0x0  }
0x14: {  	s2 =	sld [smem:$0x3F93];
	s0 =	simm.s32 @p1 $0x1  }
0x15: {  	[smem:$0x3FB0] =	sst s0;
	s0 =	simm.s32 @!p2 $0x0  }
0x16: {  	s3 =	sld [smem:$0x3FDB];
	s0 =	simm.s32 @p2 $0x1  }
0x17: {  	s4 =	simm.s32 $0x1BF5;
	[smem:$0x3FB2] =	sst s0  }
0x18: {  	s0 =	sld [smem:$0x3F95];
	_ =	swait.ge [sflag:s4], $0x0  }
0x19: {  	s7 =	sld [smem:$0x3F96]  }
0x1a: {  	s8 =	sadd.s32 $0xFFFFE003, lr  }
0x1b: {  	s9 =	sadd.s32 $0xFFFFFEF7, lr;
	s5 =	simm.s32 $0xFFFFFFFF;
	p2 =	slt.u32 s8, $0xFFFFF086  }
0x1c: {  	p1 =	slt.u32 s9, $0xF7A;
	s5 =	simm.s32 @!p2 $0x0  }
0x1d: {  	s5 =	simm.s32 @p1 $0x1;
	p0 =	seq.s32 s7, s2  }
0x1e: {  	s7 =	smul.u32 @!p0 $0xF7A, s2;
	p2 =	seq.s32 @!p0 s5, $0x0  }
0x1f: {  	s9 =	smul.u32 $0xF7A, s1;
	s8 =	simm.s32 @!p0 $0x1BF5;
	p2 =	por !p2, p0  }
0x20: {  	[sflag:s8] =	ssyncset.s32 @!p0 $0xFFFFF086;
	s6 =	sadd.s32 @!p0 s3, s7;
	s7 =	simm.s32 @!p0 $0x108  }
0x21: {  	s3 =	sadd.s32 s3, s9;
	s6 =	sadd.s32 @!p0 $0x88, s6;
	s7 =	simm.s32 @p2 $0x1082  }
0x22: {  	[simem:s7], [sflag:s8] =	dma.local @!p0 [hbm:s6], $0xF7A  }
0x23: {  	s9 =	sor.u32 $0xD0000000, s2;
	s6 =	simm.s32 $0x108;
	_ =	swait.ge @!p0 [sflag:s8], $0x0  }
0x24: {  	s3 =	sadd.s32 $0x88, s3;
	s6 =	simm.s32 @!p1 $0x1082;
	[sflag:s4] =	ssyncset.s32 $0xFFFFF086  }
0x25: {  	[simem:s6], [sflag:s4] =	dma.local [hbm:s3], $0xF7A  }
0x26: {  	[smem:$0x3F96] =	sst s1;
	(tag) =	ssettag s2;
	_ =	strace s9  }
0x27: {  	s1 =	sld [smem:$0x3FA6]  }
0x28: {  	s2 =	sld [smem:$0x3FA7]  }
0x29: {  	s4 =	sld [smem:$0x3FA9]  }
0x2a: {  	p0 =	seq.s32 s5, $0x0;
	s5 =	sld [smem:$0x3FAA]  }
0x2b: {  	s6 =	sld [smem:$0x3FAB]  }
0x2c: {  	s7 =	sld [smem:$0x3FAC]  }
0x2d: {  	s3 =	simm.s32 $0x108;
	s8 =	sld [smem:$0x3FAD]  }
0x2e: {  	s3 =	simm.s32 @!p0 $0x1082;
	s9 =	sld [smem:$0x3FAE]  }
0x2f: {  	lr =	sadd.s32 s0, s3;
	s0 =	sld [smem:$0x3FA5]  }
0x30: {  	s3 =	sld [smem:$0x3FA8]  }
0x31: {  	[smem:$0x3FB1] =	sst s10  }
0x32: {  	s10 =	sld [smem:$0x3FAF];
	_ =	sdelay $0x3  }
0x33: {  	p0 =	seq.s32 s10, $0x1;
	s10 =	sld [smem:$0x3FB1];
	_ =	sdelay $0x3  }
0x34: {  	[smem:$0x3FB1] =	sst s10  }
0x35: {  	s10 =	sld [smem:$0x3FB0];
	_ =	sdelay $0x3  }
0x36: {  	p1 =	seq.s32 s10, $0x1;
	s10 =	sld [smem:$0x3FB1];
	_ =	sdelay $0x3  }
0x37: {  	[smem:$0x3FB1] =	sst s10  }
0x38: {  	s10 =	sld [smem:$0x3FB2]  }
0x39: {  	_ = 	snop;
	(pc) =	sbr.ind lr, $3  }
0x3a: {  	_ = 	snop  }
0x3b: {  	_ = 	snop  }
0x3c: {  	p2 =	seq.s32 s10, $0x1;
	s10 =	sld [smem:$0x3FB1]  }
0x3d: {  	_ =	shalt  }
0x3e: {  	_ =	shalt  }
0x3f: {  	_ =	shalt  }
0x40: {  	_ =	shalt  }
0x41: {  	_ =	shalt  }
0x42: {  	_ =	shalt  }
0x43: {  	_ =	shalt  }
0x44: {  	_ =	shalt  }
0x45: {  	_ =	shalt  }
0x46: {  	_ =	shalt  }
0x47: {  	_ =	shalt  }
0x48: {  	_ =	shalt  }
0x49: {  	_ =	shalt  }
0x4a: {  	_ =	shalt  }
0x4b: {  	_ =	shalt  }
0x4c: {  	_ =	shalt  }
0x4d: {  	_ =	shalt  }
0x4e: {  	_ =	shalt  }
0x4f: {  	_ =	shalt  }
0x50: {  	_ =	shalt  }
0x51: {  	_ =	shalt  }
0x52: {  	_ =	shalt  }
0x53: {  	_ =	shalt  }
0x54: {  	_ =	shalt  }
0x55: {  	_ =	shalt  }
0x56: {  	_ =	shalt  }
0x57: {  	_ =	shalt  }
0x58: {  	_ =	shalt  }
0x59: {  	_ =	shalt  }
0x5a: {  	_ =	shalt  }
0x5b: {  	_ =	shalt  }
0x5c: {  	_ =	shalt  }
0x5d: {  	_ =	shalt  }
0x5e: {  	_ =	shalt  }
0x5f: {  	_ =	shalt  }
0x60: {  	_ =	shalt  }
0x61: {  	_ =	shalt  }
0x62: {  	_ =	shalt  }
0x63: {  	_ =	shalt  }
0x64: {  	_ =	shalt  }
0x65: {  	_ =	shalt  }
0x66: {  	_ =	shalt  }
0x67: {  	_ =	shalt  }
0x68: {  	_ =	shalt  }
0x69: {  	_ =	shalt  }
0x6a: {  	_ =	shalt  }
0x6b: {  	_ =	shalt  }
0x6c: {  	_ =	shalt  }
0x6d: {  	_ =	shalt  }
0x6e: {  	_ =	shalt  }
0x6f: {  	_ =	shalt  }
0x70: {  	_ =	shalt  }
0x71: {  	_ =	shalt  }
0x72: {  	_ =	shalt  }
0x73: {  	_ =	shalt  }
0x74: {  	_ =	shalt  }
0x75: {  	_ =	shalt  }
0x76: {  	_ =	shalt  }
0x77: {  	_ =	shalt  }
0x78: {  	_ =	shalt  }
0x79: {  	_ =	shalt  }
0x7a: {  	_ =	shalt  }
0x7b: {  	_ =	shalt  }
0x7c: {  	_ =	shalt  }
0x7d: {  	_ =	shalt  }
0x7e: {  	_ =	shalt  }
0x7f: {  	_ =	shalt  }
0x80: {  	_ =	shalt  }
0x81: {  	_ =	shalt  }
0x82: {  	_ =	shalt  }
0x83: {  	_ =	shalt  }
0x84: {  	_ =	shalt  }
0x85: {  	_ =	shalt  }
0x86: {  	_ =	shalt  }
0x87: {  	_ =	shalt  }
.Lfunc_end0:
.L_simem_size_0:
called_computation.1_lowered:
.L_overlay_start_0:
0x88: {  	s2 =	sld [smem:$0x3FD9]  }
0x89: {  	s3 =	sld [smem:$0x3FFE];
	_ =	sdelay $0x1  }
0x8a: {  	s1 =	srdreg.scid  }
0x8b: {  	s0 =	sand.u32 $0x1, s1  }
0x8c: {  	s16 =	sshll.u32 s0, $0xA;
	s2 =	sadd.s32 s3, s2  }
0x8d: {  	s2 =	sadd.s32 s2, s16  }
0x8e: {  	[smem:$0x3FBD] =	sst s2  }
0x8f: {  	_ = 	snop  }
0x90: {  	(tm) =	ssettm $0x1  }
0x91: {  	s17 =	sld [smem:$0x3FFB];
	_ =	sdelay $0x3  }
0x92: {  	_ =	strace s17  }
0x93: {  	s2 =	sld [smem:$0x3FFC];
	_ =	sdelay $0x3  }
0x94: {  	_ =	strace s2  }
0x95: {  	s2 =	sld [smem:$0x3FFD];
	_ =	sdelay $0x3  }
0x96: {  	_ =	strace s2  }
0x97: {  	_ =	strace $0x8FFFFFFF  }
0x98: {  	s18 =	sld [smem:$0x3FDB];
	_ =	sdelay $0x1  }
0x99: {  	s19 =	simm.s32 $_scs_section_size  }
0x9a: {  	s4 =	simm.s32 $_size__tile_overlayer_lowered;
	s5 =	simm.s32 $_tile_overlayer_lowered  }
0x9b: {  	s22 =	simm.s32 $0x1BFF;
	s21 =	sshll.u32 s5, $0x1;
	s2 =	sadd.s32 s19, s18  }
0x9c: {  	s6 =	simm.s32 $0x0;
	s20 =	sshll.u32 s4, $0x1;
	s4 =	sadd.s32 s21, s2  }
0x9d: {  	[timem:s6], [sflag:s22] =	dma.local [hbm:s4], s20  }
0x9e: {  	_ =	swait.ge [sflag:s22], s20  }
0x9f: {  	s3 =	ssub.s32 $0x0, s20;
	[sflag:s22] =	ssyncset.done $0x0  }
0xa0: {  	[sflag:s22] =	ssyncadd.s32 s3;
	_ =	sdelay $0x1  }
0xa1: {  	s23 =	simm.s32 $0x1B8B  }
0xa2: {  	_ =	swait.ge [sflag:s23], $0x1  }
0xa3: {  	[sflag:s23] =	ssyncset.done $0x0  }
0xa4: {  	s25 =	simm.s32 $0x1B8E;
	s24 =	sld [smem:$0x3FFE];
	[sflag:s23] =	ssyncadd.s32 $0xFFFFFFFF  }
0xa5: {  	s26 =	simm.s32 $execute0_lowered;
	[smem:$0x3FD2] =	sst s25  }
0xa6: {  	s4 =	sshll.u32 s26, $0x1;
	_ =	strace $0x80000049;
	[dreg:$0x1] =	wrdreg $0xFFFFFFFF  }
0xa7: {  	s28 =	simm.s32 $_size_execute0_lowered;
	s2 =	sadd.s32 s2, s4;
	[dreg:$0x0] =	wrdreg $0x0  }
0xa8: {  	s4 =	sshll.u32 s28, $0x1;
	[dreg:$0x2] =	wrdreg s2  }
0xa9: {  	[dreg:$0x3] =	wrdreg s4  }
0xaa: {  	[dreg:$0x4] =	wrdreg $0xC0  }
0xab: {  	_ =	task [dreg:s6], $0x5FFFF  }
0xac: {  	[dreg:$0x1] =	wrdreg $0xFFFFFFFF  }
0xad: {  	[dreg:$0x0] =	wrdreg $0x60  }
0xae: {  	[dreg:$0x2] =	wrdreg s24  }
0xaf: {  	[dreg:$0x3] =	wrdreg $0xA0000  }
0xb0: {  	[dreg:$0x4] =	wrdreg $0x9  }
0xb1: {  	_ =	task.clear_ibuf [dreg:s6], $0x5FFFF;
	_ =	strace $0x90000049  }
0xb2: {  	s29 =	simm.s32 $0x9;
	_ =	strace $0x8000004B  }
0xb3: {  	_ =	swait.ge [sflag:s29], $0x1  }
0xb4: {  	[sflag:s29] =	ssyncadd.s32 $0xFFFFFFFF  }
0xb5: {  	_ =	strace $0x9000004B  }
0xb6: {  	_ =	sfence  }
0xb7: {  	s30 =	sld [smem:$0x0];
	_ =	sdelay $0x2  }
0xb8: {  	s31 =	sshll.u32 s1, $0xD;
	s1 =	sshrl.u32 s1, $0x2  }
0xb9: {  	s3 =	sand.u32 $0x4000, s31;
	s1 =	sadd.s32 s1, s30  }
0xba: {  	s0 =	sor.u32 s3, s0;
	s1 =	sshll.u32 s1, $0x11  }
0xbb: {  	s0 =	sor.u32 s1, s0  }
0xbc: {  	s0 =	sadd.s32 $0x8F2B, s0  }
0xbd: {  	[sflag:s0] =	ssyncadd.remote.s32 $0x1  }
0xbe: {  	_ =	sfence.sel $0xFFFF  }
0xbf: {  	[dreg:$0x0] =	wrdreg $0xFFFFFFFF;
	(pc) =	sbr.abs _section_cstart, $3  }
0xc0: {  	[dreg:$0x1] =	wrdreg $0xFFFFFFFF  }
0xc1: {  	_ =	task.clear_ibuf [dreg:s6], $0x2FFFF;
	_ =	strace $0x9FFFFFFF  }
0xc2: {  	(tm) =	ssettm $0x7FFFFFFF  }
0xc3: {  	_ =	shalt  }
tec
execute0_lowered:
.L_overlay_start_1:
0x0: {  	(tag) =	ssettag $0x1  }
0x1: {  	s0 =	rddreg [dreg:$0x0]  }
0x2: {  	s2 =	rddreg [dreg:$0x1];
	s3 =	simm.s32 $0x0;
	s1 =	srdreg.scid  }
0x3: {  	s11 =	stileid.u32;
	s19 =	simm.s32 $0x2800;
	s20 =	simm.s32 $0x4  }
0x4: {  	s21 =	simm.s32 $0x7;
	s28 =	simm.s32 $0x7800;
	s29 =	simm.s32 $0x2  }
0x5: {  	s30 =	simm.s32 $0x3;
	s31 =	simm.s32 $0x5;
	[smem:$0x7FF] =	sst s3  }
0x6: {  	s1 =	sand.u32 $0x1, s1;
	s4 =	sshll.u32 s11, $0x1;
	s22 =	smul.u32 $0x50000, s11  }
0x7: {  	s7 =	sadd.s32 $0x3A00, s0;
	s8 =	sadd.s32 $0xD800, s0;
	s26 =	smul.u32 $0x2800, s11  }
0x8: {  	_ =	strace $0x8000004A;
	s5 =	sor.u32 s1, s4;
	s4 =	sadd.s32 $0x3F600, s0  }
0x9: {  	s6 =	ssub.s32 $0x2, s1;
	p0 =	seq.s32 s1, $0x1;
	s5 =	smul.u32 $0x2710, s5  }
0xa: {  	s9 =	sshrl.u32 s6, $0x1;
	s25 =	sshrl.u32 s22, $0x2;
	s22 =	simm.s32 $0x1400  }
0xb: {  	s10 =	ssub.s32 s6, s9;
	s9 =	sadd.s32 s25, s2;
	s25 =	simm.s32 $0x1  }
0xc: {  	s5 =	sshrl.u32 s5, $0x3;
	s10 =	smax.u32 s10, $0x1;
	s11 =	sadd.s32 $0x2800, s9  }
0xd: {  	s12 =	sadd.s32 $0x5000, s9;
	s13 =	sadd.s32 $0x7800, s9;
	s14 =	sadd.s32 $0xA000, s9  }
0xe: {  	s15 =	sadd.s32 $0xC800, s9;
	s16 =	sadd.s32 $0xF000, s9;
	s23 =	sadd.s32 s7, s5  }
0xf: {  	s24 =	sadd.s32 s8, s5;
	s5 =	sadd.s32 $0x280, s5;
	[dreg:$0x3] =	wrdreg s23  }
0x10: {  	s7 =	sadd.s32 s7, s5;
	s8 =	sadd.s32 s8, s5;
	s5 =	simm.s32 $0x8F600  }
0x11: {  	s17 =	sadd.s32 $0x11800, s9;
	[dreg:$0x4] =	wrdreg s24;
	s5 =	simm.s32 @!p0 $0x67600  }
0x12: {  	s23 =	simm.s32 $0x50;
	s24 =	simm.s32 $0x5000;
	s0 =	sadd.s32 s5, s0  }
0x13: {  	v0 =	vimm.f32 $0.0e+00;
	s18 =	sadd.s32 s0, s26;
	s26 =	simm.s32 $0xA0;
	s0 =	simm.s32 $0x6  }
.LBB2_1:
0x14: {  	s1 =	simm.s32 $0x0;
	s5 =	simm.s32 $0x200  }
.LBB2_2:
0x15: {  	p0 =	sne.s32 s5, $0x9E00;
	[tilespmem:s1+$0x2870] =	vst v0  }
0x16: {  	[tilespmem:s1+$0x2800] =	vst v0  }
0x17: {  	[tilespmem:s1+$0x2810] =	vst v0  }
.Ltmp0:
0x18: {  	[tilespmem:s1+$0x2820] =	vst v0;
	(pc) =	sbr.rel @p0 .LBB2_2-.Ltmp0, $4  }
0x19: {  	[tilespmem:s1+$0x2830] =	vst v0  }
0x1a: {  	[tilespmem:s1+$0x2840] =	vst v0  }
0x1b: {  	[tilespmem:s1+$0x2850] =	vst v0  }
0x1c: {  	[tilespmem:s1+$0x2860] =	vst v0;
	s1 =	sshra.s32 s5, $0x2;
	s5 =	sadd.s32 $0x200, s5  }
0x1d: {  	[tilespmem:s1+$0x2870] =	vst v0  }
0x1e: {  	[tilespmem:s1+$0x2800] =	vst v0  }
0x1f: {  	[tilespmem:s1+$0x2810] =	vst v0  }
0x20: {  	[tilespmem:s1+$0x2820] =	vst v0  }
0x21: {  	[tilespmem:s1+$0x2830] =	vst v0  }
0x22: {  	[tilespmem:s1+$0x2840] =	vst v0  }
0x23: {  	[tilespmem:s1+$0x2850] =	vst v0  }
0x24: {  	[tilespmem:s1+$0x2860] =	vst v0  }
0x25: {  	[spmem:s9] =	stream.linear.scatter [tilespmem:s19], [sflag:$0x4], $0x2800, $0x38;
	[tilespmem:$0x1E000] =	vst v63  }
0x26: {  	_ = 	snop  }
0x27: {  	[spmem:s11] =	stream.linear.scatter [tilespmem:s19], [sflag:$0x4], $0x2800, $0x38;
	[tilespmem:$0x1E000] =	vst v63  }
0x28: {  	_ = 	snop  }
0x29: {  	[spmem:s12] =	stream.linear.scatter [tilespmem:s19], [sflag:$0x4], $0x2800, $0x38;
	[tilespmem:$0x1E000] =	vst v63  }
0x2a: {  	_ = 	snop  }
0x2b: {  	[spmem:s13] =	stream.linear.scatter [tilespmem:s19], [sflag:$0x4], $0x2800, $0x38;
	[tilespmem:$0x1E000] =	vst v63  }
0x2c: {  	_ = 	snop  }
0x2d: {  	[spmem:s14] =	stream.linear.scatter [tilespmem:s19], [sflag:$0x4], $0x2800, $0x38;
	[tilespmem:$0x1E000] =	vst v63  }
0x2e: {  	_ = 	snop  }
0x2f: {  	[spmem:s15] =	stream.linear.scatter [tilespmem:s19], [sflag:$0x4], $0x2800, $0x38;
	[tilespmem:$0x1E000] =	vst v63  }
0x30: {  	_ = 	snop  }
0x31: {  	[spmem:s16] =	stream.linear.scatter [tilespmem:s19], [sflag:$0x4], $0x2800, $0x38;
	[tilespmem:$0x1E000] =	vst v63  }
0x32: {  	_ = 	snop  }
0x33: {  	[spmem:s17] =	stream.linear.scatter [tilespmem:s19], [sflag:$0x4], $0x2800, $0x38;
	[tilespmem:$0x1E000] =	vst v63  }
0x34: {  	_ =	swait.ge [sflag:s20], $0x2800  }
0x35: {  	[sflag:s20] =	ssyncset.done $0x0  }
0x36: {  	[sflag:s20] =	ssyncadd.s32 $0xFFFFD800  }
0x37: {  	_ =	swait.ge [sflag:s20], $0x2800  }
0x38: {  	[sflag:s20] =	ssyncset.done $0x0  }
0x39: {  	[sflag:s20] =	ssyncadd.s32 $0xFFFFD800  }
0x3a: {  	_ =	swait.ge [sflag:s20], $0x2800  }
0x3b: {  	[sflag:s20] =	ssyncset.done $0x0  }
0x3c: {  	[sflag:s20] =	ssyncadd.s32 $0xFFFFD800  }
0x3d: {  	_ =	swait.ge [sflag:s20], $0x2800  }
0x3e: {  	[sflag:s20] =	ssyncset.done $0x0  }
0x3f: {  	[sflag:s20] =	ssyncadd.s32 $0xFFFFD800  }
0x40: {  	_ =	swait.ge [sflag:s20], $0x2800  }
0x41: {  	[sflag:s20] =	ssyncset.done $0x0  }
0x42: {  	[sflag:s20] =	ssyncadd.s32 $0xFFFFD800  }
0x43: {  	_ =	swait.ge [sflag:s20], $0x2800  }
0x44: {  	[sflag:s20] =	ssyncset.done $0x0  }
0x45: {  	[sflag:s20] =	ssyncadd.s32 $0xFFFFD800  }
0x46: {  	_ =	swait.ge [sflag:s20], $0x2800  }
0x47: {  	[sflag:s20] =	ssyncset.done $0x0  }
0x48: {  	[sflag:s20] =	ssyncadd.s32 $0xFFFFD800  }
0x49: {  	_ =	swait.ge [sflag:s20], $0x2800  }
0x4a: {  	[sflag:s20] =	ssyncset.done $0x0  }
0x4b: {  	s1 =	simm.s32 $0x0;
	s5 =	rddreg [dreg:$0x3];
	[sflag:s20] =	ssyncadd.s32 $0xFFFFD800  }
0x4c: {  	[tilespmem:s1], [sflag:$0x7] =	stream.linear.gather [hbm4b:s5+s1], $0x1400, $0x38;
	[tilespmem:$0x1E000] =	vst v63  }
0x4d: {  	_ =	swait.ge [sflag:s21], $0x1400  }
0x4e: {  	[sflag:s21] =	ssyncset.done $0x0  }
0x4f: {  	s6 =	rddreg [dreg:$0x4];
	[sflag:s21] =	ssyncadd.s32 $0xFFFFEC00  }
0x50: {  	[tilespmem:s22], [sflag:$0x7] =	stream.linear.gather [hbm4b:s6+s1], $0x1400, $0x38;
	[tilespmem:$0x1E000] =	vst v63  }
0x51: {  	_ =	swait.ge [sflag:s21], $0x1400  }
0x52: {  	[sflag:s21] =	ssyncset.done $0x0  }
0x53: {  	[sflag:s21] =	ssyncadd.s32 $0xFFFFEC00  }
0x54: {  	[tilespmem:s19], [sflag:$0x1] =	stream.indirect.gather [hbm4b:s4+s23], $0x80, s1, s23, $0xb8;
	[tilespmem:$0x1E000] =	vst v63  }
0x55: {  	_ = 	snop  }
0x56: {  	[tilespmem:s24], [sflag:$0x2] =	stream.indirect.gather [hbm4b:s4+s23], $0x80, s23, s23, $0xb8;
	[tilespmem:$0x1E000] =	vst v63  }
0x57: {  	[bflag:$0x0] =	sbarrier.arrive $0xFFFF  }
0x58: {  	_ =	swait.ge [sflag:s25], $0x2800  }
0x59: {  	[sflag:s25] =	ssyncset.done $0x0  }
0x5a: {  	[sflag:s25] =	ssyncadd.s32 $0xFFFFD800  }
0x5b: {  	[spmem:s2] =	stream.indirect.scatter.add.f32 [tilespmem:s19], [sflag:$0x4], $0x80, s22, s23, $0xb8;
	[tilespmem:$0x1E000] =	vst v63  }
0x5c: {  	_ = 	snop  }
0x5d: {  	[tilespmem:s28], [sflag:$0x3] =	stream.indirect.gather [hbm4b:s4+s23], $0x80, s26, s23, $0xb8;
	[tilespmem:$0x1E000] =	vst v63  }
0x5e: {  	_ =	swait.ge [sflag:s29], $0x2800  }
0x5f: {  	[sflag:s29] =	ssyncset.done $0x0  }
0x60: {  	s6 =	simm.s32 $0x1450;
	[sflag:s29] =	ssyncadd.s32 $0xFFFFD800  }
0x61: {  	[spmem:s2] =	stream.indirect.scatter.add.f32 [tilespmem:s24], [sflag:$0x5], $0x80, s6, s23, $0xb8;
	[tilespmem:$0x1E000] =	vst v63  }
0x62: {  	_ =	swait.ge [sflag:s20], $0x2800  }
0x63: {  	[sflag:s20] =	ssyncset.done $0x0  }
0x64: {  	s5 =	simm.s32 $0xF0;
	[sflag:s20] =	ssyncadd.s32 $0xFFFFD800  }
0x65: {  	[tilespmem:s19], [sflag:$0x1] =	stream.indirect.gather [hbm4b:s4+s23], $0x80, s5, s23, $0xb8;
	[tilespmem:$0x1E000] =	vst v63  }
0x66: {  	_ =	swait.ge [sflag:s30], $0x2800  }
0x67: {  	[sflag:s30] =	ssyncset.done $0x0  }
0x68: {  	s6 =	simm.s32 $0x14A0;
	[sflag:s30] =	ssyncadd.s32 $0xFFFFD800  }
0x69: {  	[spmem:s2] =	stream.indirect.scatter.add.f32 [tilespmem:s28], [sflag:$0x6], $0x80, s6, s23, $0xb8;
	[tilespmem:$0x1E000] =	vst v63  }
0x6a: {  	_ =	swait.ge [sflag:s31], $0x2800  }
0x6b: {  	[sflag:s31] =	ssyncset.done $0x0  }
0x6c: {  	s5 =	simm.s32 $0x140;
	[sflag:s31] =	ssyncadd.s32 $0xFFFFD800  }
0x6d: {  	[tilespmem:s24], [sflag:$0x2] =	stream.indirect.gather [hbm4b:s4+s23], $0x80, s5, s23, $0xb8;
	[tilespmem:$0x1E000] =	vst v63  }
0x6e: {  	_ =	swait.ge [sflag:s25], $0x2800  }
0x6f: {  	[sflag:s25] =	ssyncset.done $0x0  }
0x70: {  	s6 =	simm.s32 $0x14F0;
	[sflag:s25] =	ssyncadd.s32 $0xFFFFD800  }
0x71: {  	[spmem:s2] =	stream.indirect.scatter.add.f32 [tilespmem:s19], [sflag:$0x4], $0x80, s6, s23, $0xb8;
	[tilespmem:$0x1E000] =	vst v63  }
0x72: {  	_ =	swait.ge [sflag:s0], $0x2800  }
0x73: {  	[sflag:s0] =	ssyncset.done $0x0  }
0x74: {  	s1 =	simm.s32 $0x3C0;
	s5 =	simm.s32 $0x190;
	[sflag:s0] =	ssyncadd.s32 $0xFFFFD800  }
.LBB2_4:
0x75: {  	[tilespmem:s28], [sflag:$0x3] =	stream.indirect.gather [hbm4b:s4+s23], $0x80, s5, s23, $0xb8;
	[tilespmem:$0x1E000] =	vst v63  }
0x76: {  	s5 =	smov.u32 s1  }
0x77: {  	p0 =	sne.s32 s1, $0x4740;
	s1 =	sadd.s32 $0x3C0, s1;
	_ =	swait.ge [sflag:s29], $0x2800  }
0x78: {  	s5 =	sshra.s32 s5, $0x2;
	[sflag:s29] =	ssyncset.done $0x0  }
0x79: {  	s6 =	sadd.s32 $0x1450, s5;
	[sflag:s29] =	ssyncadd.s32 $0xFFFFD800  }
0x7a: {  	[spmem:s2] =	stream.indirect.scatter.add.f32 [tilespmem:s24], [sflag:$0x5], $0x80, s6, s23, $0xb8;
	[tilespmem:$0x1E000] =	vst v63  }
0x7b: {  	_ =	swait.ge [sflag:s20], $0x2800  }
0x7c: {  	[sflag:s20] =	ssyncset.done $0x0  }
0x7d: {  	s6 =	sadd.s32 $0xF0, s5;
	[sflag:s20] =	ssyncadd.s32 $0xFFFFD800  }
0x7e: {  	[tilespmem:s19], [sflag:$0x1] =	stream.indirect.gather [hbm4b:s4+s23], $0x80, s6, s23, $0xb8;
	[tilespmem:$0x1E000] =	vst v63  }
0x7f: {  	_ =	swait.ge [sflag:s30], $0x2800  }
0x80: {  	[sflag:s30] =	ssyncset.done $0x0  }
0x81: {  	s6 =	sadd.s32 $0x14A0, s5;
	[sflag:s30] =	ssyncadd.s32 $0xFFFFD800  }
0x82: {  	[spmem:s2] =	stream.indirect.scatter.add.f32 [tilespmem:s28], [sflag:$0x6], $0x80, s6, s23, $0xb8;
	[tilespmem:$0x1E000] =	vst v63  }
0x83: {  	_ =	swait.ge [sflag:s31], $0x2800  }
0x84: {  	[sflag:s31] =	ssyncset.done $0x0  }
0x85: {  	s6 =	sadd.s32 $0x140, s5;
	[sflag:s31] =	ssyncadd.s32 $0xFFFFD800  }
0x86: {  	[tilespmem:s24], [sflag:$0x2] =	stream.indirect.gather [hbm4b:s4+s23], $0x80, s6, s23, $0xb8;
	[tilespmem:$0x1E000] =	vst v63  }
0x87: {  	_ =	swait.ge [sflag:s25], $0x2800  }
0x88: {  	[sflag:s25] =	ssyncset.done $0x0  }
.Ltmp1:
0x89: {  	s6 =	sadd.s32 $0x14F0, s5;
	[sflag:s25] =	ssyncadd.s32 $0xFFFFD800;
	(pc) =	sbr.rel @p0 .LBB2_4-.Ltmp1, $4  }
0x8a: {  	[spmem:s2] =	stream.indirect.scatter.add.f32 [tilespmem:s19], [sflag:$0x4], $0x80, s6, s23, $0xb8;
	[tilespmem:$0x1E000] =	vst v63  }
0x8b: {  	_ =	swait.ge [sflag:s0], $0x2800  }
0x8c: {  	[sflag:s0] =	ssyncset.done $0x0  }
0x8d: {  	s5 =	sadd.s32 $0x190, s5;
	[sflag:s0] =	ssyncadd.s32 $0xFFFFD800  }
0x8e: {  	[tilespmem:s28], [sflag:$0x3] =	stream.indirect.gather [hbm4b:s4+s23], $0x80, s5, s23, $0xb8;
	[tilespmem:$0x1E000] =	vst v63  }
0x8f: {  	_ =	swait.ge [sflag:s29], $0x2800  }
0x90: {  	[sflag:s29] =	ssyncset.done $0x0  }
0x91: {  	s1 =	simm.s32 $0x2710;
	[sflag:s29] =	ssyncadd.s32 $0xFFFFD800  }
0x92: {  	[spmem:s2] =	stream.indirect.scatter.add.f32 [tilespmem:s24], [sflag:$0x5], $0x80, s1, s23, $0xb8;
	[tilespmem:$0x1E000] =	vst v63  }
0x93: {  	_ =	swait.ge [sflag:s20], $0x2800  }
0x94: {  	[sflag:s20] =	ssyncset.done $0x0  }
0x95: {  	s6 =	simm.s32 $0x13B0;
	[sflag:s20] =	ssyncadd.s32 $0xFFFFD800  }
0x96: {  	[tilespmem:s19], [sflag:$0x1] =	stream.indirect.gather [hbm4b:s4+s23], $0x80, s6, s23, $0xb8;
	[tilespmem:$0x1E000] =	vst v63  }
0x97: {  	_ =	swait.ge [sflag:s30], $0x2800  }
0x98: {  	[sflag:s30] =	ssyncset.done $0x0  }
0x99: {  	s5 =	simm.s32 $0x2760;
	[sflag:s30] =	ssyncadd.s32 $0xFFFFD800  }
0x9a: {  	[spmem:s2] =	stream.indirect.scatter.add.f32 [tilespmem:s28], [sflag:$0x6], $0x80, s5, s23, $0xb8;
	[tilespmem:$0x1E000] =	vst v63  }
0x9b: {  	_ =	swait.ge [sflag:s25], $0x2800  }
0x9c: {  	[sflag:s25] =	ssyncset.done $0x0  }
0x9d: {  	s6 =	simm.s32 $0x27B0;
	[sflag:s25] =	ssyncadd.s32 $0xFFFFD800  }
0x9e: {  	[spmem:s2] =	stream.indirect.scatter.add.f32 [tilespmem:s19], [sflag:$0x4], $0x80, s6, s23, $0xb8;
	[tilespmem:$0x1E000] =	vst v63  }
0x9f: {  	_ =	swait.ge [sflag:s20], $0x2800  }
0xa0: {  	[sflag:s20] =	ssyncset.done $0x0  }
0xa1: {  	[sflag:s20] =	ssyncadd.s32 $0xFFFFD800  }
0xa2: {  	_ =	swait.ge [sflag:s31], $0x2800  }
0xa3: {  	[sflag:s31] =	ssyncset.done $0x0  }
0xa4: {  	[sflag:s31] =	ssyncadd.s32 $0xFFFFD800  }
0xa5: {  	_ =	swait.ge [sflag:s0], $0x2800  }
0xa6: {  	[sflag:s0] =	ssyncset.done $0x0  }
0xa7: {  	s5 =	simm.s32 $0x0;
	[sflag:s0] =	ssyncadd.s32 $0xFFFFD800  }
0xa8: {  	[tilespmem:s5], [sflag:$0x7] =	stream.linear.gather [hbm4b:s7+s5], $0x1310, $0x38;
	[tilespmem:$0x1E000] =	vst v63  }
0xa9: {  	_ =	swait.ge [sflag:s21], $0x1310  }
0xaa: {  	[sflag:s21] =	ssyncset.done $0x0  }
0xab: {  	[sflag:s21] =	ssyncadd.s32 $0xFFFFECF0  }
0xac: {  	[tilespmem:s22], [sflag:$0x7] =	stream.linear.gather [hbm4b:s8+s5], $0x1310, $0x38;
	[tilespmem:$0x1E000] =	vst v63  }
0xad: {  	_ =	swait.ge [sflag:s21], $0x1310  }
0xae: {  	[sflag:s21] =	ssyncset.done $0x0  }
0xaf: {  	[sflag:s21] =	ssyncadd.s32 $0xFFFFECF0  }
0xb0: {  	[tilespmem:s19], [sflag:$0x1] =	stream.indirect.gather [hbm4b:s4+s23], $0x80, s5, s23, $0xb8;
	[tilespmem:$0x1E000] =	vst v63  }
0xb1: {  	_ = 	snop  }
0xb2: {  	[tilespmem:s24], [sflag:$0x2] =	stream.indirect.gather [hbm4b:s4+s23], $0x80, s23, s23, $0xb8;
	[tilespmem:$0x1E000] =	vst v63  }
0xb3: {  	_ =	swait.ge [sflag:s25], $0x2800  }
0xb4: {  	[sflag:s25] =	ssyncset.done $0x0  }
0xb5: {  	[sflag:s25] =	ssyncadd.s32 $0xFFFFD800  }
0xb6: {  	[spmem:s2] =	stream.indirect.scatter.add.f32 [tilespmem:s19], [sflag:$0x4], $0x80, s22, s23, $0xb8;
	[tilespmem:$0x1E000] =	vst v63  }
0xb7: {  	_ = 	snop  }
0xb8: {  	[tilespmem:s28], [sflag:$0x3] =	stream.indirect.gather [hbm4b:s4+s23], $0x80, s26, s23, $0xb8;
	[tilespmem:$0x1E000] =	vst v63  }
0xb9: {  	_ =	swait.ge [sflag:s29], $0x2800  }
0xba: {  	[sflag:s29] =	ssyncset.done $0x0  }
0xbb: {  	s6 =	simm.s32 $0x1450;
	[sflag:s29] =	ssyncadd.s32 $0xFFFFD800  }
0xbc: {  	[spmem:s2] =	stream.indirect.scatter.add.f32 [tilespmem:s24], [sflag:$0x5], $0x80, s6, s23, $0xb8;
	[tilespmem:$0x1E000] =	vst v63  }
0xbd: {  	_ =	swait.ge [sflag:s20], $0x2800  }
0xbe: {  	[sflag:s20] =	ssyncset.done $0x0  }
0xbf: {  	s5 =	simm.s32 $0xF0;
	[sflag:s20] =	ssyncadd.s32 $0xFFFFD800  }
0xc0: {  	[tilespmem:s19], [sflag:$0x1] =	stream.indirect.gather [hbm4b:s4+s23], $0x80, s5, s23, $0xb8;
	[tilespmem:$0x1E000] =	vst v63  }
0xc1: {  	_ =	swait.ge [sflag:s30], $0x2800  }
0xc2: {  	[sflag:s30] =	ssyncset.done $0x0  }
0xc3: {  	s6 =	simm.s32 $0x14A0;
	[sflag:s30] =	ssyncadd.s32 $0xFFFFD800  }
0xc4: {  	[spmem:s2] =	stream.indirect.scatter.add.f32 [tilespmem:s28], [sflag:$0x6], $0x80, s6, s23, $0xb8;
	[tilespmem:$0x1E000] =	vst v63  }
0xc5: {  	_ =	swait.ge [sflag:s31], $0x2800  }
0xc6: {  	[sflag:s31] =	ssyncset.done $0x0  }
0xc7: {  	s5 =	simm.s32 $0x140;
	[sflag:s31] =	ssyncadd.s32 $0xFFFFD800  }
0xc8: {  	[tilespmem:s24], [sflag:$0x2] =	stream.indirect.gather [hbm4b:s4+s23], $0x80, s5, s23, $0xb8;
	[tilespmem:$0x1E000] =	vst v63  }
0xc9: {  	_ =	swait.ge [sflag:s25], $0x2800  }
0xca: {  	[sflag:s25] =	ssyncset.done $0x0  }
0xcb: {  	s6 =	simm.s32 $0x14F0;
	[sflag:s25] =	ssyncadd.s32 $0xFFFFD800  }
0xcc: {  	[spmem:s2] =	stream.indirect.scatter.add.f32 [tilespmem:s19], [sflag:$0x4], $0x80, s6, s23, $0xb8;
	[tilespmem:$0x1E000] =	vst v63  }
0xcd: {  	_ =	swait.ge [sflag:s0], $0x2800  }
0xce: {  	[sflag:s0] =	ssyncset.done $0x0  }
0xcf: {  	s1 =	simm.s32 $0x3C0;
	s5 =	simm.s32 $0x190;
	[sflag:s0] =	ssyncadd.s32 $0xFFFFD800  }
.LBB2_6:
0xd0: {  	[tilespmem:s28], [sflag:$0x3] =	stream.indirect.gather [hbm4b:s4+s23], $0x80, s5, s23, $0xb8;
	[tilespmem:$0x1E000] =	vst v63  }
0xd1: {  	s5 =	smov.u32 s1  }
0xd2: {  	p0 =	sne.s32 s1, $0x4380;
	s1 =	sadd.s32 $0x3C0, s1;
	_ =	swait.ge [sflag:s29], $0x2800  }
0xd3: {  	s5 =	sshra.s32 s5, $0x2;
	[sflag:s29] =	ssyncset.done $0x0  }
0xd4: {  	s6 =	sadd.s32 $0x1450, s5;
	[sflag:s29] =	ssyncadd.s32 $0xFFFFD800  }
0xd5: {  	[spmem:s2] =	stream.indirect.scatter.add.f32 [tilespmem:s24], [sflag:$0x5], $0x80, s6, s23, $0xb8;
	[tilespmem:$0x1E000] =	vst v63  }
0xd6: {  	_ =	swait.ge [sflag:s20], $0x2800  }
0xd7: {  	[sflag:s20] =	ssyncset.done $0x0  }
0xd8: {  	s6 =	sadd.s32 $0xF0, s5;
	[sflag:s20] =	ssyncadd.s32 $0xFFFFD800  }
0xd9: {  	[tilespmem:s19], [sflag:$0x1] =	stream.indirect.gather [hbm4b:s4+s23], $0x80, s6, s23, $0xb8;
	[tilespmem:$0x1E000] =	vst v63  }
0xda: {  	_ =	swait.ge [sflag:s30], $0x2800  }
0xdb: {  	[sflag:s30] =	ssyncset.done $0x0  }
0xdc: {  	s6 =	sadd.s32 $0x14A0, s5;
	[sflag:s30] =	ssyncadd.s32 $0xFFFFD800  }
0xdd: {  	[spmem:s2] =	stream.indirect.scatter.add.f32 [tilespmem:s28], [sflag:$0x6], $0x80, s6, s23, $0xb8;
	[tilespmem:$0x1E000] =	vst v63  }
0xde: {  	_ =	swait.ge [sflag:s31], $0x2800  }
0xdf: {  	[sflag:s31] =	ssyncset.done $0x0  }
0xe0: {  	s6 =	sadd.s32 $0x140, s5;
	[sflag:s31] =	ssyncadd.s32 $0xFFFFD800  }
0xe1: {  	[tilespmem:s24], [sflag:$0x2] =	stream.indirect.gather [hbm4b:s4+s23], $0x80, s6, s23, $0xb8;
	[tilespmem:$0x1E000] =	vst v63  }
0xe2: {  	_ =	swait.ge [sflag:s25], $0x2800  }
0xe3: {  	[sflag:s25] =	ssyncset.done $0x0  }
.Ltmp2:
0xe4: {  	s6 =	sadd.s32 $0x14F0, s5;
	[sflag:s25] =	ssyncadd.s32 $0xFFFFD800;
	(pc) =	sbr.rel @p0 .LBB2_6-.Ltmp2, $4  }
0xe5: {  	[spmem:s2] =	stream.indirect.scatter.add.f32 [tilespmem:s19], [sflag:$0x4], $0x80, s6, s23, $0xb8;
	[tilespmem:$0x1E000] =	vst v63  }
0xe6: {  	_ =	swait.ge [sflag:s0], $0x2800  }
0xe7: {  	[sflag:s0] =	ssyncset.done $0x0  }
0xe8: {  	s5 =	sadd.s32 $0x190, s5;
	[sflag:s0] =	ssyncadd.s32 $0xFFFFD800  }
0xe9: {  	[tilespmem:s28], [sflag:$0x3] =	stream.indirect.gather [hbm4b:s4+s23], $0x80, s5, s23, $0xb8;
	[tilespmem:$0x1E000] =	vst v63  }
0xea: {  	_ =	swait.ge [sflag:s29], $0x2800  }
0xeb: {  	[sflag:s29] =	ssyncset.done $0x0  }
0xec: {  	s1 =	simm.s32 $0x2620;
	[sflag:s29] =	ssyncadd.s32 $0xFFFFD800  }
0xed: {  	[spmem:s2] =	stream.indirect.scatter.add.f32 [tilespmem:s24], [sflag:$0x5], $0x80, s1, s23, $0xb8;
	[tilespmem:$0x1E000] =	vst v63  }
0xee: {  	_ =	swait.ge [sflag:s20], $0x2800  }
0xef: {  	[sflag:s20] =	ssyncset.done $0x0  }
0xf0: {  	s6 =	simm.s32 $0x12C0;
	[sflag:s20] =	ssyncadd.s32 $0xFFFFD800  }
0xf1: {  	[tilespmem:s19], [sflag:$0x1] =	stream.indirect.gather [hbm4b:s4+s23], $0x80, s6, s23, $0xb8;
	[tilespmem:$0x1E000] =	vst v63  }
0xf2: {  	_ =	swait.ge [sflag:s30], $0x2800  }
0xf3: {  	[sflag:s30] =	ssyncset.done $0x0  }
0xf4: {  	s5 =	simm.s32 $0x2670;
	[sflag:s30] =	ssyncadd.s32 $0xFFFFD800  }
0xf5: {  	[spmem:s2] =	stream.indirect.scatter.add.f32 [tilespmem:s28], [sflag:$0x6], $0x80, s5, s23, $0xb8;
	[tilespmem:$0x1E000] =	vst v63  }
0xf6: {  	_ =	swait.ge [sflag:s25], $0x2800  }
0xf7: {  	[sflag:s25] =	ssyncset.done $0x0  }
0xf8: {  	s6 =	simm.s32 $0x26C0;
	[sflag:s25] =	ssyncadd.s32 $0xFFFFD800  }
0xf9: {  	[spmem:s2] =	stream.indirect.scatter.add.f32 [tilespmem:s19], [sflag:$0x4], $0x80, s6, s23, $0xb8;
	[tilespmem:$0x1E000] =	vst v63  }
0xfa: {  	_ =	swait.ge [sflag:s20], $0x2800  }
0xfb: {  	[sflag:s20] =	ssyncset.done $0x0  }
0xfc: {  	[sflag:s20] =	ssyncadd.s32 $0xFFFFD800  }
0xfd: {  	_ =	swait.ge [sflag:s31], $0x2800  }
0xfe: {  	[sflag:s31] =	ssyncset.done $0x0  }
0xff: {  	[sflag:s31] =	ssyncadd.s32 $0xFFFFD800  }
0x100: {  	s5 =	stileid.u32;
	_ =	swait.ge [sflag:s0], $0x2800  }
0x101: {  	s3 =	sadd.s32 $0x1, s3;
	s1 =	sshll.u32 s5, $0x6;
	[sflag:s0] =	ssyncset.done $0x0  }
0x102: {  	p0 =	sne.s32 s3, s10;
	s1 =	sor.u32 $0x1C07, s1;
	[sflag:s0] =	ssyncadd.s32 $0xFFFFD800  }
.Ltmp3:
0x103: {  	s6 =	sshrl.u32 s9, $0x3;
	[bflag:$0x0] =	sbarrier.arrive $0xFFFF;
	(pc) =	sbr.rel @p0 .LBB2_1-.Ltmp3, $4  }
0x104: {  	[hbm:s18], [sflag:s1] =	dma.local [spmem:s6], $0x2800  }
0x105: {  	_ =	swait.ge [sflag:s21], $0x2800  }
0x106: {  	[sflag:s21] =	ssyncset.done $0x0  }
0x107: {  	[sflag:s21] =	ssyncadd.s32 $0xFFFFD800  }
0x108: {  	_ =	sfence.sel $0x180000  }
0x109: {  	[bflag:$0x0] =	sbarrier.arrive $0xFFFF  }
0x10a: {  	_ =	strace $0x9000004A  }
0x10b: {  	s0 =	stileid.u32;
	[bflag:$0x2] =	sbarrier.arrive $0xFFFF  }
0x10c: {  	p0 =	sne.s32 s0, $0x0;
	s0 =	rddreg [dreg:$0x2]  }
0x10d: {  	s0 =	sadd.s32 @!p0 $0x100000, s0  }
0x10e: {  	[sflag:s0] =	ssyncadd.tile.s32 @!p0 $0x1;
	_ =	shalt  }
.Lfunc_end2:
_tile_overlayer_lowered:
.L_overlay_start_2:
0x10f: {  	(tag) =	ssettag $0x2  }
0x110: {  	s0 =	rddreg [dreg:$0x0];
	s2 =	stileid.u32  }
0x111: {  	s1 =	rddreg [dreg:$0x1];
	p0 =	sne.s32 s2, $0x0  }
0x112: {  	s3 =	rddreg [dreg:$0x2];
	[bflag:$0x3] =	sbarrier.arrive $0xFFFF;
	s2 =	simm.s32 @!p0 $0x1C07  }
0x113: {  	[timem:s3], [sflag:s2] =	dma.local @!p0 [hbm:s0], s1  }
0x114: {  	s0 =	simm.s32 @!p0 $0x7  }
0x115: {  	_ =	swait.ge @!p0 [sflag:s0], s1  }
0x116: {  	s1 =	ssub.s32 @!p0 $0x0, s1;
	[sflag:s0] =	ssyncset.done @!p0 $0x0  }
0x117: {  	[sflag:s0] =	ssyncadd.s32 @!p0 s1  }
0x118: {  	[bflag:$0x3] =	sbarrier.arrive $0xFFFF  }
0x119: {  	_ =	shalt  }

// kernel: kernel.17.cloned.1.call-start
scs
__scs_entry_jumppad:
0x0: {  	(pc) =	sbr.rel $0x88, $3  }
0x1: {  	(tag) =	ssettag $0x0;
	lr =	simm.s32 $0x1  }
0x2: {  	[smem:$0x3F96] =	sst lr;
	_ =	strace $0xD0000000  }
0x3: {  	_ = 	snop  }
0x4: {  	_ = 	snop  }
0x5: {  	_ = 	snop  }
0x6: {  	_ = 	snop  }
0x7: {  	_ = 	snop  }
__scs_overlays_trampoline_lowered:
0x8: {  	[smem:$0x3FA5] =	sst s0  }
0x9: {  	[smem:$0x3FA6] =	sst s1  }
0xa: {  	[smem:$0x3FA7] =	sst s2  }
0xb: {  	[smem:$0x3FA8] =	sst s3  }
0xc: {  	[smem:$0x3FA9] =	sst s4  }
0xd: {  	[smem:$0x3FAA] =	sst s5  }
0xe: {  	[smem:$0x3FAB] =	sst s6  }
0xf: {  	[smem:$0x3FAC] =	sst s7  }
0x10: {  	[smem:$0x3FAD] =	sst s8  }
0x11: {  	[smem:$0x3FAE] =	sst s9;
	s0 =	simm.s32 @!p0 $0x0  }
0x12: {  	s1 =	sld [smem:$0x3F94];
	s0 =	simm.s32 @p0 $0x1  }
0x13: {  	[smem:$0x3FAF] =	sst s0;
	s0 =	simm.s32 @!p1 $0x0  }
0x14: {  	s2 =	sld [smem:$0x3F93];
	s0 =	simm.s32 @p1 $0x1  }
0x15: {  	[smem:$0x3FB0] =	sst s0;
	s0 =	simm.s32 @!p2 $0x0  }
0x16: {  	s3 =	sld [smem:$0x3FDB];
	s0 =	simm.s32 @p2 $0x1  }
0x17: {  	s4 =	simm.s32 $0x1BF5;
	[smem:$0x3FB2] =	sst s0  }
0x18: {  	s0 =	sld [smem:$0x3F95];
	_ =	swait.ge [sflag:s4], $0x0  }
0x19: {  	s7 =	sld [smem:$0x3F96]  }
0x1a: {  	s8 =	sadd.s32 $0xFFFFE003, lr  }
0x1b: {  	s9 =	sadd.s32 $0xFFFFFEF7, lr;
	s5 =	simm.s32 $0xFFFFFFFF;
	p2 =	slt.u32 s8, $0xFFFFF086  }
0x1c: {  	p1 =	slt.u32 s9, $0xF7A;
	s5 =	simm.s32 @!p2 $0x0  }
0x1d: {  	s5 =	simm.s32 @p1 $0x1;
	p0 =	seq.s32 s7, s2  }
0x1e: {  	s7 =	smul.u32 @!p0 $0xF7A, s2;
	p2 =	seq.s32 @!p0 s5, $0x0  }
0x1f: {  	s9 =	smul.u32 $0xF7A, s1;
	s8 =	simm.s32 @!p0 $0x1BF5;
	p2 =	por !p2, p0  }
0x20: {  	[sflag:s8] =	ssyncset.s32 @!p0 $0xFFFFF086;
	s6 =	sadd.s32 @!p0 s3, s7;
	s7 =	simm.s32 @!p0 $0x108  }
0x21: {  	s3 =	sadd.s32 s3, s9;
	s6 =	sadd.s32 @!p0 $0x88, s6;
	s7 =	simm.s32 @p2 $0x1082  }
0x22: {  	[simem:s7], [sflag:s8] =	dma.local @!p0 [hbm:s6], $0xF7A  }
0x23: {  	s9 =	sor.u32 $0xD0000000, s2;
	s6 =	simm.s32 $0x108;
	_ =	swait.ge @!p0 [sflag:s8], $0x0  }
0x24: {  	s3 =	sadd.s32 $0x88, s3;
	s6 =	simm.s32 @!p1 $0x1082;
	[sflag:s4] =	ssyncset.s32 $0xFFFFF086  }
0x25: {  	[simem:s6], [sflag:s4] =	dma.local [hbm:s3], $0xF7A  }
0x26: {  	[smem:$0x3F96] =	sst s1;
	(tag) =	ssettag s2;
	_ =	strace s9  }
0x27: {  	s1 =	sld [smem:$0x3FA6]  }
0x28: {  	s2 =	sld [smem:$0x3FA7]  }
0x29: {  	s4 =	sld [smem:$0x3FA9]  }
0x2a: {  	p0 =	seq.s32 s5, $0x0;
	s5 =	sld [smem:$0x3FAA]  }
0x2b: {  	s6 =	sld [smem:$0x3FAB]  }
0x2c: {  	s7 =	sld [smem:$0x3FAC]  }
0x2d: {  	s3 =	simm.s32 $0x108;
	s8 =	sld [smem:$0x3FAD]  }
0x2e: {  	s3 =	simm.s32 @!p0 $0x1082;
	s9 =	sld [smem:$0x3FAE]  }
0x2f: {  	lr =	sadd.s32 s0, s3;
	s0 =	sld [smem:$0x3FA5]  }
0x30: {  	s3 =	sld [smem:$0x3FA8]  }
0x31: {  	[smem:$0x3FB1] =	sst s10  }
0x32: {  	s10 =	sld [smem:$0x3FAF];
	_ =	sdelay $0x3  }
0x33: {  	p0 =	seq.s32 s10, $0x1;
	s10 =	sld [smem:$0x3FB1];
	_ =	sdelay $0x3  }
0x34: {  	[smem:$0x3FB1] =	sst s10  }
0x35: {  	s10 =	sld [smem:$0x3FB0];
	_ =	sdelay $0x3  }
0x36: {  	p1 =	seq.s32 s10, $0x1;
	s10 =	sld [smem:$0x3FB1];
	_ =	sdelay $0x3  }
0x37: {  	[smem:$0x3FB1] =	sst s10  }
0x38: {  	s10 =	sld [smem:$0x3FB2]  }
0x39: {  	_ = 	snop;
	(pc) =	sbr.ind lr, $3  }
0x3a: {  	_ = 	snop  }
0x3b: {  	_ = 	snop  }
0x3c: {  	p2 =	seq.s32 s10, $0x1;
	s10 =	sld [smem:$0x3FB1]  }
0x3d: {  	_ =	shalt  }
0x3e: {  	_ =	shalt  }
0x3f: {  	_ =	shalt  }
0x40: {  	_ =	shalt  }
0x41: {  	_ =	shalt  }
0x42: {  	_ =	shalt  }
0x43: {  	_ =	shalt  }
0x44: {  	_ =	shalt  }
0x45: {  	_ =	shalt  }
0x46: {  	_ =	shalt  }
0x47: {  	_ =	shalt  }
0x48: {  	_ =	shalt  }
0x49: {  	_ =	shalt  }
0x4a: {  	_ =	shalt  }
0x4b: {  	_ =	shalt  }
0x4c: {  	_ =	shalt  }
0x4d: {  	_ =	shalt  }
0x4e: {  	_ =	shalt  }
0x4f: {  	_ =	shalt  }
0x50: {  	_ =	shalt  }
0x51: {  	_ =	shalt  }
0x52: {  	_ =	shalt  }
0x53: {  	_ =	shalt  }
0x54: {  	_ =	shalt  }
0x55: {  	_ =	shalt  }
0x56: {  	_ =	shalt  }
0x57: {  	_ =	shalt  }
0x58: {  	_ =	shalt  }
0x59: {  	_ =	shalt  }
0x5a: {  	_ =	shalt  }
0x5b: {  	_ =	shalt  }
0x5c: {  	_ =	shalt  }
0x5d: {  	_ =	shalt  }
0x5e: {  	_ =	shalt  }
0x5f: {  	_ =	shalt  }
0x60: {  	_ =	shalt  }
0x61: {  	_ =	shalt  }
0x62: {  	_ =	shalt  }
0x63: {  	_ =	shalt  }
0x64: {  	_ =	shalt  }
0x65: {  	_ =	shalt  }
0x66: {  	_ =	shalt  }
0x67: {  	_ =	shalt  }
0x68: {  	_ =	shalt  }
0x69: {  	_ =	shalt  }
0x6a: {  	_ =	shalt  }
0x6b: {  	_ =	shalt  }
0x6c: {  	_ =	shalt  }
0x6d: {  	_ =	shalt  }
0x6e: {  	_ =	shalt  }
0x6f: {  	_ =	shalt  }
0x70: {  	_ =	shalt  }
0x71: {  	_ =	shalt  }
0x72: {  	_ =	shalt  }
0x73: {  	_ =	shalt  }
0x74: {  	_ =	shalt  }
0x75: {  	_ =	shalt  }
0x76: {  	_ =	shalt  }
0x77: {  	_ =	shalt  }
0x78: {  	_ =	shalt  }
0x79: {  	_ =	shalt  }
0x7a: {  	_ =	shalt  }
0x7b: {  	_ =	shalt  }
0x7c: {  	_ =	shalt  }
0x7d: {  	_ =	shalt  }
0x7e: {  	_ =	shalt  }
0x7f: {  	_ =	shalt  }
0x80: {  	_ =	shalt  }
0x81: {  	_ =	shalt  }
0x82: {  	_ =	shalt  }
0x83: {  	_ =	shalt  }
0x84: {  	_ =	shalt  }
0x85: {  	_ =	shalt  }
0x86: {  	_ =	shalt  }
0x87: {  	_ =	shalt  }
.Lfunc_end0:
.L_simem_size_0:
called_computation.2_lowered:
.L_overlay_start_0:
0x88: {  	s2 =	sld [smem:$0x3FD9]  }
0x89: {  	s3 =	sld [smem:$0x3FFE];
	_ =	sdelay $0x1  }
0x8a: {  	s1 =	srdreg.scid  }
0x8b: {  	s0 =	sand.u32 $0x1, s1  }
0x8c: {  	s16 =	sshll.u32 s0, $0xA;
	s2 =	sadd.s32 s3, s2  }
0x8d: {  	s2 =	sadd.s32 s2, s16  }
0x8e: {  	[smem:$0x3FBD] =	sst s2  }
0x8f: {  	_ = 	snop  }
0x90: {  	(tm) =	ssettm $0x1  }
0x91: {  	s17 =	sld [smem:$0x3FFB];
	_ =	sdelay $0x3  }
0x92: {  	_ =	strace s17  }
0x93: {  	s2 =	sld [smem:$0x3FFC];
	_ =	sdelay $0x3  }
0x94: {  	_ =	strace s2  }
0x95: {  	s2 =	sld [smem:$0x3FFD];
	_ =	sdelay $0x3  }
0x96: {  	_ =	strace s2  }
0x97: {  	_ =	strace $0x8FFFFFFF  }
0x98: {  	s18 =	sld [smem:$0x3FDB];
	_ =	sdelay $0x1  }
0x99: {  	s19 =	simm.s32 $_scs_section_size  }
0x9a: {  	s4 =	simm.s32 $_size__tile_overlayer_lowered;
	s5 =	simm.s32 $_tile_overlayer_lowered  }
0x9b: {  	s22 =	simm.s32 $0x1BFF;
	s21 =	sshll.u32 s5, $0x1;
	s2 =	sadd.s32 s19, s18  }
0x9c: {  	s6 =	simm.s32 $0x0;
	s20 =	sshll.u32 s4, $0x1;
	s4 =	sadd.s32 s21, s2  }
0x9d: {  	[timem:s6], [sflag:s22] =	dma.local [hbm:s4], s20  }
0x9e: {  	_ =	swait.ge [sflag:s22], s20  }
0x9f: {  	s3 =	ssub.s32 $0x0, s20;
	[sflag:s22] =	ssyncset.done $0x0  }
0xa0: {  	[sflag:s22] =	ssyncadd.s32 s3;
	_ =	sdelay $0x1  }
0xa1: {  	s23 =	simm.s32 $0x1B8B  }
0xa2: {  	_ =	swait.ge [sflag:s23], $0x1  }
0xa3: {  	[sflag:s23] =	ssyncset.done $0x0  }
0xa4: {  	s25 =	simm.s32 $0x1B8E;
	s24 =	sld [smem:$0x3FFE];
	[sflag:s23] =	ssyncadd.s32 $0xFFFFFFFF  }
0xa5: {  	s26 =	simm.s32 $execute0_lowered;
	[smem:$0x3FD2] =	sst s25  }
0xa6: {  	s4 =	sshll.u32 s26, $0x1;
	_ =	strace $0x8000004C;
	[dreg:$0x1] =	wrdreg $0xFFFFFFFF  }
0xa7: {  	s28 =	simm.s32 $_size_execute0_lowered;
	s2 =	sadd.s32 s2, s4;
	[dreg:$0x0] =	wrdreg $0x0  }
0xa8: {  	s4 =	sshll.u32 s28, $0x1;
	[dreg:$0x2] =	wrdreg s2  }
0xa9: {  	[dreg:$0x3] =	wrdreg s4  }
0xaa: {  	[dreg:$0x4] =	wrdreg $0xC0  }
0xab: {  	_ =	task [dreg:s6], $0x5FFFF  }
0xac: {  	[dreg:$0x1] =	wrdreg $0xFFFFFFFF  }
0xad: {  	[dreg:$0x0] =	wrdreg $0x60  }
0xae: {  	[dreg:$0x2] =	wrdreg s24  }
0xaf: {  	[dreg:$0x3] =	wrdreg $0xA0000  }
0xb0: {  	[dreg:$0x4] =	wrdreg $0x9  }
0xb1: {  	_ =	task.clear_ibuf [dreg:s6], $0x5FFFF;
	_ =	strace $0x9000004C  }
0xb2: {  	s29 =	simm.s32 $0x9;
	_ =	strace $0x8000004E  }
0xb3: {  	_ =	swait.ge [sflag:s29], $0x1  }
0xb4: {  	[sflag:s29] =	ssyncadd.s32 $0xFFFFFFFF  }
0xb5: {  	_ =	strace $0x9000004E  }
0xb6: {  	_ =	sfence  }
0xb7: {  	s30 =	sld [smem:$0x0];
	_ =	sdelay $0x2  }
0xb8: {  	s31 =	sshll.u32 s1, $0xD;
	s1 =	sshrl.u32 s1, $0x2  }
0xb9: {  	s3 =	sand.u32 $0x4000, s31;
	s1 =	sadd.s32 s1, s30  }
0xba: {  	s0 =	sor.u32 s3, s0;
	s1 =	sshll.u32 s1, $0x11  }
0xbb: {  	s0 =	sor.u32 s1, s0  }
0xbc: {  	s0 =	sadd.s32 $0x8F2B, s0  }
0xbd: {  	[sflag:s0] =	ssyncadd.remote.s32 $0x1  }
0xbe: {  	_ =	sfence.sel $0xFFFF  }
0xbf: {  	[dreg:$0x0] =	wrdreg $0xFFFFFFFF;
	(pc) =	sbr.abs _section_cstart, $3  }
0xc0: {  	[dreg:$0x1] =	wrdreg $0xFFFFFFFF  }
0xc1: {  	_ =	task.clear_ibuf [dreg:s6], $0x2FFFF;
	_ =	strace $0x9FFFFFFF  }
0xc2: {  	(tm) =	ssettm $0x7FFFFFFF  }
0xc3: {  	_ =	shalt  }
tec
execute0_lowered:
.L_overlay_start_1:
0x0: {  	(tag) =	ssettag $0x1  }
0x1: {  	s0 =	rddreg [dreg:$0x0]  }
0x2: {  	s2 =	rddreg [dreg:$0x1];
	s3 =	simm.s32 $0x0;
	s1 =	srdreg.scid  }
0x3: {  	s11 =	stileid.u32;
	s19 =	simm.s32 $0x2800;
	s20 =	simm.s32 $0x4  }
0x4: {  	s21 =	simm.s32 $0x7;
	s28 =	simm.s32 $0x7800;
	s29 =	simm.s32 $0x2  }
0x5: {  	s30 =	simm.s32 $0x3;
	s31 =	simm.s32 $0x5;
	[smem:$0x7FF] =	sst s3  }
0x6: {  	s1 =	sand.u32 $0x1, s1;
	s4 =	sshll.u32 s11, $0x1;
	s22 =	smul.u32 $0x50000, s11  }
0x7: {  	s7 =	sadd.s32 $0x3A00, s0;
	s8 =	sadd.s32 $0xD800, s0;
	s26 =	smul.u32 $0x2800, s11  }
0x8: {  	_ =	strace $0x8000004D;
	s5 =	sor.u32 s1, s4;
	s4 =	sadd.s32 $0x3F600, s0  }
0x9: {  	s6 =	ssub.s32 $0x2, s1;
	p0 =	seq.s32 s1, $0x1;
	s5 =	smul.u32 $0x2710, s5  }
0xa: {  	s9 =	sshrl.u32 s6, $0x1;
	s25 =	sshrl.u32 s22, $0x2;
	s22 =	simm.s32 $0x1400  }
0xb: {  	s10 =	ssub.s32 s6, s9;
	s9 =	sadd.s32 s25, s2;
	s25 =	simm.s32 $0x1  }
0xc: {  	s5 =	sshrl.u32 s5, $0x3;
	s10 =	smax.u32 s10, $0x1;
	s11 =	sadd.s32 $0x2800, s9  }
0xd: {  	s12 =	sadd.s32 $0x5000, s9;
	s13 =	sadd.s32 $0x7800, s9;
	s14 =	sadd.s32 $0xA000, s9  }
0xe: {  	s15 =	sadd.s32 $0xC800, s9;
	s16 =	sadd.s32 $0xF000, s9;
	s23 =	sadd.s32 s7, s5  }
0xf: {  	s24 =	sadd.s32 s8, s5;
	s5 =	sadd.s32 $0x280, s5;
	[dreg:$0x3] =	wrdreg s23  }
0x10: {  	s7 =	sadd.s32 s7, s5;
	s8 =	sadd.s32 s8, s5;
	s5 =	simm.s32 $0x8F600  }
0x11: {  	s17 =	sadd.s32 $0x11800, s9;
	[dreg:$0x4] =	wrdreg s24;
	s5 =	simm.s32 @!p0 $0x67600  }
0x12: {  	s23 =	simm.s32 $0x50;
	s24 =	simm.s32 $0x5000;
	s0 =	sadd.s32 s5, s0  }
0x13: {  	v0 =	vimm.f32 $0.0e+00;
	s18 =	sadd.s32 s0, s26;
	s26 =	simm.s32 $0xA0;
	s0 =	simm.s32 $0x6  }
.LBB2_1:
0x14: {  	s1 =	simm.s32 $0x0;
	s5 =	simm.s32 $0x200  }
.LBB2_2:
0x15: {  	p0 =	sne.s32 s5, $0x9E00;
	[tilespmem:s1+$0x2870] =	vst v0  }
0x16: {  	[tilespmem:s1+$0x2800] =	vst v0  }
0x17: {  	[tilespmem:s1+$0x2810] =	vst v0  }
.Ltmp0:
0x18: {  	[tilespmem:s1+$0x2820] =	vst v0;
	(pc) =	sbr.rel @p0 .LBB2_2-.Ltmp0, $4  }
0x19: {  	[tilespmem:s1+$0x2830] =	vst v0  }
0x1a: {  	[tilespmem:s1+$0x2840] =	vst v0  }
0x1b: {  	[tilespmem:s1+$0x2850] =	vst v0  }
0x1c: {  	[tilespmem:s1+$0x2860] =	vst v0;
	s1 =	sshra.s32 s5, $0x2;
	s5 =	sadd.s32 $0x200, s5  }
0x1d: {  	[tilespmem:s1+$0x2870] =	vst v0  }
0x1e: {  	[tilespmem:s1+$0x2800] =	vst v0  }
0x1f: {  	[tilespmem:s1+$0x2810] =	vst v0  }
0x20: {  	[tilespmem:s1+$0x2820] =	vst v0  }
0x21: {  	[tilespmem:s1+$0x2830] =	vst v0  }
0x22: {  	[tilespmem:s1+$0x2840] =	vst v0  }
0x23: {  	[tilespmem:s1+$0x2850] =	vst v0  }
0x24: {  	[tilespmem:s1+$0x2860] =	vst v0  }
0x25: {  	[spmem:s9] =	stream.linear.scatter [tilespmem:s19], [sflag:$0x4], $0x2800, $0x38;
	[tilespmem:$0x1E000] =	vst v63  }
0x26: {  	_ = 	snop  }
0x27: {  	[spmem:s11] =	stream.linear.scatter [tilespmem:s19], [sflag:$0x4], $0x2800, $0x38;
	[tilespmem:$0x1E000] =	vst v63  }
0x28: {  	_ = 	snop  }
0x29: {  	[spmem:s12] =	stream.linear.scatter [tilespmem:s19], [sflag:$0x4], $0x2800, $0x38;
	[tilespmem:$0x1E000] =	vst v63  }
0x2a: {  	_ = 	snop  }
0x2b: {  	[spmem:s13] =	stream.linear.scatter [tilespmem:s19], [sflag:$0x4], $0x2800, $0x38;
	[tilespmem:$0x1E000] =	vst v63  }
0x2c: {  	_ = 	snop  }
0x2d: {  	[spmem:s14] =	stream.linear.scatter [tilespmem:s19], [sflag:$0x4], $0x2800, $0x38;
	[tilespmem:$0x1E000] =	vst v63  }
0x2e: {  	_ = 	snop  }
0x2f: {  	[spmem:s15] =	stream.linear.scatter [tilespmem:s19], [sflag:$0x4], $0x2800, $0x38;
	[tilespmem:$0x1E000] =	vst v63  }
0x30: {  	_ = 	snop  }
0x31: {  	[spmem:s16] =	stream.linear.scatter [tilespmem:s19], [sflag:$0x4], $0x2800, $0x38;
	[tilespmem:$0x1E000] =	vst v63  }
0x32: {  	_ = 	snop  }
0x33: {  	[spmem:s17] =	stream.linear.scatter [tilespmem:s19], [sflag:$0x4], $0x2800, $0x38;
	[tilespmem:$0x1E000] =	vst v63  }
0x34: {  	_ =	swait.ge [sflag:s20], $0x2800  }
0x35: {  	[sflag:s20] =	ssyncset.done $0x0  }
0x36: {  	[sflag:s20] =	ssyncadd.s32 $0xFFFFD800  }
0x37: {  	_ =	swait.ge [sflag:s20], $0x2800  }
0x38: {  	[sflag:s20] =	ssyncset.done $0x0  }
0x39: {  	[sflag:s20] =	ssyncadd.s32 $0xFFFFD800  }
0x3a: {  	_ =	swait.ge [sflag:s20], $0x2800  }
0x3b: {  	[sflag:s20] =	ssyncset.done $0x0  }
0x3c: {  	[sflag:s20] =	ssyncadd.s32 $0xFFFFD800  }
0x3d: {  	_ =	swait.ge [sflag:s20], $0x2800  }
0x3e: {  	[sflag:s20] =	ssyncset.done $0x0  }
0x3f: {  	[sflag:s20] =	ssyncadd.s32 $0xFFFFD800  }
0x40: {  	_ =	swait.ge [sflag:s20], $0x2800  }
0x41: {  	[sflag:s20] =	ssyncset.done $0x0  }
0x42: {  	[sflag:s20] =	ssyncadd.s32 $0xFFFFD800  }
0x43: {  	_ =	swait.ge [sflag:s20], $0x2800  }
0x44: {  	[sflag:s20] =	ssyncset.done $0x0  }
0x45: {  	[sflag:s20] =	ssyncadd.s32 $0xFFFFD800  }
0x46: {  	_ =	swait.ge [sflag:s20], $0x2800  }
0x47: {  	[sflag:s20] =	ssyncset.done $0x0  }
0x48: {  	[sflag:s20] =	ssyncadd.s32 $0xFFFFD800  }
0x49: {  	_ =	swait.ge [sflag:s20], $0x2800  }
0x4a: {  	[sflag:s20] =	ssyncset.done $0x0  }
0x4b: {  	s1 =	simm.s32 $0x0;
	s5 =	rddreg [dreg:$0x3];
	[sflag:s20] =	ssyncadd.s32 $0xFFFFD800  }
0x4c: {  	[tilespmem:s1], [sflag:$0x7] =	stream.linear.gather [hbm4b:s5+s1], $0x1400, $0x38;
	[tilespmem:$0x1E000] =	vst v63  }
0x4d: {  	_ =	swait.ge [sflag:s21], $0x1400  }
0x4e: {  	[sflag:s21] =	ssyncset.done $0x0  }
0x4f: {  	s6 =	rddreg [dreg:$0x4];
	[sflag:s21] =	ssyncadd.s32 $0xFFFFEC00  }
0x50: {  	[tilespmem:s22], [sflag:$0x7] =	stream.linear.gather [hbm4b:s6+s1], $0x1400, $0x38;
	[tilespmem:$0x1E000] =	vst v63  }
0x51: {  	_ =	swait.ge [sflag:s21], $0x1400  }
0x52: {  	[sflag:s21] =	ssyncset.done $0x0  }
0x53: {  	[sflag:s21] =	ssyncadd.s32 $0xFFFFEC00  }
0x54: {  	[tilespmem:s19], [sflag:$0x1] =	stream.indirect.gather [hbm4b:s4+s23], $0x80, s1, s23, $0xb8;
	[tilespmem:$0x1E000] =	vst v63  }
0x55: {  	_ = 	snop  }
0x56: {  	[tilespmem:s24], [sflag:$0x2] =	stream.indirect.gather [hbm4b:s4+s23], $0x80, s23, s23, $0xb8;
	[tilespmem:$0x1E000] =	vst v63  }
0x57: {  	[bflag:$0x0] =	sbarrier.arrive $0xFFFF  }
0x58: {  	_ =	swait.ge [sflag:s25], $0x2800  }
0x59: {  	[sflag:s25] =	ssyncset.done $0x0  }
0x5a: {  	[sflag:s25] =	ssyncadd.s32 $0xFFFFD800  }
0x5b: {  	[spmem:s2] =	stream.indirect.scatter.add.f32 [tilespmem:s19], [sflag:$0x4], $0x80, s22, s23, $0xb8;
	[tilespmem:$0x1E000] =	vst v63  }
0x5c: {  	_ = 	snop  }
0x5d: {  	[tilespmem:s28], [sflag:$0x3] =	stream.indirect.gather [hbm4b:s4+s23], $0x80, s26, s23, $0xb8;
	[tilespmem:$0x1E000] =	vst v63  }
0x5e: {  	_ =	swait.ge [sflag:s29], $0x2800  }
0x5f: {  	[sflag:s29] =	ssyncset.done $0x0  }
0x60: {  	s6 =	simm.s32 $0x1450;
	[sflag:s29] =	ssyncadd.s32 $0xFFFFD800  }
0x61: {  	[spmem:s2] =	stream.indirect.scatter.add.f32 [tilespmem:s24], [sflag:$0x5], $0x80, s6, s23, $0xb8;
	[tilespmem:$0x1E000] =	vst v63  }
0x62: {  	_ =	swait.ge [sflag:s20], $0x2800  }
0x63: {  	[sflag:s20] =	ssyncset.done $0x0  }
0x64: {  	s5 =	simm.s32 $0xF0;
	[sflag:s20] =	ssyncadd.s32 $0xFFFFD800  }
0x65: {  	[tilespmem:s19], [sflag:$0x1] =	stream.indirect.gather [hbm4b:s4+s23], $0x80, s5, s23, $0xb8;
	[tilespmem:$0x1E000] =	vst v63  }
0x66: {  	_ =	swait.ge [sflag:s30], $0x2800  }
0x67: {  	[sflag:s30] =	ssyncset.done $0x0  }
0x68: {  	s6 =	simm.s32 $0x14A0;
	[sflag:s30] =	ssyncadd.s32 $0xFFFFD800  }
0x69: {  	[spmem:s2] =	stream.indirect.scatter.add.f32 [tilespmem:s28], [sflag:$0x6], $0x80, s6, s23, $0xb8;
	[tilespmem:$0x1E000] =	vst v63  }
0x6a: {  	_ =	swait.ge [sflag:s31], $0x2800  }
0x6b: {  	[sflag:s31] =	ssyncset.done $0x0  }
0x6c: {  	s5 =	simm.s32 $0x140;
	[sflag:s31] =	ssyncadd.s32 $0xFFFFD800  }
0x6d: {  	[tilespmem:s24], [sflag:$0x2] =	stream.indirect.gather [hbm4b:s4+s23], $0x80, s5, s23, $0xb8;
	[tilespmem:$0x1E000] =	vst v63  }
0x6e: {  	_ =	swait.ge [sflag:s25], $0x2800  }
0x6f: {  	[sflag:s25] =	ssyncset.done $0x0  }
0x70: {  	s6 =	simm.s32 $0x14F0;
	[sflag:s25] =	ssyncadd.s32 $0xFFFFD800  }
0x71: {  	[spmem:s2] =	stream.indirect.scatter.add.f32 [tilespmem:s19], [sflag:$0x4], $0x80, s6, s23, $0xb8;
	[tilespmem:$0x1E000] =	vst v63  }
0x72: {  	_ =	swait.ge [sflag:s0], $0x2800  }
0x73: {  	[sflag:s0] =	ssyncset.done $0x0  }
0x74: {  	s1 =	simm.s32 $0x3C0;
	s5 =	simm.s32 $0x190;
	[sflag:s0] =	ssyncadd.s32 $0xFFFFD800  }
.LBB2_4:
0x75: {  	[tilespmem:s28], [sflag:$0x3] =	stream.indirect.gather [hbm4b:s4+s23], $0x80, s5, s23, $0xb8;
	[tilespmem:$0x1E000] =	vst v63  }
0x76: {  	s5 =	smov.u32 s1  }
0x77: {  	p0 =	sne.s32 s1, $0x4740;
	s1 =	sadd.s32 $0x3C0, s1;
	_ =	swait.ge [sflag:s29], $0x2800  }
0x78: {  	s5 =	sshra.s32 s5, $0x2;
	[sflag:s29] =	ssyncset.done $0x0  }
0x79: {  	s6 =	sadd.s32 $0x1450, s5;
	[sflag:s29] =	ssyncadd.s32 $0xFFFFD800  }
0x7a: {  	[spmem:s2] =	stream.indirect.scatter.add.f32 [tilespmem:s24], [sflag:$0x5], $0x80, s6, s23, $0xb8;
	[tilespmem:$0x1E000] =	vst v63  }
0x7b: {  	_ =	swait.ge [sflag:s20], $0x2800  }
0x7c: {  	[sflag:s20] =	ssyncset.done $0x0  }
0x7d: {  	s6 =	sadd.s32 $0xF0, s5;
	[sflag:s20] =	ssyncadd.s32 $0xFFFFD800  }
0x7e: {  	[tilespmem:s19], [sflag:$0x1] =	stream.indirect.gather [hbm4b:s4+s23], $0x80, s6, s23, $0xb8;
	[tilespmem:$0x1E000] =	vst v63  }
0x7f: {  	_ =	swait.ge [sflag:s30], $0x2800  }
0x80: {  	[sflag:s30] =	ssyncset.done $0x0  }
0x81: {  	s6 =	sadd.s32 $0x14A0, s5;
	[sflag:s30] =	ssyncadd.s32 $0xFFFFD800  }
0x82: {  	[spmem:s2] =	stream.indirect.scatter.add.f32 [tilespmem:s28], [sflag:$0x6], $0x80, s6, s23, $0xb8;
	[tilespmem:$0x1E000] =	vst v63  }
0x83: {  	_ =	swait.ge [sflag:s31], $0x2800  }
0x84: {  	[sflag:s31] =	ssyncset.done $0x0  }
0x85: {  	s6 =	sadd.s32 $0x140, s5;
	[sflag:s31] =	ssyncadd.s32 $0xFFFFD800  }
0x86: {  	[tilespmem:s24], [sflag:$0x2] =	stream.indirect.gather [hbm4b:s4+s23], $0x80, s6, s23, $0xb8;
	[tilespmem:$0x1E000] =	vst v63  }
0x87: {  	_ =	swait.ge [sflag:s25], $0x2800  }
0x88: {  	[sflag:s25] =	ssyncset.done $0x0  }
.Ltmp1:
0x89: {  	s6 =	sadd.s32 $0x14F0, s5;
	[sflag:s25] =	ssyncadd.s32 $0xFFFFD800;
	(pc) =	sbr.rel @p0 .LBB2_4-.Ltmp1, $4  }
0x8a: {  	[spmem:s2] =	stream.indirect.scatter.add.f32 [tilespmem:s19], [sflag:$0x4], $0x80, s6, s23, $0xb8;
	[tilespmem:$0x1E000] =	vst v63  }
0x8b: {  	_ =	swait.ge [sflag:s0], $0x2800  }
0x8c: {  	[sflag:s0] =	ssyncset.done $0x0  }
0x8d: {  	s5 =	sadd.s32 $0x190, s5;
	[sflag:s0] =	ssyncadd.s32 $0xFFFFD800  }
0x8e: {  	[tilespmem:s28], [sflag:$0x3] =	stream.indirect.gather [hbm4b:s4+s23], $0x80, s5, s23, $0xb8;
	[tilespmem:$0x1E000] =	vst v63  }
0x8f: {  	_ =	swait.ge [sflag:s29], $0x2800  }
0x90: {  	[sflag:s29] =	ssyncset.done $0x0  }
0x91: {  	s1 =	simm.s32 $0x2710;
	[sflag:s29] =	ssyncadd.s32 $0xFFFFD800  }
0x92: {  	[spmem:s2] =	stream.indirect.scatter.add.f32 [tilespmem:s24], [sflag:$0x5], $0x80, s1, s23, $0xb8;
	[tilespmem:$0x1E000] =	vst v63  }
0x93: {  	_ =	swait.ge [sflag:s20], $0x2800  }
0x94: {  	[sflag:s20] =	ssyncset.done $0x0  }
0x95: {  	s6 =	simm.s32 $0x13B0;
	[sflag:s20] =	ssyncadd.s32 $0xFFFFD800  }
0x96: {  	[tilespmem:s19], [sflag:$0x1] =	stream.indirect.gather [hbm4b:s4+s23], $0x80, s6, s23, $0xb8;
	[tilespmem:$0x1E000] =	vst v63  }
0x97: {  	_ =	swait.ge [sflag:s30], $0x2800  }
0x98: {  	[sflag:s30] =	ssyncset.done $0x0  }
0x99: {  	s5 =	simm.s32 $0x2760;
	[sflag:s30] =	ssyncadd.s32 $0xFFFFD800  }
0x9a: {  	[spmem:s2] =	stream.indirect.scatter.add.f32 [tilespmem:s28], [sflag:$0x6], $0x80, s5, s23, $0xb8;
	[tilespmem:$0x1E000] =	vst v63  }
0x9b: {  	_ =	swait.ge [sflag:s25], $0x2800  }
0x9c: {  	[sflag:s25] =	ssyncset.done $0x0  }
0x9d: {  	s6 =	simm.s32 $0x27B0;
	[sflag:s25] =	ssyncadd.s32 $0xFFFFD800  }
0x9e: {  	[spmem:s2] =	stream.indirect.scatter.add.f32 [tilespmem:s19], [sflag:$0x4], $0x80, s6, s23, $0xb8;
	[tilespmem:$0x1E000] =	vst v63  }
0x9f: {  	_ =	swait.ge [sflag:s20], $0x2800  }
0xa0: {  	[sflag:s20] =	ssyncset.done $0x0  }
0xa1: {  	[sflag:s20] =	ssyncadd.s32 $0xFFFFD800  }
0xa2: {  	_ =	swait.ge [sflag:s31], $0x2800  }
0xa3: {  	[sflag:s31] =	ssyncset.done $0x0  }
0xa4: {  	[sflag:s31] =	ssyncadd.s32 $0xFFFFD800  }
0xa5: {  	_ =	swait.ge [sflag:s0], $0x2800  }
0xa6: {  	[sflag:s0] =	ssyncset.done $0x0  }
0xa7: {  	s5 =	simm.s32 $0x0;
	[sflag:s0] =	ssyncadd.s32 $0xFFFFD800  }
0xa8: {  	[tilespmem:s5], [sflag:$0x7] =	stream.linear.gather [hbm4b:s7+s5], $0x1310, $0x38;
	[tilespmem:$0x1E000] =	vst v63  }
0xa9: {  	_ =	swait.ge [sflag:s21], $0x1310  }
0xaa: {  	[sflag:s21] =	ssyncset.done $0x0  }
0xab: {  	[sflag:s21] =	ssyncadd.s32 $0xFFFFECF0  }
0xac: {  	[tilespmem:s22], [sflag:$0x7] =	stream.linear.gather [hbm4b:s8+s5], $0x1310, $0x38;
	[tilespmem:$0x1E000] =	vst v63  }
0xad: {  	_ =	swait.ge [sflag:s21], $0x1310  }
0xae: {  	[sflag:s21] =	ssyncset.done $0x0  }
0xaf: {  	[sflag:s21] =	ssyncadd.s32 $0xFFFFECF0  }
0xb0: {  	[tilespmem:s19], [sflag:$0x1] =	stream.indirect.gather [hbm4b:s4+s23], $0x80, s5, s23, $0xb8;
	[tilespmem:$0x1E000] =	vst v63  }
0xb1: {  	_ = 	snop  }
0xb2: {  	[tilespmem:s24], [sflag:$0x2] =	stream.indirect.gather [hbm4b:s4+s23], $0x80, s23, s23, $0xb8;
	[tilespmem:$0x1E000] =	vst v63  }
0xb3: {  	_ =	swait.ge [sflag:s25], $0x2800  }
0xb4: {  	[sflag:s25] =	ssyncset.done $0x0  }
0xb5: {  	[sflag:s25] =	ssyncadd.s32 $0xFFFFD800  }
0xb6: {  	[spmem:s2] =	stream.indirect.scatter.add.f32 [tilespmem:s19], [sflag:$0x4], $0x80, s22, s23, $0xb8;
	[tilespmem:$0x1E000] =	vst v63  }
0xb7: {  	_ = 	snop  }
0xb8: {  	[tilespmem:s28], [sflag:$0x3] =	stream.indirect.gather [hbm4b:s4+s23], $0x80, s26, s23, $0xb8;
	[tilespmem:$0x1E000] =	vst v63  }
0xb9: {  	_ =	swait.ge [sflag:s29], $0x2800  }
0xba: {  	[sflag:s29] =	ssyncset.done $0x0  }
0xbb: {  	s6 =	simm.s32 $0x1450;
	[sflag:s29] =	ssyncadd.s32 $0xFFFFD800  }
0xbc: {  	[spmem:s2] =	stream.indirect.scatter.add.f32 [tilespmem:s24], [sflag:$0x5], $0x80, s6, s23, $0xb8;
	[tilespmem:$0x1E000] =	vst v63  }
0xbd: {  	_ =	swait.ge [sflag:s20], $0x2800  }
0xbe: {  	[sflag:s20] =	ssyncset.done $0x0  }
0xbf: {  	s5 =	simm.s32 $0xF0;
	[sflag:s20] =	ssyncadd.s32 $0xFFFFD800  }
0xc0: {  	[tilespmem:s19], [sflag:$0x1] =	stream.indirect.gather [hbm4b:s4+s23], $0x80, s5, s23, $0xb8;
	[tilespmem:$0x1E000] =	vst v63  }
0xc1: {  	_ =	swait.ge [sflag:s30], $0x2800  }
0xc2: {  	[sflag:s30] =	ssyncset.done $0x0  }
0xc3: {  	s6 =	simm.s32 $0x14A0;
	[sflag:s30] =	ssyncadd.s32 $0xFFFFD800  }
0xc4: {  	[spmem:s2] =	stream.indirect.scatter.add.f32 [tilespmem:s28], [sflag:$0x6], $0x80, s6, s23, $0xb8;
	[tilespmem:$0x1E000] =	vst v63  }
0xc5: {  	_ =	swait.ge [sflag:s31], $0x2800  }
0xc6: {  	[sflag:s31] =	ssyncset.done $0x0  }
0xc7: {  	s5 =	simm.s32 $0x140;
	[sflag:s31] =	ssyncadd.s32 $0xFFFFD800  }
0xc8: {  	[tilespmem:s24], [sflag:$0x2] =	stream.indirect.gather [hbm4b:s4+s23], $0x80, s5, s23, $0xb8;
	[tilespmem:$0x1E000] =	vst v63  }
0xc9: {  	_ =	swait.ge [sflag:s25], $0x2800  }
0xca: {  	[sflag:s25] =	ssyncset.done $0x0  }
0xcb: {  	s6 =	simm.s32 $0x14F0;
	[sflag:s25] =	ssyncadd.s32 $0xFFFFD800  }
0xcc: {  	[spmem:s2] =	stream.indirect.scatter.add.f32 [tilespmem:s19], [sflag:$0x4], $0x80, s6, s23, $0xb8;
	[tilespmem:$0x1E000] =	vst v63  }
0xcd: {  	_ =	swait.ge [sflag:s0], $0x2800  }
0xce: {  	[sflag:s0] =	ssyncset.done $0x0  }
0xcf: {  	s1 =	simm.s32 $0x3C0;
	s5 =	simm.s32 $0x190;
	[sflag:s0] =	ssyncadd.s32 $0xFFFFD800  }
.LBB2_6:
0xd0: {  	[tilespmem:s28], [sflag:$0x3] =	stream.indirect.gather [hbm4b:s4+s23], $0x80, s5, s23, $0xb8;
	[tilespmem:$0x1E000] =	vst v63  }
0xd1: {  	s5 =	smov.u32 s1  }
0xd2: {  	p0 =	sne.s32 s1, $0x4380;
	s1 =	sadd.s32 $0x3C0, s1;
	_ =	swait.ge [sflag:s29], $0x2800  }
0xd3: {  	s5 =	sshra.s32 s5, $0x2;
	[sflag:s29] =	ssyncset.done $0x0  }
0xd4: {  	s6 =	sadd.s32 $0x1450, s5;
	[sflag:s29] =	ssyncadd.s32 $0xFFFFD800  }
0xd5: {  	[spmem:s2] =	stream.indirect.scatter.add.f32 [tilespmem:s24], [sflag:$0x5], $0x80, s6, s23, $0xb8;
	[tilespmem:$0x1E000] =	vst v63  }
0xd6: {  	_ =	swait.ge [sflag:s20], $0x2800  }
0xd7: {  	[sflag:s20] =	ssyncset.done $0x0  }
0xd8: {  	s6 =	sadd.s32 $0xF0, s5;
	[sflag:s20] =	ssyncadd.s32 $0xFFFFD800  }
0xd9: {  	[tilespmem:s19], [sflag:$0x1] =	stream.indirect.gather [hbm4b:s4+s23], $0x80, s6, s23, $0xb8;
	[tilespmem:$0x1E000] =	vst v63  }
0xda: {  	_ =	swait.ge [sflag:s30], $0x2800  }
0xdb: {  	[sflag:s30] =	ssyncset.done $0x0  }
0xdc: {  	s6 =	sadd.s32 $0x14A0, s5;
	[sflag:s30] =	ssyncadd.s32 $0xFFFFD800  }
0xdd: {  	[spmem:s2] =	stream.indirect.scatter.add.f32 [tilespmem:s28], [sflag:$0x6], $0x80, s6, s23, $0xb8;
	[tilespmem:$0x1E000] =	vst v63  }
0xde: {  	_ =	swait.ge [sflag:s31], $0x2800  }
0xdf: {  	[sflag:s31] =	ssyncset.done $0x0  }
0xe0: {  	s6 =	sadd.s32 $0x140, s5;
	[sflag:s31] =	ssyncadd.s32 $0xFFFFD800  }
0xe1: {  	[tilespmem:s24], [sflag:$0x2] =	stream.indirect.gather [hbm4b:s4+s23], $0x80, s6, s23, $0xb8;
	[tilespmem:$0x1E000] =	vst v63  }
0xe2: {  	_ =	swait.ge [sflag:s25], $0x2800  }
0xe3: {  	[sflag:s25] =	ssyncset.done $0x0  }
.Ltmp2:
0xe4: {  	s6 =	sadd.s32 $0x14F0, s5;
	[sflag:s25] =	ssyncadd.s32 $0xFFFFD800;
	(pc) =	sbr.rel @p0 .LBB2_6-.Ltmp2, $4  }
0xe5: {  	[spmem:s2] =	stream.indirect.scatter.add.f32 [tilespmem:s19], [sflag:$0x4], $0x80, s6, s23, $0xb8;
	[tilespmem:$0x1E000] =	vst v63  }
0xe6: {  	_ =	swait.ge [sflag:s0], $0x2800  }
0xe7: {  	[sflag:s0] =	ssyncset.done $0x0  }
0xe8: {  	s5 =	sadd.s32 $0x190, s5;
	[sflag:s0] =	ssyncadd.s32 $0xFFFFD800  }
0xe9: {  	[tilespmem:s28], [sflag:$0x3] =	stream.indirect.gather [hbm4b:s4+s23], $0x80, s5, s23, $0xb8;
	[tilespmem:$0x1E000] =	vst v63  }
0xea: {  	_ =	swait.ge [sflag:s29], $0x2800  }
0xeb: {  	[sflag:s29] =	ssyncset.done $0x0  }
0xec: {  	s1 =	simm.s32 $0x2620;
	[sflag:s29] =	ssyncadd.s32 $0xFFFFD800  }
0xed: {  	[spmem:s2] =	stream.indirect.scatter.add.f32 [tilespmem:s24], [sflag:$0x5], $0x80, s1, s23, $0xb8;
	[tilespmem:$0x1E000] =	vst v63  }
0xee: {  	_ =	swait.ge [sflag:s20], $0x2800  }
0xef: {  	[sflag:s20] =	ssyncset.done $0x0  }
0xf0: {  	s6 =	simm.s32 $0x12C0;
	[sflag:s20] =	ssyncadd.s32 $0xFFFFD800  }
0xf1: {  	[tilespmem:s19], [sflag:$0x1] =	stream.indirect.gather [hbm4b:s4+s23], $0x80, s6, s23, $0xb8;
	[tilespmem:$0x1E000] =	vst v63  }
0xf2: {  	_ =	swait.ge [sflag:s30], $0x2800  }
0xf3: {  	[sflag:s30] =	ssyncset.done $0x0  }
0xf4: {  	s5 =	simm.s32 $0x2670;
	[sflag:s30] =	ssyncadd.s32 $0xFFFFD800  }
0xf5: {  	[spmem:s2] =	stream.indirect.scatter.add.f32 [tilespmem:s28], [sflag:$0x6], $0x80, s5, s23, $0xb8;
	[tilespmem:$0x1E000] =	vst v63  }
0xf6: {  	_ =	swait.ge [sflag:s25], $0x2800  }
0xf7: {  	[sflag:s25] =	ssyncset.done $0x0  }
0xf8: {  	s6 =	simm.s32 $0x26C0;
	[sflag:s25] =	ssyncadd.s32 $0xFFFFD800  }
0xf9: {  	[spmem:s2] =	stream.indirect.scatter.add.f32 [tilespmem:s19], [sflag:$0x4], $0x80, s6, s23, $0xb8;
	[tilespmem:$0x1E000] =	vst v63  }
0xfa: {  	_ =	swait.ge [sflag:s20], $0x2800  }
0xfb: {  	[sflag:s20] =	ssyncset.done $0x0  }
0xfc: {  	[sflag:s20] =	ssyncadd.s32 $0xFFFFD800  }
0xfd: {  	_ =	swait.ge [sflag:s31], $0x2800  }
0xfe: {  	[sflag:s31] =	ssyncset.done $0x0  }
0xff: {  	[sflag:s31] =	ssyncadd.s32 $0xFFFFD800  }
0x100: {  	s5 =	stileid.u32;
	_ =	swait.ge [sflag:s0], $0x2800  }
0x101: {  	s3 =	sadd.s32 $0x1, s3;
	s1 =	sshll.u32 s5, $0x6;
	[sflag:s0] =	ssyncset.done $0x0  }
0x102: {  	p0 =	sne.s32 s3, s10;
	s1 =	sor.u32 $0x1C07, s1;
	[sflag:s0] =	ssyncadd.s32 $0xFFFFD800  }
.Ltmp3:
0x103: {  	s6 =	sshrl.u32 s9, $0x3;
	[bflag:$0x0] =	sbarrier.arrive $0xFFFF;
	(pc) =	sbr.rel @p0 .LBB2_1-.Ltmp3, $4  }
0x104: {  	[hbm:s18], [sflag:s1] =	dma.local [spmem:s6], $0x2800  }
0x105: {  	_ =	swait.ge [sflag:s21], $0x2800  }
0x106: {  	[sflag:s21] =	ssyncset.done $0x0  }
0x107: {  	[sflag:s21] =	ssyncadd.s32 $0xFFFFD800  }
0x108: {  	_ =	sfence.sel $0x180000  }
0x109: {  	[bflag:$0x0] =	sbarrier.arrive $0xFFFF  }
0x10a: {  	_ =	strace $0x9000004D  }
0x10b: {  	s0 =	stileid.u32;
	[bflag:$0x2] =	sbarrier.arrive $0xFFFF  }
0x10c: {  	p0 =	sne.s32 s0, $0x0;
	s0 =	rddreg [dreg:$0x2]  }
0x10d: {  	s0 =	sadd.s32 @!p0 $0x100000, s0  }
0x10e: {  	[sflag:s0] =	ssyncadd.tile.s32 @!p0 $0x1;
	_ =	shalt  }
.Lfunc_end2:
_tile_overlayer_lowered:
.L_overlay_start_2:
0x10f: {  	(tag) =	ssettag $0x2  }
0x110: {  	s0 =	rddreg [dreg:$0x0];
	s2 =	stileid.u32  }
0x111: {  	s1 =	rddreg [dreg:$0x1];
	p0 =	sne.s32 s2, $0x0  }
0x112: {  	s3 =	rddreg [dreg:$0x2];
	[bflag:$0x3] =	sbarrier.arrive $0xFFFF;
	s2 =	simm.s32 @!p0 $0x1C07  }
0x113: {  	[timem:s3], [sflag:s2] =	dma.local @!p0 [hbm:s0], s1  }
0x114: {  	s0 =	simm.s32 @!p0 $0x7  }
0x115: {  	_ =	swait.ge @!p0 [sflag:s0], s1  }
0x116: {  	s1 =	ssub.s32 @!p0 $0x0, s1;
	[sflag:s0] =	ssyncset.done @!p0 $0x0  }
0x117: {  	[sflag:s0] =	ssyncadd.s32 @!p0 s1  }
0x118: {  	[bflag:$0x3] =	sbarrier.arrive $0xFFFF  }
0x119: {  	_ =	shalt  }

// kernel: kernel.20.cloned.1.call-start
scs
__scs_entry_jumppad:
0x0: {  	(pc) =	sbr.rel $0x88, $3  }
0x1: {  	(tag) =	ssettag $0x0;
	lr =	simm.s32 $0x1  }
0x2: {  	[smem:$0x3F96] =	sst lr;
	_ =	strace $0xD0000000  }
0x3: {  	_ = 	snop  }
0x4: {  	_ = 	snop  }
0x5: {  	_ = 	snop  }
0x6: {  	_ = 	snop  }
0x7: {  	_ = 	snop  }
__scs_overlays_trampoline_lowered:
0x8: {  	[smem:$0x3FA5] =	sst s0  }
0x9: {  	[smem:$0x3FA6] =	sst s1  }
0xa: {  	[smem:$0x3FA7] =	sst s2  }
0xb: {  	[smem:$0x3FA8] =	sst s3  }
0xc: {  	[smem:$0x3FA9] =	sst s4  }
0xd: {  	[smem:$0x3FAA] =	sst s5  }
0xe: {  	[smem:$0x3FAB] =	sst s6  }
0xf: {  	[smem:$0x3FAC] =	sst s7  }
0x10: {  	[smem:$0x3FAD] =	sst s8  }
0x11: {  	[smem:$0x3FAE] =	sst s9;
	s0 =	simm.s32 @!p0 $0x0  }
0x12: {  	s1 =	sld [smem:$0x3F94];
	s0 =	simm.s32 @p0 $0x1  }
0x13: {  	[smem:$0x3FAF] =	sst s0;
	s0 =	simm.s32 @!p1 $0x0  }
0x14: {  	s2 =	sld [smem:$0x3F93];
	s0 =	simm.s32 @p1 $0x1  }
0x15: {  	[smem:$0x3FB0] =	sst s0;
	s0 =	simm.s32 @!p2 $0x0  }
0x16: {  	s3 =	sld [smem:$0x3FDB];
	s0 =	simm.s32 @p2 $0x1  }
0x17: {  	s4 =	simm.s32 $0x1BF5;
	[smem:$0x3FB2] =	sst s0  }
0x18: {  	s0 =	sld [smem:$0x3F95];
	_ =	swait.ge [sflag:s4], $0x0  }
0x19: {  	s7 =	sld [smem:$0x3F96]  }
0x1a: {  	s8 =	sadd.s32 $0xFFFFE003, lr  }
0x1b: {  	s9 =	sadd.s32 $0xFFFFFEF7, lr;
	s5 =	simm.s32 $0xFFFFFFFF;
	p2 =	slt.u32 s8, $0xFFFFF086  }
0x1c: {  	p1 =	slt.u32 s9, $0xF7A;
	s5 =	simm.s32 @!p2 $0x0  }
0x1d: {  	s5 =	simm.s32 @p1 $0x1;
	p0 =	seq.s32 s7, s2  }
0x1e: {  	s7 =	smul.u32 @!p0 $0xF7A, s2;
	p2 =	seq.s32 @!p0 s5, $0x0  }
0x1f: {  	s9 =	smul.u32 $0xF7A, s1;
	s8 =	simm.s32 @!p0 $0x1BF5;
	p2 =	por !p2, p0  }
0x20: {  	[sflag:s8] =	ssyncset.s32 @!p0 $0xFFFFF086;
	s6 =	sadd.s32 @!p0 s3, s7;
	s7 =	simm.s32 @!p0 $0x108  }
0x21: {  	s3 =	sadd.s32 s3, s9;
	s6 =	sadd.s32 @!p0 $0x88, s6;
	s7 =	simm.s32 @p2 $0x1082  }
0x22: {  	[simem:s7], [sflag:s8] =	dma.local @!p0 [hbm:s6], $0xF7A  }
0x23: {  	s9 =	sor.u32 $0xD0000000, s2;
	s6 =	simm.s32 $0x108;
	_ =	swait.ge @!p0 [sflag:s8], $0x0  }
0x24: {  	s3 =	sadd.s32 $0x88, s3;
	s6 =	simm.s32 @!p1 $0x1082;
	[sflag:s4] =	ssyncset.s32 $0xFFFFF086  }
0x25: {  	[simem:s6], [sflag:s4] =	dma.local [hbm:s3], $0xF7A  }
0x26: {  	[smem:$0x3F96] =	sst s1;
	(tag) =	ssettag s2;
	_ =	strace s9  }
0x27: {  	s1 =	sld [smem:$0x3FA6]  }
0x28: {  	s2 =	sld [smem:$0x3FA7]  }
0x29: {  	s4 =	sld [smem:$0x3FA9]  }
0x2a: {  	p0 =	seq.s32 s5, $0x0;
	s5 =	sld [smem:$0x3FAA]  }
0x2b: {  	s6 =	sld [smem:$0x3FAB]  }
0x2c: {  	s7 =	sld [smem:$0x3FAC]  }
0x2d: {  	s3 =	simm.s32 $0x108;
	s8 =	sld [smem:$0x3FAD]  }
0x2e: {  	s3 =	simm.s32 @!p0 $0x1082;
	s9 =	sld [smem:$0x3FAE]  }
0x2f: {  	lr =	sadd.s32 s0, s3;
	s0 =	sld [smem:$0x3FA5]  }
0x30: {  	s3 =	sld [smem:$0x3FA8]  }
0x31: {  	[smem:$0x3FB1] =	sst s10  }
0x32: {  	s10 =	sld [smem:$0x3FAF];
	_ =	sdelay $0x3  }
0x33: {  	p0 =	seq.s32 s10, $0x1;
	s10 =	sld [smem:$0x3FB1];
	_ =	sdelay $0x3  }
0x34: {  	[smem:$0x3FB1] =	sst s10  }
0x35: {  	s10 =	sld [smem:$0x3FB0];
	_ =	sdelay $0x3  }
0x36: {  	p1 =	seq.s32 s10, $0x1;
	s10 =	sld [smem:$0x3FB1];
	_ =	sdelay $0x3  }
0x37: {  	[smem:$0x3FB1] =	sst s10  }
0x38: {  	s10 =	sld [smem:$0x3FB2]  }
0x39: {  	_ = 	snop;
	(pc) =	sbr.ind lr, $3  }
0x3a: {  	_ = 	snop  }
0x3b: {  	_ = 	snop  }
0x3c: {  	p2 =	seq.s32 s10, $0x1;
	s10 =	sld [smem:$0x3FB1]  }
0x3d: {  	_ =	shalt  }
0x3e: {  	_ =	shalt  }
0x3f: {  	_ =	shalt  }
0x40: {  	_ =	shalt  }
0x41: {  	_ =	shalt  }
0x42: {  	_ =	shalt  }
0x43: {  	_ =	shalt  }
0x44: {  	_ =	shalt  }
0x45: {  	_ =	shalt  }
0x46: {  	_ =	shalt  }
0x47: {  	_ =	shalt  }
0x48: {  	_ =	shalt  }
0x49: {  	_ =	shalt  }
0x4a: {  	_ =	shalt  }
0x4b: {  	_ =	shalt  }
0x4c: {  	_ =	shalt  }
0x4d: {  	_ =	shalt  }
0x4e: {  	_ =	shalt  }
0x4f: {  	_ =	shalt  }
0x50: {  	_ =	shalt  }
0x51: {  	_ =	shalt  }
0x52: {  	_ =	shalt  }
0x53: {  	_ =	shalt  }
0x54: {  	_ =	shalt  }
0x55: {  	_ =	shalt  }
0x56: {  	_ =	shalt  }
0x57: {  	_ =	shalt  }
0x58: {  	_ =	shalt  }
0x59: {  	_ =	shalt  }
0x5a: {  	_ =	shalt  }
0x5b: {  	_ =	shalt  }
0x5c: {  	_ =	shalt  }
0x5d: {  	_ =	shalt  }
0x5e: {  	_ =	shalt  }
0x5f: {  	_ =	shalt  }
0x60: {  	_ =	shalt  }
0x61: {  	_ =	shalt  }
0x62: {  	_ =	shalt  }
0x63: {  	_ =	shalt  }
0x64: {  	_ =	shalt  }
0x65: {  	_ =	shalt  }
0x66: {  	_ =	shalt  }
0x67: {  	_ =	shalt  }
0x68: {  	_ =	shalt  }
0x69: {  	_ =	shalt  }
0x6a: {  	_ =	shalt  }
0x6b: {  	_ =	shalt  }
0x6c: {  	_ =	shalt  }
0x6d: {  	_ =	shalt  }
0x6e: {  	_ =	shalt  }
0x6f: {  	_ =	shalt  }
0x70: {  	_ =	shalt  }
0x71: {  	_ =	shalt  }
0x72: {  	_ =	shalt  }
0x73: {  	_ =	shalt  }
0x74: {  	_ =	shalt  }
0x75: {  	_ =	shalt  }
0x76: {  	_ =	shalt  }
0x77: {  	_ =	shalt  }
0x78: {  	_ =	shalt  }
0x79: {  	_ =	shalt  }
0x7a: {  	_ =	shalt  }
0x7b: {  	_ =	shalt  }
0x7c: {  	_ =	shalt  }
0x7d: {  	_ =	shalt  }
0x7e: {  	_ =	shalt  }
0x7f: {  	_ =	shalt  }
0x80: {  	_ =	shalt  }
0x81: {  	_ =	shalt  }
0x82: {  	_ =	shalt  }
0x83: {  	_ =	shalt  }
0x84: {  	_ =	shalt  }
0x85: {  	_ =	shalt  }
0x86: {  	_ =	shalt  }
0x87: {  	_ =	shalt  }
.Lfunc_end0:
.L_simem_size_0:
called_computation.3_lowered:
.L_overlay_start_0:
0x88: {  	s2 =	sld [smem:$0x3FD9]  }
0x89: {  	s3 =	sld [smem:$0x3FFE];
	_ =	sdelay $0x1  }
0x8a: {  	s1 =	srdreg.scid  }
0x8b: {  	s0 =	sand.u32 $0x1, s1  }
0x8c: {  	s14 =	sshll.u32 s0, $0xA;
	s2 =	sadd.s32 s3, s2  }
0x8d: {  	s2 =	sadd.s32 s2, s14  }
0x8e: {  	[smem:$0x3FBD] =	sst s2  }
0x8f: {  	_ = 	snop  }
0x90: {  	s2 =	sld [smem:$0x3FD0];
	_ =	sdelay $0x2  }
0x91: {  	s15 =	simm.s32 $0xA;
	s4 =	simm.s32 $0x10  }
0x92: {  	[smem:s4], [sflag:s15] =	dma.local [hbm:s2], $0x1  }
0x93: {  	_ =	swait.eq [sflag:s15], $0x1  }
0x94: {  	[sflag:s15] =	ssyncset.done $0x0  }
0x95: {  	s16 =	sld [smem:$0x10];
	[sflag:s15] =	ssyncadd.s32 $0xFFFFFFFF  }
0x96: {  	s17 =	sld [smem:$0x11];
	(tm) =	ssettm $0x1  }
0x97: {  	s18 =	sld [smem:$0x3FFB];
	_ =	sdelay $0x3  }
0x98: {  	_ =	strace s18  }
0x99: {  	s4 =	sld [smem:$0x3FFC];
	_ =	sdelay $0x3  }
0x9a: {  	_ =	strace s4  }
0x9b: {  	s4 =	sld [smem:$0x3FFD];
	_ =	sdelay $0x3  }
0x9c: {  	_ =	strace s4  }
0x9d: {  	_ =	strace $0x8FFFFFFF  }
0x9e: {  	s19 =	sld [smem:$0x3FDB];
	_ =	sdelay $0x1  }
0x9f: {  	s5 =	simm.s32 $_scs_section_size  }
0xa0: {  	s6 =	simm.s32 $_size__tile_overlayer_lowered;
	s7 =	simm.s32 $_tile_overlayer_lowered  }
0xa1: {  	s22 =	simm.s32 $0x1BFF;
	s21 =	sshll.u32 s7, $0x1;
	s4 =	sadd.s32 s5, s19  }
0xa2: {  	s8 =	simm.s32 $0x0;
	s20 =	sshll.u32 s6, $0x1;
	s6 =	sadd.s32 s21, s4  }
0xa3: {  	[timem:s8], [sflag:s22] =	dma.local [hbm:s6], s20  }
0xa4: {  	_ =	swait.ge [sflag:s22], s20  }
0xa5: {  	s5 =	ssub.s32 $0x0, s20;
	[sflag:s22] =	ssyncset.done $0x0  }
0xa6: {  	[sflag:s22] =	ssyncadd.s32 s5;
	_ =	sdelay $0x1  }
0xa7: {  	s23 =	simm.s32 $0x1B8B  }
0xa8: {  	_ =	swait.ge [sflag:s23], $0x1  }
0xa9: {  	[sflag:s23] =	ssyncset.done $0x0  }
0xaa: {  	s25 =	simm.s32 $0x1B8E;
	s24 =	sld [smem:$0x3FFE];
	[sflag:s23] =	ssyncadd.s32 $0xFFFFFFFF  }
0xab: {  	s26 =	simm.s32 $execute0_lowered;
	[smem:$0x3FD2] =	sst s25  }
0xac: {  	s6 =	sshll.u32 s26, $0x1;
	_ =	strace $0x8000004F;
	[dreg:$0x1] =	wrdreg $0xFFFFFFFF  }
0xad: {  	s28 =	simm.s32 $_size_execute0_lowered;
	s4 =	sadd.s32 s4, s6;
	[dreg:$0x0] =	wrdreg $0x0  }
0xae: {  	s6 =	sshll.u32 s28, $0x1;
	[dreg:$0x2] =	wrdreg s4  }
0xaf: {  	[dreg:$0x3] =	wrdreg s6  }
0xb0: {  	[dreg:$0x4] =	wrdreg $0xC0  }
0xb1: {  	_ =	task [dreg:s8], $0x5FFFF  }
0xb2: {  	[dreg:$0x1] =	wrdreg $0xFFFFFFFF  }
0xb3: {  	[dreg:$0x0] =	wrdreg $0x60  }
0xb4: {  	[dreg:$0x2] =	wrdreg s24  }
0xb5: {  	[dreg:$0x3] =	wrdreg s16  }
0xb6: {  	[dreg:$0x4] =	wrdreg s17  }
0xb7: {  	[dreg:$0x5] =	wrdreg $0x2F000  }
0xb8: {  	[dreg:$0x6] =	wrdreg $0x2F080  }
0xb9: {  	[dreg:$0x7] =	wrdreg $0x9  }
0xba: {  	_ =	task.clear_ibuf [dreg:s8], $0x8FFFF;
	_ =	strace $0x9000004F  }
0xbb: {  	s29 =	simm.s32 $0x9;
	_ =	strace $0x80000051  }
0xbc: {  	_ =	swait.ge [sflag:s29], $0x1  }
0xbd: {  	[sflag:s29] =	ssyncadd.s32 $0xFFFFFFFF  }
0xbe: {  	_ =	strace $0x90000051  }
0xbf: {  	_ =	sfence  }
0xc0: {  	s30 =	sld [smem:$0x0];
	_ =	sdelay $0x2  }
0xc1: {  	s31 =	sshll.u32 s1, $0xD;
	s1 =	sshrl.u32 s1, $0x2  }
0xc2: {  	s3 =	sand.u32 $0x4000, s31;
	s1 =	sadd.s32 s1, s30  }
0xc3: {  	s0 =	sor.u32 s3, s0;
	s1 =	sshll.u32 s1, $0x11  }
0xc4: {  	s0 =	sor.u32 s1, s0  }
0xc5: {  	s0 =	sadd.s32 $0x8F2B, s0  }
0xc6: {  	[sflag:s0] =	ssyncadd.remote.s32 $0x1  }
0xc7: {  	_ =	sfence.sel $0xFFFF  }
0xc8: {  	[dreg:$0x0] =	wrdreg $0xFFFFFFFF;
	(pc) =	sbr.abs _section_cstart, $3  }
0xc9: {  	[dreg:$0x1] =	wrdreg $0xFFFFFFFF  }
0xca: {  	_ =	task.clear_ibuf [dreg:s8], $0x2FFFF;
	_ =	strace $0x9FFFFFFF  }
0xcb: {  	(tm) =	ssettm $0x7FFFFFFF  }
tec
execute0_lowered:
.L_overlay_start_1:
0x0: {  	(tag) =	ssettag $0x1  }
0x1: {  	s5 =	srdreg.scid  }
0x2: {  	s6 =	rddreg [dreg:$0x0];
	s5 =	sand.u32 $0x1, s5  }
0x3: {  	s1 =	rddreg [dreg:$0x1];
	p1 =	seq.s32 s5, $0x1  }
.Ltmp0:
0x4: {  	s3 =	rddreg [dreg:$0x2];
	(pc) =	sbr.rel @p1 .LBB2_4-.Ltmp0, $4  }
0x5: {  	s4 =	rddreg [dreg:$0x3]  }
0x6: {  	s2 =	rddreg [dreg:$0x4];
	s11 =	simm.s32 $0x0  }
0x7: {  	s12 =	stileid.u32;
	[smem:$0x7FF] =	sst s11  }
0x8: {  	s0 =	rddreg [dreg:$0x5];
	p0 =	sne.s32 s12, $0x0;
	_ =	strace $0x80000050  }
0x9: {  	s7 =	smul.u32 $0x50, s12  }
0xa: {  	s5 =	sadd.s32 $0x3C00, s6  }
0xb: {  	s5 =	sadd.s32 s5, s7  }
0xc: {  	[tilespmem:s11], [sflag:$0x1] =	stream.linear.gather [hbm4b:s5+s11], $0x280, $0x38;
	[tilespmem:$0x3188] =	vst v63  }
0xd: {  	s5 =	simm.s32 $0x1  }
0xe: {  	_ =	swait.ge [sflag:s5], $0x280  }
0xf: {  	s8 =	sadd.s32 $0xB7600, s6;
	[sflag:s5] =	ssyncset.done $0x0  }
0x10: {  	s9 =	sadd.s32 s8, s7;
	s8 =	simm.s32 $0x280;
	[sflag:s5] =	ssyncadd.s32 $0xFFFFFD80  }
0x11: {  	[tilespmem:s8], [sflag:$0x1] =	stream.linear.gather [hbm4b:s9+s11], $0x280, $0x38;
	[tilespmem:$0x3188] =	vst v63  }
0x12: {  	_ =	swait.ge [sflag:s5], $0x280  }
0x13: {  	s31 =	sadd.s32 $0xB7C00, s6;
	[sflag:s5] =	ssyncset.done $0x0  }
0x14: {  	s10 =	simm.s32 $0x500;
	s7 =	sadd.s32 s31, s7;
	[sflag:s5] =	ssyncadd.s32 $0xFFFFFD80  }
0x15: {  	[tilespmem:s10], [sflag:$0x1] =	stream.linear.gather [hbm4b:s7+s11], $0x280, $0x38;
	[tilespmem:$0x3188] =	vst v63  }
0x16: {  	_ =	swait.ge [sflag:s5], $0x280  }
0x17: {  	s9 =	simm.s32 @!p0 $0x2E80;
	[sflag:s5] =	ssyncset.done $0x0  }
0x18: {  	s7 =	sadd.s32 $0x3A00, s6;
	s6 =	simm.s32 @!p0 $0x0;
	[sflag:s5] =	ssyncadd.s32 $0xFFFFFD80  }
0x19: {  	[tilespmem:s9], [sflag:$0x1] =	stream.linear.gather @!p0 [hbm4b:s7+s6], $0x80, $0x38;
	[tilespmem:$0x3188] =	vst v63  }
0x1a: {  	s7 =	simm.s32 @!p0 $0x1  }
0x1b: {  	_ =	swait.ge @!p0 [sflag:s7], $0x80  }
0x1c: {  	[sflag:s7] =	ssyncset.done @!p0 $0x0  }
0x1d: {  	[sflag:s7] =	ssyncadd.s32 @!p0 $0xFFFFFF80  }
0x1e: {  	[spmem:s4] =	stream.linear.scatter @!p0 [tilespmem:s9], [sflag:$0x1], $0x80, $0x38;
	[tilespmem:$0x3188] =	vst v63  }
0x1f: {  	_ =	swait.ge @!p0 [sflag:s7], $0x80  }
0x20: {  	[sflag:s7] =	ssyncset.done @!p0 $0x0  }
0x21: {  	p1 =	seq.s32 s12, $0xF;
	s12 =	simm.s32 $0x5;
	[sflag:s7] =	ssyncadd.s32 @!p0 $0xFFFFFF80  }
0x22: {  	s13 =	simm.s32 $0x50;
	s12 =	simm.s32 @!p1 $0x8;
	[bflag:$0x0] =	sbarrier.arrive $0xFFFF  }
0x23: {  	[spmem:s4] =	stream.indirect.scatter [tilespmem:s11], [sflag:$0x1], $0x1, s8, s13, $0xb8;
	[tilespmem:$0x3188] =	vst v63  }
0x24: {  	p1 =	sne.s32 s12, $0x1;
	_ =	swait.ge [sflag:s5], $0x50  }
.Ltmp1:
0x25: {  	[sflag:s5] =	ssyncset.done $0x0;
	(pc) =	sbr.rel @!p1 .LBB2_3-.Ltmp1, $4  }
0x26: {  	[sflag:s5] =	ssyncadd.s32 $0xFFFFFFB0  }
0x27: {  	[spmem:s2] =	stream.indirect.scatter [tilespmem:s11], [sflag:$0x1], $0x1, s10, s13, $0xb8;
	[tilespmem:$0x3188] =	vst v63  }
0x28: {  	_ =	swait.ge [sflag:s5], $0x50  }
0x29: {  	s11 =	sadd.s32 $0xFFFFFFFF, s12;
	s12 =	simm.s32 $0x50;
	[sflag:s5] =	ssyncset.done $0x0  }
.LBB2_2:
0x2a: {  	[sflag:s5] =	ssyncadd.s32 $0xFFFFFFB0;
	s10 =	sadd.s32 $0x50, s10;
	s8 =	sadd.s32 $0x50, s8  }
0x2b: {  	[spmem:s4] =	stream.indirect.scatter [tilespmem:s12], [sflag:$0x1], $0x1, s8, s13, $0xb8;
	[tilespmem:$0x3188] =	vst v63  }
0x2c: {  	p1 =	sne.s32 s11, $0x1;
	s11 =	sadd.s32 $0xFFFFFFFF, s11;
	_ =	swait.ge [sflag:s5], $0x50  }
.Ltmp2:
0x2d: {  	[sflag:s5] =	ssyncset.done $0x0;
	(pc) =	sbr.rel @p1 .LBB2_2-.Ltmp2, $4  }
0x2e: {  	[sflag:s5] =	ssyncadd.s32 $0xFFFFFFB0  }
0x2f: {  	[spmem:s2] =	stream.indirect.scatter [tilespmem:s12], [sflag:$0x1], $0x1, s10, s13, $0xb8;
	[tilespmem:$0x3188] =	vst v63  }
0x30: {  	_ =	swait.ge [sflag:s5], $0x50  }
0x31: {  	s12 =	sadd.s32 $0x50, s12;
	[sflag:s5] =	ssyncset.done $0x0  }
.LBB2_3:
0x32: {  	[sflag:s5] =	ssyncadd.s32 $0xFFFFFFB0  }
0x33: {  	[bflag:$0x0] =	sbarrier.arrive $0xFFFF  }
0x34: {  	[tilespmem:s9], [sflag:$0x1] =	stream.linear.gather @!p0 [spmem:s4], $0x40, $0x38;
	[tilespmem:$0x3188] =	vst v63  }
0x35: {  	_ =	swait.ge @!p0 [sflag:s7], $0x40  }
0x36: {  	[sflag:s7] =	ssyncset.done @!p0 $0x0  }
0x37: {  	[sflag:s7] =	ssyncadd.s32 @!p0 $0xFFFFFFC0  }
0x38: {  	[hbm4b:s3+s6] =	stream.linear.scatter @!p0 [tilespmem:s9], [sflag:$0x1], $0x40, $0x38;
	[tilespmem:$0x3188] =	vst v63  }
0x39: {  	_ =	swait.ge @!p0 [sflag:s7], $0x40  }
0x3a: {  	[sflag:s7] =	ssyncset.done @!p0 $0x0  }
0x3b: {  	s3 =	simm.s32 @!p0 $0x780;
	[sflag:s7] =	ssyncadd.s32 @!p0 $0xFFFFFFC0  }
0x3c: {  	[tilespmem:s3], [sflag:$0x1] =	stream.linear.gather @!p0 [spmem:s2], $0x26D0, $0x38;
	[tilespmem:$0x3188] =	vst v63  }
0x3d: {  	_ =	swait.ge @!p0 [sflag:s7], $0x26D0  }
0x3e: {  	[sflag:s7] =	ssyncset.done @!p0 $0x0  }
0x3f: {  	[sflag:s7] =	ssyncadd.s32 @!p0 $0xFFFFD930  }
0x40: {  	[hbm4b:s1+s6] =	stream.linear.scatter @!p0 [tilespmem:s3], [sflag:$0x1], $0x2700, $0x38;
	[tilespmem:$0x3188] =	vst v63  }
0x41: {  	_ =	swait.ge @!p0 [sflag:s7], $0x2700  }
0x42: {  	[sflag:s7] =	ssyncset.done @!p0 $0x0  }
0x43: {  	[sflag:s7] =	ssyncadd.s32 @!p0 $0xFFFFD900  }
.LBB2_4:
0x44: {  	_ =	sfence.sel $0x180000  }
0x45: {  	[bflag:$0x0] =	sbarrier.arrive $0xFFFF  }
0x46: {  	_ =	strace $0x90000050  }
0x47: {  	s0 =	sadd.s32 @!p0 $0x100000, s0;
	[bflag:$0x2] =	sbarrier.arrive $0xFFFF  }
0x48: {  	[sflag:s0] =	ssyncadd.tile.s32 @!p0 $0x1;
	_ =	shalt  }
.Lfunc_end2:
_tile_overlayer_lowered:
.L_overlay_start_2:
0x49: {  	(tag) =	ssettag $0x2  }
0x4a: {  	s0 =	rddreg [dreg:$0x0];
	s2 =	stileid.u32  }
0x4b: {  	s1 =	rddreg [dreg:$0x1];
	p0 =	sne.s32 s2, $0x0  }
0x4c: {  	s3 =	rddreg [dreg:$0x2];
	[bflag:$0x3] =	sbarrier.arrive $0xFFFF;
	s2 =	simm.s32 @!p0 $0x1C01  }
0x4d: {  	[timem:s3], [sflag:s2] =	dma.local @!p0 [hbm:s0], s1  }
0x4e: {  	s0 =	simm.s32 @!p0 $0x1  }
0x4f: {  	_ =	swait.ge @!p0 [sflag:s0], s1  }
0x50: {  	s1 =	ssub.s32 @!p0 $0x0, s1;
	[sflag:s0] =	ssyncset.done @!p0 $0x0  }
0x51: {  	[sflag:s0] =	ssyncadd.s32 @!p0 s1  }
0x52: {  	[bflag:$0x3] =	sbarrier.arrive $0xFFFF  }
0x53: {  	_ =	shalt  }

</sc_bundles>
